<compile_context>
chip_gen: v7x
topology: tpu7x:2x2x1
jax: 0.10.2.dev20260603
libtpu: 0.0.44.dev20260713+nightly
codegen_flags: <defaults>
</compile_context>

<pallas_src>
import functools

import jax
import jax.numpy as jnp
from jax import lax
from jax.experimental import pallas as pl
from jax.experimental.pallas import tpu as pltpu
from jax.experimental.pallas import tpu_sc as plsc

N_REAL = 10000
D = 128
E_REAL = 320000

NC = 2
NS = 16
NW = NC * NS
CH = 128

N_PAD = 10240
ROWS_PER_TILE = N_PAD // NS
E_PAD = 2560 * CH
CHUNKS_PER_W = (E_PAD // CH) // NW
E_ALLOC = E_PAD

_mesh = plsc.VectorSubcoreMesh(
    core_axis_name="c", subcore_axis_name="s", num_cores=NC, num_subcores=NS)


def _worker_id():
    cid = lax.axis_index("c")
    sid = lax.axis_index("s")
    return cid, sid, sid * NC + cid


@functools.partial(
    pl.kernel,
    out_type=jax.ShapeDtypeStruct((NC, N_PAD), jnp.float32),
    mesh=_mesh,
    scratch_types=[
        pltpu.VMEM((CHUNKS_PER_W, CH), jnp.int32),
        pltpu.VMEM((CH,), jnp.float32),
        pltpu.VMEM((ROWS_PER_TILE,), jnp.float32),
        pltpu.VMEM_SHARED((N_PAD,), jnp.float32),
        pltpu.SemaphoreType.DMA,
    ],
)
def _deg_kernel(dst_hbm, out_hbm, didx, ones_v, zbuf, hist_sh, sem):
    cid, sid, w = _worker_id()
    one = jnp.full((16,), 1.0, dtype=jnp.float32)
    zero = jnp.zeros((16,), dtype=jnp.float32)
    for k in range(CH // 16):
        ones_v[pl.ds(k * 16, 16)] = one
    for k in range(ROWS_PER_TILE // 16):
        zbuf[pl.ds(k * 16, 16)] = zero
    pltpu.sync_copy(dst_hbm.at[pl.ds(w * CHUNKS_PER_W, CHUNKS_PER_W), :], didx)
    pltpu.sync_copy(zbuf, hist_sh.at[pl.ds(sid * ROWS_PER_TILE, ROWS_PER_TILE)])
    plsc.subcore_barrier()

    K = 8

    def body(g, carry):
        ds_ = [pltpu.async_copy(ones_v, hist_sh.at[didx.at[g * K + b]], sem,
                                add=True) for b in range(K)]
        for d_ in ds_:
            d_.wait()
        return carry

    lax.fori_loop(0, CHUNKS_PER_W // K, body, 0)
    plsc.subcore_barrier()
    sl = pl.ds(sid * ROWS_PER_TILE, ROWS_PER_TILE)
    pltpu.sync_copy(hist_sh.at[sl], zbuf)
    pltpu.sync_copy(zbuf, out_hbm.at[cid, sl])


PASSES0 = 3
PASSES1 = 1
PASS_CH = 40
CPT0 = PASSES0 * PASS_CH
CPT1 = PASSES1 * PASS_CH


@functools.partial(
    pl.kernel,
    out_type=jax.ShapeDtypeStruct((NC, N_PAD, D), jnp.float32),
    mesh=_mesh,
    scratch_types=[
        pltpu.VMEM((PASS_CH, CH), jnp.int32),
        pltpu.VMEM((PASS_CH, CH), jnp.int32),
        pltpu.VMEM((2, CH, D), jnp.float32),
        pltpu.VMEM_SHARED((N_PAD, D), jnp.float32),
        pltpu.SemaphoreType.DMA,
        pltpu.SemaphoreType.DMA,
        pltpu.SemaphoreType.DMA,
        pltpu.SemaphoreType.DMA,
    ],
)
def _scatter_kernel(g_hbm, src_hbm, dst_hbm, out_hbm, sidx, didx, rows,
                    acc_sh, gsem0, gsem1, ssem0, ssem1):
    cid, sid, w = _worker_id()
    gsem = (gsem0, gsem1)
    ssem = (ssem0, ssem1)
    zero = jnp.zeros((16,), dtype=jnp.float32)

    def zbody(i, carry):
        for k in range(D // 16):
            rows[0, i, pl.ds(k * 16, 16)] = zero
        return carry

    lax.fori_loop(0, CH, zbody, 0)
    base = sid * ROWS_PER_TILE
    for r in range(ROWS_PER_TILE // CH):
        pltpu.sync_copy(rows.at[0], acc_sh.at[pl.ds(base + r * CH, CH), :])
    plsc.subcore_barrier()

    def gather(k, b):
        return pltpu.async_copy(g_hbm.at[sidx.at[k]], rows.at[b], gsem[b])

    def gather_wait(k, b):
        pltpu.make_async_copy(g_hbm.at[sidx.at[k]], rows.at[b],
                              gsem[b]).wait()

    def scatter(k, b):
        return pltpu.async_copy(rows.at[b], acc_sh.at[didx.at[k]], ssem[b],
                                add=True)

    def scatter_wait(k, b):
        pltpu.make_async_copy(rows.at[b], acc_sh.at[didx.at[k]],
                              ssem[b]).wait()

    big = cid == 1
    base_ch = jnp.where(big, sid * CPT0, NS * CPT0 + sid * CPT1)

    def run_pass(off):
        pltpu.sync_copy(src_hbm.at[pl.ds(off, PASS_CH), :], sidx)
        pltpu.sync_copy(dst_hbm.at[pl.ds(off, PASS_CH), :], didx)
        gather(0, 0)

        def pair_body(t, carry):
            for u in range(2):
                k = 2 * t + u
                pu, nu = (u + 1) % 2, (u + 1) % 2

                @pl.when(k >= 1)
                def _():
                    scatter_wait(k - 1, pu)

                @pl.when(k + 1 < PASS_CH)
                def _():
                    gather(k + 1, nu)

                gather_wait(k, u)
                scatter(k, u)
            return carry

        lax.fori_loop(0, PASS_CH // 2, pair_body, 0)
        scatter_wait(PASS_CH - 1, 1)

    run_pass(base_ch)
    for p in range(1, max(PASSES0, PASSES1)):
        if p < min(PASSES0, PASSES1):
            run_pass(base_ch + p * PASS_CH)
        else:

            @pl.when(big)
            def _():
                run_pass(base_ch + p * PASS_CH)
    plsc.subcore_barrier()
    outs = []
    for r in range(ROWS_PER_TILE // CH):
        sl = pl.ds(base + r * CH, CH)
        outs.append(pltpu.async_copy(acc_sh.at[sl, :], out_hbm.at[cid, sl, :],
                                     gsem0))
    for d_ in outs:
        d_.wait()


BLK = 1024


def _tc1_body(deg_ref, x_ref, w_ref, g_ref, dinv_ref):
    i = pl.program_id(0)
    deg = deg_ref[:, 0:1] + deg_ref[:, 1:2] + 1.0
    dinv = lax.rsqrt(deg)
    rows = lax.broadcasted_iota(jnp.int32, (BLK, 1), 0) + i * BLK
    dinv = jnp.where(rows < N_REAL, dinv, 0.0)
    g = jnp.dot(x_ref[...], w_ref[...], preferred_element_type=jnp.float32)
    g_ref[...] = g * dinv
    dinv_ref[...] = dinv


def _tc_mid_body(s_ref, g_ref, dinv_ref, b_ref, w_ref, g2_ref):
    s = s_ref[0] + s_ref[1] + g_ref[...]
    h = jnp.maximum(dinv_ref[...] * s + b_ref[...], 0.0)
    g2 = jnp.dot(h, w_ref[...], preferred_element_type=jnp.float32)
    g2_ref[...] = g2 * dinv_ref[...]


def _tc_out_body(s_ref, g_ref, dinv_ref, b_ref, w_ref, bo_ref, o_ref):
    s = s_ref[0] + s_ref[1] + g_ref[...]
    h = jnp.maximum(dinv_ref[...] * s + b_ref[...], 0.0)
    o_ref[...] = jnp.dot(h, w_ref[...],
                         preferred_element_type=jnp.float32) + bo_ref[...]


def _row_specs():
    s = pl.BlockSpec((2, BLK, D), lambda i: (0, i, 0))
    g = pl.BlockSpec((BLK, D), lambda i: (i, 0))
    v = pl.BlockSpec((BLK, 1), lambda i: (i, 0))
    w = pl.BlockSpec((D, D), lambda i: (0, 0))
    b = pl.BlockSpec((1, D), lambda i: (0, 0))
    return s, g, v, w, b


def kernel(x, edge_index, W1, b1, W2, b2, W_out, b_out):
    src = edge_index[0].astype(jnp.int32)
    dst = edge_index[1].astype(jnp.int32)
    pad_node = jnp.int32(N_PAD - 1)
    src2d = jnp.full((E_ALLOC,), pad_node).at[:E_REAL].set(src).reshape(-1, CH)
    dst2d = jnp.full((E_ALLOC,), pad_node).at[:E_REAL].set(dst).reshape(-1, CH)
    x_p = jnp.pad(x, ((0, N_PAD - N_REAL), (0, 0)))

    degp = _deg_kernel(dst2d)
    degp_t = jnp.swapaxes(degp, 0, 1)

    grid = N_PAD // BLK
    sspec, gspec, vspec, wspec, bspec = _row_specs()

    g1, dinv = pl.pallas_call(
        _tc1_body,
        grid=(grid,),
        in_specs=[pl.BlockSpec((BLK, 2), lambda i: (i, 0)), gspec, wspec],
        out_specs=[gspec, vspec],
        out_shape=[jax.ShapeDtypeStruct((N_PAD, D), jnp.float32),
                   jax.ShapeDtypeStruct((N_PAD, 1), jnp.float32)],
    )(degp_t, x_p, W1)

    s1 = _scatter_kernel(g1, src2d, dst2d)

    g2 = pl.pallas_call(
        _tc_mid_body,
        grid=(grid,),
        in_specs=[sspec, gspec, vspec, bspec, wspec],
        out_specs=gspec,
        out_shape=jax.ShapeDtypeStruct((N_PAD, D), jnp.float32),
    )(s1, g1, dinv, b1.reshape(1, D), W2)

    s2 = _scatter_kernel(g2, src2d, dst2d)

    out = pl.pallas_call(
        _tc_out_body,
        grid=(grid,),
        in_specs=[sspec, gspec, vspec, bspec,
                  pl.BlockSpec((D, 1), lambda i: (0, 0)),
                  pl.BlockSpec((1, 1), lambda i: (0, 0))],
        out_specs=vspec,
        out_shape=jax.ShapeDtypeStruct((N_PAD, 1), jnp.float32),
    )(s2, g2, dinv, b2.reshape(1, D), W_out, b_out.reshape(1, 1))

    return out[:N_REAL, 0]

# --- scband reference (transcript-rebuilt; emitter-appended) ---
"""Pipeline reference for scband-py-ggcn-55250459295911 (READ-ONLY COPY).

The authoritative reference and input builder live on the scoring server;
editing this copy changes nothing except your own understanding.
"""

import jax, jax.numpy as jnp
import numpy as np

N_NODES = 10000
N_EDGES = 320000
D_FEAT = 128
HIDDEN = [128, 128]


def setup_inputs(seed: int = 0) -> dict:
    key = jax.random.key(seed)
    ks = jax.random.split(key, 10)
    x = jax.random.normal(ks[0], (N_NODES, D_FEAT), dtype=jnp.float32)
    edge_index = jax.random.randint(ks[1], (2, N_EDGES), 0, N_NODES, dtype=jnp.int64)
    # GCNConv weights (dims: 128 -> 128 -> 128), output linear 128 -> 1
    W1 = jax.random.normal(ks[2], (D_FEAT, HIDDEN[0]), dtype=jnp.float32) * (1.0 / np.sqrt(D_FEAT))
    b1 = jnp.zeros((HIDDEN[0],), dtype=jnp.float32)
    W2 = jax.random.normal(ks[3], (HIDDEN[0], HIDDEN[1]), dtype=jnp.float32) * (1.0 / np.sqrt(HIDDEN[0]))
    b2 = jnp.zeros((HIDDEN[1],), dtype=jnp.float32)
    W_out = jax.random.normal(ks[4], (HIDDEN[1], 1), dtype=jnp.float32) * (1.0 / np.sqrt(HIDDEN[1]))
    b_out = jnp.zeros((1,), dtype=jnp.float32)
    return {"x": x, "edge_index": edge_index, "W1": W1, "b1": b1, "W2": W2, "b2": b2, "W_out": W_out, "b_out": b_out}


def _gcn_conv(x, src, dst, W, b):
    # PyG GCNConv with normalize=True, add_self_loops=True, edge_weight=None
    N = x.shape[0]
    loop = jnp.arange(N, dtype=src.dtype)
    s = jnp.concatenate([src, loop])
    d = jnp.concatenate([dst, loop])
    ew = jnp.ones(s.shape[0], dtype=x.dtype)
    deg = jnp.zeros((N,), dtype=x.dtype).at[d].add(ew)
    deg_inv_sqrt = jnp.where(deg > 0, deg ** -0.5, 0.0)
    norm = deg_inv_sqrt[s] * ew * deg_inv_sqrt[d]
    h = x @ W
    msg = h[s] * norm[:, None]
    out = jnp.zeros((N, h.shape[1]), dtype=x.dtype).at[d].add(msg)
    return out + b


def reference(x, edge_index, W1, b1, W2, b2, W_out, b_out):
    src = edge_index[0]
    dst = edge_index[1]
    h = _gcn_conv(x, src, dst, W1, b1)
    h = jax.nn.relu(h)  # dropout p=0.0 is identity
    h = _gcn_conv(h, src, dst, W2, b2)
    h = jax.nn.relu(h)
    out = (h @ W_out + b_out).squeeze(-1)
    return out

if __name__ == "__main__":
    import jax
    _d = setup_inputs()
    print(jax.jit(kernel)(*tuple(_d.values())))

</pallas_src>

<mosaic_0001>
#map = affine_map<(d0, d1) -> (0, 0)>
#map1 = affine_map<(d0, d1) -> (0, 0, 0)>
module attributes {stable_mosaic.version = 14 : i64} {
  func.func @_scatter_kernel(%arg0: i32, %arg1: i32, %arg2: memref<10240x128xf32, #tpu.memory_space<hbm>>, %arg3: memref<2560x128xi32, #tpu.memory_space<hbm>>, %arg4: memref<2560x128xi32, #tpu.memory_space<hbm>>, %arg5: memref<2x10240x128xf32, #tpu.memory_space<hbm>>, %arg6: memref<40x128xi32, #tpu.memory_space<vmem>>, %arg7: memref<40x128xi32, #tpu.memory_space<vmem>>, %arg8: memref<2x128x128xf32, #tpu.memory_space<vmem>>, %arg9: memref<10240x128xf32, #tpu.memory_space<vmem_shared>>, %arg10: memref<!tpu.dma_semaphore, #tpu.memory_space<semaphore_mem>>, %arg11: memref<!tpu.dma_semaphore, #tpu.memory_space<semaphore_mem>>, %arg12: memref<!tpu.dma_semaphore, #tpu.memory_space<semaphore_mem>>, %arg13: memref<!tpu.dma_semaphore, #tpu.memory_space<semaphore_mem>>) attributes {dimension_semantics = [#tpu.dimension_semantics<core_parallel>, #tpu.dimension_semantics<subcore_parallel>], iteration_bounds = array<i64: 2, 16>, scalar_prefetch = 0 : i64, scratch_operands = 8 : i64, tpu.core_type = #tpu.core_type<sc_vector_subcore>, window_params = [{transform_indices = #map}, {transform_indices = #map}, {transform_indices = #map}, {transform_indices = #map1}]} {
    %mul3A = arith.constant 2 : i32
    %mul3A_0 = arith.muli %arg1, %mul3A : i32
    %add3A = arith.addi %mul3A_0, %arg0 : i32
    %broadcast_in_dim3A = arith.constant 0.000000e+00 : f32
    %broadcast_in_dim3A_1 = vector.broadcast %broadcast_in_dim3A : f32 to vector<16xf32>
    %scan3A = arith.constant 0 : i32
    %scan3A_2 = arith.constant 0 : i32
    %scan3A_3 = arith.constant 128 : i32
    %scan3A_4 = arith.addi %scan3A_2, %scan3A_3 : i32
    %scan3A_5 = arith.constant 1 : i32
    scf.for %scan3A_123 = %scan3A_2 to %scan3A_4 step %scan3A_5  : i32 {
      %swap3A = arith.constant 0 : i32
      %swap3A_124 = arith.index_cast %swap3A : i32 to index
      %swap3A_125 = arith.index_cast %scan3A_123 : i32 to index
      %swap3A_126 = arith.constant 0 : index
      %swap3A_127 = tpu.vector_load %arg8[%swap3A_124, %swap3A_125, %swap3A_126] {strides = array<i32>} : memref<2x128x128xf32, #tpu.memory_space<vmem>>, vector<1x1x16xf32>,
      %swap3A_128 = vector.shape_cast %swap3A_127 : vector<1x1x16xf32> to vector<16xf32>
      %swap3A_129 = vector.shape_cast %broadcast_in_dim3A_1 : vector<16xf32> to vector<1x1x16xf32>
      tpu.vector_store %arg8[%swap3A_124, %swap3A_125, %swap3A_126], %swap3A_129 {strides = array<i32>} : memref<2x128x128xf32, #tpu.memory_space<vmem>>, vector<1x1x16xf32>,
      %swap3A_130 = arith.constant 0 : i32
      %swap3A_131 = arith.index_cast %swap3A_130 : i32 to index
      %swap3A_132 = arith.index_cast %scan3A_123 : i32 to index
      %swap3A_133 = arith.constant 16 : index
      %swap3A_134 = tpu.vector_load %arg8[%swap3A_131, %swap3A_132, %swap3A_133] {strides = array<i32>} : memref<2x128x128xf32, #tpu.memory_space<vmem>>, vector<1x1x16xf32>,
      %swap3A_135 = vector.shape_cast %swap3A_134 : vector<1x1x16xf32> to vector<16xf32>
      %swap3A_136 = vector.shape_cast %broadcast_in_dim3A_1 : vector<16xf32> to vector<1x1x16xf32>
      tpu.vector_store %arg8[%swap3A_131, %swap3A_132, %swap3A_133], %swap3A_136 {strides = array<i32>} : memref<2x128x128xf32, #tpu.memory_space<vmem>>, vector<1x1x16xf32>,
      %swap3A_137 = arith.constant 0 : i32
      %swap3A_138 = arith.index_cast %swap3A_137 : i32 to index
      %swap3A_139 = arith.index_cast %scan3A_123 : i32 to index
      %swap3A_140 = arith.constant 32 : index
      %swap3A_141 = tpu.vector_load %arg8[%swap3A_138, %swap3A_139, %swap3A_140] {strides = array<i32>} : memref<2x128x128xf32, #tpu.memory_space<vmem>>, vector<1x1x16xf32>,
      %swap3A_142 = vector.shape_cast %swap3A_141 : vector<1x1x16xf32> to vector<16xf32>
      %swap3A_143 = vector.shape_cast %broadcast_in_dim3A_1 : vector<16xf32> to vector<1x1x16xf32>
      tpu.vector_store %arg8[%swap3A_138, %swap3A_139, %swap3A_140], %swap3A_143 {strides = array<i32>} : memref<2x128x128xf32, #tpu.memory_space<vmem>>, vector<1x1x16xf32>,
      %swap3A_144 = arith.constant 0 : i32
      %swap3A_145 = arith.index_cast %swap3A_144 : i32 to index
      %swap3A_146 = arith.index_cast %scan3A_123 : i32 to index
      %swap3A_147 = arith.constant 48 : index
      %swap3A_148 = tpu.vector_load %arg8[%swap3A_145, %swap3A_146, %swap3A_147] {strides = array<i32>} : memref<2x128x128xf32, #tpu.memory_space<vmem>>, vector<1x1x16xf32>,
      %swap3A_149 = vector.shape_cast %swap3A_148 : vector<1x1x16xf32> to vector<16xf32>
      %swap3A_150 = vector.shape_cast %broadcast_in_dim3A_1 : vector<16xf32> to vector<1x1x16xf32>
      tpu.vector_store %arg8[%swap3A_145, %swap3A_146, %swap3A_147], %swap3A_150 {strides = array<i32>} : memref<2x128x128xf32, #tpu.memory_space<vmem>>, vector<1x1x16xf32>,
      %swap3A_151 = arith.constant 0 : i32
      %swap3A_152 = arith.index_cast %swap3A_151 : i32 to index
      %swap3A_153 = arith.index_cast %scan3A_123 : i32 to index
      %swap3A_154 = arith.constant 64 : index
      %swap3A_155 = tpu.vector_load %arg8[%swap3A_152, %swap3A_153, %swap3A_154] {strides = array<i32>} : memref<2x128x128xf32, #tpu.memory_space<vmem>>, vector<1x1x16xf32>,
      %swap3A_156 = vector.shape_cast %swap3A_155 : vector<1x1x16xf32> to vector<16xf32>
      %swap3A_157 = vector.shape_cast %broadcast_in_dim3A_1 : vector<16xf32> to vector<1x1x16xf32>
      tpu.vector_store %arg8[%swap3A_152, %swap3A_153, %swap3A_154], %swap3A_157 {strides = array<i32>} : memref<2x128x128xf32, #tpu.memory_space<vmem>>, vector<1x1x16xf32>,
      %swap3A_158 = arith.constant 0 : i32
      %swap3A_159 = arith.index_cast %swap3A_158 : i32 to index
      %swap3A_160 = arith.index_cast %scan3A_123 : i32 to index
      %swap3A_161 = arith.constant 80 : index
      %swap3A_162 = tpu.vector_load %arg8[%swap3A_159, %swap3A_160, %swap3A_161] {strides = array<i32>} : memref<2x128x128xf32, #tpu.memory_space<vmem>>, vector<1x1x16xf32>,
      %swap3A_163 = vector.shape_cast %swap3A_162 : vector<1x1x16xf32> to vector<16xf32>
      %swap3A_164 = vector.shape_cast %broadcast_in_dim3A_1 : vector<16xf32> to vector<1x1x16xf32>
      tpu.vector_store %arg8[%swap3A_159, %swap3A_160, %swap3A_161], %swap3A_164 {strides = array<i32>} : memref<2x128x128xf32, #tpu.memory_space<vmem>>, vector<1x1x16xf32>,
      %swap3A_165 = arith.constant 0 : i32
      %swap3A_166 = arith.index_cast %swap3A_165 : i32 to index
      %swap3A_167 = arith.index_cast %scan3A_123 : i32 to index
      %swap3A_168 = arith.constant 96 : index
      %swap3A_169 = tpu.vector_load %arg8[%swap3A_166, %swap3A_167, %swap3A_168] {strides = array<i32>} : memref<2x128x128xf32, #tpu.memory_space<vmem>>, vector<1x1x16xf32>,
      %swap3A_170 = vector.shape_cast %swap3A_169 : vector<1x1x16xf32> to vector<16xf32>
      %swap3A_171 = vector.shape_cast %broadcast_in_dim3A_1 : vector<16xf32> to vector<1x1x16xf32>
      tpu.vector_store %arg8[%swap3A_166, %swap3A_167, %swap3A_168], %swap3A_171 {strides = array<i32>} : memref<2x128x128xf32, #tpu.memory_space<vmem>>, vector<1x1x16xf32>,
      %swap3A_172 = arith.constant 0 : i32
      %swap3A_173 = arith.index_cast %swap3A_172 : i32 to index
      %swap3A_174 = arith.index_cast %scan3A_123 : i32 to index
      %swap3A_175 = arith.constant 112 : index
      %swap3A_176 = tpu.vector_load %arg8[%swap3A_173, %swap3A_174, %swap3A_175] {strides = array<i32>} : memref<2x128x128xf32, #tpu.memory_space<vmem>>, vector<1x1x16xf32>,
      %swap3A_177 = vector.shape_cast %swap3A_176 : vector<1x1x16xf32> to vector<16xf32>
      %swap3A_178 = vector.shape_cast %broadcast_in_dim3A_1 : vector<16xf32> to vector<1x1x16xf32>
      tpu.vector_store %arg8[%swap3A_173, %swap3A_174, %swap3A_175], %swap3A_178 {strides = array<i32>} : memref<2x128x128xf32, #tpu.memory_space<vmem>>, vector<1x1x16xf32>,
    }
    %scan3A_6 = arith.constant 128 : i32
    %mul3A_7 = arith.constant 640 : i32
    %mul3A_8 = arith.muli %arg1, %mul3A_7 : i32
    %add3A_9 = arith.constant 0 : i32
    %add3A_10 = arith.addi %mul3A_8, %add3A_9 : i32
    %run_scoped3A = arith.constant 0 : i32
    "tpu.region"() ({
      %run_scoped3A_123 = tpu.sem_alloc : memref<!tpu.dma_semaphore, #tpu.memory_space<semaphore_mem>>
      %dma_start3A_124 = arith.constant 0 : i32
      %dma_start3A_125 = arith.constant 0 : i32
      %dma_start3A_126 = tpu.memref_slice %arg8[%run_scoped3A, %dma_start3A_124, %dma_start3A_125] : memref<2x128x128xf32, #tpu.memory_space<vmem>> -> memref<1x128x128xf32, #tpu.memory_space<vmem>>
      %dma_start3A_127 = tpu.memref_squeeze %dma_start3A_126 : memref<1x128x128xf32, #tpu.memory_space<vmem>> -> memref<128x128xf32, #tpu.memory_space<vmem>>
      %dma_start3A_128 = arith.constant 0 : i32
      %dma_start3A_129 = tpu.memref_slice %arg9[%add3A_10, %dma_start3A_128] : memref<10240x128xf32, #tpu.memory_space<vmem_shared>> -> memref<128x128xf32, #tpu.memory_space<vmem_shared>>
      %dma_start3A_130 = arith.constant 0 : i32
      %dma_start3A_131 = tpu.memref_slice %arg9[%add3A_10, %dma_start3A_130] : memref<10240x128xf32, #tpu.memory_space<vmem_shared>> -> memref<128x128xf32, #tpu.memory_space<vmem_shared>>
      %dma_start3A_132 = arith.constant 0 : i32
      %dma_start3A_133 = arith.constant 0 : i32
      %dma_start3A_134 = tpu.memref_slice %arg8[%run_scoped3A, %dma_start3A_132, %dma_start3A_133] : memref<2x128x128xf32, #tpu.memory_space<vmem>> -> memref<1x128x128xf32, #tpu.memory_space<vmem>>
      %dma_start3A_135 = tpu.memref_squeeze %dma_start3A_134 : memref<1x128x128xf32, #tpu.memory_space<vmem>> -> memref<128x128xf32, #tpu.memory_space<vmem>>
      tpu.enqueue_dma source(%dma_start3A_135 : memref<128x128xf32, #tpu.memory_space<vmem>>) target(%dma_start3A_131 : memref<128x128xf32, #tpu.memory_space<vmem_shared>>) target_semaphore(%run_scoped3A_123 : memref<!tpu.dma_semaphore, #tpu.memory_space<semaphore_mem>>)
      %dma_wait3A_136 = arith.constant 0 : i32
      %dma_wait3A_137 = arith.constant 0 : i32
      %dma_wait3A_138 = tpu.memref_slice %arg8[%run_scoped3A, %dma_wait3A_136, %dma_wait3A_137] : memref<2x128x128xf32, #tpu.memory_space<vmem>> -> memref<1x128x128xf32, #tpu.memory_space<vmem>>
      %dma_wait3A_139 = tpu.memref_squeeze %dma_wait3A_138 : memref<1x128x128xf32, #tpu.memory_space<vmem>> -> memref<128x128xf32, #tpu.memory_space<vmem>>
      %dma_wait3A_140 = arith.constant 0 : i32
      %dma_wait3A_141 = tpu.memref_slice %arg9[%add3A_10, %dma_wait3A_140] : memref<10240x128xf32, #tpu.memory_space<vmem_shared>> -> memref<128x128xf32, #tpu.memory_space<vmem_shared>>
      %dma_wait3A_142 = arith.constant 0 : i32
      %dma_wait3A_143 = tpu.memref_slice %arg9[%add3A_10, %dma_wait3A_142] : memref<10240x128xf32, #tpu.memory_space<vmem_shared>> -> memref<128x128xf32, #tpu.memory_space<vmem_shared>>
      %dma_wait3A_144 = arith.constant 0 : i32
      %dma_wait3A_145 = arith.constant 0 : i32
      %dma_wait3A_146 = tpu.memref_slice %arg8[%run_scoped3A, %dma_wait3A_144, %dma_wait3A_145] : memref<2x128x128xf32, #tpu.memory_space<vmem>> -> memref<1x128x128xf32, #tpu.memory_space<vmem>>
      %dma_wait3A_147 = tpu.memref_squeeze %dma_wait3A_146 : memref<1x128x128xf32, #tpu.memory_space<vmem>> -> memref<128x128xf32, #tpu.memory_space<vmem>>
      tpu.wait_dma2 semaphore(%run_scoped3A_123 : memref<!tpu.dma_semaphore, #tpu.memory_space<semaphore_mem>>) src(%dma_wait3A_147 : memref<128x128xf32, #tpu.memory_space<vmem>>) dst(%dma_wait3A_143 : memref<128x128xf32, #tpu.memory_space<vmem_shared>>)
      tpu.yield
    }) : () -> ()
    %add3A_11 = arith.constant 128 : i32
    %add3A_12 = arith.addi %mul3A_8, %add3A_11 : i32
    %run_scoped3A_13 = arith.constant 0 : i32
    "tpu.region"() ({
      %run_scoped3A_123 = tpu.sem_alloc : memref<!tpu.dma_semaphore, #tpu.memory_space<semaphore_mem>>
      %dma_start3A_124 = arith.constant 0 : i32
      %dma_start3A_125 = arith.constant 0 : i32
      %dma_start3A_126 = tpu.memref_slice %arg8[%run_scoped3A_13, %dma_start3A_124, %dma_start3A_125] : memref<2x128x128xf32, #tpu.memory_space<vmem>> -> memref<1x128x128xf32, #tpu.memory_space<vmem>>
      %dma_start3A_127 = tpu.memref_squeeze %dma_start3A_126 : memref<1x128x128xf32, #tpu.memory_space<vmem>> -> memref<128x128xf32, #tpu.memory_space<vmem>>
      %dma_start3A_128 = arith.constant 0 : i32
      %dma_start3A_129 = tpu.memref_slice %arg9[%add3A_12, %dma_start3A_128] : memref<10240x128xf32, #tpu.memory_space<vmem_shared>> -> memref<128x128xf32, #tpu.memory_space<vmem_shared>>
      %dma_start3A_130 = arith.constant 0 : i32
      %dma_start3A_131 = tpu.memref_slice %arg9[%add3A_12, %dma_start3A_130] : memref<10240x128xf32, #tpu.memory_space<vmem_shared>> -> memref<128x128xf32, #tpu.memory_space<vmem_shared>>
      %dma_start3A_132 = arith.constant 0 : i32
      %dma_start3A_133 = arith.constant 0 : i32
      %dma_start3A_134 = tpu.memref_slice %arg8[%run_scoped3A_13, %dma_start3A_132, %dma_start3A_133] : memref<2x128x128xf32, #tpu.memory_space<vmem>> -> memref<1x128x128xf32, #tpu.memory_space<vmem>>
      %dma_start3A_135 = tpu.memref_squeeze %dma_start3A_134 : memref<1x128x128xf32, #tpu.memory_space<vmem>> -> memref<128x128xf32, #tpu.memory_space<vmem>>
      tpu.enqueue_dma source(%dma_start3A_135 : memref<128x128xf32, #tpu.memory_space<vmem>>) target(%dma_start3A_131 : memref<128x128xf32, #tpu.memory_space<vmem_shared>>) target_semaphore(%run_scoped3A_123 : memref<!tpu.dma_semaphore, #tpu.memory_space<semaphore_mem>>)
      %dma_wait3A_136 = arith.constant 0 : i32
      %dma_wait3A_137 = arith.constant 0 : i32
      %dma_wait3A_138 = tpu.memref_slice %arg8[%run_scoped3A_13, %dma_wait3A_136, %dma_wait3A_137] : memref<2x128x128xf32, #tpu.memory_space<vmem>> -> memref<1x128x128xf32, #tpu.memory_space<vmem>>
      %dma_wait3A_139 = tpu.memref_squeeze %dma_wait3A_138 : memref<1x128x128xf32, #tpu.memory_space<vmem>> -> memref<128x128xf32, #tpu.memory_space<vmem>>
      %dma_wait3A_140 = arith.constant 0 : i32
      %dma_wait3A_141 = tpu.memref_slice %arg9[%add3A_12, %dma_wait3A_140] : memref<10240x128xf32, #tpu.memory_space<vmem_shared>> -> memref<128x128xf32, #tpu.memory_space<vmem_shared>>
      %dma_wait3A_142 = arith.constant 0 : i32
      %dma_wait3A_143 = tpu.memref_slice %arg9[%add3A_12, %dma_wait3A_142] : memref<10240x128xf32, #tpu.memory_space<vmem_shared>> -> memref<128x128xf32, #tpu.memory_space<vmem_shared>>
      %dma_wait3A_144 = arith.constant 0 : i32
      %dma_wait3A_145 = arith.constant 0 : i32
      %dma_wait3A_146 = tpu.memref_slice %arg8[%run_scoped3A_13, %dma_wait3A_144, %dma_wait3A_145] : memref<2x128x128xf32, #tpu.memory_space<vmem>> -> memref<1x128x128xf32, #tpu.memory_space<vmem>>
      %dma_wait3A_147 = tpu.memref_squeeze %dma_wait3A_146 : memref<1x128x128xf32, #tpu.memory_space<vmem>> -> memref<128x128xf32, #tpu.memory_space<vmem>>
      tpu.wait_dma2 semaphore(%run_scoped3A_123 : memref<!tpu.dma_semaphore, #tpu.memory_space<semaphore_mem>>) src(%dma_wait3A_147 : memref<128x128xf32, #tpu.memory_space<vmem>>) dst(%dma_wait3A_143 : memref<128x128xf32, #tpu.memory_space<vmem_shared>>)
      tpu.yield
    }) : () -> ()
    %add3A_14 = arith.constant 256 : i32
    %add3A_15 = arith.addi %mul3A_8, %add3A_14 : i32
    %run_scoped3A_16 = arith.constant 0 : i32
    "tpu.region"() ({
      %run_scoped3A_123 = tpu.sem_alloc : memref<!tpu.dma_semaphore, #tpu.memory_space<semaphore_mem>>
      %dma_start3A_124 = arith.constant 0 : i32
      %dma_start3A_125 = arith.constant 0 : i32
      %dma_start3A_126 = tpu.memref_slice %arg8[%run_scoped3A_16, %dma_start3A_124, %dma_start3A_125] : memref<2x128x128xf32, #tpu.memory_space<vmem>> -> memref<1x128x128xf32, #tpu.memory_space<vmem>>
      %dma_start3A_127 = tpu.memref_squeeze %dma_start3A_126 : memref<1x128x128xf32, #tpu.memory_space<vmem>> -> memref<128x128xf32, #tpu.memory_space<vmem>>
      %dma_start3A_128 = arith.constant 0 : i32
      %dma_start3A_129 = tpu.memref_slice %arg9[%add3A_15, %dma_start3A_128] : memref<10240x128xf32, #tpu.memory_space<vmem_shared>> -> memref<128x128xf32, #tpu.memory_space<vmem_shared>>
      %dma_start3A_130 = arith.constant 0 : i32
      %dma_start3A_131 = tpu.memref_slice %arg9[%add3A_15, %dma_start3A_130] : memref<10240x128xf32, #tpu.memory_space<vmem_shared>> -> memref<128x128xf32, #tpu.memory_space<vmem_shared>>
      %dma_start3A_132 = arith.constant 0 : i32
      %dma_start3A_133 = arith.constant 0 : i32
      %dma_start3A_134 = tpu.memref_slice %arg8[%run_scoped3A_16, %dma_start3A_132, %dma_start3A_133] : memref<2x128x128xf32, #tpu.memory_space<vmem>> -> memref<1x128x128xf32, #tpu.memory_space<vmem>>
      %dma_start3A_135 = tpu.memref_squeeze %dma_start3A_134 : memref<1x128x128xf32, #tpu.memory_space<vmem>> -> memref<128x128xf32, #tpu.memory_space<vmem>>
      tpu.enqueue_dma source(%dma_start3A_135 : memref<128x128xf32, #tpu.memory_space<vmem>>) target(%dma_start3A_131 : memref<128x128xf32, #tpu.memory_space<vmem_shared>>) target_semaphore(%run_scoped3A_123 : memref<!tpu.dma_semaphore, #tpu.memory_space<semaphore_mem>>)
      %dma_wait3A_136 = arith.constant 0 : i32
      %dma_wait3A_137 = arith.constant 0 : i32
      %dma_wait3A_138 = tpu.memref_slice %arg8[%run_scoped3A_16, %dma_wait3A_136, %dma_wait3A_137] : memref<2x128x128xf32, #tpu.memory_space<vmem>> -> memref<1x128x128xf32, #tpu.memory_space<vmem>>
      %dma_wait3A_139 = tpu.memref_squeeze %dma_wait3A_138 : memref<1x128x128xf32, #tpu.memory_space<vmem>> -> memref<128x128xf32, #tpu.memory_space<vmem>>
      %dma_wait3A_140 = arith.constant 0 : i32
      %dma_wait3A_141 = tpu.memref_slice %arg9[%add3A_15, %dma_wait3A_140] : memref<10240x128xf32, #tpu.memory_space<vmem_shared>> -> memref<128x128xf32, #tpu.memory_space<vmem_shared>>
      %dma_wait3A_142 = arith.constant 0 : i32
      %dma_wait3A_143 = tpu.memref_slice %arg9[%add3A_15, %dma_wait3A_142] : memref<10240x128xf32, #tpu.memory_space<vmem_shared>> -> memref<128x128xf32, #tpu.memory_space<vmem_shared>>
      %dma_wait3A_144 = arith.constant 0 : i32
      %dma_wait3A_145 = arith.constant 0 : i32
      %dma_wait3A_146 = tpu.memref_slice %arg8[%run_scoped3A_16, %dma_wait3A_144, %dma_wait3A_145] : memref<2x128x128xf32, #tpu.memory_space<vmem>> -> memref<1x128x128xf32, #tpu.memory_space<vmem>>
      %dma_wait3A_147 = tpu.memref_squeeze %dma_wait3A_146 : memref<1x128x128xf32, #tpu.memory_space<vmem>> -> memref<128x128xf32, #tpu.memory_space<vmem>>
      tpu.wait_dma2 semaphore(%run_scoped3A_123 : memref<!tpu.dma_semaphore, #tpu.memory_space<semaphore_mem>>) src(%dma_wait3A_147 : memref<128x128xf32, #tpu.memory_space<vmem>>) dst(%dma_wait3A_143 : memref<128x128xf32, #tpu.memory_space<vmem_shared>>)
      tpu.yield
    }) : () -> ()
    %add3A_17 = arith.constant 384 : i32
    %add3A_18 = arith.addi %mul3A_8, %add3A_17 : i32
    %run_scoped3A_19 = arith.constant 0 : i32
    "tpu.region"() ({
      %run_scoped3A_123 = tpu.sem_alloc : memref<!tpu.dma_semaphore, #tpu.memory_space<semaphore_mem>>
      %dma_start3A_124 = arith.constant 0 : i32
      %dma_start3A_125 = arith.constant 0 : i32
      %dma_start3A_126 = tpu.memref_slice %arg8[%run_scoped3A_19, %dma_start3A_124, %dma_start3A_125] : memref<2x128x128xf32, #tpu.memory_space<vmem>> -> memref<1x128x128xf32, #tpu.memory_space<vmem>>
      %dma_start3A_127 = tpu.memref_squeeze %dma_start3A_126 : memref<1x128x128xf32, #tpu.memory_space<vmem>> -> memref<128x128xf32, #tpu.memory_space<vmem>>
      %dma_start3A_128 = arith.constant 0 : i32
      %dma_start3A_129 = tpu.memref_slice %arg9[%add3A_18, %dma_start3A_128] : memref<10240x128xf32, #tpu.memory_space<vmem_shared>> -> memref<128x128xf32, #tpu.memory_space<vmem_shared>>
      %dma_start3A_130 = arith.constant 0 : i32
      %dma_start3A_131 = tpu.memref_slice %arg9[%add3A_18, %dma_start3A_130] : memref<10240x128xf32, #tpu.memory_space<vmem_shared>> -> memref<128x128xf32, #tpu.memory_space<vmem_shared>>
      %dma_start3A_132 = arith.constant 0 : i32
      %dma_start3A_133 = arith.constant 0 : i32
      %dma_start3A_134 = tpu.memref_slice %arg8[%run_scoped3A_19, %dma_start3A_132, %dma_start3A_133] : memref<2x128x128xf32, #tpu.memory_space<vmem>> -> memref<1x128x128xf32, #tpu.memory_space<vmem>>
      %dma_start3A_135 = tpu.memref_squeeze %dma_start3A_134 : memref<1x128x128xf32, #tpu.memory_space<vmem>> -> memref<128x128xf32, #tpu.memory_space<vmem>>
      tpu.enqueue_dma source(%dma_start3A_135 : memref<128x128xf32, #tpu.memory_space<vmem>>) target(%dma_start3A_131 : memref<128x128xf32, #tpu.memory_space<vmem_shared>>) target_semaphore(%run_scoped3A_123 : memref<!tpu.dma_semaphore, #tpu.memory_space<semaphore_mem>>)
      %dma_wait3A_136 = arith.constant 0 : i32
      %dma_wait3A_137 = arith.constant 0 : i32
      %dma_wait3A_138 = tpu.memref_slice %arg8[%run_scoped3A_19, %dma_wait3A_136, %dma_wait3A_137] : memref<2x128x128xf32, #tpu.memory_space<vmem>> -> memref<1x128x128xf32, #tpu.memory_space<vmem>>
      %dma_wait3A_139 = tpu.memref_squeeze %dma_wait3A_138 : memref<1x128x128xf32, #tpu.memory_space<vmem>> -> memref<128x128xf32, #tpu.memory_space<vmem>>
      %dma_wait3A_140 = arith.constant 0 : i32
      %dma_wait3A_141 = tpu.memref_slice %arg9[%add3A_18, %dma_wait3A_140] : memref<10240x128xf32, #tpu.memory_space<vmem_shared>> -> memref<128x128xf32, #tpu.memory_space<vmem_shared>>
      %dma_wait3A_142 = arith.constant 0 : i32
      %dma_wait3A_143 = tpu.memref_slice %arg9[%add3A_18, %dma_wait3A_142] : memref<10240x128xf32, #tpu.memory_space<vmem_shared>> -> memref<128x128xf32, #tpu.memory_space<vmem_shared>>
      %dma_wait3A_144 = arith.constant 0 : i32
      %dma_wait3A_145 = arith.constant 0 : i32
      %dma_wait3A_146 = tpu.memref_slice %arg8[%run_scoped3A_19, %dma_wait3A_144, %dma_wait3A_145] : memref<2x128x128xf32, #tpu.memory_space<vmem>> -> memref<1x128x128xf32, #tpu.memory_space<vmem>>
      %dma_wait3A_147 = tpu.memref_squeeze %dma_wait3A_146 : memref<1x128x128xf32, #tpu.memory_space<vmem>> -> memref<128x128xf32, #tpu.memory_space<vmem>>
      tpu.wait_dma2 semaphore(%run_scoped3A_123 : memref<!tpu.dma_semaphore, #tpu.memory_space<semaphore_mem>>) src(%dma_wait3A_147 : memref<128x128xf32, #tpu.memory_space<vmem>>) dst(%dma_wait3A_143 : memref<128x128xf32, #tpu.memory_space<vmem_shared>>)
      tpu.yield
    }) : () -> ()
    %add3A_20 = arith.constant 512 : i32
    %add3A_21 = arith.addi %mul3A_8, %add3A_20 : i32
    %run_scoped3A_22 = arith.constant 0 : i32
    "tpu.region"() ({
      %run_scoped3A_123 = tpu.sem_alloc : memref<!tpu.dma_semaphore, #tpu.memory_space<semaphore_mem>>
      %dma_start3A_124 = arith.constant 0 : i32
      %dma_start3A_125 = arith.constant 0 : i32
      %dma_start3A_126 = tpu.memref_slice %arg8[%run_scoped3A_22, %dma_start3A_124, %dma_start3A_125] : memref<2x128x128xf32, #tpu.memory_space<vmem>> -> memref<1x128x128xf32, #tpu.memory_space<vmem>>
      %dma_start3A_127 = tpu.memref_squeeze %dma_start3A_126 : memref<1x128x128xf32, #tpu.memory_space<vmem>> -> memref<128x128xf32, #tpu.memory_space<vmem>>
      %dma_start3A_128 = arith.constant 0 : i32
      %dma_start3A_129 = tpu.memref_slice %arg9[%add3A_21, %dma_start3A_128] : memref<10240x128xf32, #tpu.memory_space<vmem_shared>> -> memref<128x128xf32, #tpu.memory_space<vmem_shared>>
      %dma_start3A_130 = arith.constant 0 : i32
      %dma_start3A_131 = tpu.memref_slice %arg9[%add3A_21, %dma_start3A_130] : memref<10240x128xf32, #tpu.memory_space<vmem_shared>> -> memref<128x128xf32, #tpu.memory_space<vmem_shared>>
      %dma_start3A_132 = arith.constant 0 : i32
      %dma_start3A_133 = arith.constant 0 : i32
      %dma_start3A_134 = tpu.memref_slice %arg8[%run_scoped3A_22, %dma_start3A_132, %dma_start3A_133] : memref<2x128x128xf32, #tpu.memory_space<vmem>> -> memref<1x128x128xf32, #tpu.memory_space<vmem>>
      %dma_start3A_135 = tpu.memref_squeeze %dma_start3A_134 : memref<1x128x128xf32, #tpu.memory_space<vmem>> -> memref<128x128xf32, #tpu.memory_space<vmem>>
      tpu.enqueue_dma source(%dma_start3A_135 : memref<128x128xf32, #tpu.memory_space<vmem>>) target(%dma_start3A_131 : memref<128x128xf32, #tpu.memory_space<vmem_shared>>) target_semaphore(%run_scoped3A_123 : memref<!tpu.dma_semaphore, #tpu.memory_space<semaphore_mem>>)
      %dma_wait3A_136 = arith.constant 0 : i32
      %dma_wait3A_137 = arith.constant 0 : i32
      %dma_wait3A_138 = tpu.memref_slice %arg8[%run_scoped3A_22, %dma_wait3A_136, %dma_wait3A_137] : memref<2x128x128xf32, #tpu.memory_space<vmem>> -> memref<1x128x128xf32, #tpu.memory_space<vmem>>
      %dma_wait3A_139 = tpu.memref_squeeze %dma_wait3A_138 : memref<1x128x128xf32, #tpu.memory_space<vmem>> -> memref<128x128xf32, #tpu.memory_space<vmem>>
      %dma_wait3A_140 = arith.constant 0 : i32
      %dma_wait3A_141 = tpu.memref_slice %arg9[%add3A_21, %dma_wait3A_140] : memref<10240x128xf32, #tpu.memory_space<vmem_shared>> -> memref<128x128xf32, #tpu.memory_space<vmem_shared>>
      %dma_wait3A_142 = arith.constant 0 : i32
      %dma_wait3A_143 = tpu.memref_slice %arg9[%add3A_21, %dma_wait3A_142] : memref<10240x128xf32, #tpu.memory_space<vmem_shared>> -> memref<128x128xf32, #tpu.memory_space<vmem_shared>>
      %dma_wait3A_144 = arith.constant 0 : i32
      %dma_wait3A_145 = arith.constant 0 : i32
      %dma_wait3A_146 = tpu.memref_slice %arg8[%run_scoped3A_22, %dma_wait3A_144, %dma_wait3A_145] : memref<2x128x128xf32, #tpu.memory_space<vmem>> -> memref<1x128x128xf32, #tpu.memory_space<vmem>>
      %dma_wait3A_147 = tpu.memref_squeeze %dma_wait3A_146 : memref<1x128x128xf32, #tpu.memory_space<vmem>> -> memref<128x128xf32, #tpu.memory_space<vmem>>
      tpu.wait_dma2 semaphore(%run_scoped3A_123 : memref<!tpu.dma_semaphore, #tpu.memory_space<semaphore_mem>>) src(%dma_wait3A_147 : memref<128x128xf32, #tpu.memory_space<vmem>>) dst(%dma_wait3A_143 : memref<128x128xf32, #tpu.memory_space<vmem_shared>>)
      tpu.yield
    }) : () -> ()
    %barrier3A = arith.constant 0 : index
    tpu.barrier barrier_id(%barrier3A)
    %eq3A = arith.constant 1 : i32
    %eq3A_23 = arith.cmpi eq, %arg0, %eq3A : i32
    %mul3A_24 = arith.constant 120 : i32
    %mul3A_25 = arith.muli %arg1, %mul3A_24 : i32
    %mul3A_26 = arith.constant 40 : i32
    %mul3A_27 = arith.muli %arg1, %mul3A_26 : i32
    %add3A_28 = arith.constant 1920 : i32
    %add3A_29 = arith.addi %add3A_28, %mul3A_27 : i32
    %select_n3A = arith.select %eq3A_23, %mul3A_25, %add3A_29 : i32
    "tpu.region"() ({
      %run_scoped3A_123 = tpu.sem_alloc : memref<!tpu.dma_semaphore, #tpu.memory_space<semaphore_mem>>
      %dma_start3A_124 = arith.constant 0 : i32
      %dma_start3A_125 = tpu.memref_slice %arg3[%select_n3A, %dma_start3A_124] : memref<2560x128xi32, #tpu.memory_space<hbm>> -> memref<40x128xi32, #tpu.memory_space<hbm>>
      %dma_start3A_126 = arith.constant 0 : i32
      %dma_start3A_127 = tpu.memref_slice %arg3[%select_n3A, %dma_start3A_126] : memref<2560x128xi32, #tpu.memory_space<hbm>> -> memref<40x128xi32, #tpu.memory_space<hbm>>
      tpu.enqueue_dma source(%dma_start3A_127 : memref<40x128xi32, #tpu.memory_space<hbm>>) target(%arg6 : memref<40x128xi32, #tpu.memory_space<vmem>>) target_semaphore(%run_scoped3A_123 : memref<!tpu.dma_semaphore, #tpu.memory_space<semaphore_mem>>)
      %dma_wait3A_128 = arith.constant 0 : i32
      %dma_wait3A_129 = tpu.memref_slice %arg3[%select_n3A, %dma_wait3A_128] : memref<2560x128xi32, #tpu.memory_space<hbm>> -> memref<40x128xi32, #tpu.memory_space<hbm>>
      %dma_wait3A_130 = arith.constant 0 : i32
      %dma_wait3A_131 = tpu.memref_slice %arg3[%select_n3A, %dma_wait3A_130] : memref<2560x128xi32, #tpu.memory_space<hbm>> -> memref<40x128xi32, #tpu.memory_space<hbm>>
      tpu.wait_dma2 semaphore(%run_scoped3A_123 : memref<!tpu.dma_semaphore, #tpu.memory_space<semaphore_mem>>) src(%dma_wait3A_131 : memref<40x128xi32, #tpu.memory_space<hbm>>) dst(%arg6 : memref<40x128xi32, #tpu.memory_space<vmem>>)
      tpu.yield
    }) : () -> ()
    "tpu.region"() ({
      %run_scoped3A_123 = tpu.sem_alloc : memref<!tpu.dma_semaphore, #tpu.memory_space<semaphore_mem>>
      %dma_start3A_124 = arith.constant 0 : i32
      %dma_start3A_125 = tpu.memref_slice %arg4[%select_n3A, %dma_start3A_124] : memref<2560x128xi32, #tpu.memory_space<hbm>> -> memref<40x128xi32, #tpu.memory_space<hbm>>
      %dma_start3A_126 = arith.constant 0 : i32
      %dma_start3A_127 = tpu.memref_slice %arg4[%select_n3A, %dma_start3A_126] : memref<2560x128xi32, #tpu.memory_space<hbm>> -> memref<40x128xi32, #tpu.memory_space<hbm>>
      tpu.enqueue_dma source(%dma_start3A_127 : memref<40x128xi32, #tpu.memory_space<hbm>>) target(%arg7 : memref<40x128xi32, #tpu.memory_space<vmem>>) target_semaphore(%run_scoped3A_123 : memref<!tpu.dma_semaphore, #tpu.memory_space<semaphore_mem>>)
      %dma_wait3A_128 = arith.constant 0 : i32
      %dma_wait3A_129 = tpu.memref_slice %arg4[%select_n3A, %dma_wait3A_128] : memref<2560x128xi32, #tpu.memory_space<hbm>> -> memref<40x128xi32, #tpu.memory_space<hbm>>
      %dma_wait3A_130 = arith.constant 0 : i32
      %dma_wait3A_131 = tpu.memref_slice %arg4[%select_n3A, %dma_wait3A_130] : memref<2560x128xi32, #tpu.memory_space<hbm>> -> memref<40x128xi32, #tpu.memory_space<hbm>>
      tpu.wait_dma2 semaphore(%run_scoped3A_123 : memref<!tpu.dma_semaphore, #tpu.memory_space<semaphore_mem>>) src(%dma_wait3A_131 : memref<40x128xi32, #tpu.memory_space<hbm>>) dst(%arg7 : memref<40x128xi32, #tpu.memory_space<vmem>>)
      tpu.yield
    }) : () -> ()
    %dma_start3A = arith.constant 0 : i32
    %dma_start3A_30 = arith.constant 0 : i32
    %dma_start3A_31 = arith.constant 0 : i32
    %dma_start3A_32 = arith.constant 0 : i32
    %dma_start3A_33 = tpu.memref_slice %arg8[%dma_start3A_30, %dma_start3A_31, %dma_start3A_32] : memref<2x128x128xf32, #tpu.memory_space<vmem>> -> memref<1x128x128xf32, #tpu.memory_space<vmem>>
    %dma_start3A_34 = tpu.memref_squeeze %dma_start3A_33 : memref<1x128x128xf32, #tpu.memory_space<vmem>> -> memref<128x128xf32, #tpu.memory_space<vmem>>
    %dma_start3A_35 = arith.constant 0 : i32
    %dma_start3A_36 = tpu.memref_slice %arg6[%dma_start3A, %dma_start3A_35] : memref<40x128xi32, #tpu.memory_space<vmem>> -> memref<1x128xi32, #tpu.memory_space<vmem>>
    %dma_start3A_37 = tpu.memref_squeeze %dma_start3A_36 : memref<1x128xi32, #tpu.memory_space<vmem>> -> memref<128xi32, #tpu.memory_space<vmem>>
    %dma_start3A_38 = arith.constant 0 : i32
    %dma_start3A_39 = arith.constant 0 : i32
    %dma_start3A_40 = tpu.memref_slice %arg2[%dma_start3A_38, %dma_start3A_39] : memref<10240x128xf32, #tpu.memory_space<hbm>> -> memref<10240x128xf32, #tpu.memory_space<hbm>>
    tpu.enqueue_indirect_dma source(%dma_start3A_40 : memref<10240x128xf32, #tpu.memory_space<hbm>>) target(%dma_start3A_34 : memref<128x128xf32, #tpu.memory_space<vmem>>) offsets(%dma_start3A_37 : memref<128xi32, #tpu.memory_space<vmem>>) semaphore(%arg10 : memref<!tpu.dma_semaphore, #tpu.memory_space<semaphore_mem>>)
    %scan3A_41 = arith.constant 0 : i32
    %scan3A_42 = arith.constant 0 : i32
    %scan3A_43 = arith.constant 20 : i32
    %scan3A_44 = arith.addi %scan3A_42, %scan3A_43 : i32
    %scan3A_45 = arith.constant 1 : i32
    scf.for %scan3A_123 = %scan3A_42 to %scan3A_44 step %scan3A_45  : i32 {
      %mul3A_124 = arith.constant 2 : i32
      %mul3A_125 = arith.muli %mul3A_124, %scan3A_123 : i32
      %add3A_126 = arith.constant 0 : i32
      %add3A_127 = arith.addi %mul3A_125, %add3A_126 : i32
      %ge3A = arith.constant 1 : i32
      %ge3A_128 = arith.cmpi sge, %add3A_127, %ge3A : i32
      %convert_element_type3A_129 = arith.extui %ge3A_128 : i1 to i32
      %cond3A_130 = arith.constant 0 : i32
      %cond3A_131 = arith.cmpi ne, %convert_element_type3A_129, %cond3A_130 : i32
      scf.if %cond3A_131 {
        %sub3A = arith.constant 1 : i32
        %sub3A_198 = arith.subi %add3A_127, %sub3A : i32
        %dma_wait3A_199 = arith.constant 1 : i32
        %dma_wait3A_200 = arith.constant 0 : i32
        %dma_wait3A_201 = arith.constant 0 : i32
        %dma_wait3A_202 = tpu.memref_slice %arg8[%dma_wait3A_199, %dma_wait3A_200, %dma_wait3A_201] : memref<2x128x128xf32, #tpu.memory_space<vmem>> -> memref<1x128x128xf32, #tpu.memory_space<vmem>>
        %dma_wait3A_203 = tpu.memref_squeeze %dma_wait3A_202 : memref<1x128x128xf32, #tpu.memory_space<vmem>> -> memref<128x128xf32, #tpu.memory_space<vmem>>
        %dma_wait3A_204 = arith.constant 0 : i32
        %dma_wait3A_205 = tpu.memref_slice %arg7[%sub3A_198, %dma_wait3A_204] : memref<40x128xi32, #tpu.memory_space<vmem>> -> memref<1x128xi32, #tpu.memory_space<vmem>>
        %dma_wait3A_206 = tpu.memref_squeeze %dma_wait3A_205 : memref<1x128xi32, #tpu.memory_space<vmem>> -> memref<128xi32, #tpu.memory_space<vmem>>
        %dma_wait3A_207 = arith.constant 0 : i32
        %dma_wait3A_208 = arith.constant 0 : i32
        %dma_wait3A_209 = tpu.memref_slice %arg9[%dma_wait3A_207, %dma_wait3A_208] : memref<10240x128xf32, #tpu.memory_space<vmem_shared>> -> memref<10240x128xf32, #tpu.memory_space<vmem_shared>>
        tpu.wait_indirect_dma semaphore(%arg13 : memref<!tpu.dma_semaphore, #tpu.memory_space<semaphore_mem>>) src(%dma_wait3A_203 : memref<128x128xf32, #tpu.memory_space<vmem>>) dst(%dma_wait3A_209 : memref<10240x128xf32, #tpu.memory_space<vmem_shared>>)
      } else {
      }
      %add3A_132 = arith.constant 1 : i32
      %add3A_133 = arith.addi %add3A_127, %add3A_132 : i32
      %lt3A = arith.constant 40 : i32
      %lt3A_134 = arith.cmpi slt, %add3A_133, %lt3A : i32
      %convert_element_type3A_135 = arith.extui %lt3A_134 : i1 to i32
      %cond3A_136 = arith.constant 0 : i32
      %cond3A_137 = arith.cmpi ne, %convert_element_type3A_135, %cond3A_136 : i32
      scf.if %cond3A_137 {
        %add3A_198 = arith.constant 1 : i32
        %add3A_199 = arith.addi %add3A_127, %add3A_198 : i32
        %dma_start3A_200 = arith.constant 1 : i32
        %dma_start3A_201 = arith.constant 0 : i32
        %dma_start3A_202 = arith.constant 0 : i32
        %dma_start3A_203 = tpu.memref_slice %arg8[%dma_start3A_200, %dma_start3A_201, %dma_start3A_202] : memref<2x128x128xf32, #tpu.memory_space<vmem>> -> memref<1x128x128xf32, #tpu.memory_space<vmem>>
        %dma_start3A_204 = tpu.memref_squeeze %dma_start3A_203 : memref<1x128x128xf32, #tpu.memory_space<vmem>> -> memref<128x128xf32, #tpu.memory_space<vmem>>
        %dma_start3A_205 = arith.constant 0 : i32
        %dma_start3A_206 = tpu.memref_slice %arg6[%add3A_199, %dma_start3A_205] : memref<40x128xi32, #tpu.memory_space<vmem>> -> memref<1x128xi32, #tpu.memory_space<vmem>>
        %dma_start3A_207 = tpu.memref_squeeze %dma_start3A_206 : memref<1x128xi32, #tpu.memory_space<vmem>> -> memref<128xi32, #tpu.memory_space<vmem>>
        %dma_start3A_208 = arith.constant 0 : i32
        %dma_start3A_209 = arith.constant 0 : i32
        %dma_start3A_210 = tpu.memref_slice %arg2[%dma_start3A_208, %dma_start3A_209] : memref<10240x128xf32, #tpu.memory_space<hbm>> -> memref<10240x128xf32, #tpu.memory_space<hbm>>
        tpu.enqueue_indirect_dma source(%dma_start3A_210 : memref<10240x128xf32, #tpu.memory_space<hbm>>) target(%dma_start3A_204 : memref<128x128xf32, #tpu.memory_space<vmem>>) offsets(%dma_start3A_207 : memref<128xi32, #tpu.memory_space<vmem>>) semaphore(%arg11 : memref<!tpu.dma_semaphore, #tpu.memory_space<semaphore_mem>>)
      } else {
      }
      %dma_wait3A_138 = arith.constant 0 : i32
      %dma_wait3A_139 = arith.constant 0 : i32
      %dma_wait3A_140 = arith.constant 0 : i32
      %dma_wait3A_141 = tpu.memref_slice %arg8[%dma_wait3A_138, %dma_wait3A_139, %dma_wait3A_140] : memref<2x128x128xf32, #tpu.memory_space<vmem>> -> memref<1x128x128xf32, #tpu.memory_space<vmem>>
      %dma_wait3A_142 = tpu.memref_squeeze %dma_wait3A_141 : memref<1x128x128xf32, #tpu.memory_space<vmem>> -> memref<128x128xf32, #tpu.memory_space<vmem>>
      %dma_wait3A_143 = arith.constant 0 : i32
      %dma_wait3A_144 = tpu.memref_slice %arg6[%add3A_127, %dma_wait3A_143] : memref<40x128xi32, #tpu.memory_space<vmem>> -> memref<1x128xi32, #tpu.memory_space<vmem>>
      %dma_wait3A_145 = tpu.memref_squeeze %dma_wait3A_144 : memref<1x128xi32, #tpu.memory_space<vmem>> -> memref<128xi32, #tpu.memory_space<vmem>>
      %dma_wait3A_146 = arith.constant 0 : i32
      %dma_wait3A_147 = arith.constant 0 : i32
      %dma_wait3A_148 = tpu.memref_slice %arg2[%dma_wait3A_146, %dma_wait3A_147] : memref<10240x128xf32, #tpu.memory_space<hbm>> -> memref<10240x128xf32, #tpu.memory_space<hbm>>
      tpu.wait_indirect_dma semaphore(%arg10 : memref<!tpu.dma_semaphore, #tpu.memory_space<semaphore_mem>>) src(%dma_wait3A_148 : memref<10240x128xf32, #tpu.memory_space<hbm>>) dst(%dma_wait3A_142 : memref<128x128xf32, #tpu.memory_space<vmem>>)
      %dma_start3A_149 = arith.constant 0 : i32
      %dma_start3A_150 = arith.constant 0 : i32
      %dma_start3A_151 = arith.constant 0 : i32
      %dma_start3A_152 = tpu.memref_slice %arg8[%dma_start3A_149, %dma_start3A_150, %dma_start3A_151] : memref<2x128x128xf32, #tpu.memory_space<vmem>> -> memref<1x128x128xf32, #tpu.memory_space<vmem>>
      %dma_start3A_153 = tpu.memref_squeeze %dma_start3A_152 : memref<1x128x128xf32, #tpu.memory_space<vmem>> -> memref<128x128xf32, #tpu.memory_space<vmem>>
      %dma_start3A_154 = arith.constant 0 : i32
      %dma_start3A_155 = tpu.memref_slice %arg7[%add3A_127, %dma_start3A_154] : memref<40x128xi32, #tpu.memory_space<vmem>> -> memref<1x128xi32, #tpu.memory_space<vmem>>
      %dma_start3A_156 = tpu.memref_squeeze %dma_start3A_155 : memref<1x128xi32, #tpu.memory_space<vmem>> -> memref<128xi32, #tpu.memory_space<vmem>>
      %dma_start3A_157 = arith.constant 0 : i32
      %dma_start3A_158 = arith.constant 0 : i32
      %dma_start3A_159 = tpu.memref_slice %arg9[%dma_start3A_157, %dma_start3A_158] : memref<10240x128xf32, #tpu.memory_space<vmem_shared>> -> memref<10240x128xf32, #tpu.memory_space<vmem_shared>>
      tpu.enqueue_indirect_dma source(%dma_start3A_153 : memref<128x128xf32, #tpu.memory_space<vmem>>) target(%dma_start3A_159 : memref<10240x128xf32, #tpu.memory_space<vmem_shared>>) offsets(%dma_start3A_156 : memref<128xi32, #tpu.memory_space<vmem>>) semaphore(%arg12 : memref<!tpu.dma_semaphore, #tpu.memory_space<semaphore_mem>>) {add = true}
      %mul3A_160 = arith.constant 2 : i32
      %mul3A_161 = arith.muli %mul3A_160, %scan3A_123 : i32
      %add3A_162 = arith.constant 1 : i32
      %add3A_163 = arith.addi %mul3A_161, %add3A_162 : i32
      %ge3A_164 = arith.constant 1 : i32
      %ge3A_165 = arith.cmpi sge, %add3A_163, %ge3A_164 : i32
      %convert_element_type3A_166 = arith.extui %ge3A_165 : i1 to i32
      %cond3A_167 = arith.constant 0 : i32
      %cond3A_168 = arith.cmpi ne, %convert_element_type3A_166, %cond3A_167 : i32
      scf.if %cond3A_168 {
        %sub3A = arith.constant 1 : i32
        %sub3A_198 = arith.subi %add3A_163, %sub3A : i32
        %dma_wait3A_199 = arith.constant 0 : i32
        %dma_wait3A_200 = arith.constant 0 : i32
        %dma_wait3A_201 = arith.constant 0 : i32
        %dma_wait3A_202 = tpu.memref_slice %arg8[%dma_wait3A_199, %dma_wait3A_200, %dma_wait3A_201] : memref<2x128x128xf32, #tpu.memory_space<vmem>> -> memref<1x128x128xf32, #tpu.memory_space<vmem>>
        %dma_wait3A_203 = tpu.memref_squeeze %dma_wait3A_202 : memref<1x128x128xf32, #tpu.memory_space<vmem>> -> memref<128x128xf32, #tpu.memory_space<vmem>>
        %dma_wait3A_204 = arith.constant 0 : i32
        %dma_wait3A_205 = tpu.memref_slice %arg7[%sub3A_198, %dma_wait3A_204] : memref<40x128xi32, #tpu.memory_space<vmem>> -> memref<1x128xi32, #tpu.memory_space<vmem>>
        %dma_wait3A_206 = tpu.memref_squeeze %dma_wait3A_205 : memref<1x128xi32, #tpu.memory_space<vmem>> -> memref<128xi32, #tpu.memory_space<vmem>>
        %dma_wait3A_207 = arith.constant 0 : i32
        %dma_wait3A_208 = arith.constant 0 : i32
        %dma_wait3A_209 = tpu.memref_slice %arg9[%dma_wait3A_207, %dma_wait3A_208] : memref<10240x128xf32, #tpu.memory_space<vmem_shared>> -> memref<10240x128xf32, #tpu.memory_space<vmem_shared>>
        tpu.wait_indirect_dma semaphore(%arg12 : memref<!tpu.dma_semaphore, #tpu.memory_space<semaphore_mem>>) src(%dma_wait3A_203 : memref<128x128xf32, #tpu.memory_space<vmem>>) dst(%dma_wait3A_209 : memref<10240x128xf32, #tpu.memory_space<vmem_shared>>)
      } else {
      }
      %add3A_169 = arith.constant 1 : i32
      %add3A_170 = arith.addi %add3A_163, %add3A_169 : i32
      %lt3A_171 = arith.constant 40 : i32
      %lt3A_172 = arith.cmpi slt, %add3A_170, %lt3A_171 : i32
      %convert_element_type3A_173 = arith.extui %lt3A_172 : i1 to i32
      %cond3A_174 = arith.constant 0 : i32
      %cond3A_175 = arith.cmpi ne, %convert_element_type3A_173, %cond3A_174 : i32
      scf.if %cond3A_175 {
        %add3A_198 = arith.constant 1 : i32
        %add3A_199 = arith.addi %add3A_163, %add3A_198 : i32
        %dma_start3A_200 = arith.constant 0 : i32
        %dma_start3A_201 = arith.constant 0 : i32
        %dma_start3A_202 = arith.constant 0 : i32
        %dma_start3A_203 = tpu.memref_slice %arg8[%dma_start3A_200, %dma_start3A_201, %dma_start3A_202] : memref<2x128x128xf32, #tpu.memory_space<vmem>> -> memref<1x128x128xf32, #tpu.memory_space<vmem>>
        %dma_start3A_204 = tpu.memref_squeeze %dma_start3A_203 : memref<1x128x128xf32, #tpu.memory_space<vmem>> -> memref<128x128xf32, #tpu.memory_space<vmem>>
        %dma_start3A_205 = arith.constant 0 : i32
        %dma_start3A_206 = tpu.memref_slice %arg6[%add3A_199, %dma_start3A_205] : memref<40x128xi32, #tpu.memory_space<vmem>> -> memref<1x128xi32, #tpu.memory_space<vmem>>
        %dma_start3A_207 = tpu.memref_squeeze %dma_start3A_206 : memref<1x128xi32, #tpu.memory_space<vmem>> -> memref<128xi32, #tpu.memory_space<vmem>>
        %dma_start3A_208 = arith.constant 0 : i32
        %dma_start3A_209 = arith.constant 0 : i32
        %dma_start3A_210 = tpu.memref_slice %arg2[%dma_start3A_208, %dma_start3A_209] : memref<10240x128xf32, #tpu.memory_space<hbm>> -> memref<10240x128xf32, #tpu.memory_space<hbm>>
        tpu.enqueue_indirect_dma source(%dma_start3A_210 : memref<10240x128xf32, #tpu.memory_space<hbm>>) target(%dma_start3A_204 : memref<128x128xf32, #tpu.memory_space<vmem>>) offsets(%dma_start3A_207 : memref<128xi32, #tpu.memory_space<vmem>>) semaphore(%arg10 : memref<!tpu.dma_semaphore, #tpu.memory_space<semaphore_mem>>)
      } else {
      }
      %dma_wait3A_176 = arith.constant 1 : i32
      %dma_wait3A_177 = arith.constant 0 : i32
      %dma_wait3A_178 = arith.constant 0 : i32
      %dma_wait3A_179 = tpu.memref_slice %arg8[%dma_wait3A_176, %dma_wait3A_177, %dma_wait3A_178] : memref<2x128x128xf32, #tpu.memory_space<vmem>> -> memref<1x128x128xf32, #tpu.memory_space<vmem>>
      %dma_wait3A_180 = tpu.memref_squeeze %dma_wait3A_179 : memref<1x128x128xf32, #tpu.memory_space<vmem>> -> memref<128x128xf32, #tpu.memory_space<vmem>>
      %dma_wait3A_181 = arith.constant 0 : i32
      %dma_wait3A_182 = tpu.memref_slice %arg6[%add3A_163, %dma_wait3A_181] : memref<40x128xi32, #tpu.memory_space<vmem>> -> memref<1x128xi32, #tpu.memory_space<vmem>>
      %dma_wait3A_183 = tpu.memref_squeeze %dma_wait3A_182 : memref<1x128xi32, #tpu.memory_space<vmem>> -> memref<128xi32, #tpu.memory_space<vmem>>
      %dma_wait3A_184 = arith.constant 0 : i32
      %dma_wait3A_185 = arith.constant 0 : i32
      %dma_wait3A_186 = tpu.memref_slice %arg2[%dma_wait3A_184, %dma_wait3A_185] : memref<10240x128xf32, #tpu.memory_space<hbm>> -> memref<10240x128xf32, #tpu.memory_space<hbm>>
      tpu.wait_indirect_dma semaphore(%arg11 : memref<!tpu.dma_semaphore, #tpu.memory_space<semaphore_mem>>) src(%dma_wait3A_186 : memref<10240x128xf32, #tpu.memory_space<hbm>>) dst(%dma_wait3A_180 : memref<128x128xf32, #tpu.memory_space<vmem>>)
      %dma_start3A_187 = arith.constant 1 : i32
      %dma_start3A_188 = arith.constant 0 : i32
      %dma_start3A_189 = arith.constant 0 : i32
      %dma_start3A_190 = tpu.memref_slice %arg8[%dma_start3A_187, %dma_start3A_188, %dma_start3A_189] : memref<2x128x128xf32, #tpu.memory_space<vmem>> -> memref<1x128x128xf32, #tpu.memory_space<vmem>>
      %dma_start3A_191 = tpu.memref_squeeze %dma_start3A_190 : memref<1x128x128xf32, #tpu.memory_space<vmem>> -> memref<128x128xf32, #tpu.memory_space<vmem>>
      %dma_start3A_192 = arith.constant 0 : i32
      %dma_start3A_193 = tpu.memref_slice %arg7[%add3A_163, %dma_start3A_192] : memref<40x128xi32, #tpu.memory_space<vmem>> -> memref<1x128xi32, #tpu.memory_space<vmem>>
      %dma_start3A_194 = tpu.memref_squeeze %dma_start3A_193 : memref<1x128xi32, #tpu.memory_space<vmem>> -> memref<128xi32, #tpu.memory_space<vmem>>
      %dma_start3A_195 = arith.constant 0 : i32
      %dma_start3A_196 = arith.constant 0 : i32
      %dma_start3A_197 = tpu.memref_slice %arg9[%dma_start3A_195, %dma_start3A_196] : memref<10240x128xf32, #tpu.memory_space<vmem_shared>> -> memref<10240x128xf32, #tpu.memory_space<vmem_shared>>
      tpu.enqueue_indirect_dma source(%dma_start3A_191 : memref<128x128xf32, #tpu.memory_space<vmem>>) target(%dma_start3A_197 : memref<10240x128xf32, #tpu.memory_space<vmem_shared>>) offsets(%dma_start3A_194 : memref<128xi32, #tpu.memory_space<vmem>>) semaphore(%arg13 : memref<!tpu.dma_semaphore, #tpu.memory_space<semaphore_mem>>) {add = true}
    }
    %scan3A_46 = arith.constant 20 : i32
    %dma_wait3A = arith.constant 1 : i32
    %dma_wait3A_47 = arith.constant 39 : i32
    %dma_wait3A_48 = arith.constant 0 : i32
    %dma_wait3A_49 = arith.constant 0 : i32
    %dma_wait3A_50 = tpu.memref_slice %arg8[%dma_wait3A, %dma_wait3A_48, %dma_wait3A_49] : memref<2x128x128xf32, #tpu.memory_space<vmem>> -> memref<1x128x128xf32, #tpu.memory_space<vmem>>
    %dma_wait3A_51 = tpu.memref_squeeze %dma_wait3A_50 : memref<1x128x128xf32, #tpu.memory_space<vmem>> -> memref<128x128xf32, #tpu.memory_space<vmem>>
    %dma_wait3A_52 = arith.constant 0 : i32
    %dma_wait3A_53 = tpu.memref_slice %arg7[%dma_wait3A_47, %dma_wait3A_52] : memref<40x128xi32, #tpu.memory_space<vmem>> -> memref<1x128xi32, #tpu.memory_space<vmem>>
    %dma_wait3A_54 = tpu.memref_squeeze %dma_wait3A_53 : memref<1x128xi32, #tpu.memory_space<vmem>> -> memref<128xi32, #tpu.memory_space<vmem>>
    %dma_wait3A_55 = arith.constant 0 : i32
    %dma_wait3A_56 = arith.constant 0 : i32
    %dma_wait3A_57 = tpu.memref_slice %arg9[%dma_wait3A_55, %dma_wait3A_56] : memref<10240x128xf32, #tpu.memory_space<vmem_shared>> -> memref<10240x128xf32, #tpu.memory_space<vmem_shared>>
    tpu.wait_indirect_dma semaphore(%arg13 : memref<!tpu.dma_semaphore, #tpu.memory_space<semaphore_mem>>) src(%dma_wait3A_51 : memref<128x128xf32, #tpu.memory_space<vmem>>) dst(%dma_wait3A_57 : memref<10240x128xf32, #tpu.memory_space<vmem_shared>>)
    %convert_element_type3A = arith.extui %eq3A_23 : i1 to i32
    %cond3A = arith.constant 0 : i32
    %cond3A_58 = arith.cmpi ne, %convert_element_type3A, %cond3A : i32
    scf.if %cond3A_58 {
      %add3A_123 = arith.constant 40 : i32
      %add3A_124 = arith.addi %select_n3A, %add3A_123 : i32
      "tpu.region"() ({
        %run_scoped3A_155 = tpu.sem_alloc : memref<!tpu.dma_semaphore, #tpu.memory_space<semaphore_mem>>
        %dma_start3A_156 = arith.constant 0 : i32
        %dma_start3A_157 = tpu.memref_slice %arg3[%add3A_124, %dma_start3A_156] : memref<2560x128xi32, #tpu.memory_space<hbm>> -> memref<40x128xi32, #tpu.memory_space<hbm>>
        %dma_start3A_158 = arith.constant 0 : i32
        %dma_start3A_159 = tpu.memref_slice %arg3[%add3A_124, %dma_start3A_158] : memref<2560x128xi32, #tpu.memory_space<hbm>> -> memref<40x128xi32, #tpu.memory_space<hbm>>
        tpu.enqueue_dma source(%dma_start3A_159 : memref<40x128xi32, #tpu.memory_space<hbm>>) target(%arg6 : memref<40x128xi32, #tpu.memory_space<vmem>>) target_semaphore(%run_scoped3A_155 : memref<!tpu.dma_semaphore, #tpu.memory_space<semaphore_mem>>)
        %dma_wait3A_160 = arith.constant 0 : i32
        %dma_wait3A_161 = tpu.memref_slice %arg3[%add3A_124, %dma_wait3A_160] : memref<2560x128xi32, #tpu.memory_space<hbm>> -> memref<40x128xi32, #tpu.memory_space<hbm>>
        %dma_wait3A_162 = arith.constant 0 : i32
        %dma_wait3A_163 = tpu.memref_slice %arg3[%add3A_124, %dma_wait3A_162] : memref<2560x128xi32, #tpu.memory_space<hbm>> -> memref<40x128xi32, #tpu.memory_space<hbm>>
        tpu.wait_dma2 semaphore(%run_scoped3A_155 : memref<!tpu.dma_semaphore, #tpu.memory_space<semaphore_mem>>) src(%dma_wait3A_163 : memref<40x128xi32, #tpu.memory_space<hbm>>) dst(%arg6 : memref<40x128xi32, #tpu.memory_space<vmem>>)
        tpu.yield
      }) : () -> ()
      "tpu.region"() ({
        %run_scoped3A_155 = tpu.sem_alloc : memref<!tpu.dma_semaphore, #tpu.memory_space<semaphore_mem>>
        %dma_start3A_156 = arith.constant 0 : i32
        %dma_start3A_157 = tpu.memref_slice %arg4[%add3A_124, %dma_start3A_156] : memref<2560x128xi32, #tpu.memory_space<hbm>> -> memref<40x128xi32, #tpu.memory_space<hbm>>
        %dma_start3A_158 = arith.constant 0 : i32
        %dma_start3A_159 = tpu.memref_slice %arg4[%add3A_124, %dma_start3A_158] : memref<2560x128xi32, #tpu.memory_space<hbm>> -> memref<40x128xi32, #tpu.memory_space<hbm>>
        tpu.enqueue_dma source(%dma_start3A_159 : memref<40x128xi32, #tpu.memory_space<hbm>>) target(%arg7 : memref<40x128xi32, #tpu.memory_space<vmem>>) target_semaphore(%run_scoped3A_155 : memref<!tpu.dma_semaphore, #tpu.memory_space<semaphore_mem>>)
        %dma_wait3A_160 = arith.constant 0 : i32
        %dma_wait3A_161 = tpu.memref_slice %arg4[%add3A_124, %dma_wait3A_160] : memref<2560x128xi32, #tpu.memory_space<hbm>> -> memref<40x128xi32, #tpu.memory_space<hbm>>
        %dma_wait3A_162 = arith.constant 0 : i32
        %dma_wait3A_163 = tpu.memref_slice %arg4[%add3A_124, %dma_wait3A_162] : memref<2560x128xi32, #tpu.memory_space<hbm>> -> memref<40x128xi32, #tpu.memory_space<hbm>>
        tpu.wait_dma2 semaphore(%run_scoped3A_155 : memref<!tpu.dma_semaphore, #tpu.memory_space<semaphore_mem>>) src(%dma_wait3A_163 : memref<40x128xi32, #tpu.memory_space<hbm>>) dst(%arg7 : memref<40x128xi32, #tpu.memory_space<vmem>>)
        tpu.yield
      }) : () -> ()
      %dma_start3A_125 = arith.constant 0 : i32
      %dma_start3A_126 = arith.constant 0 : i32
      %dma_start3A_127 = arith.constant 0 : i32
      %dma_start3A_128 = arith.constant 0 : i32
      %dma_start3A_129 = tpu.memref_slice %arg8[%dma_start3A_126, %dma_start3A_127, %dma_start3A_128] : memref<2x128x128xf32, #tpu.memory_space<vmem>> -> memref<1x128x128xf32, #tpu.memory_space<vmem>>
      %dma_start3A_130 = tpu.memref_squeeze %dma_start3A_129 : memref<1x128x128xf32, #tpu.memory_space<vmem>> -> memref<128x128xf32, #tpu.memory_space<vmem>>
      %dma_start3A_131 = arith.constant 0 : i32
      %dma_start3A_132 = tpu.memref_slice %arg6[%dma_start3A_125, %dma_start3A_131] : memref<40x128xi32, #tpu.memory_space<vmem>> -> memref<1x128xi32, #tpu.memory_space<vmem>>
      %dma_start3A_133 = tpu.memref_squeeze %dma_start3A_132 : memref<1x128xi32, #tpu.memory_space<vmem>> -> memref<128xi32, #tpu.memory_space<vmem>>
      %dma_start3A_134 = arith.constant 0 : i32
      %dma_start3A_135 = arith.constant 0 : i32
      %dma_start3A_136 = tpu.memref_slice %arg2[%dma_start3A_134, %dma_start3A_135] : memref<10240x128xf32, #tpu.memory_space<hbm>> -> memref<10240x128xf32, #tpu.memory_space<hbm>>
      tpu.enqueue_indirect_dma source(%dma_start3A_136 : memref<10240x128xf32, #tpu.memory_space<hbm>>) target(%dma_start3A_130 : memref<128x128xf32, #tpu.memory_space<vmem>>) offsets(%dma_start3A_133 : memref<128xi32, #tpu.memory_space<vmem>>) semaphore(%arg10 : memref<!tpu.dma_semaphore, #tpu.memory_space<semaphore_mem>>)
      %scan3A_137 = arith.constant 0 : i32
      %scan3A_138 = arith.constant 0 : i32
      %scan3A_139 = arith.constant 20 : i32
      %scan3A_140 = arith.addi %scan3A_138, %scan3A_139 : i32
      %scan3A_141 = arith.constant 1 : i32
      scf.for %scan3A_155 = %scan3A_138 to %scan3A_140 step %scan3A_141  : i32 {
        %mul3A_156 = arith.constant 2 : i32
        %mul3A_157 = arith.muli %mul3A_156, %scan3A_155 : i32
        %add3A_158 = arith.constant 0 : i32
        %add3A_159 = arith.addi %mul3A_157, %add3A_158 : i32
        %ge3A = arith.constant 1 : i32
        %ge3A_160 = arith.cmpi sge, %add3A_159, %ge3A : i32
        %convert_element_type3A_161 = arith.extui %ge3A_160 : i1 to i32
        %cond3A_162 = arith.constant 0 : i32
        %cond3A_163 = arith.cmpi ne, %convert_element_type3A_161, %cond3A_162 : i32
        scf.if %cond3A_163 {
          %sub3A = arith.constant 1 : i32
          %sub3A_230 = arith.subi %add3A_159, %sub3A : i32
          %dma_wait3A_231 = arith.constant 1 : i32
          %dma_wait3A_232 = arith.constant 0 : i32
          %dma_wait3A_233 = arith.constant 0 : i32
          %dma_wait3A_234 = tpu.memref_slice %arg8[%dma_wait3A_231, %dma_wait3A_232, %dma_wait3A_233] : memref<2x128x128xf32, #tpu.memory_space<vmem>> -> memref<1x128x128xf32, #tpu.memory_space<vmem>>
          %dma_wait3A_235 = tpu.memref_squeeze %dma_wait3A_234 : memref<1x128x128xf32, #tpu.memory_space<vmem>> -> memref<128x128xf32, #tpu.memory_space<vmem>>
          %dma_wait3A_236 = arith.constant 0 : i32
          %dma_wait3A_237 = tpu.memref_slice %arg7[%sub3A_230, %dma_wait3A_236] : memref<40x128xi32, #tpu.memory_space<vmem>> -> memref<1x128xi32, #tpu.memory_space<vmem>>
          %dma_wait3A_238 = tpu.memref_squeeze %dma_wait3A_237 : memref<1x128xi32, #tpu.memory_space<vmem>> -> memref<128xi32, #tpu.memory_space<vmem>>
          %dma_wait3A_239 = arith.constant 0 : i32
          %dma_wait3A_240 = arith.constant 0 : i32
          %dma_wait3A_241 = tpu.memref_slice %arg9[%dma_wait3A_239, %dma_wait3A_240] : memref<10240x128xf32, #tpu.memory_space<vmem_shared>> -> memref<10240x128xf32, #tpu.memory_space<vmem_shared>>
          tpu.wait_indirect_dma semaphore(%arg13 : memref<!tpu.dma_semaphore, #tpu.memory_space<semaphore_mem>>) src(%dma_wait3A_235 : memref<128x128xf32, #tpu.memory_space<vmem>>) dst(%dma_wait3A_241 : memref<10240x128xf32, #tpu.memory_space<vmem_shared>>)
        } else {
        }
        %add3A_164 = arith.constant 1 : i32
        %add3A_165 = arith.addi %add3A_159, %add3A_164 : i32
        %lt3A = arith.constant 40 : i32
        %lt3A_166 = arith.cmpi slt, %add3A_165, %lt3A : i32
        %convert_element_type3A_167 = arith.extui %lt3A_166 : i1 to i32
        %cond3A_168 = arith.constant 0 : i32
        %cond3A_169 = arith.cmpi ne, %convert_element_type3A_167, %cond3A_168 : i32
        scf.if %cond3A_169 {
          %add3A_230 = arith.constant 1 : i32
          %add3A_231 = arith.addi %add3A_159, %add3A_230 : i32
          %dma_start3A_232 = arith.constant 1 : i32
          %dma_start3A_233 = arith.constant 0 : i32
          %dma_start3A_234 = arith.constant 0 : i32
          %dma_start3A_235 = tpu.memref_slice %arg8[%dma_start3A_232, %dma_start3A_233, %dma_start3A_234] : memref<2x128x128xf32, #tpu.memory_space<vmem>> -> memref<1x128x128xf32, #tpu.memory_space<vmem>>
          %dma_start3A_236 = tpu.memref_squeeze %dma_start3A_235 : memref<1x128x128xf32, #tpu.memory_space<vmem>> -> memref<128x128xf32, #tpu.memory_space<vmem>>
          %dma_start3A_237 = arith.constant 0 : i32
          %dma_start3A_238 = tpu.memref_slice %arg6[%add3A_231, %dma_start3A_237] : memref<40x128xi32, #tpu.memory_space<vmem>> -> memref<1x128xi32, #tpu.memory_space<vmem>>
          %dma_start3A_239 = tpu.memref_squeeze %dma_start3A_238 : memref<1x128xi32, #tpu.memory_space<vmem>> -> memref<128xi32, #tpu.memory_space<vmem>>
          %dma_start3A_240 = arith.constant 0 : i32
          %dma_start3A_241 = arith.constant 0 : i32
          %dma_start3A_242 = tpu.memref_slice %arg2[%dma_start3A_240, %dma_start3A_241] : memref<10240x128xf32, #tpu.memory_space<hbm>> -> memref<10240x128xf32, #tpu.memory_space<hbm>>
          tpu.enqueue_indirect_dma source(%dma_start3A_242 : memref<10240x128xf32, #tpu.memory_space<hbm>>) target(%dma_start3A_236 : memref<128x128xf32, #tpu.memory_space<vmem>>) offsets(%dma_start3A_239 : memref<128xi32, #tpu.memory_space<vmem>>) semaphore(%arg11 : memref<!tpu.dma_semaphore, #tpu.memory_space<semaphore_mem>>)
        } else {
        }
        %dma_wait3A_170 = arith.constant 0 : i32
        %dma_wait3A_171 = arith.constant 0 : i32
        %dma_wait3A_172 = arith.constant 0 : i32
        %dma_wait3A_173 = tpu.memref_slice %arg8[%dma_wait3A_170, %dma_wait3A_171, %dma_wait3A_172] : memref<2x128x128xf32, #tpu.memory_space<vmem>> -> memref<1x128x128xf32, #tpu.memory_space<vmem>>
        %dma_wait3A_174 = tpu.memref_squeeze %dma_wait3A_173 : memref<1x128x128xf32, #tpu.memory_space<vmem>> -> memref<128x128xf32, #tpu.memory_space<vmem>>
        %dma_wait3A_175 = arith.constant 0 : i32
        %dma_wait3A_176 = tpu.memref_slice %arg6[%add3A_159, %dma_wait3A_175] : memref<40x128xi32, #tpu.memory_space<vmem>> -> memref<1x128xi32, #tpu.memory_space<vmem>>
        %dma_wait3A_177 = tpu.memref_squeeze %dma_wait3A_176 : memref<1x128xi32, #tpu.memory_space<vmem>> -> memref<128xi32, #tpu.memory_space<vmem>>
        %dma_wait3A_178 = arith.constant 0 : i32
        %dma_wait3A_179 = arith.constant 0 : i32
        %dma_wait3A_180 = tpu.memref_slice %arg2[%dma_wait3A_178, %dma_wait3A_179] : memref<10240x128xf32, #tpu.memory_space<hbm>> -> memref<10240x128xf32, #tpu.memory_space<hbm>>
        tpu.wait_indirect_dma semaphore(%arg10 : memref<!tpu.dma_semaphore, #tpu.memory_space<semaphore_mem>>) src(%dma_wait3A_180 : memref<10240x128xf32, #tpu.memory_space<hbm>>) dst(%dma_wait3A_174 : memref<128x128xf32, #tpu.memory_space<vmem>>)
        %dma_start3A_181 = arith.constant 0 : i32
        %dma_start3A_182 = arith.constant 0 : i32
        %dma_start3A_183 = arith.constant 0 : i32
        %dma_start3A_184 = tpu.memref_slice %arg8[%dma_start3A_181, %dma_start3A_182, %dma_start3A_183] : memref<2x128x128xf32, #tpu.memory_space<vmem>> -> memref<1x128x128xf32, #tpu.memory_space<vmem>>
        %dma_start3A_185 = tpu.memref_squeeze %dma_start3A_184 : memref<1x128x128xf32, #tpu.memory_space<vmem>> -> memref<128x128xf32, #tpu.memory_space<vmem>>
        %dma_start3A_186 = arith.constant 0 : i32
        %dma_start3A_187 = tpu.memref_slice %arg7[%add3A_159, %dma_start3A_186] : memref<40x128xi32, #tpu.memory_space<vmem>> -> memref<1x128xi32, #tpu.memory_space<vmem>>
        %dma_start3A_188 = tpu.memref_squeeze %dma_start3A_187 : memref<1x128xi32, #tpu.memory_space<vmem>> -> memref<128xi32, #tpu.memory_space<vmem>>
        %dma_start3A_189 = arith.constant 0 : i32
        %dma_start3A_190 = arith.constant 0 : i32
        %dma_start3A_191 = tpu.memref_slice %arg9[%dma_start3A_189, %dma_start3A_190] : memref<10240x128xf32, #tpu.memory_space<vmem_shared>> -> memref<10240x128xf32, #tpu.memory_space<vmem_shared>>
        tpu.enqueue_indirect_dma source(%dma_start3A_185 : memref<128x128xf32, #tpu.memory_space<vmem>>) target(%dma_start3A_191 : memref<10240x128xf32, #tpu.memory_space<vmem_shared>>) offsets(%dma_start3A_188 : memref<128xi32, #tpu.memory_space<vmem>>) semaphore(%arg12 : memref<!tpu.dma_semaphore, #tpu.memory_space<semaphore_mem>>) {add = true}
        %mul3A_192 = arith.constant 2 : i32
        %mul3A_193 = arith.muli %mul3A_192, %scan3A_155 : i32
        %add3A_194 = arith.constant 1 : i32
        %add3A_195 = arith.addi %mul3A_193, %add3A_194 : i32
        %ge3A_196 = arith.constant 1 : i32
        %ge3A_197 = arith.cmpi sge, %add3A_195, %ge3A_196 : i32
        %convert_element_type3A_198 = arith.extui %ge3A_197 : i1 to i32
        %cond3A_199 = arith.constant 0 : i32
        %cond3A_200 = arith.cmpi ne, %convert_element_type3A_198, %cond3A_199 : i32
        scf.if %cond3A_200 {
          %sub3A = arith.constant 1 : i32
          %sub3A_230 = arith.subi %add3A_195, %sub3A : i32
          %dma_wait3A_231 = arith.constant 0 : i32
          %dma_wait3A_232 = arith.constant 0 : i32
          %dma_wait3A_233 = arith.constant 0 : i32
          %dma_wait3A_234 = tpu.memref_slice %arg8[%dma_wait3A_231, %dma_wait3A_232, %dma_wait3A_233] : memref<2x128x128xf32, #tpu.memory_space<vmem>> -> memref<1x128x128xf32, #tpu.memory_space<vmem>>
          %dma_wait3A_235 = tpu.memref_squeeze %dma_wait3A_234 : memref<1x128x128xf32, #tpu.memory_space<vmem>> -> memref<128x128xf32, #tpu.memory_space<vmem>>
          %dma_wait3A_236 = arith.constant 0 : i32
          %dma_wait3A_237 = tpu.memref_slice %arg7[%sub3A_230, %dma_wait3A_236] : memref<40x128xi32, #tpu.memory_space<vmem>> -> memref<1x128xi32, #tpu.memory_space<vmem>>
          %dma_wait3A_238 = tpu.memref_squeeze %dma_wait3A_237 : memref<1x128xi32, #tpu.memory_space<vmem>> -> memref<128xi32, #tpu.memory_space<vmem>>
          %dma_wait3A_239 = arith.constant 0 : i32
          %dma_wait3A_240 = arith.constant 0 : i32
          %dma_wait3A_241 = tpu.memref_slice %arg9[%dma_wait3A_239, %dma_wait3A_240] : memref<10240x128xf32, #tpu.memory_space<vmem_shared>> -> memref<10240x128xf32, #tpu.memory_space<vmem_shared>>
          tpu.wait_indirect_dma semaphore(%arg12 : memref<!tpu.dma_semaphore, #tpu.memory_space<semaphore_mem>>) src(%dma_wait3A_235 : memref<128x128xf32, #tpu.memory_space<vmem>>) dst(%dma_wait3A_241 : memref<10240x128xf32, #tpu.memory_space<vmem_shared>>)
        } else {
        }
        %add3A_201 = arith.constant 1 : i32
        %add3A_202 = arith.addi %add3A_195, %add3A_201 : i32
        %lt3A_203 = arith.constant 40 : i32
        %lt3A_204 = arith.cmpi slt, %add3A_202, %lt3A_203 : i32
        %convert_element_type3A_205 = arith.extui %lt3A_204 : i1 to i32
        %cond3A_206 = arith.constant 0 : i32
        %cond3A_207 = arith.cmpi ne, %convert_element_type3A_205, %cond3A_206 : i32
        scf.if %cond3A_207 {
          %add3A_230 = arith.constant 1 : i32
          %add3A_231 = arith.addi %add3A_195, %add3A_230 : i32
          %dma_start3A_232 = arith.constant 0 : i32
          %dma_start3A_233 = arith.constant 0 : i32
          %dma_start3A_234 = arith.constant 0 : i32
          %dma_start3A_235 = tpu.memref_slice %arg8[%dma_start3A_232, %dma_start3A_233, %dma_start3A_234] : memref<2x128x128xf32, #tpu.memory_space<vmem>> -> memref<1x128x128xf32, #tpu.memory_space<vmem>>
          %dma_start3A_236 = tpu.memref_squeeze %dma_start3A_235 : memref<1x128x128xf32, #tpu.memory_space<vmem>> -> memref<128x128xf32, #tpu.memory_space<vmem>>
          %dma_start3A_237 = arith.constant 0 : i32
          %dma_start3A_238 = tpu.memref_slice %arg6[%add3A_231, %dma_start3A_237] : memref<40x128xi32, #tpu.memory_space<vmem>> -> memref<1x128xi32, #tpu.memory_space<vmem>>
          %dma_start3A_239 = tpu.memref_squeeze %dma_start3A_238 : memref<1x128xi32, #tpu.memory_space<vmem>> -> memref<128xi32, #tpu.memory_space<vmem>>
          %dma_start3A_240 = arith.constant 0 : i32
          %dma_start3A_241 = arith.constant 0 : i32
          %dma_start3A_242 = tpu.memref_slice %arg2[%dma_start3A_240, %dma_start3A_241] : memref<10240x128xf32, #tpu.memory_space<hbm>> -> memref<10240x128xf32, #tpu.memory_space<hbm>>
          tpu.enqueue_indirect_dma source(%dma_start3A_242 : memref<10240x128xf32, #tpu.memory_space<hbm>>) target(%dma_start3A_236 : memref<128x128xf32, #tpu.memory_space<vmem>>) offsets(%dma_start3A_239 : memref<128xi32, #tpu.memory_space<vmem>>) semaphore(%arg10 : memref<!tpu.dma_semaphore, #tpu.memory_space<semaphore_mem>>)
        } else {
        }
        %dma_wait3A_208 = arith.constant 1 : i32
        %dma_wait3A_209 = arith.constant 0 : i32
        %dma_wait3A_210 = arith.constant 0 : i32
        %dma_wait3A_211 = tpu.memref_slice %arg8[%dma_wait3A_208, %dma_wait3A_209, %dma_wait3A_210] : memref<2x128x128xf32, #tpu.memory_space<vmem>> -> memref<1x128x128xf32, #tpu.memory_space<vmem>>
        %dma_wait3A_212 = tpu.memref_squeeze %dma_wait3A_211 : memref<1x128x128xf32, #tpu.memory_space<vmem>> -> memref<128x128xf32, #tpu.memory_space<vmem>>
        %dma_wait3A_213 = arith.constant 0 : i32
        %dma_wait3A_214 = tpu.memref_slice %arg6[%add3A_195, %dma_wait3A_213] : memref<40x128xi32, #tpu.memory_space<vmem>> -> memref<1x128xi32, #tpu.memory_space<vmem>>
        %dma_wait3A_215 = tpu.memref_squeeze %dma_wait3A_214 : memref<1x128xi32, #tpu.memory_space<vmem>> -> memref<128xi32, #tpu.memory_space<vmem>>
        %dma_wait3A_216 = arith.constant 0 : i32
        %dma_wait3A_217 = arith.constant 0 : i32
        %dma_wait3A_218 = tpu.memref_slice %arg2[%dma_wait3A_216, %dma_wait3A_217] : memref<10240x128xf32, #tpu.memory_space<hbm>> -> memref<10240x128xf32, #tpu.memory_space<hbm>>
        tpu.wait_indirect_dma semaphore(%arg11 : memref<!tpu.dma_semaphore, #tpu.memory_space<semaphore_mem>>) src(%dma_wait3A_218 : memref<10240x128xf32, #tpu.memory_space<hbm>>) dst(%dma_wait3A_212 : memref<128x128xf32, #tpu.memory_space<vmem>>)
        %dma_start3A_219 = arith.constant 1 : i32
        %dma_start3A_220 = arith.constant 0 : i32
        %dma_start3A_221 = arith.constant 0 : i32
        %dma_start3A_222 = tpu.memref_slice %arg8[%dma_start3A_219, %dma_start3A_220, %dma_start3A_221] : memref<2x128x128xf32, #tpu.memory_space<vmem>> -> memref<1x128x128xf32, #tpu.memory_space<vmem>>
        %dma_start3A_223 = tpu.memref_squeeze %dma_start3A_222 : memref<1x128x128xf32, #tpu.memory_space<vmem>> -> memref<128x128xf32, #tpu.memory_space<vmem>>
        %dma_start3A_224 = arith.constant 0 : i32
        %dma_start3A_225 = tpu.memref_slice %arg7[%add3A_195, %dma_start3A_224] : memref<40x128xi32, #tpu.memory_space<vmem>> -> memref<1x128xi32, #tpu.memory_space<vmem>>
        %dma_start3A_226 = tpu.memref_squeeze %dma_start3A_225 : memref<1x128xi32, #tpu.memory_space<vmem>> -> memref<128xi32, #tpu.memory_space<vmem>>
        %dma_start3A_227 = arith.constant 0 : i32
        %dma_start3A_228 = arith.constant 0 : i32
        %dma_start3A_229 = tpu.memref_slice %arg9[%dma_start3A_227, %dma_start3A_228] : memref<10240x128xf32, #tpu.memory_space<vmem_shared>> -> memref<10240x128xf32, #tpu.memory_space<vmem_shared>>
        tpu.enqueue_indirect_dma source(%dma_start3A_223 : memref<128x128xf32, #tpu.memory_space<vmem>>) target(%dma_start3A_229 : memref<10240x128xf32, #tpu.memory_space<vmem_shared>>) offsets(%dma_start3A_226 : memref<128xi32, #tpu.memory_space<vmem>>) semaphore(%arg13 : memref<!tpu.dma_semaphore, #tpu.memory_space<semaphore_mem>>) {add = true}
      }
      %scan3A_142 = arith.constant 20 : i32
      %dma_wait3A_143 = arith.constant 1 : i32
      %dma_wait3A_144 = arith.constant 39 : i32
      %dma_wait3A_145 = arith.constant 0 : i32
      %dma_wait3A_146 = arith.constant 0 : i32
      %dma_wait3A_147 = tpu.memref_slice %arg8[%dma_wait3A_143, %dma_wait3A_145, %dma_wait3A_146] : memref<2x128x128xf32, #tpu.memory_space<vmem>> -> memref<1x128x128xf32, #tpu.memory_space<vmem>>
      %dma_wait3A_148 = tpu.memref_squeeze %dma_wait3A_147 : memref<1x128x128xf32, #tpu.memory_space<vmem>> -> memref<128x128xf32, #tpu.memory_space<vmem>>
      %dma_wait3A_149 = arith.constant 0 : i32
      %dma_wait3A_150 = tpu.memref_slice %arg7[%dma_wait3A_144, %dma_wait3A_149] : memref<40x128xi32, #tpu.memory_space<vmem>> -> memref<1x128xi32, #tpu.memory_space<vmem>>
      %dma_wait3A_151 = tpu.memref_squeeze %dma_wait3A_150 : memref<1x128xi32, #tpu.memory_space<vmem>> -> memref<128xi32, #tpu.memory_space<vmem>>
      %dma_wait3A_152 = arith.constant 0 : i32
      %dma_wait3A_153 = arith.constant 0 : i32
      %dma_wait3A_154 = tpu.memref_slice %arg9[%dma_wait3A_152, %dma_wait3A_153] : memref<10240x128xf32, #tpu.memory_space<vmem_shared>> -> memref<10240x128xf32, #tpu.memory_space<vmem_shared>>
      tpu.wait_indirect_dma semaphore(%arg13 : memref<!tpu.dma_semaphore, #tpu.memory_space<semaphore_mem>>) src(%dma_wait3A_148 : memref<128x128xf32, #tpu.memory_space<vmem>>) dst(%dma_wait3A_154 : memref<10240x128xf32, #tpu.memory_space<vmem_shared>>)
    } else {
    }
    %convert_element_type3A_59 = arith.extui %eq3A_23 : i1 to i32
    %cond3A_60 = arith.constant 0 : i32
    %cond3A_61 = arith.cmpi ne, %convert_element_type3A_59, %cond3A_60 : i32
    scf.if %cond3A_61 {
      %add3A_123 = arith.constant 80 : i32
      %add3A_124 = arith.addi %select_n3A, %add3A_123 : i32
      "tpu.region"() ({
        %run_scoped3A_155 = tpu.sem_alloc : memref<!tpu.dma_semaphore, #tpu.memory_space<semaphore_mem>>
        %dma_start3A_156 = arith.constant 0 : i32
        %dma_start3A_157 = tpu.memref_slice %arg3[%add3A_124, %dma_start3A_156] : memref<2560x128xi32, #tpu.memory_space<hbm>> -> memref<40x128xi32, #tpu.memory_space<hbm>>
        %dma_start3A_158 = arith.constant 0 : i32
        %dma_start3A_159 = tpu.memref_slice %arg3[%add3A_124, %dma_start3A_158] : memref<2560x128xi32, #tpu.memory_space<hbm>> -> memref<40x128xi32, #tpu.memory_space<hbm>>
        tpu.enqueue_dma source(%dma_start3A_159 : memref<40x128xi32, #tpu.memory_space<hbm>>) target(%arg6 : memref<40x128xi32, #tpu.memory_space<vmem>>) target_semaphore(%run_scoped3A_155 : memref<!tpu.dma_semaphore, #tpu.memory_space<semaphore_mem>>)
        %dma_wait3A_160 = arith.constant 0 : i32
        %dma_wait3A_161 = tpu.memref_slice %arg3[%add3A_124, %dma_wait3A_160] : memref<2560x128xi32, #tpu.memory_space<hbm>> -> memref<40x128xi32, #tpu.memory_space<hbm>>
        %dma_wait3A_162 = arith.constant 0 : i32
        %dma_wait3A_163 = tpu.memref_slice %arg3[%add3A_124, %dma_wait3A_162] : memref<2560x128xi32, #tpu.memory_space<hbm>> -> memref<40x128xi32, #tpu.memory_space<hbm>>
        tpu.wait_dma2 semaphore(%run_scoped3A_155 : memref<!tpu.dma_semaphore, #tpu.memory_space<semaphore_mem>>) src(%dma_wait3A_163 : memref<40x128xi32, #tpu.memory_space<hbm>>) dst(%arg6 : memref<40x128xi32, #tpu.memory_space<vmem>>)
        tpu.yield
      }) : () -> ()
      "tpu.region"() ({
        %run_scoped3A_155 = tpu.sem_alloc : memref<!tpu.dma_semaphore, #tpu.memory_space<semaphore_mem>>
        %dma_start3A_156 = arith.constant 0 : i32
        %dma_start3A_157 = tpu.memref_slice %arg4[%add3A_124, %dma_start3A_156] : memref<2560x128xi32, #tpu.memory_space<hbm>> -> memref<40x128xi32, #tpu.memory_space<hbm>>
        %dma_start3A_158 = arith.constant 0 : i32
        %dma_start3A_159 = tpu.memref_slice %arg4[%add3A_124, %dma_start3A_158] : memref<2560x128xi32, #tpu.memory_space<hbm>> -> memref<40x128xi32, #tpu.memory_space<hbm>>
        tpu.enqueue_dma source(%dma_start3A_159 : memref<40x128xi32, #tpu.memory_space<hbm>>) target(%arg7 : memref<40x128xi32, #tpu.memory_space<vmem>>) target_semaphore(%run_scoped3A_155 : memref<!tpu.dma_semaphore, #tpu.memory_space<semaphore_mem>>)
        %dma_wait3A_160 = arith.constant 0 : i32
        %dma_wait3A_161 = tpu.memref_slice %arg4[%add3A_124, %dma_wait3A_160] : memref<2560x128xi32, #tpu.memory_space<hbm>> -> memref<40x128xi32, #tpu.memory_space<hbm>>
        %dma_wait3A_162 = arith.constant 0 : i32
        %dma_wait3A_163 = tpu.memref_slice %arg4[%add3A_124, %dma_wait3A_162] : memref<2560x128xi32, #tpu.memory_space<hbm>> -> memref<40x128xi32, #tpu.memory_space<hbm>>
        tpu.wait_dma2 semaphore(%run_scoped3A_155 : memref<!tpu.dma_semaphore, #tpu.memory_space<semaphore_mem>>) src(%dma_wait3A_163 : memref<40x128xi32, #tpu.memory_space<hbm>>) dst(%arg7 : memref<40x128xi32, #tpu.memory_space<vmem>>)
        tpu.yield
      }) : () -> ()
      %dma_start3A_125 = arith.constant 0 : i32
      %dma_start3A_126 = arith.constant 0 : i32
      %dma_start3A_127 = arith.constant 0 : i32
      %dma_start3A_128 = arith.constant 0 : i32
      %dma_start3A_129 = tpu.memref_slice %arg8[%dma_start3A_126, %dma_start3A_127, %dma_start3A_128] : memref<2x128x128xf32, #tpu.memory_space<vmem>> -> memref<1x128x128xf32, #tpu.memory_space<vmem>>
      %dma_start3A_130 = tpu.memref_squeeze %dma_start3A_129 : memref<1x128x128xf32, #tpu.memory_space<vmem>> -> memref<128x128xf32, #tpu.memory_space<vmem>>
      %dma_start3A_131 = arith.constant 0 : i32
      %dma_start3A_132 = tpu.memref_slice %arg6[%dma_start3A_125, %dma_start3A_131] : memref<40x128xi32, #tpu.memory_space<vmem>> -> memref<1x128xi32, #tpu.memory_space<vmem>>
      %dma_start3A_133 = tpu.memref_squeeze %dma_start3A_132 : memref<1x128xi32, #tpu.memory_space<vmem>> -> memref<128xi32, #tpu.memory_space<vmem>>
      %dma_start3A_134 = arith.constant 0 : i32
      %dma_start3A_135 = arith.constant 0 : i32
      %dma_start3A_136 = tpu.memref_slice %arg2[%dma_start3A_134, %dma_start3A_135] : memref<10240x128xf32, #tpu.memory_space<hbm>> -> memref<10240x128xf32, #tpu.memory_space<hbm>>
      tpu.enqueue_indirect_dma source(%dma_start3A_136 : memref<10240x128xf32, #tpu.memory_space<hbm>>) target(%dma_start3A_130 : memref<128x128xf32, #tpu.memory_space<vmem>>) offsets(%dma_start3A_133 : memref<128xi32, #tpu.memory_space<vmem>>) semaphore(%arg10 : memref<!tpu.dma_semaphore, #tpu.memory_space<semaphore_mem>>)
      %scan3A_137 = arith.constant 0 : i32
      %scan3A_138 = arith.constant 0 : i32
      %scan3A_139 = arith.constant 20 : i32
      %scan3A_140 = arith.addi %scan3A_138, %scan3A_139 : i32
      %scan3A_141 = arith.constant 1 : i32
      scf.for %scan3A_155 = %scan3A_138 to %scan3A_140 step %scan3A_141  : i32 {
        %mul3A_156 = arith.constant 2 : i32
        %mul3A_157 = arith.muli %mul3A_156, %scan3A_155 : i32
        %add3A_158 = arith.constant 0 : i32
        %add3A_159 = arith.addi %mul3A_157, %add3A_158 : i32
        %ge3A = arith.constant 1 : i32
        %ge3A_160 = arith.cmpi sge, %add3A_159, %ge3A : i32
        %convert_element_type3A_161 = arith.extui %ge3A_160 : i1 to i32
        %cond3A_162 = arith.constant 0 : i32
        %cond3A_163 = arith.cmpi ne, %convert_element_type3A_161, %cond3A_162 : i32
        scf.if %cond3A_163 {
          %sub3A = arith.constant 1 : i32
          %sub3A_230 = arith.subi %add3A_159, %sub3A : i32
          %dma_wait3A_231 = arith.constant 1 : i32
          %dma_wait3A_232 = arith.constant 0 : i32
          %dma_wait3A_233 = arith.constant 0 : i32
          %dma_wait3A_234 = tpu.memref_slice %arg8[%dma_wait3A_231, %dma_wait3A_232, %dma_wait3A_233] : memref<2x128x128xf32, #tpu.memory_space<vmem>> -> memref<1x128x128xf32, #tpu.memory_space<vmem>>
          %dma_wait3A_235 = tpu.memref_squeeze %dma_wait3A_234 : memref<1x128x128xf32, #tpu.memory_space<vmem>> -> memref<128x128xf32, #tpu.memory_space<vmem>>
          %dma_wait3A_236 = arith.constant 0 : i32
          %dma_wait3A_237 = tpu.memref_slice %arg7[%sub3A_230, %dma_wait3A_236] : memref<40x128xi32, #tpu.memory_space<vmem>> -> memref<1x128xi32, #tpu.memory_space<vmem>>
          %dma_wait3A_238 = tpu.memref_squeeze %dma_wait3A_237 : memref<1x128xi32, #tpu.memory_space<vmem>> -> memref<128xi32, #tpu.memory_space<vmem>>
          %dma_wait3A_239 = arith.constant 0 : i32
          %dma_wait3A_240 = arith.constant 0 : i32
          %dma_wait3A_241 = tpu.memref_slice %arg9[%dma_wait3A_239, %dma_wait3A_240] : memref<10240x128xf32, #tpu.memory_space<vmem_shared>> -> memref<10240x128xf32, #tpu.memory_space<vmem_shared>>
          tpu.wait_indirect_dma semaphore(%arg13 : memref<!tpu.dma_semaphore, #tpu.memory_space<semaphore_mem>>) src(%dma_wait3A_235 : memref<128x128xf32, #tpu.memory_space<vmem>>) dst(%dma_wait3A_241 : memref<10240x128xf32, #tpu.memory_space<vmem_shared>>)
        } else {
        }
        %add3A_164 = arith.constant 1 : i32
        %add3A_165 = arith.addi %add3A_159, %add3A_164 : i32
        %lt3A = arith.constant 40 : i32
        %lt3A_166 = arith.cmpi slt, %add3A_165, %lt3A : i32
        %convert_element_type3A_167 = arith.extui %lt3A_166 : i1 to i32
        %cond3A_168 = arith.constant 0 : i32
        %cond3A_169 = arith.cmpi ne, %convert_element_type3A_167, %cond3A_168 : i32
        scf.if %cond3A_169 {
          %add3A_230 = arith.constant 1 : i32
          %add3A_231 = arith.addi %add3A_159, %add3A_230 : i32
          %dma_start3A_232 = arith.constant 1 : i32
          %dma_start3A_233 = arith.constant 0 : i32
          %dma_start3A_234 = arith.constant 0 : i32
          %dma_start3A_235 = tpu.memref_slice %arg8[%dma_start3A_232, %dma_start3A_233, %dma_start3A_234] : memref<2x128x128xf32, #tpu.memory_space<vmem>> -> memref<1x128x128xf32, #tpu.memory_space<vmem>>
          %dma_start3A_236 = tpu.memref_squeeze %dma_start3A_235 : memref<1x128x128xf32, #tpu.memory_space<vmem>> -> memref<128x128xf32, #tpu.memory_space<vmem>>
          %dma_start3A_237 = arith.constant 0 : i32
          %dma_start3A_238 = tpu.memref_slice %arg6[%add3A_231, %dma_start3A_237] : memref<40x128xi32, #tpu.memory_space<vmem>> -> memref<1x128xi32, #tpu.memory_space<vmem>>
          %dma_start3A_239 = tpu.memref_squeeze %dma_start3A_238 : memref<1x128xi32, #tpu.memory_space<vmem>> -> memref<128xi32, #tpu.memory_space<vmem>>
          %dma_start3A_240 = arith.constant 0 : i32
          %dma_start3A_241 = arith.constant 0 : i32
          %dma_start3A_242 = tpu.memref_slice %arg2[%dma_start3A_240, %dma_start3A_241] : memref<10240x128xf32, #tpu.memory_space<hbm>> -> memref<10240x128xf32, #tpu.memory_space<hbm>>
          tpu.enqueue_indirect_dma source(%dma_start3A_242 : memref<10240x128xf32, #tpu.memory_space<hbm>>) target(%dma_start3A_236 : memref<128x128xf32, #tpu.memory_space<vmem>>) offsets(%dma_start3A_239 : memref<128xi32, #tpu.memory_space<vmem>>) semaphore(%arg11 : memref<!tpu.dma_semaphore, #tpu.memory_space<semaphore_mem>>)
        } else {
        }
        %dma_wait3A_170 = arith.constant 0 : i32
        %dma_wait3A_171 = arith.constant 0 : i32
        %dma_wait3A_172 = arith.constant 0 : i32
        %dma_wait3A_173 = tpu.memref_slice %arg8[%dma_wait3A_170, %dma_wait3A_171, %dma_wait3A_172] : memref<2x128x128xf32, #tpu.memory_space<vmem>> -> memref<1x128x128xf32, #tpu.memory_space<vmem>>
        %dma_wait3A_174 = tpu.memref_squeeze %dma_wait3A_173 : memref<1x128x128xf32, #tpu.memory_space<vmem>> -> memref<128x128xf32, #tpu.memory_space<vmem>>
        %dma_wait3A_175 = arith.constant 0 : i32
        %dma_wait3A_176 = tpu.memref_slice %arg6[%add3A_159, %dma_wait3A_175] : memref<40x128xi32, #tpu.memory_space<vmem>> -> memref<1x128xi32, #tpu.memory_space<vmem>>
        %dma_wait3A_177 = tpu.memref_squeeze %dma_wait3A_176 : memref<1x128xi32, #tpu.memory_space<vmem>> -> memref<128xi32, #tpu.memory_space<vmem>>
        %dma_wait3A_178 = arith.constant 0 : i32
        %dma_wait3A_179 = arith.constant 0 : i32
        %dma_wait3A_180 = tpu.memref_slice %arg2[%dma_wait3A_178, %dma_wait3A_179] : memref<10240x128xf32, #tpu.memory_space<hbm>> -> memref<10240x128xf32, #tpu.memory_space<hbm>>
        tpu.wait_indirect_dma semaphore(%arg10 : memref<!tpu.dma_semaphore, #tpu.memory_space<semaphore_mem>>) src(%dma_wait3A_180 : memref<10240x128xf32, #tpu.memory_space<hbm>>) dst(%dma_wait3A_174 : memref<128x128xf32, #tpu.memory_space<vmem>>)
        %dma_start3A_181 = arith.constant 0 : i32
        %dma_start3A_182 = arith.constant 0 : i32
        %dma_start3A_183 = arith.constant 0 : i32
        %dma_start3A_184 = tpu.memref_slice %arg8[%dma_start3A_181, %dma_start3A_182, %dma_start3A_183] : memref<2x128x128xf32, #tpu.memory_space<vmem>> -> memref<1x128x128xf32, #tpu.memory_space<vmem>>
        %dma_start3A_185 = tpu.memref_squeeze %dma_start3A_184 : memref<1x128x128xf32, #tpu.memory_space<vmem>> -> memref<128x128xf32, #tpu.memory_space<vmem>>
        %dma_start3A_186 = arith.constant 0 : i32
        %dma_start3A_187 = tpu.memref_slice %arg7[%add3A_159, %dma_start3A_186] : memref<40x128xi32, #tpu.memory_space<vmem>> -> memref<1x128xi32, #tpu.memory_space<vmem>>
        %dma_start3A_188 = tpu.memref_squeeze %dma_start3A_187 : memref<1x128xi32, #tpu.memory_space<vmem>> -> memref<128xi32, #tpu.memory_space<vmem>>
        %dma_start3A_189 = arith.constant 0 : i32
        %dma_start3A_190 = arith.constant 0 : i32
        %dma_start3A_191 = tpu.memref_slice %arg9[%dma_start3A_189, %dma_start3A_190] : memref<10240x128xf32, #tpu.memory_space<vmem_shared>> -> memref<10240x128xf32, #tpu.memory_space<vmem_shared>>
        tpu.enqueue_indirect_dma source(%dma_start3A_185 : memref<128x128xf32, #tpu.memory_space<vmem>>) target(%dma_start3A_191 : memref<10240x128xf32, #tpu.memory_space<vmem_shared>>) offsets(%dma_start3A_188 : memref<128xi32, #tpu.memory_space<vmem>>) semaphore(%arg12 : memref<!tpu.dma_semaphore, #tpu.memory_space<semaphore_mem>>) {add = true}
        %mul3A_192 = arith.constant 2 : i32
        %mul3A_193 = arith.muli %mul3A_192, %scan3A_155 : i32
        %add3A_194 = arith.constant 1 : i32
        %add3A_195 = arith.addi %mul3A_193, %add3A_194 : i32
        %ge3A_196 = arith.constant 1 : i32
        %ge3A_197 = arith.cmpi sge, %add3A_195, %ge3A_196 : i32
        %convert_element_type3A_198 = arith.extui %ge3A_197 : i1 to i32
        %cond3A_199 = arith.constant 0 : i32
        %cond3A_200 = arith.cmpi ne, %convert_element_type3A_198, %cond3A_199 : i32
        scf.if %cond3A_200 {
          %sub3A = arith.constant 1 : i32
          %sub3A_230 = arith.subi %add3A_195, %sub3A : i32
          %dma_wait3A_231 = arith.constant 0 : i32
          %dma_wait3A_232 = arith.constant 0 : i32
          %dma_wait3A_233 = arith.constant 0 : i32
          %dma_wait3A_234 = tpu.memref_slice %arg8[%dma_wait3A_231, %dma_wait3A_232, %dma_wait3A_233] : memref<2x128x128xf32, #tpu.memory_space<vmem>> -> memref<1x128x128xf32, #tpu.memory_space<vmem>>
          %dma_wait3A_235 = tpu.memref_squeeze %dma_wait3A_234 : memref<1x128x128xf32, #tpu.memory_space<vmem>> -> memref<128x128xf32, #tpu.memory_space<vmem>>
          %dma_wait3A_236 = arith.constant 0 : i32
          %dma_wait3A_237 = tpu.memref_slice %arg7[%sub3A_230, %dma_wait3A_236] : memref<40x128xi32, #tpu.memory_space<vmem>> -> memref<1x128xi32, #tpu.memory_space<vmem>>
          %dma_wait3A_238 = tpu.memref_squeeze %dma_wait3A_237 : memref<1x128xi32, #tpu.memory_space<vmem>> -> memref<128xi32, #tpu.memory_space<vmem>>
          %dma_wait3A_239 = arith.constant 0 : i32
          %dma_wait3A_240 = arith.constant 0 : i32
          %dma_wait3A_241 = tpu.memref_slice %arg9[%dma_wait3A_239, %dma_wait3A_240] : memref<10240x128xf32, #tpu.memory_space<vmem_shared>> -> memref<10240x128xf32, #tpu.memory_space<vmem_shared>>
          tpu.wait_indirect_dma semaphore(%arg12 : memref<!tpu.dma_semaphore, #tpu.memory_space<semaphore_mem>>) src(%dma_wait3A_235 : memref<128x128xf32, #tpu.memory_space<vmem>>) dst(%dma_wait3A_241 : memref<10240x128xf32, #tpu.memory_space<vmem_shared>>)
        } else {
        }
        %add3A_201 = arith.constant 1 : i32
        %add3A_202 = arith.addi %add3A_195, %add3A_201 : i32
        %lt3A_203 = arith.constant 40 : i32
        %lt3A_204 = arith.cmpi slt, %add3A_202, %lt3A_203 : i32
        %convert_element_type3A_205 = arith.extui %lt3A_204 : i1 to i32
        %cond3A_206 = arith.constant 0 : i32
        %cond3A_207 = arith.cmpi ne, %convert_element_type3A_205, %cond3A_206 : i32
        scf.if %cond3A_207 {
          %add3A_230 = arith.constant 1 : i32
          %add3A_231 = arith.addi %add3A_195, %add3A_230 : i32
          %dma_start3A_232 = arith.constant 0 : i32
          %dma_start3A_233 = arith.constant 0 : i32
          %dma_start3A_234 = arith.constant 0 : i32
          %dma_start3A_235 = tpu.memref_slice %arg8[%dma_start3A_232, %dma_start3A_233, %dma_start3A_234] : memref<2x128x128xf32, #tpu.memory_space<vmem>> -> memref<1x128x128xf32, #tpu.memory_space<vmem>>
          %dma_start3A_236 = tpu.memref_squeeze %dma_start3A_235 : memref<1x128x128xf32, #tpu.memory_space<vmem>> -> memref<128x128xf32, #tpu.memory_space<vmem>>
          %dma_start3A_237 = arith.constant 0 : i32
          %dma_start3A_238 = tpu.memref_slice %arg6[%add3A_231, %dma_start3A_237] : memref<40x128xi32, #tpu.memory_space<vmem>> -> memref<1x128xi32, #tpu.memory_space<vmem>>
          %dma_start3A_239 = tpu.memref_squeeze %dma_start3A_238 : memref<1x128xi32, #tpu.memory_space<vmem>> -> memref<128xi32, #tpu.memory_space<vmem>>
          %dma_start3A_240 = arith.constant 0 : i32
          %dma_start3A_241 = arith.constant 0 : i32
          %dma_start3A_242 = tpu.memref_slice %arg2[%dma_start3A_240, %dma_start3A_241] : memref<10240x128xf32, #tpu.memory_space<hbm>> -> memref<10240x128xf32, #tpu.memory_space<hbm>>
          tpu.enqueue_indirect_dma source(%dma_start3A_242 : memref<10240x128xf32, #tpu.memory_space<hbm>>) target(%dma_start3A_236 : memref<128x128xf32, #tpu.memory_space<vmem>>) offsets(%dma_start3A_239 : memref<128xi32, #tpu.memory_space<vmem>>) semaphore(%arg10 : memref<!tpu.dma_semaphore, #tpu.memory_space<semaphore_mem>>)
        } else {
        }
        %dma_wait3A_208 = arith.constant 1 : i32
        %dma_wait3A_209 = arith.constant 0 : i32
        %dma_wait3A_210 = arith.constant 0 : i32
        %dma_wait3A_211 = tpu.memref_slice %arg8[%dma_wait3A_208, %dma_wait3A_209, %dma_wait3A_210] : memref<2x128x128xf32, #tpu.memory_space<vmem>> -> memref<1x128x128xf32, #tpu.memory_space<vmem>>
        %dma_wait3A_212 = tpu.memref_squeeze %dma_wait3A_211 : memref<1x128x128xf32, #tpu.memory_space<vmem>> -> memref<128x128xf32, #tpu.memory_space<vmem>>
        %dma_wait3A_213 = arith.constant 0 : i32
        %dma_wait3A_214 = tpu.memref_slice %arg6[%add3A_195, %dma_wait3A_213] : memref<40x128xi32, #tpu.memory_space<vmem>> -> memref<1x128xi32, #tpu.memory_space<vmem>>
        %dma_wait3A_215 = tpu.memref_squeeze %dma_wait3A_214 : memref<1x128xi32, #tpu.memory_space<vmem>> -> memref<128xi32, #tpu.memory_space<vmem>>
        %dma_wait3A_216 = arith.constant 0 : i32
        %dma_wait3A_217 = arith.constant 0 : i32
        %dma_wait3A_218 = tpu.memref_slice %arg2[%dma_wait3A_216, %dma_wait3A_217] : memref<10240x128xf32, #tpu.memory_space<hbm>> -> memref<10240x128xf32, #tpu.memory_space<hbm>>
        tpu.wait_indirect_dma semaphore(%arg11 : memref<!tpu.dma_semaphore, #tpu.memory_space<semaphore_mem>>) src(%dma_wait3A_218 : memref<10240x128xf32, #tpu.memory_space<hbm>>) dst(%dma_wait3A_212 : memref<128x128xf32, #tpu.memory_space<vmem>>)
        %dma_start3A_219 = arith.constant 1 : i32
        %dma_start3A_220 = arith.constant 0 : i32
        %dma_start3A_221 = arith.constant 0 : i32
        %dma_start3A_222 = tpu.memref_slice %arg8[%dma_start3A_219, %dma_start3A_220, %dma_start3A_221] : memref<2x128x128xf32, #tpu.memory_space<vmem>> -> memref<1x128x128xf32, #tpu.memory_space<vmem>>
        %dma_start3A_223 = tpu.memref_squeeze %dma_start3A_222 : memref<1x128x128xf32, #tpu.memory_space<vmem>> -> memref<128x128xf32, #tpu.memory_space<vmem>>
        %dma_start3A_224 = arith.constant 0 : i32
        %dma_start3A_225 = tpu.memref_slice %arg7[%add3A_195, %dma_start3A_224] : memref<40x128xi32, #tpu.memory_space<vmem>> -> memref<1x128xi32, #tpu.memory_space<vmem>>
        %dma_start3A_226 = tpu.memref_squeeze %dma_start3A_225 : memref<1x128xi32, #tpu.memory_space<vmem>> -> memref<128xi32, #tpu.memory_space<vmem>>
        %dma_start3A_227 = arith.constant 0 : i32
        %dma_start3A_228 = arith.constant 0 : i32
        %dma_start3A_229 = tpu.memref_slice %arg9[%dma_start3A_227, %dma_start3A_228] : memref<10240x128xf32, #tpu.memory_space<vmem_shared>> -> memref<10240x128xf32, #tpu.memory_space<vmem_shared>>
        tpu.enqueue_indirect_dma source(%dma_start3A_223 : memref<128x128xf32, #tpu.memory_space<vmem>>) target(%dma_start3A_229 : memref<10240x128xf32, #tpu.memory_space<vmem_shared>>) offsets(%dma_start3A_226 : memref<128xi32, #tpu.memory_space<vmem>>) semaphore(%arg13 : memref<!tpu.dma_semaphore, #tpu.memory_space<semaphore_mem>>) {add = true}
      }
      %scan3A_142 = arith.constant 20 : i32
      %dma_wait3A_143 = arith.constant 1 : i32
      %dma_wait3A_144 = arith.constant 39 : i32
      %dma_wait3A_145 = arith.constant 0 : i32
      %dma_wait3A_146 = arith.constant 0 : i32
      %dma_wait3A_147 = tpu.memref_slice %arg8[%dma_wait3A_143, %dma_wait3A_145, %dma_wait3A_146] : memref<2x128x128xf32, #tpu.memory_space<vmem>> -> memref<1x128x128xf32, #tpu.memory_space<vmem>>
      %dma_wait3A_148 = tpu.memref_squeeze %dma_wait3A_147 : memref<1x128x128xf32, #tpu.memory_space<vmem>> -> memref<128x128xf32, #tpu.memory_space<vmem>>
      %dma_wait3A_149 = arith.constant 0 : i32
      %dma_wait3A_150 = tpu.memref_slice %arg7[%dma_wait3A_144, %dma_wait3A_149] : memref<40x128xi32, #tpu.memory_space<vmem>> -> memref<1x128xi32, #tpu.memory_space<vmem>>
      %dma_wait3A_151 = tpu.memref_squeeze %dma_wait3A_150 : memref<1x128xi32, #tpu.memory_space<vmem>> -> memref<128xi32, #tpu.memory_space<vmem>>
      %dma_wait3A_152 = arith.constant 0 : i32
      %dma_wait3A_153 = arith.constant 0 : i32
      %dma_wait3A_154 = tpu.memref_slice %arg9[%dma_wait3A_152, %dma_wait3A_153] : memref<10240x128xf32, #tpu.memory_space<vmem_shared>> -> memref<10240x128xf32, #tpu.memory_space<vmem_shared>>
      tpu.wait_indirect_dma semaphore(%arg13 : memref<!tpu.dma_semaphore, #tpu.memory_space<semaphore_mem>>) src(%dma_wait3A_148 : memref<128x128xf32, #tpu.memory_space<vmem>>) dst(%dma_wait3A_154 : memref<10240x128xf32, #tpu.memory_space<vmem_shared>>)
    } else {
    }
    %barrier3A_62 = arith.constant 0 : index
    tpu.barrier barrier_id(%barrier3A_62)
    %add3A_63 = arith.constant 0 : i32
    %add3A_64 = arith.addi %mul3A_8, %add3A_63 : i32
    %dma_start3A_65 = arith.constant 0 : i32
    %dma_start3A_66 = tpu.memref_slice %arg5[%arg0, %add3A_64, %dma_start3A_65] : memref<2x10240x128xf32, #tpu.memory_space<hbm>> -> memref<1x128x128xf32, #tpu.memory_space<hbm>>
    %dma_start3A_67 = tpu.memref_squeeze %dma_start3A_66 : memref<1x128x128xf32, #tpu.memory_space<hbm>> -> memref<128x128xf32, #tpu.memory_space<hbm>>
    %dma_start3A_68 = arith.constant 0 : i32
    %dma_start3A_69 = tpu.memref_slice %arg9[%add3A_64, %dma_start3A_68] : memref<10240x128xf32, #tpu.memory_space<vmem_shared>> -> memref<128x128xf32, #tpu.memory_space<vmem_shared>>
    tpu.enqueue_dma source(%dma_start3A_69 : memref<128x128xf32, #tpu.memory_space<vmem_shared>>) target(%dma_start3A_67 : memref<128x128xf32, #tpu.memory_space<hbm>>) target_semaphore(%arg10 : memref<!tpu.dma_semaphore, #tpu.memory_space<semaphore_mem>>)
    %add3A_70 = arith.constant 128 : i32
    %add3A_71 = arith.addi %mul3A_8, %add3A_70 : i32
    %dma_start3A_72 = arith.constant 0 : i32
    %dma_start3A_73 = tpu.memref_slice %arg5[%arg0, %add3A_71, %dma_start3A_72] : memref<2x10240x128xf32, #tpu.memory_space<hbm>> -> memref<1x128x128xf32, #tpu.memory_space<hbm>>
    %dma_start3A_74 = tpu.memref_squeeze %dma_start3A_73 : memref<1x128x128xf32, #tpu.memory_space<hbm>> -> memref<128x128xf32, #tpu.memory_space<hbm>>
    %dma_start3A_75 = arith.constant 0 : i32
    %dma_start3A_76 = tpu.memref_slice %arg9[%add3A_71, %dma_start3A_75] : memref<10240x128xf32, #tpu.memory_space<vmem_shared>> -> memref<128x128xf32, #tpu.memory_space<vmem_shared>>
    tpu.enqueue_dma source(%dma_start3A_76 : memref<128x128xf32, #tpu.memory_space<vmem_shared>>) target(%dma_start3A_74 : memref<128x128xf32, #tpu.memory_space<hbm>>) target_semaphore(%arg10 : memref<!tpu.dma_semaphore, #tpu.memory_space<semaphore_mem>>)
    %add3A_77 = arith.constant 256 : i32
    %add3A_78 = arith.addi %mul3A_8, %add3A_77 : i32
    %dma_start3A_79 = arith.constant 0 : i32
    %dma_start3A_80 = tpu.memref_slice %arg5[%arg0, %add3A_78, %dma_start3A_79] : memref<2x10240x128xf32, #tpu.memory_space<hbm>> -> memref<1x128x128xf32, #tpu.memory_space<hbm>>
    %dma_start3A_81 = tpu.memref_squeeze %dma_start3A_80 : memref<1x128x128xf32, #tpu.memory_space<hbm>> -> memref<128x128xf32, #tpu.memory_space<hbm>>
    %dma_start3A_82 = arith.constant 0 : i32
    %dma_start3A_83 = tpu.memref_slice %arg9[%add3A_78, %dma_start3A_82] : memref<10240x128xf32, #tpu.memory_space<vmem_shared>> -> memref<128x128xf32, #tpu.memory_space<vmem_shared>>
    tpu.enqueue_dma source(%dma_start3A_83 : memref<128x128xf32, #tpu.memory_space<vmem_shared>>) target(%dma_start3A_81 : memref<128x128xf32, #tpu.memory_space<hbm>>) target_semaphore(%arg10 : memref<!tpu.dma_semaphore, #tpu.memory_space<semaphore_mem>>)
    %add3A_84 = arith.constant 384 : i32
    %add3A_85 = arith.addi %mul3A_8, %add3A_84 : i32
    %dma_start3A_86 = arith.constant 0 : i32
    %dma_start3A_87 = tpu.memref_slice %arg5[%arg0, %add3A_85, %dma_start3A_86] : memref<2x10240x128xf32, #tpu.memory_space<hbm>> -> memref<1x128x128xf32, #tpu.memory_space<hbm>>
    %dma_start3A_88 = tpu.memref_squeeze %dma_start3A_87 : memref<1x128x128xf32, #tpu.memory_space<hbm>> -> memref<128x128xf32, #tpu.memory_space<hbm>>
    %dma_start3A_89 = arith.constant 0 : i32
    %dma_start3A_90 = tpu.memref_slice %arg9[%add3A_85, %dma_start3A_89] : memref<10240x128xf32, #tpu.memory_space<vmem_shared>> -> memref<128x128xf32, #tpu.memory_space<vmem_shared>>
    tpu.enqueue_dma source(%dma_start3A_90 : memref<128x128xf32, #tpu.memory_space<vmem_shared>>) target(%dma_start3A_88 : memref<128x128xf32, #tpu.memory_space<hbm>>) target_semaphore(%arg10 : memref<!tpu.dma_semaphore, #tpu.memory_space<semaphore_mem>>)
    %add3A_91 = arith.constant 512 : i32
    %add3A_92 = arith.addi %mul3A_8, %add3A_91 : i32
    %dma_start3A_93 = arith.constant 0 : i32
    %dma_start3A_94 = tpu.memref_slice %arg5[%arg0, %add3A_92, %dma_start3A_93] : memref<2x10240x128xf32, #tpu.memory_space<hbm>> -> memref<1x128x128xf32, #tpu.memory_space<hbm>>
    %dma_start3A_95 = tpu.memref_squeeze %dma_start3A_94 : memref<1x128x128xf32, #tpu.memory_space<hbm>> -> memref<128x128xf32, #tpu.memory_space<hbm>>
    %dma_start3A_96 = arith.constant 0 : i32
    %dma_start3A_97 = tpu.memref_slice %arg9[%add3A_92, %dma_start3A_96] : memref<10240x128xf32, #tpu.memory_space<vmem_shared>> -> memref<128x128xf32, #tpu.memory_space<vmem_shared>>
    tpu.enqueue_dma source(%dma_start3A_97 : memref<128x128xf32, #tpu.memory_space<vmem_shared>>) target(%dma_start3A_95 : memref<128x128xf32, #tpu.memory_space<hbm>>) target_semaphore(%arg10 : memref<!tpu.dma_semaphore, #tpu.memory_space<semaphore_mem>>)
    %dma_wait3A_98 = arith.constant 0 : i32
    %dma_wait3A_99 = tpu.memref_slice %arg5[%arg0, %add3A_64, %dma_wait3A_98] : memref<2x10240x128xf32, #tpu.memory_space<hbm>> -> memref<1x128x128xf32, #tpu.memory_space<hbm>>
    %dma_wait3A_100 = tpu.memref_squeeze %dma_wait3A_99 : memref<1x128x128xf32, #tpu.memory_space<hbm>> -> memref<128x128xf32, #tpu.memory_space<hbm>>
    %dma_wait3A_101 = arith.constant 0 : i32
    %dma_wait3A_102 = tpu.memref_slice %arg9[%add3A_64, %dma_wait3A_101] : memref<10240x128xf32, #tpu.memory_space<vmem_shared>> -> memref<128x128xf32, #tpu.memory_space<vmem_shared>>
    tpu.wait_dma2 semaphore(%arg10 : memref<!tpu.dma_semaphore, #tpu.memory_space<semaphore_mem>>) src(%dma_wait3A_102 : memref<128x128xf32, #tpu.memory_space<vmem_shared>>) dst(%dma_wait3A_100 : memref<128x128xf32, #tpu.memory_space<hbm>>)
    %dma_wait3A_103 = arith.constant 0 : i32
    %dma_wait3A_104 = tpu.memref_slice %arg5[%arg0, %add3A_71, %dma_wait3A_103] : memref<2x10240x128xf32, #tpu.memory_space<hbm>> -> memref<1x128x128xf32, #tpu.memory_space<hbm>>
    %dma_wait3A_105 = tpu.memref_squeeze %dma_wait3A_104 : memref<1x128x128xf32, #tpu.memory_space<hbm>> -> memref<128x128xf32, #tpu.memory_space<hbm>>
    %dma_wait3A_106 = arith.constant 0 : i32
    %dma_wait3A_107 = tpu.memref_slice %arg9[%add3A_71, %dma_wait3A_106] : memref<10240x128xf32, #tpu.memory_space<vmem_shared>> -> memref<128x128xf32, #tpu.memory_space<vmem_shared>>
    tpu.wait_dma2 semaphore(%arg10 : memref<!tpu.dma_semaphore, #tpu.memory_space<semaphore_mem>>) src(%dma_wait3A_107 : memref<128x128xf32, #tpu.memory_space<vmem_shared>>) dst(%dma_wait3A_105 : memref<128x128xf32, #tpu.memory_space<hbm>>)
    %dma_wait3A_108 = arith.constant 0 : i32
    %dma_wait3A_109 = tpu.memref_slice %arg5[%arg0, %add3A_78, %dma_wait3A_108] : memref<2x10240x128xf32, #tpu.memory_space<hbm>> -> memref<1x128x128xf32, #tpu.memory_space<hbm>>
    %dma_wait3A_110 = tpu.memref_squeeze %dma_wait3A_109 : memref<1x128x128xf32, #tpu.memory_space<hbm>> -> memref<128x128xf32, #tpu.memory_space<hbm>>
    %dma_wait3A_111 = arith.constant 0 : i32
    %dma_wait3A_112 = tpu.memref_slice %arg9[%add3A_78, %dma_wait3A_111] : memref<10240x128xf32, #tpu.memory_space<vmem_shared>> -> memref<128x128xf32, #tpu.memory_space<vmem_shared>>
    tpu.wait_dma2 semaphore(%arg10 : memref<!tpu.dma_semaphore, #tpu.memory_space<semaphore_mem>>) src(%dma_wait3A_112 : memref<128x128xf32, #tpu.memory_space<vmem_shared>>) dst(%dma_wait3A_110 : memref<128x128xf32, #tpu.memory_space<hbm>>)
    %dma_wait3A_113 = arith.constant 0 : i32
    %dma_wait3A_114 = tpu.memref_slice %arg5[%arg0, %add3A_85, %dma_wait3A_113] : memref<2x10240x128xf32, #tpu.memory_space<hbm>> -> memref<1x128x128xf32, #tpu.memory_space<hbm>>
    %dma_wait3A_115 = tpu.memref_squeeze %dma_wait3A_114 : memref<1x128x128xf32, #tpu.memory_space<hbm>> -> memref<128x128xf32, #tpu.memory_space<hbm>>
    %dma_wait3A_116 = arith.constant 0 : i32
    %dma_wait3A_117 = tpu.memref_slice %arg9[%add3A_85, %dma_wait3A_116] : memref<10240x128xf32, #tpu.memory_space<vmem_shared>> -> memref<128x128xf32, #tpu.memory_space<vmem_shared>>
    tpu.wait_dma2 semaphore(%arg10 : memref<!tpu.dma_semaphore, #tpu.memory_space<semaphore_mem>>) src(%dma_wait3A_117 : memref<128x128xf32, #tpu.memory_space<vmem_shared>>) dst(%dma_wait3A_115 : memref<128x128xf32, #tpu.memory_space<hbm>>)
    %dma_wait3A_118 = arith.constant 0 : i32
    %dma_wait3A_119 = tpu.memref_slice %arg5[%arg0, %add3A_92, %dma_wait3A_118] : memref<2x10240x128xf32, #tpu.memory_space<hbm>> -> memref<1x128x128xf32, #tpu.memory_space<hbm>>
    %dma_wait3A_120 = tpu.memref_squeeze %dma_wait3A_119 : memref<1x128x128xf32, #tpu.memory_space<hbm>> -> memref<128x128xf32, #tpu.memory_space<hbm>>
    %dma_wait3A_121 = arith.constant 0 : i32
    %dma_wait3A_122 = tpu.memref_slice %arg9[%add3A_92, %dma_wait3A_121] : memref<10240x128xf32, #tpu.memory_space<vmem_shared>> -> memref<128x128xf32, #tpu.memory_space<vmem_shared>>
    tpu.wait_dma2 semaphore(%arg10 : memref<!tpu.dma_semaphore, #tpu.memory_space<semaphore_mem>>) src(%dma_wait3A_122 : memref<128x128xf32, #tpu.memory_space<vmem_shared>>) dst(%dma_wait3A_120 : memref<128x128xf32, #tpu.memory_space<hbm>>)
    return
  }
}

#map = affine_map<(d0, d1) -> (0, 0)>
#map1 = affine_map<(d0, d1) -> (0, 0, 0)>
module attributes {stable_mosaic.version = 14 : i64} {
  func.func @_scatter_kernel(%arg0: i32, %arg1: i32, %arg2: memref<10240x128xf32, #tpu.memory_space<hbm>>, %arg3: memref<2560x128xi32, #tpu.memory_space<hbm>>, %arg4: memref<2560x128xi32, #tpu.memory_space<hbm>>, %arg5: memref<2x10240x128xf32, #tpu.memory_space<hbm>>, %arg6: memref<40x128xi32, #tpu.memory_space<vmem>>, %arg7: memref<40x128xi32, #tpu.memory_space<vmem>>, %arg8: memref<2x128x128xf32, #tpu.memory_space<vmem>>, %arg9: memref<10240x128xf32, #tpu.memory_space<vmem_shared>>, %arg10: memref<!tpu.dma_semaphore, #tpu.memory_space<semaphore_mem>>, %arg11: memref<!tpu.dma_semaphore, #tpu.memory_space<semaphore_mem>>, %arg12: memref<!tpu.dma_semaphore, #tpu.memory_space<semaphore_mem>>, %arg13: memref<!tpu.dma_semaphore, #tpu.memory_space<semaphore_mem>>) attributes {dimension_semantics = [#tpu.dimension_semantics<core_parallel>, #tpu.dimension_semantics<subcore_parallel>], iteration_bounds = array<i64: 2, 16>, scalar_prefetch = 0 : i64, scratch_operands = 8 : i64, tpu.core_type = #tpu.core_type<sc_vector_subcore>, window_params = [{transform_indices = #map}, {transform_indices = #map}, {transform_indices = #map}, {transform_indices = #map1}]} {
    %mul3A = arith.constant 2 : i32
    %mul3A_0 = arith.muli %arg1, %mul3A : i32
    %add3A = arith.addi %mul3A_0, %arg0 : i32
    %broadcast_in_dim3A = arith.constant 0.000000e+00 : f32
    %broadcast_in_dim3A_1 = vector.broadcast %broadcast_in_dim3A : f32 to vector<16xf32>
    %scan3A = arith.constant 0 : i32
    %scan3A_2 = arith.constant 0 : i32
    %scan3A_3 = arith.constant 128 : i32
    %scan3A_4 = arith.addi %scan3A_2, %scan3A_3 : i32
    %scan3A_5 = arith.constant 1 : i32
    scf.for %scan3A_123 = %scan3A_2 to %scan3A_4 step %scan3A_5  : i32 {
      %swap3A = arith.constant 0 : i32
      %swap3A_124 = arith.index_cast %swap3A : i32 to index
      %swap3A_125 = arith.index_cast %scan3A_123 : i32 to index
      %swap3A_126 = arith.constant 0 : index
      %swap3A_127 = tpu.vector_load %arg8[%swap3A_124, %swap3A_125, %swap3A_126] {strides = array<i32>} : memref<2x128x128xf32, #tpu.memory_space<vmem>>, vector<1x1x16xf32>,
      %swap3A_128 = vector.shape_cast %swap3A_127 : vector<1x1x16xf32> to vector<16xf32>
      %swap3A_129 = vector.shape_cast %broadcast_in_dim3A_1 : vector<16xf32> to vector<1x1x16xf32>
      tpu.vector_store %arg8[%swap3A_124, %swap3A_125, %swap3A_126], %swap3A_129 {strides = array<i32>} : memref<2x128x128xf32, #tpu.memory_space<vmem>>, vector<1x1x16xf32>,
      %swap3A_130 = arith.constant 0 : i32
      %swap3A_131 = arith.index_cast %swap3A_130 : i32 to index
      %swap3A_132 = arith.index_cast %scan3A_123 : i32 to index
      %swap3A_133 = arith.constant 16 : index
      %swap3A_134 = tpu.vector_load %arg8[%swap3A_131, %swap3A_132, %swap3A_133] {strides = array<i32>} : memref<2x128x128xf32, #tpu.memory_space<vmem>>, vector<1x1x16xf32>,
      %swap3A_135 = vector.shape_cast %swap3A_134 : vector<1x1x16xf32> to vector<16xf32>
      %swap3A_136 = vector.shape_cast %broadcast_in_dim3A_1 : vector<16xf32> to vector<1x1x16xf32>
      tpu.vector_store %arg8[%swap3A_131, %swap3A_132, %swap3A_133], %swap3A_136 {strides = array<i32>} : memref<2x128x128xf32, #tpu.memory_space<vmem>>, vector<1x1x16xf32>,
      %swap3A_137 = arith.constant 0 : i32
      %swap3A_138 = arith.index_cast %swap3A_137 : i32 to index
      %swap3A_139 = arith.index_cast %scan3A_123 : i32 to index
      %swap3A_140 = arith.constant 32 : index
      %swap3A_141 = tpu.vector_load %arg8[%swap3A_138, %swap3A_139, %swap3A_140] {strides = array<i32>} : memref<2x128x128xf32, #tpu.memory_space<vmem>>, vector<1x1x16xf32>,
      %swap3A_142 = vector.shape_cast %swap3A_141 : vector<1x1x16xf32> to vector<16xf32>
      %swap3A_143 = vector.shape_cast %broadcast_in_dim3A_1 : vector<16xf32> to vector<1x1x16xf32>
      tpu.vector_store %arg8[%swap3A_138, %swap3A_139, %swap3A_140], %swap3A_143 {strides = array<i32>} : memref<2x128x128xf32, #tpu.memory_space<vmem>>, vector<1x1x16xf32>,
      %swap3A_144 = arith.constant 0 : i32
      %swap3A_145 = arith.index_cast %swap3A_144 : i32 to index
      %swap3A_146 = arith.index_cast %scan3A_123 : i32 to index
      %swap3A_147 = arith.constant 48 : index
      %swap3A_148 = tpu.vector_load %arg8[%swap3A_145, %swap3A_146, %swap3A_147] {strides = array<i32>} : memref<2x128x128xf32, #tpu.memory_space<vmem>>, vector<1x1x16xf32>,
      %swap3A_149 = vector.shape_cast %swap3A_148 : vector<1x1x16xf32> to vector<16xf32>
      %swap3A_150 = vector.shape_cast %broadcast_in_dim3A_1 : vector<16xf32> to vector<1x1x16xf32>
      tpu.vector_store %arg8[%swap3A_145, %swap3A_146, %swap3A_147], %swap3A_150 {strides = array<i32>} : memref<2x128x128xf32, #tpu.memory_space<vmem>>, vector<1x1x16xf32>,
      %swap3A_151 = arith.constant 0 : i32
      %swap3A_152 = arith.index_cast %swap3A_151 : i32 to index
      %swap3A_153 = arith.index_cast %scan3A_123 : i32 to index
      %swap3A_154 = arith.constant 64 : index
      %swap3A_155 = tpu.vector_load %arg8[%swap3A_152, %swap3A_153, %swap3A_154] {strides = array<i32>} : memref<2x128x128xf32, #tpu.memory_space<vmem>>, vector<1x1x16xf32>,
      %swap3A_156 = vector.shape_cast %swap3A_155 : vector<1x1x16xf32> to vector<16xf32>
      %swap3A_157 = vector.shape_cast %broadcast_in_dim3A_1 : vector<16xf32> to vector<1x1x16xf32>
      tpu.vector_store %arg8[%swap3A_152, %swap3A_153, %swap3A_154], %swap3A_157 {strides = array<i32>} : memref<2x128x128xf32, #tpu.memory_space<vmem>>, vector<1x1x16xf32>,
      %swap3A_158 = arith.constant 0 : i32
      %swap3A_159 = arith.index_cast %swap3A_158 : i32 to index
      %swap3A_160 = arith.index_cast %scan3A_123 : i32 to index
      %swap3A_161 = arith.constant 80 : index
      %swap3A_162 = tpu.vector_load %arg8[%swap3A_159, %swap3A_160, %swap3A_161] {strides = array<i32>} : memref<2x128x128xf32, #tpu.memory_space<vmem>>, vector<1x1x16xf32>,
      %swap3A_163 = vector.shape_cast %swap3A_162 : vector<1x1x16xf32> to vector<16xf32>
      %swap3A_164 = vector.shape_cast %broadcast_in_dim3A_1 : vector<16xf32> to vector<1x1x16xf32>
      tpu.vector_store %arg8[%swap3A_159, %swap3A_160, %swap3A_161], %swap3A_164 {strides = array<i32>} : memref<2x128x128xf32, #tpu.memory_space<vmem>>, vector<1x1x16xf32>,
      %swap3A_165 = arith.constant 0 : i32
      %swap3A_166 = arith.index_cast %swap3A_165 : i32 to index
      %swap3A_167 = arith.index_cast %scan3A_123 : i32 to index
      %swap3A_168 = arith.constant 96 : index
      %swap3A_169 = tpu.vector_load %arg8[%swap3A_166, %swap3A_167, %swap3A_168] {strides = array<i32>} : memref<2x128x128xf32, #tpu.memory_space<vmem>>, vector<1x1x16xf32>,
      %swap3A_170 = vector.shape_cast %swap3A_169 : vector<1x1x16xf32> to vector<16xf32>
      %swap3A_171 = vector.shape_cast %broadcast_in_dim3A_1 : vector<16xf32> to vector<1x1x16xf32>
      tpu.vector_store %arg8[%swap3A_166, %swap3A_167, %swap3A_168], %swap3A_171 {strides = array<i32>} : memref<2x128x128xf32, #tpu.memory_space<vmem>>, vector<1x1x16xf32>,
      %swap3A_172 = arith.constant 0 : i32
      %swap3A_173 = arith.index_cast %swap3A_172 : i32 to index
      %swap3A_174 = arith.index_cast %scan3A_123 : i32 to index
      %swap3A_175 = arith.constant 112 : index
      %swap3A_176 = tpu.vector_load %arg8[%swap3A_173, %swap3A_174, %swap3A_175] {strides = array<i32>} : memref<2x128x128xf32, #tpu.memory_space<vmem>>, vector<1x1x16xf32>,
      %swap3A_177 = vector.shape_cast %swap3A_176 : vector<1x1x16xf32> to vector<16xf32>
      %swap3A_178 = vector.shape_cast %broadcast_in_dim3A_1 : vector<16xf32> to vector<1x1x16xf32>
      tpu.vector_store %arg8[%swap3A_173, %swap3A_174, %swap3A_175], %swap3A_178 {strides = array<i32>} : memref<2x128x128xf32, #tpu.memory_space<vmem>>, vector<1x1x16xf32>,
    }
    %scan3A_6 = arith.constant 128 : i32
    %mul3A_7 = arith.constant 640 : i32
    %mul3A_8 = arith.muli %arg1, %mul3A_7 : i32
    %add3A_9 = arith.constant 0 : i32
    %add3A_10 = arith.addi %mul3A_8, %add3A_9 : i32
    %run_scoped3A = arith.constant 0 : i32
    "tpu.region"() ({
      %run_scoped3A_123 = tpu.sem_alloc : memref<!tpu.dma_semaphore, #tpu.memory_space<semaphore_mem>>
      %dma_start3A_124 = arith.constant 0 : i32
      %dma_start3A_125 = arith.constant 0 : i32
      %dma_start3A_126 = tpu.memref_slice %arg8[%run_scoped3A, %dma_start3A_124, %dma_start3A_125] : memref<2x128x128xf32, #tpu.memory_space<vmem>> -> memref<1x128x128xf32, #tpu.memory_space<vmem>>
      %dma_start3A_127 = tpu.memref_squeeze %dma_start3A_126 : memref<1x128x128xf32, #tpu.memory_space<vmem>> -> memref<128x128xf32, #tpu.memory_space<vmem>>
      %dma_start3A_128 = arith.constant 0 : i32
      %dma_start3A_129 = tpu.memref_slice %arg9[%add3A_10, %dma_start3A_128] : memref<10240x128xf32, #tpu.memory_space<vmem_shared>> -> memref<128x128xf32, #tpu.memory_space<vmem_shared>>
      %dma_start3A_130 = arith.constant 0 : i32
      %dma_start3A_131 = tpu.memref_slice %arg9[%add3A_10, %dma_start3A_130] : memref<10240x128xf32, #tpu.memory_space<vmem_shared>> -> memref<128x128xf32, #tpu.memory_space<vmem_shared>>
      %dma_start3A_132 = arith.constant 0 : i32
      %dma_start3A_133 = arith.constant 0 : i32
      %dma_start3A_134 = tpu.memref_slice %arg8[%run_scoped3A, %dma_start3A_132, %dma_start3A_133] : memref<2x128x128xf32, #tpu.memory_space<vmem>> -> memref<1x128x128xf32, #tpu.memory_space<vmem>>
      %dma_start3A_135 = tpu.memref_squeeze %dma_start3A_134 : memref<1x128x128xf32, #tpu.memory_space<vmem>> -> memref<128x128xf32, #tpu.memory_space<vmem>>
      tpu.enqueue_dma source(%dma_start3A_135 : memref<128x128xf32, #tpu.memory_space<vmem>>) target(%dma_start3A_131 : memref<128x128xf32, #tpu.memory_space<vmem_shared>>) target_semaphore(%run_scoped3A_123 : memref<!tpu.dma_semaphore, #tpu.memory_space<semaphore_mem>>)
      %dma_wait3A_136 = arith.constant 0 : i32
      %dma_wait3A_137 = arith.constant 0 : i32
      %dma_wait3A_138 = tpu.memref_slice %arg8[%run_scoped3A, %dma_wait3A_136, %dma_wait3A_137] : memref<2x128x128xf32, #tpu.memory_space<vmem>> -> memref<1x128x128xf32, #tpu.memory_space<vmem>>
      %dma_wait3A_139 = tpu.memref_squeeze %dma_wait3A_138 : memref<1x128x128xf32, #tpu.memory_space<vmem>> -> memref<128x128xf32, #tpu.memory_space<vmem>>
      %dma_wait3A_140 = arith.constant 0 : i32
      %dma_wait3A_141 = tpu.memref_slice %arg9[%add3A_10, %dma_wait3A_140] : memref<10240x128xf32, #tpu.memory_space<vmem_shared>> -> memref<128x128xf32, #tpu.memory_space<vmem_shared>>
      %dma_wait3A_142 = arith.constant 0 : i32
      %dma_wait3A_143 = tpu.memref_slice %arg9[%add3A_10, %dma_wait3A_142] : memref<10240x128xf32, #tpu.memory_space<vmem_shared>> -> memref<128x128xf32, #tpu.memory_space<vmem_shared>>
      %dma_wait3A_144 = arith.constant 0 : i32
      %dma_wait3A_145 = arith.constant 0 : i32
      %dma_wait3A_146 = tpu.memref_slice %arg8[%run_scoped3A, %dma_wait3A_144, %dma_wait3A_145] : memref<2x128x128xf32, #tpu.memory_space<vmem>> -> memref<1x128x128xf32, #tpu.memory_space<vmem>>
      %dma_wait3A_147 = tpu.memref_squeeze %dma_wait3A_146 : memref<1x128x128xf32, #tpu.memory_space<vmem>> -> memref<128x128xf32, #tpu.memory_space<vmem>>
      tpu.wait_dma2 semaphore(%run_scoped3A_123 : memref<!tpu.dma_semaphore, #tpu.memory_space<semaphore_mem>>) src(%dma_wait3A_147 : memref<128x128xf32, #tpu.memory_space<vmem>>) dst(%dma_wait3A_143 : memref<128x128xf32, #tpu.memory_space<vmem_shared>>)
      tpu.yield
    }) : () -> ()
    %add3A_11 = arith.constant 128 : i32
    %add3A_12 = arith.addi %mul3A_8, %add3A_11 : i32
    %run_scoped3A_13 = arith.constant 0 : i32
    "tpu.region"() ({
      %run_scoped3A_123 = tpu.sem_alloc : memref<!tpu.dma_semaphore, #tpu.memory_space<semaphore_mem>>
      %dma_start3A_124 = arith.constant 0 : i32
      %dma_start3A_125 = arith.constant 0 : i32
      %dma_start3A_126 = tpu.memref_slice %arg8[%run_scoped3A_13, %dma_start3A_124, %dma_start3A_125] : memref<2x128x128xf32, #tpu.memory_space<vmem>> -> memref<1x128x128xf32, #tpu.memory_space<vmem>>
      %dma_start3A_127 = tpu.memref_squeeze %dma_start3A_126 : memref<1x128x128xf32, #tpu.memory_space<vmem>> -> memref<128x128xf32, #tpu.memory_space<vmem>>
      %dma_start3A_128 = arith.constant 0 : i32
      %dma_start3A_129 = tpu.memref_slice %arg9[%add3A_12, %dma_start3A_128] : memref<10240x128xf32, #tpu.memory_space<vmem_shared>> -> memref<128x128xf32, #tpu.memory_space<vmem_shared>>
      %dma_start3A_130 = arith.constant 0 : i32
      %dma_start3A_131 = tpu.memref_slice %arg9[%add3A_12, %dma_start3A_130] : memref<10240x128xf32, #tpu.memory_space<vmem_shared>> -> memref<128x128xf32, #tpu.memory_space<vmem_shared>>
      %dma_start3A_132 = arith.constant 0 : i32
      %dma_start3A_133 = arith.constant 0 : i32
      %dma_start3A_134 = tpu.memref_slice %arg8[%run_scoped3A_13, %dma_start3A_132, %dma_start3A_133] : memref<2x128x128xf32, #tpu.memory_space<vmem>> -> memref<1x128x128xf32, #tpu.memory_space<vmem>>
      %dma_start3A_135 = tpu.memref_squeeze %dma_start3A_134 : memref<1x128x128xf32, #tpu.memory_space<vmem>> -> memref<128x128xf32, #tpu.memory_space<vmem>>
      tpu.enqueue_dma source(%dma_start3A_135 : memref<128x128xf32, #tpu.memory_space<vmem>>) target(%dma_start3A_131 : memref<128x128xf32, #tpu.memory_space<vmem_shared>>) target_semaphore(%run_scoped3A_123 : memref<!tpu.dma_semaphore, #tpu.memory_space<semaphore_mem>>)
      %dma_wait3A_136 = arith.constant 0 : i32
      %dma_wait3A_137 = arith.constant 0 : i32
      %dma_wait3A_138 = tpu.memref_slice %arg8[%run_scoped3A_13, %dma_wait3A_136, %dma_wait3A_137] : memref<2x128x128xf32, #tpu.memory_space<vmem>> -> memref<1x128x128xf32, #tpu.memory_space<vmem>>
      %dma_wait3A_139 = tpu.memref_squeeze %dma_wait3A_138 : memref<1x128x128xf32, #tpu.memory_space<vmem>> -> memref<128x128xf32, #tpu.memory_space<vmem>>
      %dma_wait3A_140 = arith.constant 0 : i32
      %dma_wait3A_141 = tpu.memref_slice %arg9[%add3A_12, %dma_wait3A_140] : memref<10240x128xf32, #tpu.memory_space<vmem_shared>> -> memref<128x128xf32, #tpu.memory_space<vmem_shared>>
      %dma_wait3A_142 = arith.constant 0 : i32
      %dma_wait3A_143 = tpu.memref_slice %arg9[%add3A_12, %dma_wait3A_142] : memref<10240x128xf32, #tpu.memory_space<vmem_shared>> -> memref<128x128xf32, #tpu.memory_space<vmem_shared>>
      %dma_wait3A_144 = arith.constant 0 : i32
      %dma_wait3A_145 = arith.constant 0 : i32
      %dma_wait3A_146 = tpu.memref_slice %arg8[%run_scoped3A_13, %dma_wait3A_144, %dma_wait3A_145] : memref<2x128x128xf32, #tpu.memory_space<vmem>> -> memref<1x128x128xf32, #tpu.memory_space<vmem>>
      %dma_wait3A_147 = tpu.memref_squeeze %dma_wait3A_146 : memref<1x128x128xf32, #tpu.memory_space<vmem>> -> memref<128x128xf32, #tpu.memory_space<vmem>>
      tpu.wait_dma2 semaphore(%run_scoped3A_123 : memref<!tpu.dma_semaphore, #tpu.memory_space<semaphore_mem>>) src(%dma_wait3A_147 : memref<128x128xf32, #tpu.memory_space<vmem>>) dst(%dma_wait3A_143 : memref<128x128xf32, #tpu.memory_space<vmem_shared>>)
      tpu.yield
    }) : () -> ()
    %add3A_14 = arith.constant 256 : i32
    %add3A_15 = arith.addi %mul3A_8, %add3A_14 : i32
    %run_scoped3A_16 = arith.constant 0 : i32
    "tpu.region"() ({
      %run_scoped3A_123 = tpu.sem_alloc : memref<!tpu.dma_semaphore, #tpu.memory_space<semaphore_mem>>
      %dma_start3A_124 = arith.constant 0 : i32
      %dma_start3A_125 = arith.constant 0 : i32
      %dma_start3A_126 = tpu.memref_slice %arg8[%run_scoped3A_16, %dma_start3A_124, %dma_start3A_125] : memref<2x128x128xf32, #tpu.memory_space<vmem>> -> memref<1x128x128xf32, #tpu.memory_space<vmem>>
      %dma_start3A_127 = tpu.memref_squeeze %dma_start3A_126 : memref<1x128x128xf32, #tpu.memory_space<vmem>> -> memref<128x128xf32, #tpu.memory_space<vmem>>
      %dma_start3A_128 = arith.constant 0 : i32
      %dma_start3A_129 = tpu.memref_slice %arg9[%add3A_15, %dma_start3A_128] : memref<10240x128xf32, #tpu.memory_space<vmem_shared>> -> memref<128x128xf32, #tpu.memory_space<vmem_shared>>
      %dma_start3A_130 = arith.constant 0 : i32
      %dma_start3A_131 = tpu.memref_slice %arg9[%add3A_15, %dma_start3A_130] : memref<10240x128xf32, #tpu.memory_space<vmem_shared>> -> memref<128x128xf32, #tpu.memory_space<vmem_shared>>
      %dma_start3A_132 = arith.constant 0 : i32
      %dma_start3A_133 = arith.constant 0 : i32
      %dma_start3A_134 = tpu.memref_slice %arg8[%run_scoped3A_16, %dma_start3A_132, %dma_start3A_133] : memref<2x128x128xf32, #tpu.memory_space<vmem>> -> memref<1x128x128xf32, #tpu.memory_space<vmem>>
      %dma_start3A_135 = tpu.memref_squeeze %dma_start3A_134 : memref<1x128x128xf32, #tpu.memory_space<vmem>> -> memref<128x128xf32, #tpu.memory_space<vmem>>
      tpu.enqueue_dma source(%dma_start3A_135 : memref<128x128xf32, #tpu.memory_space<vmem>>) target(%dma_start3A_131 : memref<128x128xf32, #tpu.memory_space<vmem_shared>>) target_semaphore(%run_scoped3A_123 : memref<!tpu.dma_semaphore, #tpu.memory_space<semaphore_mem>>)
      %dma_wait3A_136 = arith.constant 0 : i32
      %dma_wait3A_137 = arith.constant 0 : i32
      %dma_wait3A_138 = tpu.memref_slice %arg8[%run_scoped3A_16, %dma_wait3A_136, %dma_wait3A_137] : memref<2x128x128xf32, #tpu.memory_space<vmem>> -> memref<1x128x128xf32, #tpu.memory_space<vmem>>
      %dma_wait3A_139 = tpu.memref_squeeze %dma_wait3A_138 : memref<1x128x128xf32, #tpu.memory_space<vmem>> -> memref<128x128xf32, #tpu.memory_space<vmem>>
      %dma_wait3A_140 = arith.constant 0 : i32
      %dma_wait3A_141 = tpu.memref_slice %arg9[%add3A_15, %dma_wait3A_140] : memref<10240x128xf32, #tpu.memory_space<vmem_shared>> -> memref<128x128xf32, #tpu.memory_space<vmem_shared>>
      %dma_wait3A_142 = arith.constant 0 : i32
      %dma_wait3A_143 = tpu.memref_slice %arg9[%add3A_15, %dma_wait3A_142] : memref<10240x128xf32, #tpu.memory_space<vmem_shared>> -> memref<128x128xf32, #tpu.memory_space<vmem_shared>>
      %dma_wait3A_144 = arith.constant 0 : i32
      %dma_wait3A_145 = arith.constant 0 : i32
      %dma_wait3A_146 = tpu.memref_slice %arg8[%run_scoped3A_16, %dma_wait3A_144, %dma_wait3A_145] : memref<2x128x128xf32, #tpu.memory_space<vmem>> -> memref<1x128x128xf32, #tpu.memory_space<vmem>>
      %dma_wait3A_147 = tpu.memref_squeeze %dma_wait3A_146 : memref<1x128x128xf32, #tpu.memory_space<vmem>> -> memref<128x128xf32, #tpu.memory_space<vmem>>
      tpu.wait_dma2 semaphore(%run_scoped3A_123 : memref<!tpu.dma_semaphore, #tpu.memory_space<semaphore_mem>>) src(%dma_wait3A_147 : memref<128x128xf32, #tpu.memory_space<vmem>>) dst(%dma_wait3A_143 : memref<128x128xf32, #tpu.memory_space<vmem_shared>>)
      tpu.yield
    }) : () -> ()
    %add3A_17 = arith.constant 384 : i32
    %add3A_18 = arith.addi %mul3A_8, %add3A_17 : i32
    %run_scoped3A_19 = arith.constant 0 : i32
    "tpu.region"() ({
      %run_scoped3A_123 = tpu.sem_alloc : memref<!tpu.dma_semaphore, #tpu.memory_space<semaphore_mem>>
      %dma_start3A_124 = arith.constant 0 : i32
      %dma_start3A_125 = arith.constant 0 : i32
      %dma_start3A_126 = tpu.memref_slice %arg8[%run_scoped3A_19, %dma_start3A_124, %dma_start3A_125] : memref<2x128x128xf32, #tpu.memory_space<vmem>> -> memref<1x128x128xf32, #tpu.memory_space<vmem>>
      %dma_start3A_127 = tpu.memref_squeeze %dma_start3A_126 : memref<1x128x128xf32, #tpu.memory_space<vmem>> -> memref<128x128xf32, #tpu.memory_space<vmem>>
      %dma_start3A_128 = arith.constant 0 : i32
      %dma_start3A_129 = tpu.memref_slice %arg9[%add3A_18, %dma_start3A_128] : memref<10240x128xf32, #tpu.memory_space<vmem_shared>> -> memref<128x128xf32, #tpu.memory_space<vmem_shared>>
      %dma_start3A_130 = arith.constant 0 : i32
      %dma_start3A_131 = tpu.memref_slice %arg9[%add3A_18, %dma_start3A_130] : memref<10240x128xf32, #tpu.memory_space<vmem_shared>> -> memref<128x128xf32, #tpu.memory_space<vmem_shared>>
      %dma_start3A_132 = arith.constant 0 : i32
      %dma_start3A_133 = arith.constant 0 : i32
      %dma_start3A_134 = tpu.memref_slice %arg8[%run_scoped3A_19, %dma_start3A_132, %dma_start3A_133] : memref<2x128x128xf32, #tpu.memory_space<vmem>> -> memref<1x128x128xf32, #tpu.memory_space<vmem>>
      %dma_start3A_135 = tpu.memref_squeeze %dma_start3A_134 : memref<1x128x128xf32, #tpu.memory_space<vmem>> -> memref<128x128xf32, #tpu.memory_space<vmem>>
      tpu.enqueue_dma source(%dma_start3A_135 : memref<128x128xf32, #tpu.memory_space<vmem>>) target(%dma_start3A_131 : memref<128x128xf32, #tpu.memory_space<vmem_shared>>) target_semaphore(%run_scoped3A_123 : memref<!tpu.dma_semaphore, #tpu.memory_space<semaphore_mem>>)
      %dma_wait3A_136 = arith.constant 0 : i32
      %dma_wait3A_137 = arith.constant 0 : i32
      %dma_wait3A_138 = tpu.memref_slice %arg8[%run_scoped3A_19, %dma_wait3A_136, %dma_wait3A_137] : memref<2x128x128xf32, #tpu.memory_space<vmem>> -> memref<1x128x128xf32, #tpu.memory_space<vmem>>
      %dma_wait3A_139 = tpu.memref_squeeze %dma_wait3A_138 : memref<1x128x128xf32, #tpu.memory_space<vmem>> -> memref<128x128xf32, #tpu.memory_space<vmem>>
      %dma_wait3A_140 = arith.constant 0 : i32
      %dma_wait3A_141 = tpu.memref_slice %arg9[%add3A_18, %dma_wait3A_140] : memref<10240x128xf32, #tpu.memory_space<vmem_shared>> -> memref<128x128xf32, #tpu.memory_space<vmem_shared>>
      %dma_wait3A_142 = arith.constant 0 : i32
      %dma_wait3A_143 = tpu.memref_slice %arg9[%add3A_18, %dma_wait3A_142] : memref<10240x128xf32, #tpu.memory_space<vmem_shared>> -> memref<128x128xf32, #tpu.memory_space<vmem_shared>>
      %dma_wait3A_144 = arith.constant 0 : i32
      %dma_wait3A_145 = arith.constant 0 : i32
      %dma_wait3A_146 = tpu.memref_slice %arg8[%run_scoped3A_19, %dma_wait3A_144, %dma_wait3A_145] : memref<2x128x128xf32, #tpu.memory_space<vmem>> -> memref<1x128x128xf32, #tpu.memory_space<vmem>>
      %dma_wait3A_147 = tpu.memref_squeeze %dma_wait3A_146 : memref<1x128x128xf32, #tpu.memory_space<vmem>> -> memref<128x128xf32, #tpu.memory_space<vmem>>
      tpu.wait_dma2 semaphore(%run_scoped3A_123 : memref<!tpu.dma_semaphore, #tpu.memory_space<semaphore_mem>>) src(%dma_wait3A_147 : memref<128x128xf32, #tpu.memory_space<vmem>>) dst(%dma_wait3A_143 : memref<128x128xf32, #tpu.memory_space<vmem_shared>>)
      tpu.yield
    }) : () -> ()
    %add3A_20 = arith.constant 512 : i32
    %add3A_21 = arith.addi %mul3A_8, %add3A_20 : i32
    %run_scoped3A_22 = arith.constant 0 : i32
    "tpu.region"() ({
      %run_scoped3A_123 = tpu.sem_alloc : memref<!tpu.dma_semaphore, #tpu.memory_space<semaphore_mem>>
      %dma_start3A_124 = arith.constant 0 : i32
      %dma_start3A_125 = arith.constant 0 : i32
      %dma_start3A_126 = tpu.memref_slice %arg8[%run_scoped3A_22, %dma_start3A_124, %dma_start3A_125] : memref<2x128x128xf32, #tpu.memory_space<vmem>> -> memref<1x128x128xf32, #tpu.memory_space<vmem>>
      %dma_start3A_127 = tpu.memref_squeeze %dma_start3A_126 : memref<1x128x128xf32, #tpu.memory_space<vmem>> -> memref<128x128xf32, #tpu.memory_space<vmem>>
      %dma_start3A_128 = arith.constant 0 : i32
      %dma_start3A_129 = tpu.memref_slice %arg9[%add3A_21, %dma_start3A_128] : memref<10240x128xf32, #tpu.memory_space<vmem_shared>> -> memref<128x128xf32, #tpu.memory_space<vmem_shared>>
      %dma_start3A_130 = arith.constant 0 : i32
      %dma_start3A_131 = tpu.memref_slice %arg9[%add3A_21, %dma_start3A_130] : memref<10240x128xf32, #tpu.memory_space<vmem_shared>> -> memref<128x128xf32, #tpu.memory_space<vmem_shared>>
      %dma_start3A_132 = arith.constant 0 : i32
      %dma_start3A_133 = arith.constant 0 : i32
      %dma_start3A_134 = tpu.memref_slice %arg8[%run_scoped3A_22, %dma_start3A_132, %dma_start3A_133] : memref<2x128x128xf32, #tpu.memory_space<vmem>> -> memref<1x128x128xf32, #tpu.memory_space<vmem>>
      %dma_start3A_135 = tpu.memref_squeeze %dma_start3A_134 : memref<1x128x128xf32, #tpu.memory_space<vmem>> -> memref<128x128xf32, #tpu.memory_space<vmem>>
      tpu.enqueue_dma source(%dma_start3A_135 : memref<128x128xf32, #tpu.memory_space<vmem>>) target(%dma_start3A_131 : memref<128x128xf32, #tpu.memory_space<vmem_shared>>) target_semaphore(%run_scoped3A_123 : memref<!tpu.dma_semaphore, #tpu.memory_space<semaphore_mem>>)
      %dma_wait3A_136 = arith.constant 0 : i32
      %dma_wait3A_137 = arith.constant 0 : i32
      %dma_wait3A_138 = tpu.memref_slice %arg8[%run_scoped3A_22, %dma_wait3A_136, %dma_wait3A_137] : memref<2x128x128xf32, #tpu.memory_space<vmem>> -> memref<1x128x128xf32, #tpu.memory_space<vmem>>
      %dma_wait3A_139 = tpu.memref_squeeze %dma_wait3A_138 : memref<1x128x128xf32, #tpu.memory_space<vmem>> -> memref<128x128xf32, #tpu.memory_space<vmem>>
      %dma_wait3A_140 = arith.constant 0 : i32
      %dma_wait3A_141 = tpu.memref_slice %arg9[%add3A_21, %dma_wait3A_140] : memref<10240x128xf32, #tpu.memory_space<vmem_shared>> -> memref<128x128xf32, #tpu.memory_space<vmem_shared>>
      %dma_wait3A_142 = arith.constant 0 : i32
      %dma_wait3A_143 = tpu.memref_slice %arg9[%add3A_21, %dma_wait3A_142] : memref<10240x128xf32, #tpu.memory_space<vmem_shared>> -> memref<128x128xf32, #tpu.memory_space<vmem_shared>>
      %dma_wait3A_144 = arith.constant 0 : i32
      %dma_wait3A_145 = arith.constant 0 : i32
      %dma_wait3A_146 = tpu.memref_slice %arg8[%run_scoped3A_22, %dma_wait3A_144, %dma_wait3A_145] : memref<2x128x128xf32, #tpu.memory_space<vmem>> -> memref<1x128x128xf32, #tpu.memory_space<vmem>>
      %dma_wait3A_147 = tpu.memref_squeeze %dma_wait3A_146 : memref<1x128x128xf32, #tpu.memory_space<vmem>> -> memref<128x128xf32, #tpu.memory_space<vmem>>
      tpu.wait_dma2 semaphore(%run_scoped3A_123 : memref<!tpu.dma_semaphore, #tpu.memory_space<semaphore_mem>>) src(%dma_wait3A_147 : memref<128x128xf32, #tpu.memory_space<vmem>>) dst(%dma_wait3A_143 : memref<128x128xf32, #tpu.memory_space<vmem_shared>>)
      tpu.yield
    }) : () -> ()
    %barrier3A = arith.constant 0 : index
    tpu.barrier barrier_id(%barrier3A)
    %eq3A = arith.constant 1 : i32
    %eq3A_23 = arith.cmpi eq, %arg0, %eq3A : i32
    %mul3A_24 = arith.constant 120 : i32
    %mul3A_25 = arith.muli %arg1, %mul3A_24 : i32
    %mul3A_26 = arith.constant 40 : i32
    %mul3A_27 = arith.muli %arg1, %mul3A_26 : i32
    %add3A_28 = arith.constant 1920 : i32
    %add3A_29 = arith.addi %add3A_28, %mul3A_27 : i32
    %select_n3A = arith.select %eq3A_23, %mul3A_25, %add3A_29 : i32
    "tpu.region"() ({
      %run_scoped3A_123 = tpu.sem_alloc : memref<!tpu.dma_semaphore, #tpu.memory_space<semaphore_mem>>
      %dma_start3A_124 = arith.constant 0 : i32
      %dma_start3A_125 = tpu.memref_slice %arg3[%select_n3A, %dma_start3A_124] : memref<2560x128xi32, #tpu.memory_space<hbm>> -> memref<40x128xi32, #tpu.memory_space<hbm>>
      %dma_start3A_126 = arith.constant 0 : i32
      %dma_start3A_127 = tpu.memref_slice %arg3[%select_n3A, %dma_start3A_126] : memref<2560x128xi32, #tpu.memory_space<hbm>> -> memref<40x128xi32, #tpu.memory_space<hbm>>
      tpu.enqueue_dma source(%dma_start3A_127 : memref<40x128xi32, #tpu.memory_space<hbm>>) target(%arg6 : memref<40x128xi32, #tpu.memory_space<vmem>>) target_semaphore(%run_scoped3A_123 : memref<!tpu.dma_semaphore, #tpu.memory_space<semaphore_mem>>)
      %dma_wait3A_128 = arith.constant 0 : i32
      %dma_wait3A_129 = tpu.memref_slice %arg3[%select_n3A, %dma_wait3A_128] : memref<2560x128xi32, #tpu.memory_space<hbm>> -> memref<40x128xi32, #tpu.memory_space<hbm>>
      %dma_wait3A_130 = arith.constant 0 : i32
      %dma_wait3A_131 = tpu.memref_slice %arg3[%select_n3A, %dma_wait3A_130] : memref<2560x128xi32, #tpu.memory_space<hbm>> -> memref<40x128xi32, #tpu.memory_space<hbm>>
      tpu.wait_dma2 semaphore(%run_scoped3A_123 : memref<!tpu.dma_semaphore, #tpu.memory_space<semaphore_mem>>) src(%dma_wait3A_131 : memref<40x128xi32, #tpu.memory_space<hbm>>) dst(%arg6 : memref<40x128xi32, #tpu.memory_space<vmem>>)
      tpu.yield
    }) : () -> ()
    "tpu.region"() ({
      %run_scoped3A_123 = tpu.sem_alloc : memref<!tpu.dma_semaphore, #tpu.memory_space<semaphore_mem>>
      %dma_start3A_124 = arith.constant 0 : i32
      %dma_start3A_125 = tpu.memref_slice %arg4[%select_n3A, %dma_start3A_124] : memref<2560x128xi32, #tpu.memory_space<hbm>> -> memref<40x128xi32, #tpu.memory_space<hbm>>
      %dma_start3A_126 = arith.constant 0 : i32
      %dma_start3A_127 = tpu.memref_slice %arg4[%select_n3A, %dma_start3A_126] : memref<2560x128xi32, #tpu.memory_space<hbm>> -> memref<40x128xi32, #tpu.memory_space<hbm>>
      tpu.enqueue_dma source(%dma_start3A_127 : memref<40x128xi32, #tpu.memory_space<hbm>>) target(%arg7 : memref<40x128xi32, #tpu.memory_space<vmem>>) target_semaphore(%run_scoped3A_123 : memref<!tpu.dma_semaphore, #tpu.memory_space<semaphore_mem>>)
      %dma_wait3A_128 = arith.constant 0 : i32
      %dma_wait3A_129 = tpu.memref_slice %arg4[%select_n3A, %dma_wait3A_128] : memref<2560x128xi32, #tpu.memory_space<hbm>> -> memref<40x128xi32, #tpu.memory_space<hbm>>
      %dma_wait3A_130 = arith.constant 0 : i32
      %dma_wait3A_131 = tpu.memref_slice %arg4[%select_n3A, %dma_wait3A_130] : memref<2560x128xi32, #tpu.memory_space<hbm>> -> memref<40x128xi32, #tpu.memory_space<hbm>>
      tpu.wait_dma2 semaphore(%run_scoped3A_123 : memref<!tpu.dma_semaphore, #tpu.memory_space<semaphore_mem>>) src(%dma_wait3A_131 : memref<40x128xi32, #tpu.memory_space<hbm>>) dst(%arg7 : memref<40x128xi32, #tpu.memory_space<vmem>>)
      tpu.yield
    }) : () -> ()
    %dma_start3A = arith.constant 0 : i32
    %dma_start3A_30 = arith.constant 0 : i32
    %dma_start3A_31 = arith.constant 0 : i32
    %dma_start3A_32 = arith.constant 0 : i32
    %dma_start3A_33 = tpu.memref_slice %arg8[%dma_start3A_30, %dma_start3A_31, %dma_start3A_32] : memref<2x128x128xf32, #tpu.memory_space<vmem>> -> memref<1x128x128xf32, #tpu.memory_space<vmem>>
    %dma_start3A_34 = tpu.memref_squeeze %dma_start3A_33 : memref<1x128x128xf32, #tpu.memory_space<vmem>> -> memref<128x128xf32, #tpu.memory_space<vmem>>
    %dma_start3A_35 = arith.constant 0 : i32
    %dma_start3A_36 = tpu.memref_slice %arg6[%dma_start3A, %dma_start3A_35] : memref<40x128xi32, #tpu.memory_space<vmem>> -> memref<1x128xi32, #tpu.memory_space<vmem>>
    %dma_start3A_37 = tpu.memref_squeeze %dma_start3A_36 : memref<1x128xi32, #tpu.memory_space<vmem>> -> memref<128xi32, #tpu.memory_space<vmem>>
    %dma_start3A_38 = arith.constant 0 : i32
    %dma_start3A_39 = arith.constant 0 : i32
    %dma_start3A_40 = tpu.memref_slice %arg2[%dma_start3A_38, %dma_start3A_39] : memref<10240x128xf32, #tpu.memory_space<hbm>> -> memref<10240x128xf32, #tpu.memory_space<hbm>>
    tpu.enqueue_indirect_dma source(%dma_start3A_40 : memref<10240x128xf32, #tpu.memory_space<hbm>>) target(%dma_start3A_34 : memref<128x128xf32, #tpu.memory_space<vmem>>) offsets(%dma_start3A_37 : memref<128xi32, #tpu.memory_space<vmem>>) semaphore(%arg10 : memref<!tpu.dma_semaphore, #tpu.memory_space<semaphore_mem>>)
    %scan3A_41 = arith.constant 0 : i32
    %scan3A_42 = arith.constant 0 : i32
    %scan3A_43 = arith.constant 20 : i32
    %scan3A_44 = arith.addi %scan3A_42, %scan3A_43 : i32
    %scan3A_45 = arith.constant 1 : i32
    scf.for %scan3A_123 = %scan3A_42 to %scan3A_44 step %scan3A_45  : i32 {
      %mul3A_124 = arith.constant 2 : i32
      %mul3A_125 = arith.muli %mul3A_124, %scan3A_123 : i32
      %add3A_126 = arith.constant 0 : i32
      %add3A_127 = arith.addi %mul3A_125, %add3A_126 : i32
      %ge3A = arith.constant 1 : i32
      %ge3A_128 = arith.cmpi sge, %add3A_127, %ge3A : i32
      %convert_element_type3A_129 = arith.extui %ge3A_128 : i1 to i32
      %cond3A_130 = arith.constant 0 : i32
      %cond3A_131 = arith.cmpi ne, %convert_element_type3A_129, %cond3A_130 : i32
      scf.if %cond3A_131 {
        %sub3A = arith.constant 1 : i32
        %sub3A_198 = arith.subi %add3A_127, %sub3A : i32
        %dma_wait3A_199 = arith.constant 1 : i32
        %dma_wait3A_200 = arith.constant 0 : i32
        %dma_wait3A_201 = arith.constant 0 : i32
        %dma_wait3A_202 = tpu.memref_slice %arg8[%dma_wait3A_199, %dma_wait3A_200, %dma_wait3A_201] : memref<2x128x128xf32, #tpu.memory_space<vmem>> -> memref<1x128x128xf32, #tpu.memory_space<vmem>>
        %dma_wait3A_203 = tpu.memref_squeeze %dma_wait3A_202 : memref<1x128x128xf32, #tpu.memory_space<vmem>> -> memref<128x128xf32, #tpu.memory_space<vmem>>
        %dma_wait3A_204 = arith.constant 0 : i32
        %dma_wait3A_205 = tpu.memref_slice %arg7[%sub3A_198, %dma_wait3A_204] : memref<40x128xi32, #tpu.memory_space<vmem>> -> memref<1x128xi32, #tpu.memory_space<vmem>>
        %dma_wait3A_206 = tpu.memref_squeeze %dma_wait3A_205 : memref<1x128xi32, #tpu.memory_space<vmem>> -> memref<128xi32, #tpu.memory_space<vmem>>
        %dma_wait3A_207 = arith.constant 0 : i32
        %dma_wait3A_208 = arith.constant 0 : i32
        %dma_wait3A_209 = tpu.memref_slice %arg9[%dma_wait3A_207, %dma_wait3A_208] : memref<10240x128xf32, #tpu.memory_space<vmem_shared>> -> memref<10240x128xf32, #tpu.memory_space<vmem_shared>>
        tpu.wait_indirect_dma semaphore(%arg13 : memref<!tpu.dma_semaphore, #tpu.memory_space<semaphore_mem>>) src(%dma_wait3A_203 : memref<128x128xf32, #tpu.memory_space<vmem>>) dst(%dma_wait3A_209 : memref<10240x128xf32, #tpu.memory_space<vmem_shared>>)
      } else {
      }
      %add3A_132 = arith.constant 1 : i32
      %add3A_133 = arith.addi %add3A_127, %add3A_132 : i32
      %lt3A = arith.constant 40 : i32
      %lt3A_134 = arith.cmpi slt, %add3A_133, %lt3A : i32
      %convert_element_type3A_135 = arith.extui %lt3A_134 : i1 to i32
      %cond3A_136 = arith.constant 0 : i32
      %cond3A_137 = arith.cmpi ne, %convert_element_type3A_135, %cond3A_136 : i32
      scf.if %cond3A_137 {
        %add3A_198 = arith.constant 1 : i32
        %add3A_199 = arith.addi %add3A_127, %add3A_198 : i32
        %dma_start3A_200 = arith.constant 1 : i32
        %dma_start3A_201 = arith.constant 0 : i32
        %dma_start3A_202 = arith.constant 0 : i32
        %dma_start3A_203 = tpu.memref_slice %arg8[%dma_start3A_200, %dma_start3A_201, %dma_start3A_202] : memref<2x128x128xf32, #tpu.memory_space<vmem>> -> memref<1x128x128xf32, #tpu.memory_space<vmem>>
        %dma_start3A_204 = tpu.memref_squeeze %dma_start3A_203 : memref<1x128x128xf32, #tpu.memory_space<vmem>> -> memref<128x128xf32, #tpu.memory_space<vmem>>
        %dma_start3A_205 = arith.constant 0 : i32
        %dma_start3A_206 = tpu.memref_slice %arg6[%add3A_199, %dma_start3A_205] : memref<40x128xi32, #tpu.memory_space<vmem>> -> memref<1x128xi32, #tpu.memory_space<vmem>>
        %dma_start3A_207 = tpu.memref_squeeze %dma_start3A_206 : memref<1x128xi32, #tpu.memory_space<vmem>> -> memref<128xi32, #tpu.memory_space<vmem>>
        %dma_start3A_208 = arith.constant 0 : i32
        %dma_start3A_209 = arith.constant 0 : i32
        %dma_start3A_210 = tpu.memref_slice %arg2[%dma_start3A_208, %dma_start3A_209] : memref<10240x128xf32, #tpu.memory_space<hbm>> -> memref<10240x128xf32, #tpu.memory_space<hbm>>
        tpu.enqueue_indirect_dma source(%dma_start3A_210 : memref<10240x128xf32, #tpu.memory_space<hbm>>) target(%dma_start3A_204 : memref<128x128xf32, #tpu.memory_space<vmem>>) offsets(%dma_start3A_207 : memref<128xi32, #tpu.memory_space<vmem>>) semaphore(%arg11 : memref<!tpu.dma_semaphore, #tpu.memory_space<semaphore_mem>>)
      } else {
      }
      %dma_wait3A_138 = arith.constant 0 : i32
      %dma_wait3A_139 = arith.constant 0 : i32
      %dma_wait3A_140 = arith.constant 0 : i32
      %dma_wait3A_141 = tpu.memref_slice %arg8[%dma_wait3A_138, %dma_wait3A_139, %dma_wait3A_140] : memref<2x128x128xf32, #tpu.memory_space<vmem>> -> memref<1x128x128xf32, #tpu.memory_space<vmem>>
      %dma_wait3A_142 = tpu.memref_squeeze %dma_wait3A_141 : memref<1x128x128xf32, #tpu.memory_space<vmem>> -> memref<128x128xf32, #tpu.memory_space<vmem>>
      %dma_wait3A_143 = arith.constant 0 : i32
      %dma_wait3A_144 = tpu.memref_slice %arg6[%add3A_127, %dma_wait3A_143] : memref<40x128xi32, #tpu.memory_space<vmem>> -> memref<1x128xi32, #tpu.memory_space<vmem>>
      %dma_wait3A_145 = tpu.memref_squeeze %dma_wait3A_144 : memref<1x128xi32, #tpu.memory_space<vmem>> -> memref<128xi32, #tpu.memory_space<vmem>>
      %dma_wait3A_146 = arith.constant 0 : i32
      %dma_wait3A_147 = arith.constant 0 : i32
      %dma_wait3A_148 = tpu.memref_slice %arg2[%dma_wait3A_146, %dma_wait3A_147] : memref<10240x128xf32, #tpu.memory_space<hbm>> -> memref<10240x128xf32, #tpu.memory_space<hbm>>
      tpu.wait_indirect_dma semaphore(%arg10 : memref<!tpu.dma_semaphore, #tpu.memory_space<semaphore_mem>>) src(%dma_wait3A_148 : memref<10240x128xf32, #tpu.memory_space<hbm>>) dst(%dma_wait3A_142 : memref<128x128xf32, #tpu.memory_space<vmem>>)
      %dma_start3A_149 = arith.constant 0 : i32
      %dma_start3A_150 = arith.constant 0 : i32
      %dma_start3A_151 = arith.constant 0 : i32
      %dma_start3A_152 = tpu.memref_slice %arg8[%dma_start3A_149, %dma_start3A_150, %dma_start3A_151] : memref<2x128x128xf32, #tpu.memory_space<vmem>> -> memref<1x128x128xf32, #tpu.memory_space<vmem>>
      %dma_start3A_153 = tpu.memref_squeeze %dma_start3A_152 : memref<1x128x128xf32, #tpu.memory_space<vmem>> -> memref<128x128xf32, #tpu.memory_space<vmem>>
      %dma_start3A_154 = arith.constant 0 : i32
      %dma_start3A_155 = tpu.memref_slice %arg7[%add3A_127, %dma_start3A_154] : memref<40x128xi32, #tpu.memory_space<vmem>> -> memref<1x128xi32, #tpu.memory_space<vmem>>
      %dma_start3A_156 = tpu.memref_squeeze %dma_start3A_155 : memref<1x128xi32, #tpu.memory_space<vmem>> -> memref<128xi32, #tpu.memory_space<vmem>>
      %dma_start3A_157 = arith.constant 0 : i32
      %dma_start3A_158 = arith.constant 0 : i32
      %dma_start3A_159 = tpu.memref_slice %arg9[%dma_start3A_157, %dma_start3A_158] : memref<10240x128xf32, #tpu.memory_space<vmem_shared>> -> memref<10240x128xf32, #tpu.memory_space<vmem_shared>>
      tpu.enqueue_indirect_dma source(%dma_start3A_153 : memref<128x128xf32, #tpu.memory_space<vmem>>) target(%dma_start3A_159 : memref<10240x128xf32, #tpu.memory_space<vmem_shared>>) offsets(%dma_start3A_156 : memref<128xi32, #tpu.memory_space<vmem>>) semaphore(%arg12 : memref<!tpu.dma_semaphore, #tpu.memory_space<semaphore_mem>>) {add = true}
      %mul3A_160 = arith.constant 2 : i32
      %mul3A_161 = arith.muli %mul3A_160, %scan3A_123 : i32
      %add3A_162 = arith.constant 1 : i32
      %add3A_163 = arith.addi %mul3A_161, %add3A_162 : i32
      %ge3A_164 = arith.constant 1 : i32
      %ge3A_165 = arith.cmpi sge, %add3A_163, %ge3A_164 : i32
      %convert_element_type3A_166 = arith.extui %ge3A_165 : i1 to i32
      %cond3A_167 = arith.constant 0 : i32
      %cond3A_168 = arith.cmpi ne, %convert_element_type3A_166, %cond3A_167 : i32
      scf.if %cond3A_168 {
        %sub3A = arith.constant 1 : i32
        %sub3A_198 = arith.subi %add3A_163, %sub3A : i32
        %dma_wait3A_199 = arith.constant 0 : i32
        %dma_wait3A_200 = arith.constant 0 : i32
        %dma_wait3A_201 = arith.constant 0 : i32
        %dma_wait3A_202 = tpu.memref_slice %arg8[%dma_wait3A_199, %dma_wait3A_200, %dma_wait3A_201] : memref<2x128x128xf32, #tpu.memory_space<vmem>> -> memref<1x128x128xf32, #tpu.memory_space<vmem>>
        %dma_wait3A_203 = tpu.memref_squeeze %dma_wait3A_202 : memref<1x128x128xf32, #tpu.memory_space<vmem>> -> memref<128x128xf32, #tpu.memory_space<vmem>>
        %dma_wait3A_204 = arith.constant 0 : i32
        %dma_wait3A_205 = tpu.memref_slice %arg7[%sub3A_198, %dma_wait3A_204] : memref<40x128xi32, #tpu.memory_space<vmem>> -> memref<1x128xi32, #tpu.memory_space<vmem>>
        %dma_wait3A_206 = tpu.memref_squeeze %dma_wait3A_205 : memref<1x128xi32, #tpu.memory_space<vmem>> -> memref<128xi32, #tpu.memory_space<vmem>>
        %dma_wait3A_207 = arith.constant 0 : i32
        %dma_wait3A_208 = arith.constant 0 : i32
        %dma_wait3A_209 = tpu.memref_slice %arg9[%dma_wait3A_207, %dma_wait3A_208] : memref<10240x128xf32, #tpu.memory_space<vmem_shared>> -> memref<10240x128xf32, #tpu.memory_space<vmem_shared>>
        tpu.wait_indirect_dma semaphore(%arg12 : memref<!tpu.dma_semaphore, #tpu.memory_space<semaphore_mem>>) src(%dma_wait3A_203 : memref<128x128xf32, #tpu.memory_space<vmem>>) dst(%dma_wait3A_209 : memref<10240x128xf32, #tpu.memory_space<vmem_shared>>)
      } else {
      }
      %add3A_169 = arith.constant 1 : i32
      %add3A_170 = arith.addi %add3A_163, %add3A_169 : i32
      %lt3A_171 = arith.constant 40 : i32
      %lt3A_172 = arith.cmpi slt, %add3A_170, %lt3A_171 : i32
      %convert_element_type3A_173 = arith.extui %lt3A_172 : i1 to i32
      %cond3A_174 = arith.constant 0 : i32
      %cond3A_175 = arith.cmpi ne, %convert_element_type3A_173, %cond3A_174 : i32
      scf.if %cond3A_175 {
        %add3A_198 = arith.constant 1 : i32
        %add3A_199 = arith.addi %add3A_163, %add3A_198 : i32
        %dma_start3A_200 = arith.constant 0 : i32
        %dma_start3A_201 = arith.constant 0 : i32
        %dma_start3A_202 = arith.constant 0 : i32
        %dma_start3A_203 = tpu.memref_slice %arg8[%dma_start3A_200, %dma_start3A_201, %dma_start3A_202] : memref<2x128x128xf32, #tpu.memory_space<vmem>> -> memref<1x128x128xf32, #tpu.memory_space<vmem>>
        %dma_start3A_204 = tpu.memref_squeeze %dma_start3A_203 : memref<1x128x128xf32, #tpu.memory_space<vmem>> -> memref<128x128xf32, #tpu.memory_space<vmem>>
        %dma_start3A_205 = arith.constant 0 : i32
        %dma_start3A_206 = tpu.memref_slice %arg6[%add3A_199, %dma_start3A_205] : memref<40x128xi32, #tpu.memory_space<vmem>> -> memref<1x128xi32, #tpu.memory_space<vmem>>
        %dma_start3A_207 = tpu.memref_squeeze %dma_start3A_206 : memref<1x128xi32, #tpu.memory_space<vmem>> -> memref<128xi32, #tpu.memory_space<vmem>>
        %dma_start3A_208 = arith.constant 0 : i32
        %dma_start3A_209 = arith.constant 0 : i32
        %dma_start3A_210 = tpu.memref_slice %arg2[%dma_start3A_208, %dma_start3A_209] : memref<10240x128xf32, #tpu.memory_space<hbm>> -> memref<10240x128xf32, #tpu.memory_space<hbm>>
        tpu.enqueue_indirect_dma source(%dma_start3A_210 : memref<10240x128xf32, #tpu.memory_space<hbm>>) target(%dma_start3A_204 : memref<128x128xf32, #tpu.memory_space<vmem>>) offsets(%dma_start3A_207 : memref<128xi32, #tpu.memory_space<vmem>>) semaphore(%arg10 : memref<!tpu.dma_semaphore, #tpu.memory_space<semaphore_mem>>)
      } else {
      }
      %dma_wait3A_176 = arith.constant 1 : i32
      %dma_wait3A_177 = arith.constant 0 : i32
      %dma_wait3A_178 = arith.constant 0 : i32
      %dma_wait3A_179 = tpu.memref_slice %arg8[%dma_wait3A_176, %dma_wait3A_177, %dma_wait3A_178] : memref<2x128x128xf32, #tpu.memory_space<vmem>> -> memref<1x128x128xf32, #tpu.memory_space<vmem>>
      %dma_wait3A_180 = tpu.memref_squeeze %dma_wait3A_179 : memref<1x128x128xf32, #tpu.memory_space<vmem>> -> memref<128x128xf32, #tpu.memory_space<vmem>>
      %dma_wait3A_181 = arith.constant 0 : i32
      %dma_wait3A_182 = tpu.memref_slice %arg6[%add3A_163, %dma_wait3A_181] : memref<40x128xi32, #tpu.memory_space<vmem>> -> memref<1x128xi32, #tpu.memory_space<vmem>>
      %dma_wait3A_183 = tpu.memref_squeeze %dma_wait3A_182 : memref<1x128xi32, #tpu.memory_space<vmem>> -> memref<128xi32, #tpu.memory_space<vmem>>
      %dma_wait3A_184 = arith.constant 0 : i32
      %dma_wait3A_185 = arith.constant 0 : i32
      %dma_wait3A_186 = tpu.memref_slice %arg2[%dma_wait3A_184, %dma_wait3A_185] : memref<10240x128xf32, #tpu.memory_space<hbm>> -> memref<10240x128xf32, #tpu.memory_space<hbm>>
      tpu.wait_indirect_dma semaphore(%arg11 : memref<!tpu.dma_semaphore, #tpu.memory_space<semaphore_mem>>) src(%dma_wait3A_186 : memref<10240x128xf32, #tpu.memory_space<hbm>>) dst(%dma_wait3A_180 : memref<128x128xf32, #tpu.memory_space<vmem>>)
      %dma_start3A_187 = arith.constant 1 : i32
      %dma_start3A_188 = arith.constant 0 : i32
      %dma_start3A_189 = arith.constant 0 : i32
      %dma_start3A_190 = tpu.memref_slice %arg8[%dma_start3A_187, %dma_start3A_188, %dma_start3A_189] : memref<2x128x128xf32, #tpu.memory_space<vmem>> -> memref<1x128x128xf32, #tpu.memory_space<vmem>>
      %dma_start3A_191 = tpu.memref_squeeze %dma_start3A_190 : memref<1x128x128xf32, #tpu.memory_space<vmem>> -> memref<128x128xf32, #tpu.memory_space<vmem>>
      %dma_start3A_192 = arith.constant 0 : i32
      %dma_start3A_193 = tpu.memref_slice %arg7[%add3A_163, %dma_start3A_192] : memref<40x128xi32, #tpu.memory_space<vmem>> -> memref<1x128xi32, #tpu.memory_space<vmem>>
      %dma_start3A_194 = tpu.memref_squeeze %dma_start3A_193 : memref<1x128xi32, #tpu.memory_space<vmem>> -> memref<128xi32, #tpu.memory_space<vmem>>
      %dma_start3A_195 = arith.constant 0 : i32
      %dma_start3A_196 = arith.constant 0 : i32
      %dma_start3A_197 = tpu.memref_slice %arg9[%dma_start3A_195, %dma_start3A_196] : memref<10240x128xf32, #tpu.memory_space<vmem_shared>> -> memref<10240x128xf32, #tpu.memory_space<vmem_shared>>
      tpu.enqueue_indirect_dma source(%dma_start3A_191 : memref<128x128xf32, #tpu.memory_space<vmem>>) target(%dma_start3A_197 : memref<10240x128xf32, #tpu.memory_space<vmem_shared>>) offsets(%dma_start3A_194 : memref<128xi32, #tpu.memory_space<vmem>>) semaphore(%arg13 : memref<!tpu.dma_semaphore, #tpu.memory_space<semaphore_mem>>) {add = true}
    }
    %scan3A_46 = arith.constant 20 : i32
    %dma_wait3A = arith.constant 1 : i32
    %dma_wait3A_47 = arith.constant 39 : i32
    %dma_wait3A_48 = arith.constant 0 : i32
    %dma_wait3A_49 = arith.constant 0 : i32
    %dma_wait3A_50 = tpu.memref_slice %arg8[%dma_wait3A, %dma_wait3A_48, %dma_wait3A_49] : memref<2x128x128xf32, #tpu.memory_space<vmem>> -> memref<1x128x128xf32, #tpu.memory_space<vmem>>
    %dma_wait3A_51 = tpu.memref_squeeze %dma_wait3A_50 : memref<1x128x128xf32, #tpu.memory_space<vmem>> -> memref<128x128xf32, #tpu.memory_space<vmem>>
    %dma_wait3A_52 = arith.constant 0 : i32
    %dma_wait3A_53 = tpu.memref_slice %arg7[%dma_wait3A_47, %dma_wait3A_52] : memref<40x128xi32, #tpu.memory_space<vmem>> -> memref<1x128xi32, #tpu.memory_space<vmem>>
    %dma_wait3A_54 = tpu.memref_squeeze %dma_wait3A_53 : memref<1x128xi32, #tpu.memory_space<vmem>> -> memref<128xi32, #tpu.memory_space<vmem>>
    %dma_wait3A_55 = arith.constant 0 : i32
    %dma_wait3A_56 = arith.constant 0 : i32
    %dma_wait3A_57 = tpu.memref_slice %arg9[%dma_wait3A_55, %dma_wait3A_56] : memref<10240x128xf32, #tpu.memory_space<vmem_shared>> -> memref<10240x128xf32, #tpu.memory_space<vmem_shared>>
    tpu.wait_indirect_dma semaphore(%arg13 : memref<!tpu.dma_semaphore, #tpu.memory_space<semaphore_mem>>) src(%dma_wait3A_51 : memref<128x128xf32, #tpu.memory_space<vmem>>) dst(%dma_wait3A_57 : memref<10240x128xf32, #tpu.memory_space<vmem_shared>>)
    %convert_element_type3A = arith.extui %eq3A_23 : i1 to i32
    %cond3A = arith.constant 0 : i32
    %cond3A_58 = arith.cmpi ne, %convert_element_type3A, %cond3A : i32
    scf.if %cond3A_58 {
      %add3A_123 = arith.constant 40 : i32
      %add3A_124 = arith.addi %select_n3A, %add3A_123 : i32
      "tpu.region"() ({
        %run_scoped3A_155 = tpu.sem_alloc : memref<!tpu.dma_semaphore, #tpu.memory_space<semaphore_mem>>
        %dma_start3A_156 = arith.constant 0 : i32
        %dma_start3A_157 = tpu.memref_slice %arg3[%add3A_124, %dma_start3A_156] : memref<2560x128xi32, #tpu.memory_space<hbm>> -> memref<40x128xi32, #tpu.memory_space<hbm>>
        %dma_start3A_158 = arith.constant 0 : i32
        %dma_start3A_159 = tpu.memref_slice %arg3[%add3A_124, %dma_start3A_158] : memref<2560x128xi32, #tpu.memory_space<hbm>> -> memref<40x128xi32, #tpu.memory_space<hbm>>
        tpu.enqueue_dma source(%dma_start3A_159 : memref<40x128xi32, #tpu.memory_space<hbm>>) target(%arg6 : memref<40x128xi32, #tpu.memory_space<vmem>>) target_semaphore(%run_scoped3A_155 : memref<!tpu.dma_semaphore, #tpu.memory_space<semaphore_mem>>)
        %dma_wait3A_160 = arith.constant 0 : i32
        %dma_wait3A_161 = tpu.memref_slice %arg3[%add3A_124, %dma_wait3A_160] : memref<2560x128xi32, #tpu.memory_space<hbm>> -> memref<40x128xi32, #tpu.memory_space<hbm>>
        %dma_wait3A_162 = arith.constant 0 : i32
        %dma_wait3A_163 = tpu.memref_slice %arg3[%add3A_124, %dma_wait3A_162] : memref<2560x128xi32, #tpu.memory_space<hbm>> -> memref<40x128xi32, #tpu.memory_space<hbm>>
        tpu.wait_dma2 semaphore(%run_scoped3A_155 : memref<!tpu.dma_semaphore, #tpu.memory_space<semaphore_mem>>) src(%dma_wait3A_163 : memref<40x128xi32, #tpu.memory_space<hbm>>) dst(%arg6 : memref<40x128xi32, #tpu.memory_space<vmem>>)
        tpu.yield
      }) : () -> ()
      "tpu.region"() ({
        %run_scoped3A_155 = tpu.sem_alloc : memref<!tpu.dma_semaphore, #tpu.memory_space<semaphore_mem>>
        %dma_start3A_156 = arith.constant 0 : i32
        %dma_start3A_157 = tpu.memref_slice %arg4[%add3A_124, %dma_start3A_156] : memref<2560x128xi32, #tpu.memory_space<hbm>> -> memref<40x128xi32, #tpu.memory_space<hbm>>
        %dma_start3A_158 = arith.constant 0 : i32
        %dma_start3A_159 = tpu.memref_slice %arg4[%add3A_124, %dma_start3A_158] : memref<2560x128xi32, #tpu.memory_space<hbm>> -> memref<40x128xi32, #tpu.memory_space<hbm>>
        tpu.enqueue_dma source(%dma_start3A_159 : memref<40x128xi32, #tpu.memory_space<hbm>>) target(%arg7 : memref<40x128xi32, #tpu.memory_space<vmem>>) target_semaphore(%run_scoped3A_155 : memref<!tpu.dma_semaphore, #tpu.memory_space<semaphore_mem>>)
        %dma_wait3A_160 = arith.constant 0 : i32
        %dma_wait3A_161 = tpu.memref_slice %arg4[%add3A_124, %dma_wait3A_160] : memref<2560x128xi32, #tpu.memory_space<hbm>> -> memref<40x128xi32, #tpu.memory_space<hbm>>
        %dma_wait3A_162 = arith.constant 0 : i32
        %dma_wait3A_163 = tpu.memref_slice %arg4[%add3A_124, %dma_wait3A_162] : memref<2560x128xi32, #tpu.memory_space<hbm>> -> memref<40x128xi32, #tpu.memory_space<hbm>>
        tpu.wait_dma2 semaphore(%run_scoped3A_155 : memref<!tpu.dma_semaphore, #tpu.memory_space<semaphore_mem>>) src(%dma_wait3A_163 : memref<40x128xi32, #tpu.memory_space<hbm>>) dst(%arg7 : memref<40x128xi32, #tpu.memory_space<vmem>>)
        tpu.yield
      }) : () -> ()
      %dma_start3A_125 = arith.constant 0 : i32
      %dma_start3A_126 = arith.constant 0 : i32
      %dma_start3A_127 = arith.constant 0 : i32
      %dma_start3A_128 = arith.constant 0 : i32
      %dma_start3A_129 = tpu.memref_slice %arg8[%dma_start3A_126, %dma_start3A_127, %dma_start3A_128] : memref<2x128x128xf32, #tpu.memory_space<vmem>> -> memref<1x128x128xf32, #tpu.memory_space<vmem>>
      %dma_start3A_130 = tpu.memref_squeeze %dma_start3A_129 : memref<1x128x128xf32, #tpu.memory_space<vmem>> -> memref<128x128xf32, #tpu.memory_space<vmem>>
      %dma_start3A_131 = arith.constant 0 : i32
      %dma_start3A_132 = tpu.memref_slice %arg6[%dma_start3A_125, %dma_start3A_131] : memref<40x128xi32, #tpu.memory_space<vmem>> -> memref<1x128xi32, #tpu.memory_space<vmem>>
      %dma_start3A_133 = tpu.memref_squeeze %dma_start3A_132 : memref<1x128xi32, #tpu.memory_space<vmem>> -> memref<128xi32, #tpu.memory_space<vmem>>
      %dma_start3A_134 = arith.constant 0 : i32
      %dma_start3A_135 = arith.constant 0 : i32
      %dma_start3A_136 = tpu.memref_slice %arg2[%dma_start3A_134, %dma_start3A_135] : memref<10240x128xf32, #tpu.memory_space<hbm>> -> memref<10240x128xf32, #tpu.memory_space<hbm>>
      tpu.enqueue_indirect_dma source(%dma_start3A_136 : memref<10240x128xf32, #tpu.memory_space<hbm>>) target(%dma_start3A_130 : memref<128x128xf32, #tpu.memory_space<vmem>>) offsets(%dma_start3A_133 : memref<128xi32, #tpu.memory_space<vmem>>) semaphore(%arg10 : memref<!tpu.dma_semaphore, #tpu.memory_space<semaphore_mem>>)
      %scan3A_137 = arith.constant 0 : i32
      %scan3A_138 = arith.constant 0 : i32
      %scan3A_139 = arith.constant 20 : i32
      %scan3A_140 = arith.addi %scan3A_138, %scan3A_139 : i32
      %scan3A_141 = arith.constant 1 : i32
      scf.for %scan3A_155 = %scan3A_138 to %scan3A_140 step %scan3A_141  : i32 {
        %mul3A_156 = arith.constant 2 : i32
        %mul3A_157 = arith.muli %mul3A_156, %scan3A_155 : i32
        %add3A_158 = arith.constant 0 : i32
        %add3A_159 = arith.addi %mul3A_157, %add3A_158 : i32
        %ge3A = arith.constant 1 : i32
        %ge3A_160 = arith.cmpi sge, %add3A_159, %ge3A : i32
        %convert_element_type3A_161 = arith.extui %ge3A_160 : i1 to i32
        %cond3A_162 = arith.constant 0 : i32
        %cond3A_163 = arith.cmpi ne, %convert_element_type3A_161, %cond3A_162 : i32
        scf.if %cond3A_163 {
          %sub3A = arith.constant 1 : i32
          %sub3A_230 = arith.subi %add3A_159, %sub3A : i32
          %dma_wait3A_231 = arith.constant 1 : i32
          %dma_wait3A_232 = arith.constant 0 : i32
          %dma_wait3A_233 = arith.constant 0 : i32
          %dma_wait3A_234 = tpu.memref_slice %arg8[%dma_wait3A_231, %dma_wait3A_232, %dma_wait3A_233] : memref<2x128x128xf32, #tpu.memory_space<vmem>> -> memref<1x128x128xf32, #tpu.memory_space<vmem>>
          %dma_wait3A_235 = tpu.memref_squeeze %dma_wait3A_234 : memref<1x128x128xf32, #tpu.memory_space<vmem>> -> memref<128x128xf32, #tpu.memory_space<vmem>>
          %dma_wait3A_236 = arith.constant 0 : i32
          %dma_wait3A_237 = tpu.memref_slice %arg7[%sub3A_230, %dma_wait3A_236] : memref<40x128xi32, #tpu.memory_space<vmem>> -> memref<1x128xi32, #tpu.memory_space<vmem>>
          %dma_wait3A_238 = tpu.memref_squeeze %dma_wait3A_237 : memref<1x128xi32, #tpu.memory_space<vmem>> -> memref<128xi32, #tpu.memory_space<vmem>>
          %dma_wait3A_239 = arith.constant 0 : i32
          %dma_wait3A_240 = arith.constant 0 : i32
          %dma_wait3A_241 = tpu.memref_slice %arg9[%dma_wait3A_239, %dma_wait3A_240] : memref<10240x128xf32, #tpu.memory_space<vmem_shared>> -> memref<10240x128xf32, #tpu.memory_space<vmem_shared>>
          tpu.wait_indirect_dma semaphore(%arg13 : memref<!tpu.dma_semaphore, #tpu.memory_space<semaphore_mem>>) src(%dma_wait3A_235 : memref<128x128xf32, #tpu.memory_space<vmem>>) dst(%dma_wait3A_241 : memref<10240x128xf32, #tpu.memory_space<vmem_shared>>)
        } else {
        }
        %add3A_164 = arith.constant 1 : i32
        %add3A_165 = arith.addi %add3A_159, %add3A_164 : i32
        %lt3A = arith.constant 40 : i32
        %lt3A_166 = arith.cmpi slt, %add3A_165, %lt3A : i32
        %convert_element_type3A_167 = arith.extui %lt3A_166 : i1 to i32
        %cond3A_168 = arith.constant 0 : i32
        %cond3A_169 = arith.cmpi ne, %convert_element_type3A_167, %cond3A_168 : i32
        scf.if %cond3A_169 {
          %add3A_230 = arith.constant 1 : i32
          %add3A_231 = arith.addi %add3A_159, %add3A_230 : i32
          %dma_start3A_232 = arith.constant 1 : i32
          %dma_start3A_233 = arith.constant 0 : i32
          %dma_start3A_234 = arith.constant 0 : i32
          %dma_start3A_235 = tpu.memref_slice %arg8[%dma_start3A_232, %dma_start3A_233, %dma_start3A_234] : memref<2x128x128xf32, #tpu.memory_space<vmem>> -> memref<1x128x128xf32, #tpu.memory_space<vmem>>
          %dma_start3A_236 = tpu.memref_squeeze %dma_start3A_235 : memref<1x128x128xf32, #tpu.memory_space<vmem>> -> memref<128x128xf32, #tpu.memory_space<vmem>>
          %dma_start3A_237 = arith.constant 0 : i32
          %dma_start3A_238 = tpu.memref_slice %arg6[%add3A_231, %dma_start3A_237] : memref<40x128xi32, #tpu.memory_space<vmem>> -> memref<1x128xi32, #tpu.memory_space<vmem>>
          %dma_start3A_239 = tpu.memref_squeeze %dma_start3A_238 : memref<1x128xi32, #tpu.memory_space<vmem>> -> memref<128xi32, #tpu.memory_space<vmem>>
          %dma_start3A_240 = arith.constant 0 : i32
          %dma_start3A_241 = arith.constant 0 : i32
          %dma_start3A_242 = tpu.memref_slice %arg2[%dma_start3A_240, %dma_start3A_241] : memref<10240x128xf32, #tpu.memory_space<hbm>> -> memref<10240x128xf32, #tpu.memory_space<hbm>>
          tpu.enqueue_indirect_dma source(%dma_start3A_242 : memref<10240x128xf32, #tpu.memory_space<hbm>>) target(%dma_start3A_236 : memref<128x128xf32, #tpu.memory_space<vmem>>) offsets(%dma_start3A_239 : memref<128xi32, #tpu.memory_space<vmem>>) semaphore(%arg11 : memref<!tpu.dma_semaphore, #tpu.memory_space<semaphore_mem>>)
        } else {
        }
        %dma_wait3A_170 = arith.constant 0 : i32
        %dma_wait3A_171 = arith.constant 0 : i32
        %dma_wait3A_172 = arith.constant 0 : i32
        %dma_wait3A_173 = tpu.memref_slice %arg8[%dma_wait3A_170, %dma_wait3A_171, %dma_wait3A_172] : memref<2x128x128xf32, #tpu.memory_space<vmem>> -> memref<1x128x128xf32, #tpu.memory_space<vmem>>
        %dma_wait3A_174 = tpu.memref_squeeze %dma_wait3A_173 : memref<1x128x128xf32, #tpu.memory_space<vmem>> -> memref<128x128xf32, #tpu.memory_space<vmem>>
        %dma_wait3A_175 = arith.constant 0 : i32
        %dma_wait3A_176 = tpu.memref_slice %arg6[%add3A_159, %dma_wait3A_175] : memref<40x128xi32, #tpu.memory_space<vmem>> -> memref<1x128xi32, #tpu.memory_space<vmem>>
        %dma_wait3A_177 = tpu.memref_squeeze %dma_wait3A_176 : memref<1x128xi32, #tpu.memory_space<vmem>> -> memref<128xi32, #tpu.memory_space<vmem>>
        %dma_wait3A_178 = arith.constant 0 : i32
        %dma_wait3A_179 = arith.constant 0 : i32
        %dma_wait3A_180 = tpu.memref_slice %arg2[%dma_wait3A_178, %dma_wait3A_179] : memref<10240x128xf32, #tpu.memory_space<hbm>> -> memref<10240x128xf32, #tpu.memory_space<hbm>>
        tpu.wait_indirect_dma semaphore(%arg10 : memref<!tpu.dma_semaphore, #tpu.memory_space<semaphore_mem>>) src(%dma_wait3A_180 : memref<10240x128xf32, #tpu.memory_space<hbm>>) dst(%dma_wait3A_174 : memref<128x128xf32, #tpu.memory_space<vmem>>)
        %dma_start3A_181 = arith.constant 0 : i32
        %dma_start3A_182 = arith.constant 0 : i32
        %dma_start3A_183 = arith.constant 0 : i32
        %dma_start3A_184 = tpu.memref_slice %arg8[%dma_start3A_181, %dma_start3A_182, %dma_start3A_183] : memref<2x128x128xf32, #tpu.memory_space<vmem>> -> memref<1x128x128xf32, #tpu.memory_space<vmem>>
        %dma_start3A_185 = tpu.memref_squeeze %dma_start3A_184 : memref<1x128x128xf32, #tpu.memory_space<vmem>> -> memref<128x128xf32, #tpu.memory_space<vmem>>
        %dma_start3A_186 = arith.constant 0 : i32
        %dma_start3A_187 = tpu.memref_slice %arg7[%add3A_159, %dma_start3A_186] : memref<40x128xi32, #tpu.memory_space<vmem>> -> memref<1x128xi32, #tpu.memory_space<vmem>>
        %dma_start3A_188 = tpu.memref_squeeze %dma_start3A_187 : memref<1x128xi32, #tpu.memory_space<vmem>> -> memref<128xi32, #tpu.memory_space<vmem>>
        %dma_start3A_189 = arith.constant 0 : i32
        %dma_start3A_190 = arith.constant 0 : i32
        %dma_start3A_191 = tpu.memref_slice %arg9[%dma_start3A_189, %dma_start3A_190] : memref<10240x128xf32, #tpu.memory_space<vmem_shared>> -> memref<10240x128xf32, #tpu.memory_space<vmem_shared>>
        tpu.enqueue_indirect_dma source(%dma_start3A_185 : memref<128x128xf32, #tpu.memory_space<vmem>>) target(%dma_start3A_191 : memref<10240x128xf32, #tpu.memory_space<vmem_shared>>) offsets(%dma_start3A_188 : memref<128xi32, #tpu.memory_space<vmem>>) semaphore(%arg12 : memref<!tpu.dma_semaphore, #tpu.memory_space<semaphore_mem>>) {add = true}
        %mul3A_192 = arith.constant 2 : i32
        %mul3A_193 = arith.muli %mul3A_192, %scan3A_155 : i32
        %add3A_194 = arith.constant 1 : i32
        %add3A_195 = arith.addi %mul3A_193, %add3A_194 : i32
        %ge3A_196 = arith.constant 1 : i32
        %ge3A_197 = arith.cmpi sge, %add3A_195, %ge3A_196 : i32
        %convert_element_type3A_198 = arith.extui %ge3A_197 : i1 to i32
        %cond3A_199 = arith.constant 0 : i32
        %cond3A_200 = arith.cmpi ne, %convert_element_type3A_198, %cond3A_199 : i32
        scf.if %cond3A_200 {
          %sub3A = arith.constant 1 : i32
          %sub3A_230 = arith.subi %add3A_195, %sub3A : i32
          %dma_wait3A_231 = arith.constant 0 : i32
          %dma_wait3A_232 = arith.constant 0 : i32
          %dma_wait3A_233 = arith.constant 0 : i32
          %dma_wait3A_234 = tpu.memref_slice %arg8[%dma_wait3A_231, %dma_wait3A_232, %dma_wait3A_233] : memref<2x128x128xf32, #tpu.memory_space<vmem>> -> memref<1x128x128xf32, #tpu.memory_space<vmem>>
          %dma_wait3A_235 = tpu.memref_squeeze %dma_wait3A_234 : memref<1x128x128xf32, #tpu.memory_space<vmem>> -> memref<128x128xf32, #tpu.memory_space<vmem>>
          %dma_wait3A_236 = arith.constant 0 : i32
          %dma_wait3A_237 = tpu.memref_slice %arg7[%sub3A_230, %dma_wait3A_236] : memref<40x128xi32, #tpu.memory_space<vmem>> -> memref<1x128xi32, #tpu.memory_space<vmem>>
          %dma_wait3A_238 = tpu.memref_squeeze %dma_wait3A_237 : memref<1x128xi32, #tpu.memory_space<vmem>> -> memref<128xi32, #tpu.memory_space<vmem>>
          %dma_wait3A_239 = arith.constant 0 : i32
          %dma_wait3A_240 = arith.constant 0 : i32
          %dma_wait3A_241 = tpu.memref_slice %arg9[%dma_wait3A_239, %dma_wait3A_240] : memref<10240x128xf32, #tpu.memory_space<vmem_shared>> -> memref<10240x128xf32, #tpu.memory_space<vmem_shared>>
          tpu.wait_indirect_dma semaphore(%arg12 : memref<!tpu.dma_semaphore, #tpu.memory_space<semaphore_mem>>) src(%dma_wait3A_235 : memref<128x128xf32, #tpu.memory_space<vmem>>) dst(%dma_wait3A_241 : memref<10240x128xf32, #tpu.memory_space<vmem_shared>>)
        } else {
        }
        %add3A_201 = arith.constant 1 : i32
        %add3A_202 = arith.addi %add3A_195, %add3A_201 : i32
        %lt3A_203 = arith.constant 40 : i32
        %lt3A_204 = arith.cmpi slt, %add3A_202, %lt3A_203 : i32
        %convert_element_type3A_205 = arith.extui %lt3A_204 : i1 to i32
        %cond3A_206 = arith.constant 0 : i32
        %cond3A_207 = arith.cmpi ne, %convert_element_type3A_205, %cond3A_206 : i32
        scf.if %cond3A_207 {
          %add3A_230 = arith.constant 1 : i32
          %add3A_231 = arith.addi %add3A_195, %add3A_230 : i32
          %dma_start3A_232 = arith.constant 0 : i32
          %dma_start3A_233 = arith.constant 0 : i32
          %dma_start3A_234 = arith.constant 0 : i32
          %dma_start3A_235 = tpu.memref_slice %arg8[%dma_start3A_232, %dma_start3A_233, %dma_start3A_234] : memref<2x128x128xf32, #tpu.memory_space<vmem>> -> memref<1x128x128xf32, #tpu.memory_space<vmem>>
          %dma_start3A_236 = tpu.memref_squeeze %dma_start3A_235 : memref<1x128x128xf32, #tpu.memory_space<vmem>> -> memref<128x128xf32, #tpu.memory_space<vmem>>
          %dma_start3A_237 = arith.constant 0 : i32
          %dma_start3A_238 = tpu.memref_slice %arg6[%add3A_231, %dma_start3A_237] : memref<40x128xi32, #tpu.memory_space<vmem>> -> memref<1x128xi32, #tpu.memory_space<vmem>>
          %dma_start3A_239 = tpu.memref_squeeze %dma_start3A_238 : memref<1x128xi32, #tpu.memory_space<vmem>> -> memref<128xi32, #tpu.memory_space<vmem>>
          %dma_start3A_240 = arith.constant 0 : i32
          %dma_start3A_241 = arith.constant 0 : i32
          %dma_start3A_242 = tpu.memref_slice %arg2[%dma_start3A_240, %dma_start3A_241] : memref<10240x128xf32, #tpu.memory_space<hbm>> -> memref<10240x128xf32, #tpu.memory_space<hbm>>
          tpu.enqueue_indirect_dma source(%dma_start3A_242 : memref<10240x128xf32, #tpu.memory_space<hbm>>) target(%dma_start3A_236 : memref<128x128xf32, #tpu.memory_space<vmem>>) offsets(%dma_start3A_239 : memref<128xi32, #tpu.memory_space<vmem>>) semaphore(%arg10 : memref<!tpu.dma_semaphore, #tpu.memory_space<semaphore_mem>>)
        } else {
        }
        %dma_wait3A_208 = arith.constant 1 : i32
        %dma_wait3A_209 = arith.constant 0 : i32
        %dma_wait3A_210 = arith.constant 0 : i32
        %dma_wait3A_211 = tpu.memref_slice %arg8[%dma_wait3A_208, %dma_wait3A_209, %dma_wait3A_210] : memref<2x128x128xf32, #tpu.memory_space<vmem>> -> memref<1x128x128xf32, #tpu.memory_space<vmem>>
        %dma_wait3A_212 = tpu.memref_squeeze %dma_wait3A_211 : memref<1x128x128xf32, #tpu.memory_space<vmem>> -> memref<128x128xf32, #tpu.memory_space<vmem>>
        %dma_wait3A_213 = arith.constant 0 : i32
        %dma_wait3A_214 = tpu.memref_slice %arg6[%add3A_195, %dma_wait3A_213] : memref<40x128xi32, #tpu.memory_space<vmem>> -> memref<1x128xi32, #tpu.memory_space<vmem>>
        %dma_wait3A_215 = tpu.memref_squeeze %dma_wait3A_214 : memref<1x128xi32, #tpu.memory_space<vmem>> -> memref<128xi32, #tpu.memory_space<vmem>>
        %dma_wait3A_216 = arith.constant 0 : i32
        %dma_wait3A_217 = arith.constant 0 : i32
        %dma_wait3A_218 = tpu.memref_slice %arg2[%dma_wait3A_216, %dma_wait3A_217] : memref<10240x128xf32, #tpu.memory_space<hbm>> -> memref<10240x128xf32, #tpu.memory_space<hbm>>
        tpu.wait_indirect_dma semaphore(%arg11 : memref<!tpu.dma_semaphore, #tpu.memory_space<semaphore_mem>>) src(%dma_wait3A_218 : memref<10240x128xf32, #tpu.memory_space<hbm>>) dst(%dma_wait3A_212 : memref<128x128xf32, #tpu.memory_space<vmem>>)
        %dma_start3A_219 = arith.constant 1 : i32
        %dma_start3A_220 = arith.constant 0 : i32
        %dma_start3A_221 = arith.constant 0 : i32
        %dma_start3A_222 = tpu.memref_slice %arg8[%dma_start3A_219, %dma_start3A_220, %dma_start3A_221] : memref<2x128x128xf32, #tpu.memory_space<vmem>> -> memref<1x128x128xf32, #tpu.memory_space<vmem>>
        %dma_start3A_223 = tpu.memref_squeeze %dma_start3A_222 : memref<1x128x128xf32, #tpu.memory_space<vmem>> -> memref<128x128xf32, #tpu.memory_space<vmem>>
        %dma_start3A_224 = arith.constant 0 : i32
        %dma_start3A_225 = tpu.memref_slice %arg7[%add3A_195, %dma_start3A_224] : memref<40x128xi32, #tpu.memory_space<vmem>> -> memref<1x128xi32, #tpu.memory_space<vmem>>
        %dma_start3A_226 = tpu.memref_squeeze %dma_start3A_225 : memref<1x128xi32, #tpu.memory_space<vmem>> -> memref<128xi32, #tpu.memory_space<vmem>>
        %dma_start3A_227 = arith.constant 0 : i32
        %dma_start3A_228 = arith.constant 0 : i32
        %dma_start3A_229 = tpu.memref_slice %arg9[%dma_start3A_227, %dma_start3A_228] : memref<10240x128xf32, #tpu.memory_space<vmem_shared>> -> memref<10240x128xf32, #tpu.memory_space<vmem_shared>>
        tpu.enqueue_indirect_dma source(%dma_start3A_223 : memref<128x128xf32, #tpu.memory_space<vmem>>) target(%dma_start3A_229 : memref<10240x128xf32, #tpu.memory_space<vmem_shared>>) offsets(%dma_start3A_226 : memref<128xi32, #tpu.memory_space<vmem>>) semaphore(%arg13 : memref<!tpu.dma_semaphore, #tpu.memory_space<semaphore_mem>>) {add = true}
      }
      %scan3A_142 = arith.constant 20 : i32
      %dma_wait3A_143 = arith.constant 1 : i32
      %dma_wait3A_144 = arith.constant 39 : i32
      %dma_wait3A_145 = arith.constant 0 : i32
      %dma_wait3A_146 = arith.constant 0 : i32
      %dma_wait3A_147 = tpu.memref_slice %arg8[%dma_wait3A_143, %dma_wait3A_145, %dma_wait3A_146] : memref<2x128x128xf32, #tpu.memory_space<vmem>> -> memref<1x128x128xf32, #tpu.memory_space<vmem>>
      %dma_wait3A_148 = tpu.memref_squeeze %dma_wait3A_147 : memref<1x128x128xf32, #tpu.memory_space<vmem>> -> memref<128x128xf32, #tpu.memory_space<vmem>>
      %dma_wait3A_149 = arith.constant 0 : i32
      %dma_wait3A_150 = tpu.memref_slice %arg7[%dma_wait3A_144, %dma_wait3A_149] : memref<40x128xi32, #tpu.memory_space<vmem>> -> memref<1x128xi32, #tpu.memory_space<vmem>>
      %dma_wait3A_151 = tpu.memref_squeeze %dma_wait3A_150 : memref<1x128xi32, #tpu.memory_space<vmem>> -> memref<128xi32, #tpu.memory_space<vmem>>
      %dma_wait3A_152 = arith.constant 0 : i32
      %dma_wait3A_153 = arith.constant 0 : i32
      %dma_wait3A_154 = tpu.memref_slice %arg9[%dma_wait3A_152, %dma_wait3A_153] : memref<10240x128xf32, #tpu.memory_space<vmem_shared>> -> memref<10240x128xf32, #tpu.memory_space<vmem_shared>>
      tpu.wait_indirect_dma semaphore(%arg13 : memref<!tpu.dma_semaphore, #tpu.memory_space<semaphore_mem>>) src(%dma_wait3A_148 : memref<128x128xf32, #tpu.memory_space<vmem>>) dst(%dma_wait3A_154 : memref<10240x128xf32, #tpu.memory_space<vmem_shared>>)
    } else {
    }
    %convert_element_type3A_59 = arith.extui %eq3A_23 : i1 to i32
    %cond3A_60 = arith.constant 0 : i32
    %cond3A_61 = arith.cmpi ne, %convert_element_type3A_59, %cond3A_60 : i32
    scf.if %cond3A_61 {
      %add3A_123 = arith.constant 80 : i32
      %add3A_124 = arith.addi %select_n3A, %add3A_123 : i32
      "tpu.region"() ({
        %run_scoped3A_155 = tpu.sem_alloc : memref<!tpu.dma_semaphore, #tpu.memory_space<semaphore_mem>>
        %dma_start3A_156 = arith.constant 0 : i32
        %dma_start3A_157 = tpu.memref_slice %arg3[%add3A_124, %dma_start3A_156] : memref<2560x128xi32, #tpu.memory_space<hbm>> -> memref<40x128xi32, #tpu.memory_space<hbm>>
        %dma_start3A_158 = arith.constant 0 : i32
        %dma_start3A_159 = tpu.memref_slice %arg3[%add3A_124, %dma_start3A_158] : memref<2560x128xi32, #tpu.memory_space<hbm>> -> memref<40x128xi32, #tpu.memory_space<hbm>>
        tpu.enqueue_dma source(%dma_start3A_159 : memref<40x128xi32, #tpu.memory_space<hbm>>) target(%arg6 : memref<40x128xi32, #tpu.memory_space<vmem>>) target_semaphore(%run_scoped3A_155 : memref<!tpu.dma_semaphore, #tpu.memory_space<semaphore_mem>>)
        %dma_wait3A_160 = arith.constant 0 : i32
        %dma_wait3A_161 = tpu.memref_slice %arg3[%add3A_124, %dma_wait3A_160] : memref<2560x128xi32, #tpu.memory_space<hbm>> -> memref<40x128xi32, #tpu.memory_space<hbm>>
        %dma_wait3A_162 = arith.constant 0 : i32
        %dma_wait3A_163 = tpu.memref_slice %arg3[%add3A_124, %dma_wait3A_162] : memref<2560x128xi32, #tpu.memory_space<hbm>> -> memref<40x128xi32, #tpu.memory_space<hbm>>
        tpu.wait_dma2 semaphore(%run_scoped3A_155 : memref<!tpu.dma_semaphore, #tpu.memory_space<semaphore_mem>>) src(%dma_wait3A_163 : memref<40x128xi32, #tpu.memory_space<hbm>>) dst(%arg6 : memref<40x128xi32, #tpu.memory_space<vmem>>)
        tpu.yield
      }) : () -> ()
      "tpu.region"() ({
        %run_scoped3A_155 = tpu.sem_alloc : memref<!tpu.dma_semaphore, #tpu.memory_space<semaphore_mem>>
        %dma_start3A_156 = arith.constant 0 : i32
        %dma_start3A_157 = tpu.memref_slice %arg4[%add3A_124, %dma_start3A_156] : memref<2560x128xi32, #tpu.memory_space<hbm>> -> memref<40x128xi32, #tpu.memory_space<hbm>>
        %dma_start3A_158 = arith.constant 0 : i32
        %dma_start3A_159 = tpu.memref_slice %arg4[%add3A_124, %dma_start3A_158] : memref<2560x128xi32, #tpu.memory_space<hbm>> -> memref<40x128xi32, #tpu.memory_space<hbm>>
        tpu.enqueue_dma source(%dma_start3A_159 : memref<40x128xi32, #tpu.memory_space<hbm>>) target(%arg7 : memref<40x128xi32, #tpu.memory_space<vmem>>) target_semaphore(%run_scoped3A_155 : memref<!tpu.dma_semaphore, #tpu.memory_space<semaphore_mem>>)
        %dma_wait3A_160 = arith.constant 0 : i32
        %dma_wait3A_161 = tpu.memref_slice %arg4[%add3A_124, %dma_wait3A_160] : memref<2560x128xi32, #tpu.memory_space<hbm>> -> memref<40x128xi32, #tpu.memory_space<hbm>>
        %dma_wait3A_162 = arith.constant 0 : i32
        %dma_wait3A_163 = tpu.memref_slice %arg4[%add3A_124, %dma_wait3A_162] : memref<2560x128xi32, #tpu.memory_space<hbm>> -> memref<40x128xi32, #tpu.memory_space<hbm>>
        tpu.wait_dma2 semaphore(%run_scoped3A_155 : memref<!tpu.dma_semaphore, #tpu.memory_space<semaphore_mem>>) src(%dma_wait3A_163 : memref<40x128xi32, #tpu.memory_space<hbm>>) dst(%arg7 : memref<40x128xi32, #tpu.memory_space<vmem>>)
        tpu.yield
      }) : () -> ()
      %dma_start3A_125 = arith.constant 0 : i32
      %dma_start3A_126 = arith.constant 0 : i32
      %dma_start3A_127 = arith.constant 0 : i32
      %dma_start3A_128 = arith.constant 0 : i32
      %dma_start3A_129 = tpu.memref_slice %arg8[%dma_start3A_126, %dma_start3A_127, %dma_start3A_128] : memref<2x128x128xf32, #tpu.memory_space<vmem>> -> memref<1x128x128xf32, #tpu.memory_space<vmem>>
      %dma_start3A_130 = tpu.memref_squeeze %dma_start3A_129 : memref<1x128x128xf32, #tpu.memory_space<vmem>> -> memref<128x128xf32, #tpu.memory_space<vmem>>
      %dma_start3A_131 = arith.constant 0 : i32
      %dma_start3A_132 = tpu.memref_slice %arg6[%dma_start3A_125, %dma_start3A_131] : memref<40x128xi32, #tpu.memory_space<vmem>> -> memref<1x128xi32, #tpu.memory_space<vmem>>
      %dma_start3A_133 = tpu.memref_squeeze %dma_start3A_132 : memref<1x128xi32, #tpu.memory_space<vmem>> -> memref<128xi32, #tpu.memory_space<vmem>>
      %dma_start3A_134 = arith.constant 0 : i32
      %dma_start3A_135 = arith.constant 0 : i32
      %dma_start3A_136 = tpu.memref_slice %arg2[%dma_start3A_134, %dma_start3A_135] : memref<10240x128xf32, #tpu.memory_space<hbm>> -> memref<10240x128xf32, #tpu.memory_space<hbm>>
      tpu.enqueue_indirect_dma source(%dma_start3A_136 : memref<10240x128xf32, #tpu.memory_space<hbm>>) target(%dma_start3A_130 : memref<128x128xf32, #tpu.memory_space<vmem>>) offsets(%dma_start3A_133 : memref<128xi32, #tpu.memory_space<vmem>>) semaphore(%arg10 : memref<!tpu.dma_semaphore, #tpu.memory_space<semaphore_mem>>)
      %scan3A_137 = arith.constant 0 : i32
      %scan3A_138 = arith.constant 0 : i32
      %scan3A_139 = arith.constant 20 : i32
      %scan3A_140 = arith.addi %scan3A_138, %scan3A_139 : i32
      %scan3A_141 = arith.constant 1 : i32
      scf.for %scan3A_155 = %scan3A_138 to %scan3A_140 step %scan3A_141  : i32 {
        %mul3A_156 = arith.constant 2 : i32
        %mul3A_157 = arith.muli %mul3A_156, %scan3A_155 : i32
        %add3A_158 = arith.constant 0 : i32
        %add3A_159 = arith.addi %mul3A_157, %add3A_158 : i32
        %ge3A = arith.constant 1 : i32
        %ge3A_160 = arith.cmpi sge, %add3A_159, %ge3A : i32
        %convert_element_type3A_161 = arith.extui %ge3A_160 : i1 to i32
        %cond3A_162 = arith.constant 0 : i32
        %cond3A_163 = arith.cmpi ne, %convert_element_type3A_161, %cond3A_162 : i32
        scf.if %cond3A_163 {
          %sub3A = arith.constant 1 : i32
          %sub3A_230 = arith.subi %add3A_159, %sub3A : i32
          %dma_wait3A_231 = arith.constant 1 : i32
          %dma_wait3A_232 = arith.constant 0 : i32
          %dma_wait3A_233 = arith.constant 0 : i32
          %dma_wait3A_234 = tpu.memref_slice %arg8[%dma_wait3A_231, %dma_wait3A_232, %dma_wait3A_233] : memref<2x128x128xf32, #tpu.memory_space<vmem>> -> memref<1x128x128xf32, #tpu.memory_space<vmem>>
          %dma_wait3A_235 = tpu.memref_squeeze %dma_wait3A_234 : memref<1x128x128xf32, #tpu.memory_space<vmem>> -> memref<128x128xf32, #tpu.memory_space<vmem>>
          %dma_wait3A_236 = arith.constant 0 : i32
          %dma_wait3A_237 = tpu.memref_slice %arg7[%sub3A_230, %dma_wait3A_236] : memref<40x128xi32, #tpu.memory_space<vmem>> -> memref<1x128xi32, #tpu.memory_space<vmem>>
          %dma_wait3A_238 = tpu.memref_squeeze %dma_wait3A_237 : memref<1x128xi32, #tpu.memory_space<vmem>> -> memref<128xi32, #tpu.memory_space<vmem>>
          %dma_wait3A_239 = arith.constant 0 : i32
          %dma_wait3A_240 = arith.constant 0 : i32
          %dma_wait3A_241 = tpu.memref_slice %arg9[%dma_wait3A_239, %dma_wait3A_240] : memref<10240x128xf32, #tpu.memory_space<vmem_shared>> -> memref<10240x128xf32, #tpu.memory_space<vmem_shared>>
          tpu.wait_indirect_dma semaphore(%arg13 : memref<!tpu.dma_semaphore, #tpu.memory_space<semaphore_mem>>) src(%dma_wait3A_235 : memref<128x128xf32, #tpu.memory_space<vmem>>) dst(%dma_wait3A_241 : memref<10240x128xf32, #tpu.memory_space<vmem_shared>>)
        } else {
        }
        %add3A_164 = arith.constant 1 : i32
        %add3A_165 = arith.addi %add3A_159, %add3A_164 : i32
        %lt3A = arith.constant 40 : i32
        %lt3A_166 = arith.cmpi slt, %add3A_165, %lt3A : i32
        %convert_element_type3A_167 = arith.extui %lt3A_166 : i1 to i32
        %cond3A_168 = arith.constant 0 : i32
        %cond3A_169 = arith.cmpi ne, %convert_element_type3A_167, %cond3A_168 : i32
        scf.if %cond3A_169 {
          %add3A_230 = arith.constant 1 : i32
          %add3A_231 = arith.addi %add3A_159, %add3A_230 : i32
          %dma_start3A_232 = arith.constant 1 : i32
          %dma_start3A_233 = arith.constant 0 : i32
          %dma_start3A_234 = arith.constant 0 : i32
          %dma_start3A_235 = tpu.memref_slice %arg8[%dma_start3A_232, %dma_start3A_233, %dma_start3A_234] : memref<2x128x128xf32, #tpu.memory_space<vmem>> -> memref<1x128x128xf32, #tpu.memory_space<vmem>>
          %dma_start3A_236 = tpu.memref_squeeze %dma_start3A_235 : memref<1x128x128xf32, #tpu.memory_space<vmem>> -> memref<128x128xf32, #tpu.memory_space<vmem>>
          %dma_start3A_237 = arith.constant 0 : i32
          %dma_start3A_238 = tpu.memref_slice %arg6[%add3A_231, %dma_start3A_237] : memref<40x128xi32, #tpu.memory_space<vmem>> -> memref<1x128xi32, #tpu.memory_space<vmem>>
          %dma_start3A_239 = tpu.memref_squeeze %dma_start3A_238 : memref<1x128xi32, #tpu.memory_space<vmem>> -> memref<128xi32, #tpu.memory_space<vmem>>
          %dma_start3A_240 = arith.constant 0 : i32
          %dma_start3A_241 = arith.constant 0 : i32
          %dma_start3A_242 = tpu.memref_slice %arg2[%dma_start3A_240, %dma_start3A_241] : memref<10240x128xf32, #tpu.memory_space<hbm>> -> memref<10240x128xf32, #tpu.memory_space<hbm>>
          tpu.enqueue_indirect_dma source(%dma_start3A_242 : memref<10240x128xf32, #tpu.memory_space<hbm>>) target(%dma_start3A_236 : memref<128x128xf32, #tpu.memory_space<vmem>>) offsets(%dma_start3A_239 : memref<128xi32, #tpu.memory_space<vmem>>) semaphore(%arg11 : memref<!tpu.dma_semaphore, #tpu.memory_space<semaphore_mem>>)
        } else {
        }
        %dma_wait3A_170 = arith.constant 0 : i32
        %dma_wait3A_171 = arith.constant 0 : i32
        %dma_wait3A_172 = arith.constant 0 : i32
        %dma_wait3A_173 = tpu.memref_slice %arg8[%dma_wait3A_170, %dma_wait3A_171, %dma_wait3A_172] : memref<2x128x128xf32, #tpu.memory_space<vmem>> -> memref<1x128x128xf32, #tpu.memory_space<vmem>>
        %dma_wait3A_174 = tpu.memref_squeeze %dma_wait3A_173 : memref<1x128x128xf32, #tpu.memory_space<vmem>> -> memref<128x128xf32, #tpu.memory_space<vmem>>
        %dma_wait3A_175 = arith.constant 0 : i32
        %dma_wait3A_176 = tpu.memref_slice %arg6[%add3A_159, %dma_wait3A_175] : memref<40x128xi32, #tpu.memory_space<vmem>> -> memref<1x128xi32, #tpu.memory_space<vmem>>
        %dma_wait3A_177 = tpu.memref_squeeze %dma_wait3A_176 : memref<1x128xi32, #tpu.memory_space<vmem>> -> memref<128xi32, #tpu.memory_space<vmem>>
        %dma_wait3A_178 = arith.constant 0 : i32
        %dma_wait3A_179 = arith.constant 0 : i32
        %dma_wait3A_180 = tpu.memref_slice %arg2[%dma_wait3A_178, %dma_wait3A_179] : memref<10240x128xf32, #tpu.memory_space<hbm>> -> memref<10240x128xf32, #tpu.memory_space<hbm>>
        tpu.wait_indirect_dma semaphore(%arg10 : memref<!tpu.dma_semaphore, #tpu.memory_space<semaphore_mem>>) src(%dma_wait3A_180 : memref<10240x128xf32, #tpu.memory_space<hbm>>) dst(%dma_wait3A_174 : memref<128x128xf32, #tpu.memory_space<vmem>>)
        %dma_start3A_181 = arith.constant 0 : i32
        %dma_start3A_182 = arith.constant 0 : i32
        %dma_start3A_183 = arith.constant 0 : i32
        %dma_start3A_184 = tpu.memref_slice %arg8[%dma_start3A_181, %dma_start3A_182, %dma_start3A_183] : memref<2x128x128xf32, #tpu.memory_space<vmem>> -> memref<1x128x128xf32, #tpu.memory_space<vmem>>
        %dma_start3A_185 = tpu.memref_squeeze %dma_start3A_184 : memref<1x128x128xf32, #tpu.memory_space<vmem>> -> memref<128x128xf32, #tpu.memory_space<vmem>>
        %dma_start3A_186 = arith.constant 0 : i32
        %dma_start3A_187 = tpu.memref_slice %arg7[%add3A_159, %dma_start3A_186] : memref<40x128xi32, #tpu.memory_space<vmem>> -> memref<1x128xi32, #tpu.memory_space<vmem>>
        %dma_start3A_188 = tpu.memref_squeeze %dma_start3A_187 : memref<1x128xi32, #tpu.memory_space<vmem>> -> memref<128xi32, #tpu.memory_space<vmem>>
        %dma_start3A_189 = arith.constant 0 : i32
        %dma_start3A_190 = arith.constant 0 : i32
        %dma_start3A_191 = tpu.memref_slice %arg9[%dma_start3A_189, %dma_start3A_190] : memref<10240x128xf32, #tpu.memory_space<vmem_shared>> -> memref<10240x128xf32, #tpu.memory_space<vmem_shared>>
        tpu.enqueue_indirect_dma source(%dma_start3A_185 : memref<128x128xf32, #tpu.memory_space<vmem>>) target(%dma_start3A_191 : memref<10240x128xf32, #tpu.memory_space<vmem_shared>>) offsets(%dma_start3A_188 : memref<128xi32, #tpu.memory_space<vmem>>) semaphore(%arg12 : memref<!tpu.dma_semaphore, #tpu.memory_space<semaphore_mem>>) {add = true}
        %mul3A_192 = arith.constant 2 : i32
        %mul3A_193 = arith.muli %mul3A_192, %scan3A_155 : i32
        %add3A_194 = arith.constant 1 : i32
        %add3A_195 = arith.addi %mul3A_193, %add3A_194 : i32
        %ge3A_196 = arith.constant 1 : i32
        %ge3A_197 = arith.cmpi sge, %add3A_195, %ge3A_196 : i32
        %convert_element_type3A_198 = arith.extui %ge3A_197 : i1 to i32
        %cond3A_199 = arith.constant 0 : i32
        %cond3A_200 = arith.cmpi ne, %convert_element_type3A_198, %cond3A_199 : i32
        scf.if %cond3A_200 {
          %sub3A = arith.constant 1 : i32
          %sub3A_230 = arith.subi %add3A_195, %sub3A : i32
          %dma_wait3A_231 = arith.constant 0 : i32
          %dma_wait3A_232 = arith.constant 0 : i32
          %dma_wait3A_233 = arith.constant 0 : i32
          %dma_wait3A_234 = tpu.memref_slice %arg8[%dma_wait3A_231, %dma_wait3A_232, %dma_wait3A_233] : memref<2x128x128xf32, #tpu.memory_space<vmem>> -> memref<1x128x128xf32, #tpu.memory_space<vmem>>
          %dma_wait3A_235 = tpu.memref_squeeze %dma_wait3A_234 : memref<1x128x128xf32, #tpu.memory_space<vmem>> -> memref<128x128xf32, #tpu.memory_space<vmem>>
          %dma_wait3A_236 = arith.constant 0 : i32
          %dma_wait3A_237 = tpu.memref_slice %arg7[%sub3A_230, %dma_wait3A_236] : memref<40x128xi32, #tpu.memory_space<vmem>> -> memref<1x128xi32, #tpu.memory_space<vmem>>
          %dma_wait3A_238 = tpu.memref_squeeze %dma_wait3A_237 : memref<1x128xi32, #tpu.memory_space<vmem>> -> memref<128xi32, #tpu.memory_space<vmem>>
          %dma_wait3A_239 = arith.constant 0 : i32
          %dma_wait3A_240 = arith.constant 0 : i32
          %dma_wait3A_241 = tpu.memref_slice %arg9[%dma_wait3A_239, %dma_wait3A_240] : memref<10240x128xf32, #tpu.memory_space<vmem_shared>> -> memref<10240x128xf32, #tpu.memory_space<vmem_shared>>
          tpu.wait_indirect_dma semaphore(%arg12 : memref<!tpu.dma_semaphore, #tpu.memory_space<semaphore_mem>>) src(%dma_wait3A_235 : memref<128x128xf32, #tpu.memory_space<vmem>>) dst(%dma_wait3A_241 : memref<10240x128xf32, #tpu.memory_space<vmem_shared>>)
        } else {
        }
        %add3A_201 = arith.constant 1 : i32
        %add3A_202 = arith.addi %add3A_195, %add3A_201 : i32
        %lt3A_203 = arith.constant 40 : i32
        %lt3A_204 = arith.cmpi slt, %add3A_202, %lt3A_203 : i32
        %convert_element_type3A_205 = arith.extui %lt3A_204 : i1 to i32
        %cond3A_206 = arith.constant 0 : i32
        %cond3A_207 = arith.cmpi ne, %convert_element_type3A_205, %cond3A_206 : i32
        scf.if %cond3A_207 {
          %add3A_230 = arith.constant 1 : i32
          %add3A_231 = arith.addi %add3A_195, %add3A_230 : i32
          %dma_start3A_232 = arith.constant 0 : i32
          %dma_start3A_233 = arith.constant 0 : i32
          %dma_start3A_234 = arith.constant 0 : i32
          %dma_start3A_235 = tpu.memref_slice %arg8[%dma_start3A_232, %dma_start3A_233, %dma_start3A_234] : memref<2x128x128xf32, #tpu.memory_space<vmem>> -> memref<1x128x128xf32, #tpu.memory_space<vmem>>
          %dma_start3A_236 = tpu.memref_squeeze %dma_start3A_235 : memref<1x128x128xf32, #tpu.memory_space<vmem>> -> memref<128x128xf32, #tpu.memory_space<vmem>>
          %dma_start3A_237 = arith.constant 0 : i32
          %dma_start3A_238 = tpu.memref_slice %arg6[%add3A_231, %dma_start3A_237] : memref<40x128xi32, #tpu.memory_space<vmem>> -> memref<1x128xi32, #tpu.memory_space<vmem>>
          %dma_start3A_239 = tpu.memref_squeeze %dma_start3A_238 : memref<1x128xi32, #tpu.memory_space<vmem>> -> memref<128xi32, #tpu.memory_space<vmem>>
          %dma_start3A_240 = arith.constant 0 : i32
          %dma_start3A_241 = arith.constant 0 : i32
          %dma_start3A_242 = tpu.memref_slice %arg2[%dma_start3A_240, %dma_start3A_241] : memref<10240x128xf32, #tpu.memory_space<hbm>> -> memref<10240x128xf32, #tpu.memory_space<hbm>>
          tpu.enqueue_indirect_dma source(%dma_start3A_242 : memref<10240x128xf32, #tpu.memory_space<hbm>>) target(%dma_start3A_236 : memref<128x128xf32, #tpu.memory_space<vmem>>) offsets(%dma_start3A_239 : memref<128xi32, #tpu.memory_space<vmem>>) semaphore(%arg10 : memref<!tpu.dma_semaphore, #tpu.memory_space<semaphore_mem>>)
        } else {
        }
        %dma_wait3A_208 = arith.constant 1 : i32
        %dma_wait3A_209 = arith.constant 0 : i32
        %dma_wait3A_210 = arith.constant 0 : i32
        %dma_wait3A_211 = tpu.memref_slice %arg8[%dma_wait3A_208, %dma_wait3A_209, %dma_wait3A_210] : memref<2x128x128xf32, #tpu.memory_space<vmem>> -> memref<1x128x128xf32, #tpu.memory_space<vmem>>
        %dma_wait3A_212 = tpu.memref_squeeze %dma_wait3A_211 : memref<1x128x128xf32, #tpu.memory_space<vmem>> -> memref<128x128xf32, #tpu.memory_space<vmem>>
        %dma_wait3A_213 = arith.constant 0 : i32
        %dma_wait3A_214 = tpu.memref_slice %arg6[%add3A_195, %dma_wait3A_213] : memref<40x128xi32, #tpu.memory_space<vmem>> -> memref<1x128xi32, #tpu.memory_space<vmem>>
        %dma_wait3A_215 = tpu.memref_squeeze %dma_wait3A_214 : memref<1x128xi32, #tpu.memory_space<vmem>> -> memref<128xi32, #tpu.memory_space<vmem>>
        %dma_wait3A_216 = arith.constant 0 : i32
        %dma_wait3A_217 = arith.constant 0 : i32
        %dma_wait3A_218 = tpu.memref_slice %arg2[%dma_wait3A_216, %dma_wait3A_217] : memref<10240x128xf32, #tpu.memory_space<hbm>> -> memref<10240x128xf32, #tpu.memory_space<hbm>>
        tpu.wait_indirect_dma semaphore(%arg11 : memref<!tpu.dma_semaphore, #tpu.memory_space<semaphore_mem>>) src(%dma_wait3A_218 : memref<10240x128xf32, #tpu.memory_space<hbm>>) dst(%dma_wait3A_212 : memref<128x128xf32, #tpu.memory_space<vmem>>)
        %dma_start3A_219 = arith.constant 1 : i32
        %dma_start3A_220 = arith.constant 0 : i32
        %dma_start3A_221 = arith.constant 0 : i32
        %dma_start3A_222 = tpu.memref_slice %arg8[%dma_start3A_219, %dma_start3A_220, %dma_start3A_221] : memref<2x128x128xf32, #tpu.memory_space<vmem>> -> memref<1x128x128xf32, #tpu.memory_space<vmem>>
        %dma_start3A_223 = tpu.memref_squeeze %dma_start3A_222 : memref<1x128x128xf32, #tpu.memory_space<vmem>> -> memref<128x128xf32, #tpu.memory_space<vmem>>
        %dma_start3A_224 = arith.constant 0 : i32
        %dma_start3A_225 = tpu.memref_slice %arg7[%add3A_195, %dma_start3A_224] : memref<40x128xi32, #tpu.memory_space<vmem>> -> memref<1x128xi32, #tpu.memory_space<vmem>>
        %dma_start3A_226 = tpu.memref_squeeze %dma_start3A_225 : memref<1x128xi32, #tpu.memory_space<vmem>> -> memref<128xi32, #tpu.memory_space<vmem>>
        %dma_start3A_227 = arith.constant 0 : i32
        %dma_start3A_228 = arith.constant 0 : i32
        %dma_start3A_229 = tpu.memref_slice %arg9[%dma_start3A_227, %dma_start3A_228] : memref<10240x128xf32, #tpu.memory_space<vmem_shared>> -> memref<10240x128xf32, #tpu.memory_space<vmem_shared>>
        tpu.enqueue_indirect_dma source(%dma_start3A_223 : memref<128x128xf32, #tpu.memory_space<vmem>>) target(%dma_start3A_229 : memref<10240x128xf32, #tpu.memory_space<vmem_shared>>) offsets(%dma_start3A_226 : memref<128xi32, #tpu.memory_space<vmem>>) semaphore(%arg13 : memref<!tpu.dma_semaphore, #tpu.memory_space<semaphore_mem>>) {add = true}
      }
      %scan3A_142 = arith.constant 20 : i32
      %dma_wait3A_143 = arith.constant 1 : i32
      %dma_wait3A_144 = arith.constant 39 : i32
      %dma_wait3A_145 = arith.constant 0 : i32
      %dma_wait3A_146 = arith.constant 0 : i32
      %dma_wait3A_147 = tpu.memref_slice %arg8[%dma_wait3A_143, %dma_wait3A_145, %dma_wait3A_146] : memref<2x128x128xf32, #tpu.memory_space<vmem>> -> memref<1x128x128xf32, #tpu.memory_space<vmem>>
      %dma_wait3A_148 = tpu.memref_squeeze %dma_wait3A_147 : memref<1x128x128xf32, #tpu.memory_space<vmem>> -> memref<128x128xf32, #tpu.memory_space<vmem>>
      %dma_wait3A_149 = arith.constant 0 : i32
      %dma_wait3A_150 = tpu.memref_slice %arg7[%dma_wait3A_144, %dma_wait3A_149] : memref<40x128xi32, #tpu.memory_space<vmem>> -> memref<1x128xi32, #tpu.memory_space<vmem>>
      %dma_wait3A_151 = tpu.memref_squeeze %dma_wait3A_150 : memref<1x128xi32, #tpu.memory_space<vmem>> -> memref<128xi32, #tpu.memory_space<vmem>>
      %dma_wait3A_152 = arith.constant 0 : i32
      %dma_wait3A_153 = arith.constant 0 : i32
      %dma_wait3A_154 = tpu.memref_slice %arg9[%dma_wait3A_152, %dma_wait3A_153] : memref<10240x128xf32, #tpu.memory_space<vmem_shared>> -> memref<10240x128xf32, #tpu.memory_space<vmem_shared>>
      tpu.wait_indirect_dma semaphore(%arg13 : memref<!tpu.dma_semaphore, #tpu.memory_space<semaphore_mem>>) src(%dma_wait3A_148 : memref<128x128xf32, #tpu.memory_space<vmem>>) dst(%dma_wait3A_154 : memref<10240x128xf32, #tpu.memory_space<vmem_shared>>)
    } else {
    }
    %barrier3A_62 = arith.constant 0 : index
    tpu.barrier barrier_id(%barrier3A_62)
    %add3A_63 = arith.constant 0 : i32
    %add3A_64 = arith.addi %mul3A_8, %add3A_63 : i32
    %dma_start3A_65 = arith.constant 0 : i32
    %dma_start3A_66 = tpu.memref_slice %arg5[%arg0, %add3A_64, %dma_start3A_65] : memref<2x10240x128xf32, #tpu.memory_space<hbm>> -> memref<1x128x128xf32, #tpu.memory_space<hbm>>
    %dma_start3A_67 = tpu.memref_squeeze %dma_start3A_66 : memref<1x128x128xf32, #tpu.memory_space<hbm>> -> memref<128x128xf32, #tpu.memory_space<hbm>>
    %dma_start3A_68 = arith.constant 0 : i32
    %dma_start3A_69 = tpu.memref_slice %arg9[%add3A_64, %dma_start3A_68] : memref<10240x128xf32, #tpu.memory_space<vmem_shared>> -> memref<128x128xf32, #tpu.memory_space<vmem_shared>>
    tpu.enqueue_dma source(%dma_start3A_69 : memref<128x128xf32, #tpu.memory_space<vmem_shared>>) target(%dma_start3A_67 : memref<128x128xf32, #tpu.memory_space<hbm>>) target_semaphore(%arg10 : memref<!tpu.dma_semaphore, #tpu.memory_space<semaphore_mem>>)
    %add3A_70 = arith.constant 128 : i32
    %add3A_71 = arith.addi %mul3A_8, %add3A_70 : i32
    %dma_start3A_72 = arith.constant 0 : i32
    %dma_start3A_73 = tpu.memref_slice %arg5[%arg0, %add3A_71, %dma_start3A_72] : memref<2x10240x128xf32, #tpu.memory_space<hbm>> -> memref<1x128x128xf32, #tpu.memory_space<hbm>>
    %dma_start3A_74 = tpu.memref_squeeze %dma_start3A_73 : memref<1x128x128xf32, #tpu.memory_space<hbm>> -> memref<128x128xf32, #tpu.memory_space<hbm>>
    %dma_start3A_75 = arith.constant 0 : i32
    %dma_start3A_76 = tpu.memref_slice %arg9[%add3A_71, %dma_start3A_75] : memref<10240x128xf32, #tpu.memory_space<vmem_shared>> -> memref<128x128xf32, #tpu.memory_space<vmem_shared>>
    tpu.enqueue_dma source(%dma_start3A_76 : memref<128x128xf32, #tpu.memory_space<vmem_shared>>) target(%dma_start3A_74 : memref<128x128xf32, #tpu.memory_space<hbm>>) target_semaphore(%arg10 : memref<!tpu.dma_semaphore, #tpu.memory_space<semaphore_mem>>)
    %add3A_77 = arith.constant 256 : i32
    %add3A_78 = arith.addi %mul3A_8, %add3A_77 : i32
    %dma_start3A_79 = arith.constant 0 : i32
    %dma_start3A_80 = tpu.memref_slice %arg5[%arg0, %add3A_78, %dma_start3A_79] : memref<2x10240x128xf32, #tpu.memory_space<hbm>> -> memref<1x128x128xf32, #tpu.memory_space<hbm>>
    %dma_start3A_81 = tpu.memref_squeeze %dma_start3A_80 : memref<1x128x128xf32, #tpu.memory_space<hbm>> -> memref<128x128xf32, #tpu.memory_space<hbm>>
    %dma_start3A_82 = arith.constant 0 : i32
    %dma_start3A_83 = tpu.memref_slice %arg9[%add3A_78, %dma_start3A_82] : memref<10240x128xf32, #tpu.memory_space<vmem_shared>> -> memref<128x128xf32, #tpu.memory_space<vmem_shared>>
    tpu.enqueue_dma source(%dma_start3A_83 : memref<128x128xf32, #tpu.memory_space<vmem_shared>>) target(%dma_start3A_81 : memref<128x128xf32, #tpu.memory_space<hbm>>) target_semaphore(%arg10 : memref<!tpu.dma_semaphore, #tpu.memory_space<semaphore_mem>>)
    %add3A_84 = arith.constant 384 : i32
    %add3A_85 = arith.addi %mul3A_8, %add3A_84 : i32
    %dma_start3A_86 = arith.constant 0 : i32
    %dma_start3A_87 = tpu.memref_slice %arg5[%arg0, %add3A_85, %dma_start3A_86] : memref<2x10240x128xf32, #tpu.memory_space<hbm>> -> memref<1x128x128xf32, #tpu.memory_space<hbm>>
    %dma_start3A_88 = tpu.memref_squeeze %dma_start3A_87 : memref<1x128x128xf32, #tpu.memory_space<hbm>> -> memref<128x128xf32, #tpu.memory_space<hbm>>
    %dma_start3A_89 = arith.constant 0 : i32
    %dma_start3A_90 = tpu.memref_slice %arg9[%add3A_85, %dma_start3A_89] : memref<10240x128xf32, #tpu.memory_space<vmem_shared>> -> memref<128x128xf32, #tpu.memory_space<vmem_shared>>
    tpu.enqueue_dma source(%dma_start3A_90 : memref<128x128xf32, #tpu.memory_space<vmem_shared>>) target(%dma_start3A_88 : memref<128x128xf32, #tpu.memory_space<hbm>>) target_semaphore(%arg10 : memref<!tpu.dma_semaphore, #tpu.memory_space<semaphore_mem>>)
    %add3A_91 = arith.constant 512 : i32
    %add3A_92 = arith.addi %mul3A_8, %add3A_91 : i32
    %dma_start3A_93 = arith.constant 0 : i32
    %dma_start3A_94 = tpu.memref_slice %arg5[%arg0, %add3A_92, %dma_start3A_93] : memref<2x10240x128xf32, #tpu.memory_space<hbm>> -> memref<1x128x128xf32, #tpu.memory_space<hbm>>
    %dma_start3A_95 = tpu.memref_squeeze %dma_start3A_94 : memref<1x128x128xf32, #tpu.memory_space<hbm>> -> memref<128x128xf32, #tpu.memory_space<hbm>>
    %dma_start3A_96 = arith.constant 0 : i32
    %dma_start3A_97 = tpu.memref_slice %arg9[%add3A_92, %dma_start3A_96] : memref<10240x128xf32, #tpu.memory_space<vmem_shared>> -> memref<128x128xf32, #tpu.memory_space<vmem_shared>>
    tpu.enqueue_dma source(%dma_start3A_97 : memref<128x128xf32, #tpu.memory_space<vmem_shared>>) target(%dma_start3A_95 : memref<128x128xf32, #tpu.memory_space<hbm>>) target_semaphore(%arg10 : memref<!tpu.dma_semaphore, #tpu.memory_space<semaphore_mem>>)
    %dma_wait3A_98 = arith.constant 0 : i32
    %dma_wait3A_99 = tpu.memref_slice %arg5[%arg0, %add3A_64, %dma_wait3A_98] : memref<2x10240x128xf32, #tpu.memory_space<hbm>> -> memref<1x128x128xf32, #tpu.memory_space<hbm>>
    %dma_wait3A_100 = tpu.memref_squeeze %dma_wait3A_99 : memref<1x128x128xf32, #tpu.memory_space<hbm>> -> memref<128x128xf32, #tpu.memory_space<hbm>>
    %dma_wait3A_101 = arith.constant 0 : i32
    %dma_wait3A_102 = tpu.memref_slice %arg9[%add3A_64, %dma_wait3A_101] : memref<10240x128xf32, #tpu.memory_space<vmem_shared>> -> memref<128x128xf32, #tpu.memory_space<vmem_shared>>
    tpu.wait_dma2 semaphore(%arg10 : memref<!tpu.dma_semaphore, #tpu.memory_space<semaphore_mem>>) src(%dma_wait3A_102 : memref<128x128xf32, #tpu.memory_space<vmem_shared>>) dst(%dma_wait3A_100 : memref<128x128xf32, #tpu.memory_space<hbm>>)
    %dma_wait3A_103 = arith.constant 0 : i32
    %dma_wait3A_104 = tpu.memref_slice %arg5[%arg0, %add3A_71, %dma_wait3A_103] : memref<2x10240x128xf32, #tpu.memory_space<hbm>> -> memref<1x128x128xf32, #tpu.memory_space<hbm>>
    %dma_wait3A_105 = tpu.memref_squeeze %dma_wait3A_104 : memref<1x128x128xf32, #tpu.memory_space<hbm>> -> memref<128x128xf32, #tpu.memory_space<hbm>>
    %dma_wait3A_106 = arith.constant 0 : i32
    %dma_wait3A_107 = tpu.memref_slice %arg9[%add3A_71, %dma_wait3A_106] : memref<10240x128xf32, #tpu.memory_space<vmem_shared>> -> memref<128x128xf32, #tpu.memory_space<vmem_shared>>
    tpu.wait_dma2 semaphore(%arg10 : memref<!tpu.dma_semaphore, #tpu.memory_space<semaphore_mem>>) src(%dma_wait3A_107 : memref<128x128xf32, #tpu.memory_space<vmem_shared>>) dst(%dma_wait3A_105 : memref<128x128xf32, #tpu.memory_space<hbm>>)
    %dma_wait3A_108 = arith.constant 0 : i32
    %dma_wait3A_109 = tpu.memref_slice %arg5[%arg0, %add3A_78, %dma_wait3A_108] : memref<2x10240x128xf32, #tpu.memory_space<hbm>> -> memref<1x128x128xf32, #tpu.memory_space<hbm>>
    %dma_wait3A_110 = tpu.memref_squeeze %dma_wait3A_109 : memref<1x128x128xf32, #tpu.memory_space<hbm>> -> memref<128x128xf32, #tpu.memory_space<hbm>>
    %dma_wait3A_111 = arith.constant 0 : i32
    %dma_wait3A_112 = tpu.memref_slice %arg9[%add3A_78, %dma_wait3A_111] : memref<10240x128xf32, #tpu.memory_space<vmem_shared>> -> memref<128x128xf32, #tpu.memory_space<vmem_shared>>
    tpu.wait_dma2 semaphore(%arg10 : memref<!tpu.dma_semaphore, #tpu.memory_space<semaphore_mem>>) src(%dma_wait3A_112 : memref<128x128xf32, #tpu.memory_space<vmem_shared>>) dst(%dma_wait3A_110 : memref<128x128xf32, #tpu.memory_space<hbm>>)
    %dma_wait3A_113 = arith.constant 0 : i32
    %dma_wait3A_114 = tpu.memref_slice %arg5[%arg0, %add3A_85, %dma_wait3A_113] : memref<2x10240x128xf32, #tpu.memory_space<hbm>> -> memref<1x128x128xf32, #tpu.memory_space<hbm>>
    %dma_wait3A_115 = tpu.memref_squeeze %dma_wait3A_114 : memref<1x128x128xf32, #tpu.memory_space<hbm>> -> memref<128x128xf32, #tpu.memory_space<hbm>>
    %dma_wait3A_116 = arith.constant 0 : i32
    %dma_wait3A_117 = tpu.memref_slice %arg9[%add3A_85, %dma_wait3A_116] : memref<10240x128xf32, #tpu.memory_space<vmem_shared>> -> memref<128x128xf32, #tpu.memory_space<vmem_shared>>
    tpu.wait_dma2 semaphore(%arg10 : memref<!tpu.dma_semaphore, #tpu.memory_space<semaphore_mem>>) src(%dma_wait3A_117 : memref<128x128xf32, #tpu.memory_space<vmem_shared>>) dst(%dma_wait3A_115 : memref<128x128xf32, #tpu.memory_space<hbm>>)
    %dma_wait3A_118 = arith.constant 0 : i32
    %dma_wait3A_119 = tpu.memref_slice %arg5[%arg0, %add3A_92, %dma_wait3A_118] : memref<2x10240x128xf32, #tpu.memory_space<hbm>> -> memref<1x128x128xf32, #tpu.memory_space<hbm>>
    %dma_wait3A_120 = tpu.memref_squeeze %dma_wait3A_119 : memref<1x128x128xf32, #tpu.memory_space<hbm>> -> memref<128x128xf32, #tpu.memory_space<hbm>>
    %dma_wait3A_121 = arith.constant 0 : i32
    %dma_wait3A_122 = tpu.memref_slice %arg9[%add3A_92, %dma_wait3A_121] : memref<10240x128xf32, #tpu.memory_space<vmem_shared>> -> memref<128x128xf32, #tpu.memory_space<vmem_shared>>
    tpu.wait_dma2 semaphore(%arg10 : memref<!tpu.dma_semaphore, #tpu.memory_space<semaphore_mem>>) src(%dma_wait3A_122 : memref<128x128xf32, #tpu.memory_space<vmem_shared>>) dst(%dma_wait3A_120 : memref<128x128xf32, #tpu.memory_space<hbm>>)
    return
  }
}

#map = affine_map<(d0, d1) -> (0, 0)>
module attributes {stable_mosaic.version = 14 : i64} {
  func.func @_deg_kernel(%arg0: i32, %arg1: i32, %arg2: memref<2560x128xi32, #tpu.memory_space<hbm>>, %arg3: memref<2x10240xf32, #tpu.memory_space<hbm>>, %arg4: memref<80x128xi32, #tpu.memory_space<vmem>>, %arg5: memref<128xf32, #tpu.memory_space<vmem>>, %arg6: memref<640xf32, #tpu.memory_space<vmem>>, %arg7: memref<10240xf32, #tpu.memory_space<vmem_shared>>, %arg8: memref<!tpu.dma_semaphore, #tpu.memory_space<semaphore_mem>>) attributes {dimension_semantics = [#tpu.dimension_semantics<core_parallel>, #tpu.dimension_semantics<subcore_parallel>], iteration_bounds = array<i64: 2, 16>, scalar_prefetch = 0 : i64, scratch_operands = 5 : i64, tpu.core_type = #tpu.core_type<sc_vector_subcore>, window_params = [{transform_indices = #map}, {transform_indices = #map}]} {
    %mul3A = arith.constant 2 : i32
    %mul3A_0 = arith.muli %arg1, %mul3A : i32
    %add3A = arith.addi %mul3A_0, %arg0 : i32
    %broadcast_in_dim3A = arith.constant 1.000000e+00 : f32
    %broadcast_in_dim3A_1 = vector.broadcast %broadcast_in_dim3A : f32 to vector<16xf32>
    %broadcast_in_dim3A_2 = arith.constant 0.000000e+00 : f32
    %broadcast_in_dim3A_3 = vector.broadcast %broadcast_in_dim3A_2 : f32 to vector<16xf32>
    %swap3A = arith.constant 0 : index
    %swap3A_4 = tpu.vector_load %arg5[%swap3A] {strides = array<i32>} : memref<128xf32, #tpu.memory_space<vmem>>, vector<16xf32>,
    %swap3A_5 = vector.shape_cast %swap3A_4 : vector<16xf32> to vector<16xf32>
    %swap3A_6 = vector.shape_cast %broadcast_in_dim3A_1 : vector<16xf32> to vector<16xf32>
    tpu.vector_store %arg5[%swap3A], %swap3A_6 {strides = array<i32>} : memref<128xf32, #tpu.memory_space<vmem>>, vector<16xf32>,
    %swap3A_7 = arith.constant 16 : index
    %swap3A_8 = tpu.vector_load %arg5[%swap3A_7] {strides = array<i32>} : memref<128xf32, #tpu.memory_space<vmem>>, vector<16xf32>,
    %swap3A_9 = vector.shape_cast %swap3A_8 : vector<16xf32> to vector<16xf32>
    %swap3A_10 = vector.shape_cast %broadcast_in_dim3A_1 : vector<16xf32> to vector<16xf32>
    tpu.vector_store %arg5[%swap3A_7], %swap3A_10 {strides = array<i32>} : memref<128xf32, #tpu.memory_space<vmem>>, vector<16xf32>,
    %swap3A_11 = arith.constant 32 : index
    %swap3A_12 = tpu.vector_load %arg5[%swap3A_11] {strides = array<i32>} : memref<128xf32, #tpu.memory_space<vmem>>, vector<16xf32>,
    %swap3A_13 = vector.shape_cast %swap3A_12 : vector<16xf32> to vector<16xf32>
    %swap3A_14 = vector.shape_cast %broadcast_in_dim3A_1 : vector<16xf32> to vector<16xf32>
    tpu.vector_store %arg5[%swap3A_11], %swap3A_14 {strides = array<i32>} : memref<128xf32, #tpu.memory_space<vmem>>, vector<16xf32>,
    %swap3A_15 = arith.constant 48 : index
    %swap3A_16 = tpu.vector_load %arg5[%swap3A_15] {strides = array<i32>} : memref<128xf32, #tpu.memory_space<vmem>>, vector<16xf32>,
    %swap3A_17 = vector.shape_cast %swap3A_16 : vector<16xf32> to vector<16xf32>
    %swap3A_18 = vector.shape_cast %broadcast_in_dim3A_1 : vector<16xf32> to vector<16xf32>
    tpu.vector_store %arg5[%swap3A_15], %swap3A_18 {strides = array<i32>} : memref<128xf32, #tpu.memory_space<vmem>>, vector<16xf32>,
    %swap3A_19 = arith.constant 64 : index
    %swap3A_20 = tpu.vector_load %arg5[%swap3A_19] {strides = array<i32>} : memref<128xf32, #tpu.memory_space<vmem>>, vector<16xf32>,
    %swap3A_21 = vector.shape_cast %swap3A_20 : vector<16xf32> to vector<16xf32>
    %swap3A_22 = vector.shape_cast %broadcast_in_dim3A_1 : vector<16xf32> to vector<16xf32>
    tpu.vector_store %arg5[%swap3A_19], %swap3A_22 {strides = array<i32>} : memref<128xf32, #tpu.memory_space<vmem>>, vector<16xf32>,
    %swap3A_23 = arith.constant 80 : index
    %swap3A_24 = tpu.vector_load %arg5[%swap3A_23] {strides = array<i32>} : memref<128xf32, #tpu.memory_space<vmem>>, vector<16xf32>,
    %swap3A_25 = vector.shape_cast %swap3A_24 : vector<16xf32> to vector<16xf32>
    %swap3A_26 = vector.shape_cast %broadcast_in_dim3A_1 : vector<16xf32> to vector<16xf32>
    tpu.vector_store %arg5[%swap3A_23], %swap3A_26 {strides = array<i32>} : memref<128xf32, #tpu.memory_space<vmem>>, vector<16xf32>,
    %swap3A_27 = arith.constant 96 : index
    %swap3A_28 = tpu.vector_load %arg5[%swap3A_27] {strides = array<i32>} : memref<128xf32, #tpu.memory_space<vmem>>, vector<16xf32>,
    %swap3A_29 = vector.shape_cast %swap3A_28 : vector<16xf32> to vector<16xf32>
    %swap3A_30 = vector.shape_cast %broadcast_in_dim3A_1 : vector<16xf32> to vector<16xf32>
    tpu.vector_store %arg5[%swap3A_27], %swap3A_30 {strides = array<i32>} : memref<128xf32, #tpu.memory_space<vmem>>, vector<16xf32>,
    %swap3A_31 = arith.constant 112 : index
    %swap3A_32 = tpu.vector_load %arg5[%swap3A_31] {strides = array<i32>} : memref<128xf32, #tpu.memory_space<vmem>>, vector<16xf32>,
    %swap3A_33 = vector.shape_cast %swap3A_32 : vector<16xf32> to vector<16xf32>
    %swap3A_34 = vector.shape_cast %broadcast_in_dim3A_1 : vector<16xf32> to vector<16xf32>
    tpu.vector_store %arg5[%swap3A_31], %swap3A_34 {strides = array<i32>} : memref<128xf32, #tpu.memory_space<vmem>>, vector<16xf32>,
    %swap3A_35 = arith.constant 0 : index
    %swap3A_36 = tpu.vector_load %arg6[%swap3A_35] {strides = array<i32>} : memref<640xf32, #tpu.memory_space<vmem>>, vector<16xf32>,
    %swap3A_37 = vector.shape_cast %swap3A_36 : vector<16xf32> to vector<16xf32>
    %swap3A_38 = vector.shape_cast %broadcast_in_dim3A_3 : vector<16xf32> to vector<16xf32>
    tpu.vector_store %arg6[%swap3A_35], %swap3A_38 {strides = array<i32>} : memref<640xf32, #tpu.memory_space<vmem>>, vector<16xf32>,
    %swap3A_39 = arith.constant 16 : index
    %swap3A_40 = tpu.vector_load %arg6[%swap3A_39] {strides = array<i32>} : memref<640xf32, #tpu.memory_space<vmem>>, vector<16xf32>,
    %swap3A_41 = vector.shape_cast %swap3A_40 : vector<16xf32> to vector<16xf32>
    %swap3A_42 = vector.shape_cast %broadcast_in_dim3A_3 : vector<16xf32> to vector<16xf32>
    tpu.vector_store %arg6[%swap3A_39], %swap3A_42 {strides = array<i32>} : memref<640xf32, #tpu.memory_space<vmem>>, vector<16xf32>,
    %swap3A_43 = arith.constant 32 : index
    %swap3A_44 = tpu.vector_load %arg6[%swap3A_43] {strides = array<i32>} : memref<640xf32, #tpu.memory_space<vmem>>, vector<16xf32>,
    %swap3A_45 = vector.shape_cast %swap3A_44 : vector<16xf32> to vector<16xf32>
    %swap3A_46 = vector.shape_cast %broadcast_in_dim3A_3 : vector<16xf32> to vector<16xf32>
    tpu.vector_store %arg6[%swap3A_43], %swap3A_46 {strides = array<i32>} : memref<640xf32, #tpu.memory_space<vmem>>, vector<16xf32>,
    %swap3A_47 = arith.constant 48 : index
    %swap3A_48 = tpu.vector_load %arg6[%swap3A_47] {strides = array<i32>} : memref<640xf32, #tpu.memory_space<vmem>>, vector<16xf32>,
    %swap3A_49 = vector.shape_cast %swap3A_48 : vector<16xf32> to vector<16xf32>
    %swap3A_50 = vector.shape_cast %broadcast_in_dim3A_3 : vector<16xf32> to vector<16xf32>
    tpu.vector_store %arg6[%swap3A_47], %swap3A_50 {strides = array<i32>} : memref<640xf32, #tpu.memory_space<vmem>>, vector<16xf32>,
    %swap3A_51 = arith.constant 64 : index
    %swap3A_52 = tpu.vector_load %arg6[%swap3A_51] {strides = array<i32>} : memref<640xf32, #tpu.memory_space<vmem>>, vector<16xf32>,
    %swap3A_53 = vector.shape_cast %swap3A_52 : vector<16xf32> to vector<16xf32>
    %swap3A_54 = vector.shape_cast %broadcast_in_dim3A_3 : vector<16xf32> to vector<16xf32>
    tpu.vector_store %arg6[%swap3A_51], %swap3A_54 {strides = array<i32>} : memref<640xf32, #tpu.memory_space<vmem>>, vector<16xf32>,
    %swap3A_55 = arith.constant 80 : index
    %swap3A_56 = tpu.vector_load %arg6[%swap3A_55] {strides = array<i32>} : memref<640xf32, #tpu.memory_space<vmem>>, vector<16xf32>,
    %swap3A_57 = vector.shape_cast %swap3A_56 : vector<16xf32> to vector<16xf32>
    %swap3A_58 = vector.shape_cast %broadcast_in_dim3A_3 : vector<16xf32> to vector<16xf32>
    tpu.vector_store %arg6[%swap3A_55], %swap3A_58 {strides = array<i32>} : memref<640xf32, #tpu.memory_space<vmem>>, vector<16xf32>,
    %swap3A_59 = arith.constant 96 : index
    %swap3A_60 = tpu.vector_load %arg6[%swap3A_59] {strides = array<i32>} : memref<640xf32, #tpu.memory_space<vmem>>, vector<16xf32>,
    %swap3A_61 = vector.shape_cast %swap3A_60 : vector<16xf32> to vector<16xf32>
    %swap3A_62 = vector.shape_cast %broadcast_in_dim3A_3 : vector<16xf32> to vector<16xf32>
    tpu.vector_store %arg6[%swap3A_59], %swap3A_62 {strides = array<i32>} : memref<640xf32, #tpu.memory_space<vmem>>, vector<16xf32>,
    %swap3A_63 = arith.constant 112 : index
    %swap3A_64 = tpu.vector_load %arg6[%swap3A_63] {strides = array<i32>} : memref<640xf32, #tpu.memory_space<vmem>>, vector<16xf32>,
    %swap3A_65 = vector.shape_cast %swap3A_64 : vector<16xf32> to vector<16xf32>
    %swap3A_66 = vector.shape_cast %broadcast_in_dim3A_3 : vector<16xf32> to vector<16xf32>
    tpu.vector_store %arg6[%swap3A_63], %swap3A_66 {strides = array<i32>} : memref<640xf32, #tpu.memory_space<vmem>>, vector<16xf32>,
    %swap3A_67 = arith.constant 128 : index
    %swap3A_68 = tpu.vector_load %arg6[%swap3A_67] {strides = array<i32>} : memref<640xf32, #tpu.memory_space<vmem>>, vector<16xf32>,
    %swap3A_69 = vector.shape_cast %swap3A_68 : vector<16xf32> to vector<16xf32>
    %swap3A_70 = vector.shape_cast %broadcast_in_dim3A_3 : vector<16xf32> to vector<16xf32>
    tpu.vector_store %arg6[%swap3A_67], %swap3A_70 {strides = array<i32>} : memref<640xf32, #tpu.memory_space<vmem>>, vector<16xf32>,
    %swap3A_71 = arith.constant 144 : index
    %swap3A_72 = tpu.vector_load %arg6[%swap3A_71] {strides = array<i32>} : memref<640xf32, #tpu.memory_space<vmem>>, vector<16xf32>,
    %swap3A_73 = vector.shape_cast %swap3A_72 : vector<16xf32> to vector<16xf32>
    %swap3A_74 = vector.shape_cast %broadcast_in_dim3A_3 : vector<16xf32> to vector<16xf32>
    tpu.vector_store %arg6[%swap3A_71], %swap3A_74 {strides = array<i32>} : memref<640xf32, #tpu.memory_space<vmem>>, vector<16xf32>,
    %swap3A_75 = arith.constant 160 : index
    %swap3A_76 = tpu.vector_load %arg6[%swap3A_75] {strides = array<i32>} : memref<640xf32, #tpu.memory_space<vmem>>, vector<16xf32>,
    %swap3A_77 = vector.shape_cast %swap3A_76 : vector<16xf32> to vector<16xf32>
    %swap3A_78 = vector.shape_cast %broadcast_in_dim3A_3 : vector<16xf32> to vector<16xf32>
    tpu.vector_store %arg6[%swap3A_75], %swap3A_78 {strides = array<i32>} : memref<640xf32, #tpu.memory_space<vmem>>, vector<16xf32>,
    %swap3A_79 = arith.constant 176 : index
    %swap3A_80 = tpu.vector_load %arg6[%swap3A_79] {strides = array<i32>} : memref<640xf32, #tpu.memory_space<vmem>>, vector<16xf32>,
    %swap3A_81 = vector.shape_cast %swap3A_80 : vector<16xf32> to vector<16xf32>
    %swap3A_82 = vector.shape_cast %broadcast_in_dim3A_3 : vector<16xf32> to vector<16xf32>
    tpu.vector_store %arg6[%swap3A_79], %swap3A_82 {strides = array<i32>} : memref<640xf32, #tpu.memory_space<vmem>>, vector<16xf32>,
    %swap3A_83 = arith.constant 192 : index
    %swap3A_84 = tpu.vector_load %arg6[%swap3A_83] {strides = array<i32>} : memref<640xf32, #tpu.memory_space<vmem>>, vector<16xf32>,
    %swap3A_85 = vector.shape_cast %swap3A_84 : vector<16xf32> to vector<16xf32>
    %swap3A_86 = vector.shape_cast %broadcast_in_dim3A_3 : vector<16xf32> to vector<16xf32>
    tpu.vector_store %arg6[%swap3A_83], %swap3A_86 {strides = array<i32>} : memref<640xf32, #tpu.memory_space<vmem>>, vector<16xf32>,
    %swap3A_87 = arith.constant 208 : index
    %swap3A_88 = tpu.vector_load %arg6[%swap3A_87] {strides = array<i32>} : memref<640xf32, #tpu.memory_space<vmem>>, vector<16xf32>,
    %swap3A_89 = vector.shape_cast %swap3A_88 : vector<16xf32> to vector<16xf32>
    %swap3A_90 = vector.shape_cast %broadcast_in_dim3A_3 : vector<16xf32> to vector<16xf32>
    tpu.vector_store %arg6[%swap3A_87], %swap3A_90 {strides = array<i32>} : memref<640xf32, #tpu.memory_space<vmem>>, vector<16xf32>,
    %swap3A_91 = arith.constant 224 : index
    %swap3A_92 = tpu.vector_load %arg6[%swap3A_91] {strides = array<i32>} : memref<640xf32, #tpu.memory_space<vmem>>, vector<16xf32>,
    %swap3A_93 = vector.shape_cast %swap3A_92 : vector<16xf32> to vector<16xf32>
    %swap3A_94 = vector.shape_cast %broadcast_in_dim3A_3 : vector<16xf32> to vector<16xf32>
    tpu.vector_store %arg6[%swap3A_91], %swap3A_94 {strides = array<i32>} : memref<640xf32, #tpu.memory_space<vmem>>, vector<16xf32>,
    %swap3A_95 = arith.constant 240 : index
    %swap3A_96 = tpu.vector_load %arg6[%swap3A_95] {strides = array<i32>} : memref<640xf32, #tpu.memory_space<vmem>>, vector<16xf32>,
    %swap3A_97 = vector.shape_cast %swap3A_96 : vector<16xf32> to vector<16xf32>
    %swap3A_98 = vector.shape_cast %broadcast_in_dim3A_3 : vector<16xf32> to vector<16xf32>
    tpu.vector_store %arg6[%swap3A_95], %swap3A_98 {strides = array<i32>} : memref<640xf32, #tpu.memory_space<vmem>>, vector<16xf32>,
    %swap3A_99 = arith.constant 256 : index
    %swap3A_100 = tpu.vector_load %arg6[%swap3A_99] {strides = array<i32>} : memref<640xf32, #tpu.memory_space<vmem>>, vector<16xf32>,
    %swap3A_101 = vector.shape_cast %swap3A_100 : vector<16xf32> to vector<16xf32>
    %swap3A_102 = vector.shape_cast %broadcast_in_dim3A_3 : vector<16xf32> to vector<16xf32>
    tpu.vector_store %arg6[%swap3A_99], %swap3A_102 {strides = array<i32>} : memref<640xf32, #tpu.memory_space<vmem>>, vector<16xf32>,
    %swap3A_103 = arith.constant 272 : index
    %swap3A_104 = tpu.vector_load %arg6[%swap3A_103] {strides = array<i32>} : memref<640xf32, #tpu.memory_space<vmem>>, vector<16xf32>,
    %swap3A_105 = vector.shape_cast %swap3A_104 : vector<16xf32> to vector<16xf32>
    %swap3A_106 = vector.shape_cast %broadcast_in_dim3A_3 : vector<16xf32> to vector<16xf32>
    tpu.vector_store %arg6[%swap3A_103], %swap3A_106 {strides = array<i32>} : memref<640xf32, #tpu.memory_space<vmem>>, vector<16xf32>,
    %swap3A_107 = arith.constant 288 : index
    %swap3A_108 = tpu.vector_load %arg6[%swap3A_107] {strides = array<i32>} : memref<640xf32, #tpu.memory_space<vmem>>, vector<16xf32>,
    %swap3A_109 = vector.shape_cast %swap3A_108 : vector<16xf32> to vector<16xf32>
    %swap3A_110 = vector.shape_cast %broadcast_in_dim3A_3 : vector<16xf32> to vector<16xf32>
    tpu.vector_store %arg6[%swap3A_107], %swap3A_110 {strides = array<i32>} : memref<640xf32, #tpu.memory_space<vmem>>, vector<16xf32>,
    %swap3A_111 = arith.constant 304 : index
    %swap3A_112 = tpu.vector_load %arg6[%swap3A_111] {strides = array<i32>} : memref<640xf32, #tpu.memory_space<vmem>>, vector<16xf32>,
    %swap3A_113 = vector.shape_cast %swap3A_112 : vector<16xf32> to vector<16xf32>
    %swap3A_114 = vector.shape_cast %broadcast_in_dim3A_3 : vector<16xf32> to vector<16xf32>
    tpu.vector_store %arg6[%swap3A_111], %swap3A_114 {strides = array<i32>} : memref<640xf32, #tpu.memory_space<vmem>>, vector<16xf32>,
    %swap3A_115 = arith.constant 320 : index
    %swap3A_116 = tpu.vector_load %arg6[%swap3A_115] {strides = array<i32>} : memref<640xf32, #tpu.memory_space<vmem>>, vector<16xf32>,
    %swap3A_117 = vector.shape_cast %swap3A_116 : vector<16xf32> to vector<16xf32>
    %swap3A_118 = vector.shape_cast %broadcast_in_dim3A_3 : vector<16xf32> to vector<16xf32>
    tpu.vector_store %arg6[%swap3A_115], %swap3A_118 {strides = array<i32>} : memref<640xf32, #tpu.memory_space<vmem>>, vector<16xf32>,
    %swap3A_119 = arith.constant 336 : index
    %swap3A_120 = tpu.vector_load %arg6[%swap3A_119] {strides = array<i32>} : memref<640xf32, #tpu.memory_space<vmem>>, vector<16xf32>,
    %swap3A_121 = vector.shape_cast %swap3A_120 : vector<16xf32> to vector<16xf32>
    %swap3A_122 = vector.shape_cast %broadcast_in_dim3A_3 : vector<16xf32> to vector<16xf32>
    tpu.vector_store %arg6[%swap3A_119], %swap3A_122 {strides = array<i32>} : memref<640xf32, #tpu.memory_space<vmem>>, vector<16xf32>,
    %swap3A_123 = arith.constant 352 : index
    %swap3A_124 = tpu.vector_load %arg6[%swap3A_123] {strides = array<i32>} : memref<640xf32, #tpu.memory_space<vmem>>, vector<16xf32>,
    %swap3A_125 = vector.shape_cast %swap3A_124 : vector<16xf32> to vector<16xf32>
    %swap3A_126 = vector.shape_cast %broadcast_in_dim3A_3 : vector<16xf32> to vector<16xf32>
    tpu.vector_store %arg6[%swap3A_123], %swap3A_126 {strides = array<i32>} : memref<640xf32, #tpu.memory_space<vmem>>, vector<16xf32>,
    %swap3A_127 = arith.constant 368 : index
    %swap3A_128 = tpu.vector_load %arg6[%swap3A_127] {strides = array<i32>} : memref<640xf32, #tpu.memory_space<vmem>>, vector<16xf32>,
    %swap3A_129 = vector.shape_cast %swap3A_128 : vector<16xf32> to vector<16xf32>
    %swap3A_130 = vector.shape_cast %broadcast_in_dim3A_3 : vector<16xf32> to vector<16xf32>
    tpu.vector_store %arg6[%swap3A_127], %swap3A_130 {strides = array<i32>} : memref<640xf32, #tpu.memory_space<vmem>>, vector<16xf32>,
    %swap3A_131 = arith.constant 384 : index
    %swap3A_132 = tpu.vector_load %arg6[%swap3A_131] {strides = array<i32>} : memref<640xf32, #tpu.memory_space<vmem>>, vector<16xf32>,
    %swap3A_133 = vector.shape_cast %swap3A_132 : vector<16xf32> to vector<16xf32>
    %swap3A_134 = vector.shape_cast %broadcast_in_dim3A_3 : vector<16xf32> to vector<16xf32>
    tpu.vector_store %arg6[%swap3A_131], %swap3A_134 {strides = array<i32>} : memref<640xf32, #tpu.memory_space<vmem>>, vector<16xf32>,
    %swap3A_135 = arith.constant 400 : index
    %swap3A_136 = tpu.vector_load %arg6[%swap3A_135] {strides = array<i32>} : memref<640xf32, #tpu.memory_space<vmem>>, vector<16xf32>,
    %swap3A_137 = vector.shape_cast %swap3A_136 : vector<16xf32> to vector<16xf32>
    %swap3A_138 = vector.shape_cast %broadcast_in_dim3A_3 : vector<16xf32> to vector<16xf32>
    tpu.vector_store %arg6[%swap3A_135], %swap3A_138 {strides = array<i32>} : memref<640xf32, #tpu.memory_space<vmem>>, vector<16xf32>,
    %swap3A_139 = arith.constant 416 : index
    %swap3A_140 = tpu.vector_load %arg6[%swap3A_139] {strides = array<i32>} : memref<640xf32, #tpu.memory_space<vmem>>, vector<16xf32>,
    %swap3A_141 = vector.shape_cast %swap3A_140 : vector<16xf32> to vector<16xf32>
    %swap3A_142 = vector.shape_cast %broadcast_in_dim3A_3 : vector<16xf32> to vector<16xf32>
    tpu.vector_store %arg6[%swap3A_139], %swap3A_142 {strides = array<i32>} : memref<640xf32, #tpu.memory_space<vmem>>, vector<16xf32>,
    %swap3A_143 = arith.constant 432 : index
    %swap3A_144 = tpu.vector_load %arg6[%swap3A_143] {strides = array<i32>} : memref<640xf32, #tpu.memory_space<vmem>>, vector<16xf32>,
    %swap3A_145 = vector.shape_cast %swap3A_144 : vector<16xf32> to vector<16xf32>
    %swap3A_146 = vector.shape_cast %broadcast_in_dim3A_3 : vector<16xf32> to vector<16xf32>
    tpu.vector_store %arg6[%swap3A_143], %swap3A_146 {strides = array<i32>} : memref<640xf32, #tpu.memory_space<vmem>>, vector<16xf32>,
    %swap3A_147 = arith.constant 448 : index
    %swap3A_148 = tpu.vector_load %arg6[%swap3A_147] {strides = array<i32>} : memref<640xf32, #tpu.memory_space<vmem>>, vector<16xf32>,
    %swap3A_149 = vector.shape_cast %swap3A_148 : vector<16xf32> to vector<16xf32>
    %swap3A_150 = vector.shape_cast %broadcast_in_dim3A_3 : vector<16xf32> to vector<16xf32>
    tpu.vector_store %arg6[%swap3A_147], %swap3A_150 {strides = array<i32>} : memref<640xf32, #tpu.memory_space<vmem>>, vector<16xf32>,
    %swap3A_151 = arith.constant 464 : index
    %swap3A_152 = tpu.vector_load %arg6[%swap3A_151] {strides = array<i32>} : memref<640xf32, #tpu.memory_space<vmem>>, vector<16xf32>,
    %swap3A_153 = vector.shape_cast %swap3A_152 : vector<16xf32> to vector<16xf32>
    %swap3A_154 = vector.shape_cast %broadcast_in_dim3A_3 : vector<16xf32> to vector<16xf32>
    tpu.vector_store %arg6[%swap3A_151], %swap3A_154 {strides = array<i32>} : memref<640xf32, #tpu.memory_space<vmem>>, vector<16xf32>,
    %swap3A_155 = arith.constant 480 : index
    %swap3A_156 = tpu.vector_load %arg6[%swap3A_155] {strides = array<i32>} : memref<640xf32, #tpu.memory_space<vmem>>, vector<16xf32>,
    %swap3A_157 = vector.shape_cast %swap3A_156 : vector<16xf32> to vector<16xf32>
    %swap3A_158 = vector.shape_cast %broadcast_in_dim3A_3 : vector<16xf32> to vector<16xf32>
    tpu.vector_store %arg6[%swap3A_155], %swap3A_158 {strides = array<i32>} : memref<640xf32, #tpu.memory_space<vmem>>, vector<16xf32>,
    %swap3A_159 = arith.constant 496 : index
    %swap3A_160 = tpu.vector_load %arg6[%swap3A_159] {strides = array<i32>} : memref<640xf32, #tpu.memory_space<vmem>>, vector<16xf32>,
    %swap3A_161 = vector.shape_cast %swap3A_160 : vector<16xf32> to vector<16xf32>
    %swap3A_162 = vector.shape_cast %broadcast_in_dim3A_3 : vector<16xf32> to vector<16xf32>
    tpu.vector_store %arg6[%swap3A_159], %swap3A_162 {strides = array<i32>} : memref<640xf32, #tpu.memory_space<vmem>>, vector<16xf32>,
    %swap3A_163 = arith.constant 512 : index
    %swap3A_164 = tpu.vector_load %arg6[%swap3A_163] {strides = array<i32>} : memref<640xf32, #tpu.memory_space<vmem>>, vector<16xf32>,
    %swap3A_165 = vector.shape_cast %swap3A_164 : vector<16xf32> to vector<16xf32>
    %swap3A_166 = vector.shape_cast %broadcast_in_dim3A_3 : vector<16xf32> to vector<16xf32>
    tpu.vector_store %arg6[%swap3A_163], %swap3A_166 {strides = array<i32>} : memref<640xf32, #tpu.memory_space<vmem>>, vector<16xf32>,
    %swap3A_167 = arith.constant 528 : index
    %swap3A_168 = tpu.vector_load %arg6[%swap3A_167] {strides = array<i32>} : memref<640xf32, #tpu.memory_space<vmem>>, vector<16xf32>,
    %swap3A_169 = vector.shape_cast %swap3A_168 : vector<16xf32> to vector<16xf32>
    %swap3A_170 = vector.shape_cast %broadcast_in_dim3A_3 : vector<16xf32> to vector<16xf32>
    tpu.vector_store %arg6[%swap3A_167], %swap3A_170 {strides = array<i32>} : memref<640xf32, #tpu.memory_space<vmem>>, vector<16xf32>,
    %swap3A_171 = arith.constant 544 : index
    %swap3A_172 = tpu.vector_load %arg6[%swap3A_171] {strides = array<i32>} : memref<640xf32, #tpu.memory_space<vmem>>, vector<16xf32>,
    %swap3A_173 = vector.shape_cast %swap3A_172 : vector<16xf32> to vector<16xf32>
    %swap3A_174 = vector.shape_cast %broadcast_in_dim3A_3 : vector<16xf32> to vector<16xf32>
    tpu.vector_store %arg6[%swap3A_171], %swap3A_174 {strides = array<i32>} : memref<640xf32, #tpu.memory_space<vmem>>, vector<16xf32>,
    %swap3A_175 = arith.constant 560 : index
    %swap3A_176 = tpu.vector_load %arg6[%swap3A_175] {strides = array<i32>} : memref<640xf32, #tpu.memory_space<vmem>>, vector<16xf32>,
    %swap3A_177 = vector.shape_cast %swap3A_176 : vector<16xf32> to vector<16xf32>
    %swap3A_178 = vector.shape_cast %broadcast_in_dim3A_3 : vector<16xf32> to vector<16xf32>
    tpu.vector_store %arg6[%swap3A_175], %swap3A_178 {strides = array<i32>} : memref<640xf32, #tpu.memory_space<vmem>>, vector<16xf32>,
    %swap3A_179 = arith.constant 576 : index
    %swap3A_180 = tpu.vector_load %arg6[%swap3A_179] {strides = array<i32>} : memref<640xf32, #tpu.memory_space<vmem>>, vector<16xf32>,
    %swap3A_181 = vector.shape_cast %swap3A_180 : vector<16xf32> to vector<16xf32>
    %swap3A_182 = vector.shape_cast %broadcast_in_dim3A_3 : vector<16xf32> to vector<16xf32>
    tpu.vector_store %arg6[%swap3A_179], %swap3A_182 {strides = array<i32>} : memref<640xf32, #tpu.memory_space<vmem>>, vector<16xf32>,
    %swap3A_183 = arith.constant 592 : index
    %swap3A_184 = tpu.vector_load %arg6[%swap3A_183] {strides = array<i32>} : memref<640xf32, #tpu.memory_space<vmem>>, vector<16xf32>,
    %swap3A_185 = vector.shape_cast %swap3A_184 : vector<16xf32> to vector<16xf32>
    %swap3A_186 = vector.shape_cast %broadcast_in_dim3A_3 : vector<16xf32> to vector<16xf32>
    tpu.vector_store %arg6[%swap3A_183], %swap3A_186 {strides = array<i32>} : memref<640xf32, #tpu.memory_space<vmem>>, vector<16xf32>,
    %swap3A_187 = arith.constant 608 : index
    %swap3A_188 = tpu.vector_load %arg6[%swap3A_187] {strides = array<i32>} : memref<640xf32, #tpu.memory_space<vmem>>, vector<16xf32>,
    %swap3A_189 = vector.shape_cast %swap3A_188 : vector<16xf32> to vector<16xf32>
    %swap3A_190 = vector.shape_cast %broadcast_in_dim3A_3 : vector<16xf32> to vector<16xf32>
    tpu.vector_store %arg6[%swap3A_187], %swap3A_190 {strides = array<i32>} : memref<640xf32, #tpu.memory_space<vmem>>, vector<16xf32>,
    %swap3A_191 = arith.constant 624 : index
    %swap3A_192 = tpu.vector_load %arg6[%swap3A_191] {strides = array<i32>} : memref<640xf32, #tpu.memory_space<vmem>>, vector<16xf32>,
    %swap3A_193 = vector.shape_cast %swap3A_192 : vector<16xf32> to vector<16xf32>
    %swap3A_194 = vector.shape_cast %broadcast_in_dim3A_3 : vector<16xf32> to vector<16xf32>
    tpu.vector_store %arg6[%swap3A_191], %swap3A_194 {strides = array<i32>} : memref<640xf32, #tpu.memory_space<vmem>>, vector<16xf32>,
    %mul3A_195 = arith.constant 80 : i32
    %mul3A_196 = arith.muli %add3A, %mul3A_195 : i32
    "tpu.region"() ({
      %run_scoped3A = tpu.sem_alloc : memref<!tpu.dma_semaphore, #tpu.memory_space<semaphore_mem>>
      %dma_start3A = arith.constant 0 : i32
      %dma_start3A_207 = tpu.memref_slice %arg2[%mul3A_196, %dma_start3A] : memref<2560x128xi32, #tpu.memory_space<hbm>> -> memref<80x128xi32, #tpu.memory_space<hbm>>
      %dma_start3A_208 = arith.constant 0 : i32
      %dma_start3A_209 = tpu.memref_slice %arg2[%mul3A_196, %dma_start3A_208] : memref<2560x128xi32, #tpu.memory_space<hbm>> -> memref<80x128xi32, #tpu.memory_space<hbm>>
      tpu.enqueue_dma source(%dma_start3A_209 : memref<80x128xi32, #tpu.memory_space<hbm>>) target(%arg4 : memref<80x128xi32, #tpu.memory_space<vmem>>) target_semaphore(%run_scoped3A : memref<!tpu.dma_semaphore, #tpu.memory_space<semaphore_mem>>)
      %dma_wait3A = arith.constant 0 : i32
      %dma_wait3A_210 = tpu.memref_slice %arg2[%mul3A_196, %dma_wait3A] : memref<2560x128xi32, #tpu.memory_space<hbm>> -> memref<80x128xi32, #tpu.memory_space<hbm>>
      %dma_wait3A_211 = arith.constant 0 : i32
      %dma_wait3A_212 = tpu.memref_slice %arg2[%mul3A_196, %dma_wait3A_211] : memref<2560x128xi32, #tpu.memory_space<hbm>> -> memref<80x128xi32, #tpu.memory_space<hbm>>
      tpu.wait_dma2 semaphore(%run_scoped3A : memref<!tpu.dma_semaphore, #tpu.memory_space<semaphore_mem>>) src(%dma_wait3A_212 : memref<80x128xi32, #tpu.memory_space<hbm>>) dst(%arg4 : memref<80x128xi32, #tpu.memory_space<vmem>>)
      tpu.yield
    }) : () -> ()
    %mul3A_197 = arith.constant 640 : i32
    %mul3A_198 = arith.muli %arg1, %mul3A_197 : i32
    "tpu.region"() ({
      %run_scoped3A = tpu.sem_alloc : memref<!tpu.dma_semaphore, #tpu.memory_space<semaphore_mem>>
      %dma_start3A = tpu.memref_slice %arg7[%mul3A_198] : memref<10240xf32, #tpu.memory_space<vmem_shared>> -> memref<640xf32, #tpu.memory_space<vmem_shared>>
      %dma_start3A_207 = tpu.memref_slice %arg7[%mul3A_198] : memref<10240xf32, #tpu.memory_space<vmem_shared>> -> memref<640xf32, #tpu.memory_space<vmem_shared>>
      tpu.enqueue_dma source(%arg6 : memref<640xf32, #tpu.memory_space<vmem>>) target(%dma_start3A_207 : memref<640xf32, #tpu.memory_space<vmem_shared>>) target_semaphore(%run_scoped3A : memref<!tpu.dma_semaphore, #tpu.memory_space<semaphore_mem>>)
      %dma_wait3A = tpu.memref_slice %arg7[%mul3A_198] : memref<10240xf32, #tpu.memory_space<vmem_shared>> -> memref<640xf32, #tpu.memory_space<vmem_shared>>
      %dma_wait3A_208 = tpu.memref_slice %arg7[%mul3A_198] : memref<10240xf32, #tpu.memory_space<vmem_shared>> -> memref<640xf32, #tpu.memory_space<vmem_shared>>
      tpu.wait_dma2 semaphore(%run_scoped3A : memref<!tpu.dma_semaphore, #tpu.memory_space<semaphore_mem>>) src(%arg6 : memref<640xf32, #tpu.memory_space<vmem>>) dst(%dma_wait3A_208 : memref<640xf32, #tpu.memory_space<vmem_shared>>)
      tpu.yield
    }) : () -> ()
    %barrier3A = arith.constant 0 : index
    tpu.barrier barrier_id(%barrier3A)
    %scan3A = arith.constant 0 : i32
    %scan3A_199 = arith.constant 0 : i32
    %scan3A_200 = arith.constant 10 : i32
    %scan3A_201 = arith.addi %scan3A_199, %scan3A_200 : i32
    %scan3A_202 = arith.constant 1 : i32
    scf.for %scan3A_207 = %scan3A_199 to %scan3A_201 step %scan3A_202  : i32 {
      %mul3A_208 = arith.constant 8 : i32
      %mul3A_209 = arith.muli %scan3A_207, %mul3A_208 : i32
      %add3A_210 = arith.constant 0 : i32
      %add3A_211 = arith.addi %mul3A_209, %add3A_210 : i32
      %dma_start3A = arith.constant 0 : i32
      %dma_start3A_212 = tpu.memref_slice %arg4[%add3A_211, %dma_start3A] : memref<80x128xi32, #tpu.memory_space<vmem>> -> memref<1x128xi32, #tpu.memory_space<vmem>>
      %dma_start3A_213 = tpu.memref_squeeze %dma_start3A_212 : memref<1x128xi32, #tpu.memory_space<vmem>> -> memref<128xi32, #tpu.memory_space<vmem>>
      %dma_start3A_214 = arith.constant 0 : i32
      %dma_start3A_215 = tpu.memref_slice %arg7[%dma_start3A_214] : memref<10240xf32, #tpu.memory_space<vmem_shared>> -> memref<10240xf32, #tpu.memory_space<vmem_shared>>
      tpu.enqueue_indirect_dma source(%arg5 : memref<128xf32, #tpu.memory_space<vmem>>) target(%dma_start3A_215 : memref<10240xf32, #tpu.memory_space<vmem_shared>>) offsets(%dma_start3A_213 : memref<128xi32, #tpu.memory_space<vmem>>) semaphore(%arg8 : memref<!tpu.dma_semaphore, #tpu.memory_space<semaphore_mem>>) {add = true}
      %mul3A_216 = arith.constant 8 : i32
      %mul3A_217 = arith.muli %scan3A_207, %mul3A_216 : i32
      %add3A_218 = arith.constant 1 : i32
      %add3A_219 = arith.addi %mul3A_217, %add3A_218 : i32
      %dma_start3A_220 = arith.constant 0 : i32
      %dma_start3A_221 = tpu.memref_slice %arg4[%add3A_219, %dma_start3A_220] : memref<80x128xi32, #tpu.memory_space<vmem>> -> memref<1x128xi32, #tpu.memory_space<vmem>>
      %dma_start3A_222 = tpu.memref_squeeze %dma_start3A_221 : memref<1x128xi32, #tpu.memory_space<vmem>> -> memref<128xi32, #tpu.memory_space<vmem>>
      %dma_start3A_223 = arith.constant 0 : i32
      %dma_start3A_224 = tpu.memref_slice %arg7[%dma_start3A_223] : memref<10240xf32, #tpu.memory_space<vmem_shared>> -> memref<10240xf32, #tpu.memory_space<vmem_shared>>
      tpu.enqueue_indirect_dma source(%arg5 : memref<128xf32, #tpu.memory_space<vmem>>) target(%dma_start3A_224 : memref<10240xf32, #tpu.memory_space<vmem_shared>>) offsets(%dma_start3A_222 : memref<128xi32, #tpu.memory_space<vmem>>) semaphore(%arg8 : memref<!tpu.dma_semaphore, #tpu.memory_space<semaphore_mem>>) {add = true}
      %mul3A_225 = arith.constant 8 : i32
      %mul3A_226 = arith.muli %scan3A_207, %mul3A_225 : i32
      %add3A_227 = arith.constant 2 : i32
      %add3A_228 = arith.addi %mul3A_226, %add3A_227 : i32
      %dma_start3A_229 = arith.constant 0 : i32
      %dma_start3A_230 = tpu.memref_slice %arg4[%add3A_228, %dma_start3A_229] : memref<80x128xi32, #tpu.memory_space<vmem>> -> memref<1x128xi32, #tpu.memory_space<vmem>>
      %dma_start3A_231 = tpu.memref_squeeze %dma_start3A_230 : memref<1x128xi32, #tpu.memory_space<vmem>> -> memref<128xi32, #tpu.memory_space<vmem>>
      %dma_start3A_232 = arith.constant 0 : i32
      %dma_start3A_233 = tpu.memref_slice %arg7[%dma_start3A_232] : memref<10240xf32, #tpu.memory_space<vmem_shared>> -> memref<10240xf32, #tpu.memory_space<vmem_shared>>
      tpu.enqueue_indirect_dma source(%arg5 : memref<128xf32, #tpu.memory_space<vmem>>) target(%dma_start3A_233 : memref<10240xf32, #tpu.memory_space<vmem_shared>>) offsets(%dma_start3A_231 : memref<128xi32, #tpu.memory_space<vmem>>) semaphore(%arg8 : memref<!tpu.dma_semaphore, #tpu.memory_space<semaphore_mem>>) {add = true}
      %mul3A_234 = arith.constant 8 : i32
      %mul3A_235 = arith.muli %scan3A_207, %mul3A_234 : i32
      %add3A_236 = arith.constant 3 : i32
      %add3A_237 = arith.addi %mul3A_235, %add3A_236 : i32
      %dma_start3A_238 = arith.constant 0 : i32
      %dma_start3A_239 = tpu.memref_slice %arg4[%add3A_237, %dma_start3A_238] : memref<80x128xi32, #tpu.memory_space<vmem>> -> memref<1x128xi32, #tpu.memory_space<vmem>>
      %dma_start3A_240 = tpu.memref_squeeze %dma_start3A_239 : memref<1x128xi32, #tpu.memory_space<vmem>> -> memref<128xi32, #tpu.memory_space<vmem>>
      %dma_start3A_241 = arith.constant 0 : i32
      %dma_start3A_242 = tpu.memref_slice %arg7[%dma_start3A_241] : memref<10240xf32, #tpu.memory_space<vmem_shared>> -> memref<10240xf32, #tpu.memory_space<vmem_shared>>
      tpu.enqueue_indirect_dma source(%arg5 : memref<128xf32, #tpu.memory_space<vmem>>) target(%dma_start3A_242 : memref<10240xf32, #tpu.memory_space<vmem_shared>>) offsets(%dma_start3A_240 : memref<128xi32, #tpu.memory_space<vmem>>) semaphore(%arg8 : memref<!tpu.dma_semaphore, #tpu.memory_space<semaphore_mem>>) {add = true}
      %mul3A_243 = arith.constant 8 : i32
      %mul3A_244 = arith.muli %scan3A_207, %mul3A_243 : i32
      %add3A_245 = arith.constant 4 : i32
      %add3A_246 = arith.addi %mul3A_244, %add3A_245 : i32
      %dma_start3A_247 = arith.constant 0 : i32
      %dma_start3A_248 = tpu.memref_slice %arg4[%add3A_246, %dma_start3A_247] : memref<80x128xi32, #tpu.memory_space<vmem>> -> memref<1x128xi32, #tpu.memory_space<vmem>>
      %dma_start3A_249 = tpu.memref_squeeze %dma_start3A_248 : memref<1x128xi32, #tpu.memory_space<vmem>> -> memref<128xi32, #tpu.memory_space<vmem>>
      %dma_start3A_250 = arith.constant 0 : i32
      %dma_start3A_251 = tpu.memref_slice %arg7[%dma_start3A_250] : memref<10240xf32, #tpu.memory_space<vmem_shared>> -> memref<10240xf32, #tpu.memory_space<vmem_shared>>
      tpu.enqueue_indirect_dma source(%arg5 : memref<128xf32, #tpu.memory_space<vmem>>) target(%dma_start3A_251 : memref<10240xf32, #tpu.memory_space<vmem_shared>>) offsets(%dma_start3A_249 : memref<128xi32, #tpu.memory_space<vmem>>) semaphore(%arg8 : memref<!tpu.dma_semaphore, #tpu.memory_space<semaphore_mem>>) {add = true}
      %mul3A_252 = arith.constant 8 : i32
      %mul3A_253 = arith.muli %scan3A_207, %mul3A_252 : i32
      %add3A_254 = arith.constant 5 : i32
      %add3A_255 = arith.addi %mul3A_253, %add3A_254 : i32
      %dma_start3A_256 = arith.constant 0 : i32
      %dma_start3A_257 = tpu.memref_slice %arg4[%add3A_255, %dma_start3A_256] : memref<80x128xi32, #tpu.memory_space<vmem>> -> memref<1x128xi32, #tpu.memory_space<vmem>>
      %dma_start3A_258 = tpu.memref_squeeze %dma_start3A_257 : memref<1x128xi32, #tpu.memory_space<vmem>> -> memref<128xi32, #tpu.memory_space<vmem>>
      %dma_start3A_259 = arith.constant 0 : i32
      %dma_start3A_260 = tpu.memref_slice %arg7[%dma_start3A_259] : memref<10240xf32, #tpu.memory_space<vmem_shared>> -> memref<10240xf32, #tpu.memory_space<vmem_shared>>
      tpu.enqueue_indirect_dma source(%arg5 : memref<128xf32, #tpu.memory_space<vmem>>) target(%dma_start3A_260 : memref<10240xf32, #tpu.memory_space<vmem_shared>>) offsets(%dma_start3A_258 : memref<128xi32, #tpu.memory_space<vmem>>) semaphore(%arg8 : memref<!tpu.dma_semaphore, #tpu.memory_space<semaphore_mem>>) {add = true}
      %mul3A_261 = arith.constant 8 : i32
      %mul3A_262 = arith.muli %scan3A_207, %mul3A_261 : i32
      %add3A_263 = arith.constant 6 : i32
      %add3A_264 = arith.addi %mul3A_262, %add3A_263 : i32
      %dma_start3A_265 = arith.constant 0 : i32
      %dma_start3A_266 = tpu.memref_slice %arg4[%add3A_264, %dma_start3A_265] : memref<80x128xi32, #tpu.memory_space<vmem>> -> memref<1x128xi32, #tpu.memory_space<vmem>>
      %dma_start3A_267 = tpu.memref_squeeze %dma_start3A_266 : memref<1x128xi32, #tpu.memory_space<vmem>> -> memref<128xi32, #tpu.memory_space<vmem>>
      %dma_start3A_268 = arith.constant 0 : i32
      %dma_start3A_269 = tpu.memref_slice %arg7[%dma_start3A_268] : memref<10240xf32, #tpu.memory_space<vmem_shared>> -> memref<10240xf32, #tpu.memory_space<vmem_shared>>
      tpu.enqueue_indirect_dma source(%arg5 : memref<128xf32, #tpu.memory_space<vmem>>) target(%dma_start3A_269 : memref<10240xf32, #tpu.memory_space<vmem_shared>>) offsets(%dma_start3A_267 : memref<128xi32, #tpu.memory_space<vmem>>) semaphore(%arg8 : memref<!tpu.dma_semaphore, #tpu.memory_space<semaphore_mem>>) {add = true}
      %mul3A_270 = arith.constant 8 : i32
      %mul3A_271 = arith.muli %scan3A_207, %mul3A_270 : i32
      %add3A_272 = arith.constant 7 : i32
      %add3A_273 = arith.addi %mul3A_271, %add3A_272 : i32
      %dma_start3A_274 = arith.constant 0 : i32
      %dma_start3A_275 = tpu.memref_slice %arg4[%add3A_273, %dma_start3A_274] : memref<80x128xi32, #tpu.memory_space<vmem>> -> memref<1x128xi32, #tpu.memory_space<vmem>>
      %dma_start3A_276 = tpu.memref_squeeze %dma_start3A_275 : memref<1x128xi32, #tpu.memory_space<vmem>> -> memref<128xi32, #tpu.memory_space<vmem>>
      %dma_start3A_277 = arith.constant 0 : i32
      %dma_start3A_278 = tpu.memref_slice %arg7[%dma_start3A_277] : memref<10240xf32, #tpu.memory_space<vmem_shared>> -> memref<10240xf32, #tpu.memory_space<vmem_shared>>
      tpu.enqueue_indirect_dma source(%arg5 : memref<128xf32, #tpu.memory_space<vmem>>) target(%dma_start3A_278 : memref<10240xf32, #tpu.memory_space<vmem_shared>>) offsets(%dma_start3A_276 : memref<128xi32, #tpu.memory_space<vmem>>) semaphore(%arg8 : memref<!tpu.dma_semaphore, #tpu.memory_space<semaphore_mem>>) {add = true}
      %dma_wait3A = arith.constant 0 : i32
      %dma_wait3A_279 = tpu.memref_slice %arg4[%add3A_211, %dma_wait3A] : memref<80x128xi32, #tpu.memory_space<vmem>> -> memref<1x128xi32, #tpu.memory_space<vmem>>
      %dma_wait3A_280 = tpu.memref_squeeze %dma_wait3A_279 : memref<1x128xi32, #tpu.memory_space<vmem>> -> memref<128xi32, #tpu.memory_space<vmem>>
      %dma_wait3A_281 = arith.constant 0 : i32
      %dma_wait3A_282 = tpu.memref_slice %arg7[%dma_wait3A_281] : memref<10240xf32, #tpu.memory_space<vmem_shared>> -> memref<10240xf32, #tpu.memory_space<vmem_shared>>
      tpu.wait_indirect_dma semaphore(%arg8 : memref<!tpu.dma_semaphore, #tpu.memory_space<semaphore_mem>>) src(%arg5 : memref<128xf32, #tpu.memory_space<vmem>>) dst(%dma_wait3A_282 : memref<10240xf32, #tpu.memory_space<vmem_shared>>)
      %dma_wait3A_283 = arith.constant 0 : i32
      %dma_wait3A_284 = tpu.memref_slice %arg4[%add3A_219, %dma_wait3A_283] : memref<80x128xi32, #tpu.memory_space<vmem>> -> memref<1x128xi32, #tpu.memory_space<vmem>>
      %dma_wait3A_285 = tpu.memref_squeeze %dma_wait3A_284 : memref<1x128xi32, #tpu.memory_space<vmem>> -> memref<128xi32, #tpu.memory_space<vmem>>
      %dma_wait3A_286 = arith.constant 0 : i32
      %dma_wait3A_287 = tpu.memref_slice %arg7[%dma_wait3A_286] : memref<10240xf32, #tpu.memory_space<vmem_shared>> -> memref<10240xf32, #tpu.memory_space<vmem_shared>>
      tpu.wait_indirect_dma semaphore(%arg8 : memref<!tpu.dma_semaphore, #tpu.memory_space<semaphore_mem>>) src(%arg5 : memref<128xf32, #tpu.memory_space<vmem>>) dst(%dma_wait3A_287 : memref<10240xf32, #tpu.memory_space<vmem_shared>>)
      %dma_wait3A_288 = arith.constant 0 : i32
      %dma_wait3A_289 = tpu.memref_slice %arg4[%add3A_228, %dma_wait3A_288] : memref<80x128xi32, #tpu.memory_space<vmem>> -> memref<1x128xi32, #tpu.memory_space<vmem>>
      %dma_wait3A_290 = tpu.memref_squeeze %dma_wait3A_289 : memref<1x128xi32, #tpu.memory_space<vmem>> -> memref<128xi32, #tpu.memory_space<vmem>>
      %dma_wait3A_291 = arith.constant 0 : i32
      %dma_wait3A_292 = tpu.memref_slice %arg7[%dma_wait3A_291] : memref<10240xf32, #tpu.memory_space<vmem_shared>> -> memref<10240xf32, #tpu.memory_space<vmem_shared>>
      tpu.wait_indirect_dma semaphore(%arg8 : memref<!tpu.dma_semaphore, #tpu.memory_space<semaphore_mem>>) src(%arg5 : memref<128xf32, #tpu.memory_space<vmem>>) dst(%dma_wait3A_292 : memref<10240xf32, #tpu.memory_space<vmem_shared>>)
      %dma_wait3A_293 = arith.constant 0 : i32
      %dma_wait3A_294 = tpu.memref_slice %arg4[%add3A_237, %dma_wait3A_293] : memref<80x128xi32, #tpu.memory_space<vmem>> -> memref<1x128xi32, #tpu.memory_space<vmem>>
      %dma_wait3A_295 = tpu.memref_squeeze %dma_wait3A_294 : memref<1x128xi32, #tpu.memory_space<vmem>> -> memref<128xi32, #tpu.memory_space<vmem>>
      %dma_wait3A_296 = arith.constant 0 : i32
      %dma_wait3A_297 = tpu.memref_slice %arg7[%dma_wait3A_296] : memref<10240xf32, #tpu.memory_space<vmem_shared>> -> memref<10240xf32, #tpu.memory_space<vmem_shared>>
      tpu.wait_indirect_dma semaphore(%arg8 : memref<!tpu.dma_semaphore, #tpu.memory_space<semaphore_mem>>) src(%arg5 : memref<128xf32, #tpu.memory_space<vmem>>) dst(%dma_wait3A_297 : memref<10240xf32, #tpu.memory_space<vmem_shared>>)
      %dma_wait3A_298 = arith.constant 0 : i32
      %dma_wait3A_299 = tpu.memref_slice %arg4[%add3A_246, %dma_wait3A_298] : memref<80x128xi32, #tpu.memory_space<vmem>> -> memref<1x128xi32, #tpu.memory_space<vmem>>
      %dma_wait3A_300 = tpu.memref_squeeze %dma_wait3A_299 : memref<1x128xi32, #tpu.memory_space<vmem>> -> memref<128xi32, #tpu.memory_space<vmem>>
      %dma_wait3A_301 = arith.constant 0 : i32
      %dma_wait3A_302 = tpu.memref_slice %arg7[%dma_wait3A_301] : memref<10240xf32, #tpu.memory_space<vmem_shared>> -> memref<10240xf32, #tpu.memory_space<vmem_shared>>
      tpu.wait_indirect_dma semaphore(%arg8 : memref<!tpu.dma_semaphore, #tpu.memory_space<semaphore_mem>>) src(%arg5 : memref<128xf32, #tpu.memory_space<vmem>>) dst(%dma_wait3A_302 : memref<10240xf32, #tpu.memory_space<vmem_shared>>)
      %dma_wait3A_303 = arith.constant 0 : i32
      %dma_wait3A_304 = tpu.memref_slice %arg4[%add3A_255, %dma_wait3A_303] : memref<80x128xi32, #tpu.memory_space<vmem>> -> memref<1x128xi32, #tpu.memory_space<vmem>>
      %dma_wait3A_305 = tpu.memref_squeeze %dma_wait3A_304 : memref<1x128xi32, #tpu.memory_space<vmem>> -> memref<128xi32, #tpu.memory_space<vmem>>
      %dma_wait3A_306 = arith.constant 0 : i32
      %dma_wait3A_307 = tpu.memref_slice %arg7[%dma_wait3A_306] : memref<10240xf32, #tpu.memory_space<vmem_shared>> -> memref<10240xf32, #tpu.memory_space<vmem_shared>>
      tpu.wait_indirect_dma semaphore(%arg8 : memref<!tpu.dma_semaphore, #tpu.memory_space<semaphore_mem>>) src(%arg5 : memref<128xf32, #tpu.memory_space<vmem>>) dst(%dma_wait3A_307 : memref<10240xf32, #tpu.memory_space<vmem_shared>>)
      %dma_wait3A_308 = arith.constant 0 : i32
      %dma_wait3A_309 = tpu.memref_slice %arg4[%add3A_264, %dma_wait3A_308] : memref<80x128xi32, #tpu.memory_space<vmem>> -> memref<1x128xi32, #tpu.memory_space<vmem>>
      %dma_wait3A_310 = tpu.memref_squeeze %dma_wait3A_309 : memref<1x128xi32, #tpu.memory_space<vmem>> -> memref<128xi32, #tpu.memory_space<vmem>>
      %dma_wait3A_311 = arith.constant 0 : i32
      %dma_wait3A_312 = tpu.memref_slice %arg7[%dma_wait3A_311] : memref<10240xf32, #tpu.memory_space<vmem_shared>> -> memref<10240xf32, #tpu.memory_space<vmem_shared>>
      tpu.wait_indirect_dma semaphore(%arg8 : memref<!tpu.dma_semaphore, #tpu.memory_space<semaphore_mem>>) src(%arg5 : memref<128xf32, #tpu.memory_space<vmem>>) dst(%dma_wait3A_312 : memref<10240xf32, #tpu.memory_space<vmem_shared>>)
      %dma_wait3A_313 = arith.constant 0 : i32
      %dma_wait3A_314 = tpu.memref_slice %arg4[%add3A_273, %dma_wait3A_313] : memref<80x128xi32, #tpu.memory_space<vmem>> -> memref<1x128xi32, #tpu.memory_space<vmem>>
      %dma_wait3A_315 = tpu.memref_squeeze %dma_wait3A_314 : memref<1x128xi32, #tpu.memory_space<vmem>> -> memref<128xi32, #tpu.memory_space<vmem>>
      %dma_wait3A_316 = arith.constant 0 : i32
      %dma_wait3A_317 = tpu.memref_slice %arg7[%dma_wait3A_316] : memref<10240xf32, #tpu.memory_space<vmem_shared>> -> memref<10240xf32, #tpu.memory_space<vmem_shared>>
      tpu.wait_indirect_dma semaphore(%arg8 : memref<!tpu.dma_semaphore, #tpu.memory_space<semaphore_mem>>) src(%arg5 : memref<128xf32, #tpu.memory_space<vmem>>) dst(%dma_wait3A_317 : memref<10240xf32, #tpu.memory_space<vmem_shared>>)
    }
    %scan3A_203 = arith.constant 10 : i32
    %barrier3A_204 = arith.constant 0 : index
    tpu.barrier barrier_id(%barrier3A_204)
    %mul3A_205 = arith.constant 640 : i32
    %mul3A_206 = arith.muli %arg1, %mul3A_205 : i32
    "tpu.region"() ({
      %run_scoped3A = tpu.sem_alloc : memref<!tpu.dma_semaphore, #tpu.memory_space<semaphore_mem>>
      %dma_start3A = tpu.memref_slice %arg7[%mul3A_206] : memref<10240xf32, #tpu.memory_space<vmem_shared>> -> memref<640xf32, #tpu.memory_space<vmem_shared>>
      %dma_start3A_207 = tpu.memref_slice %arg7[%mul3A_206] : memref<10240xf32, #tpu.memory_space<vmem_shared>> -> memref<640xf32, #tpu.memory_space<vmem_shared>>
      tpu.enqueue_dma source(%dma_start3A_207 : memref<640xf32, #tpu.memory_space<vmem_shared>>) target(%arg6 : memref<640xf32, #tpu.memory_space<vmem>>) target_semaphore(%run_scoped3A : memref<!tpu.dma_semaphore, #tpu.memory_space<semaphore_mem>>)
      %dma_wait3A = tpu.memref_slice %arg7[%mul3A_206] : memref<10240xf32, #tpu.memory_space<vmem_shared>> -> memref<640xf32, #tpu.memory_space<vmem_shared>>
      %dma_wait3A_208 = tpu.memref_slice %arg7[%mul3A_206] : memref<10240xf32, #tpu.memory_space<vmem_shared>> -> memref<640xf32, #tpu.memory_space<vmem_shared>>
      tpu.wait_dma2 semaphore(%run_scoped3A : memref<!tpu.dma_semaphore, #tpu.memory_space<semaphore_mem>>) src(%dma_wait3A_208 : memref<640xf32, #tpu.memory_space<vmem_shared>>) dst(%arg6 : memref<640xf32, #tpu.memory_space<vmem>>)
      tpu.yield
    }) : () -> ()
    "tpu.region"() ({
      %run_scoped3A = tpu.sem_alloc : memref<!tpu.dma_semaphore, #tpu.memory_space<semaphore_mem>>
      %dma_start3A = tpu.memref_slice %arg3[%arg0, %mul3A_206] : memref<2x10240xf32, #tpu.memory_space<hbm>> -> memref<1x640xf32, #tpu.memory_space<hbm>>
      %dma_start3A_207 = tpu.memref_squeeze %dma_start3A : memref<1x640xf32, #tpu.memory_space<hbm>> -> memref<640xf32, #tpu.memory_space<hbm>>
      %dma_start3A_208 = tpu.memref_slice %arg3[%arg0, %mul3A_206] : memref<2x10240xf32, #tpu.memory_space<hbm>> -> memref<1x640xf32, #tpu.memory_space<hbm>>
      %dma_start3A_209 = tpu.memref_squeeze %dma_start3A_208 : memref<1x640xf32, #tpu.memory_space<hbm>> -> memref<640xf32, #tpu.memory_space<hbm>>
      tpu.enqueue_dma source(%arg6 : memref<640xf32, #tpu.memory_space<vmem>>) target(%dma_start3A_209 : memref<640xf32, #tpu.memory_space<hbm>>) target_semaphore(%run_scoped3A : memref<!tpu.dma_semaphore, #tpu.memory_space<semaphore_mem>>)
      %dma_wait3A = tpu.memref_slice %arg3[%arg0, %mul3A_206] : memref<2x10240xf32, #tpu.memory_space<hbm>> -> memref<1x640xf32, #tpu.memory_space<hbm>>
      %dma_wait3A_210 = tpu.memref_squeeze %dma_wait3A : memref<1x640xf32, #tpu.memory_space<hbm>> -> memref<640xf32, #tpu.memory_space<hbm>>
      %dma_wait3A_211 = tpu.memref_slice %arg3[%arg0, %mul3A_206] : memref<2x10240xf32, #tpu.memory_space<hbm>> -> memref<1x640xf32, #tpu.memory_space<hbm>>
      %dma_wait3A_212 = tpu.memref_squeeze %dma_wait3A_211 : memref<1x640xf32, #tpu.memory_space<hbm>> -> memref<640xf32, #tpu.memory_space<hbm>>
      tpu.wait_dma2 semaphore(%run_scoped3A : memref<!tpu.dma_semaphore, #tpu.memory_space<semaphore_mem>>) src(%arg6 : memref<640xf32, #tpu.memory_space<vmem>>) dst(%dma_wait3A_212 : memref<640xf32, #tpu.memory_space<hbm>>)
      tpu.yield
    }) : () -> ()
    return
  }
}

module attributes {stable_mosaic.version = 14 : i64} {
  func.func @_tc1_body(%arg0: i32, %arg1: memref<1024x2xf32, #tpu.memory_space<vmem>>, %arg2: memref<1024x128xf32, #tpu.memory_space<vmem>>, %arg3: memref<128x128xf32, #tpu.memory_space<vmem>>, %arg4: memref<1024x128xf32, #tpu.memory_space<vmem>>, %arg5: memref<1024x1xf32, #tpu.memory_space<vmem>>) attributes {dimension_semantics = [#tpu.dimension_semantics<arbitrary>], iteration_bounds = array<i64: 10>, scalar_prefetch = 0 : i64, scratch_operands = 0 : i64, tpu.core_type = #tpu.core_type<tc>, window_params = [{transform_indices = @transform_0, window_bounds = array<i64: 1024, 2>}, {transform_indices = @transform_1, window_bounds = array<i64: 1024, 128>}, {pipeline_mode = #tpu.pipeline_mode<synchronous>, transform_indices = @transform_2, window_bounds = array<i64: 128, 128>}, {transform_indices = @transform_3, window_bounds = array<i64: 1024, 128>}, {transform_indices = @transform_4, window_bounds = array<i64: 1024, 1>}]} {
    %get3A = arith.constant 0 : index
    %get3A_0 = arith.constant 0 : index
    %get3A_1 = vector.load %arg1[%get3A, %get3A_0] : memref<1024x2xf32, #tpu.memory_space<vmem>>, vector<1024x1xf32>
    %get3A_2 = arith.constant 0 : index
    %get3A_3 = arith.constant 1 : index
    %get3A_4 = vector.load %arg1[%get3A_2, %get3A_3] : memref<1024x2xf32, #tpu.memory_space<vmem>>, vector<1024x1xf32>
    %add3A = arith.addf %get3A_1, %get3A_4 : vector<1024x1xf32>
    %add3A_5 = arith.constant 1.000000e+00 : f32
    %add3A_6 = vector.broadcast %add3A_5 : f32 to vector<1024x1xf32>
    %add3A_7 = arith.addf %add3A, %add3A_6 : vector<1024x1xf32>
    %rsqrt3A = math.rsqrt %add3A_7 : vector<1024x1xf32>
    %iota3A = tpu.iota {dimensions = array<i32: 0>} : vector<1024x1xi32>
    %mul3A = arith.constant 1024 : i32
    %mul3A_8 = arith.muli %arg0, %mul3A : i32
    %add3A_9 = vector.broadcast %mul3A_8 : i32 to vector<1024x1xi32>
    %add3A_10 = arith.addi %iota3A, %add3A_9 : vector<1024x1xi32>
    %lt3A = arith.constant 10000 : i32
    %lt3A_11 = vector.broadcast %lt3A : i32 to vector<1024x1xi32>
    %lt3A_12 = arith.cmpi slt, %add3A_10, %lt3A_11 : vector<1024x1xi32>
    %jit3A = arith.constant 0.000000e+00 : f32
    %broadcast_in_dim3A = vector.broadcast %jit3A : f32 to vector<1024x1xf32>
    %select_n3A = arith.select %lt3A_12, %rsqrt3A, %broadcast_in_dim3A : vector<1024x1xi1>, vector<1024x1xf32>
    %get3A_13 = arith.constant 0 : index
    %get3A_14 = arith.constant 0 : index
    %get3A_15 = vector.load %arg2[%get3A_13, %get3A_14] : memref<1024x128xf32, #tpu.memory_space<vmem>>, vector<1024x128xf32>
    %get3A_16 = arith.constant 0 : index
    %get3A_17 = arith.constant 0 : index
    %get3A_18 = vector.load %arg3[%get3A_16, %get3A_17] : memref<128x128xf32, #tpu.memory_space<vmem>>, vector<128x128xf32>
    %dot_general3A = arith.constant dense<0.000000e+00> : vector<1024x128xf32>
    %dot_general3A_19 = tpu.matmul %get3A_15, %get3A_18, %dot_general3A {dimension_numbers = #tpu.dot_dimension_numbers<[1], [0], [0], [1], [0, 0, 1, 1], [], []>, transpose_lhs_hint = false} : vector<1024x128xf32>, vector<128x128xf32>, vector<1024x128xf32> -> vector<1024x128xf32>
    %mul3A_20 = vector.broadcast %select_n3A : vector<1024x1xf32> to vector<1024x128xf32>
    %mul3A_21 = arith.mulf %dot_general3A_19, %mul3A_20 : vector<1024x128xf32>
    %swap3A = arith.constant 0 : index
    %swap3A_22 = arith.constant 0 : index
    %swap3A_23 = vector.load %arg4[%swap3A, %swap3A_22] : memref<1024x128xf32, #tpu.memory_space<vmem>>, vector<1024x128xf32>
    tpu.vector_store %arg4[%swap3A, %swap3A_22], %mul3A_21 {strides = array<i32>} : memref<1024x128xf32, #tpu.memory_space<vmem>>, vector<1024x128xf32>,
    %swap3A_24 = arith.constant 0 : index
    %swap3A_25 = arith.constant 0 : index
    %swap3A_26 = vector.load %arg5[%swap3A_24, %swap3A_25] : memref<1024x1xf32, #tpu.memory_space<vmem>>, vector<1024x1xf32>
    tpu.vector_store %arg5[%swap3A_24, %swap3A_25], %select_n3A {strides = array<i32>} : memref<1024x1xf32, #tpu.memory_space<vmem>>, vector<1024x1xf32>,
    return
  }
  func.func @transform_0(%arg0: i32) -> (i32, i32) {
    %c0_i32 = arith.constant 0 : i32
    %c0_i32_0 = arith.constant 0 : i32
    return %arg0, %c0_i32 : i32, i32
  }
  func.func @transform_1(%arg0: i32) -> (i32, i32) {
    %c0_i32 = arith.constant 0 : i32
    %c0_i32_0 = arith.constant 0 : i32
    return %arg0, %c0_i32 : i32, i32
  }
  func.func @transform_2(%arg0: i32) -> (i32, i32) {
    %c0_i32 = arith.constant 0 : i32
    %c0_i32_0 = arith.constant 0 : i32
    %c0_i32_1 = arith.constant 0 : i32
    return %c0_i32, %c0_i32_0 : i32, i32
  }
  func.func @transform_3(%arg0: i32) -> (i32, i32) {
    %c0_i32 = arith.constant 0 : i32
    %c0_i32_0 = arith.constant 0 : i32
    return %arg0, %c0_i32 : i32, i32
  }
  func.func @transform_4(%arg0: i32) -> (i32, i32) {
    %c0_i32 = arith.constant 0 : i32
    %c0_i32_0 = arith.constant 0 : i32
    return %arg0, %c0_i32 : i32, i32
  }
}

module attributes {stable_mosaic.version = 14 : i64} {
  func.func @_tc_mid_body(%arg0: i32, %arg1: memref<2x1024x128xf32, #tpu.memory_space<vmem>>, %arg2: memref<1024x128xf32, #tpu.memory_space<vmem>>, %arg3: memref<1024x1xf32, #tpu.memory_space<vmem>>, %arg4: memref<1x128xf32, #tpu.memory_space<vmem>>, %arg5: memref<128x128xf32, #tpu.memory_space<vmem>>, %arg6: memref<1024x128xf32, #tpu.memory_space<vmem>>) attributes {dimension_semantics = [#tpu.dimension_semantics<arbitrary>], iteration_bounds = array<i64: 10>, scalar_prefetch = 0 : i64, scratch_operands = 0 : i64, tpu.core_type = #tpu.core_type<tc>, window_params = [{transform_indices = @transform_0, window_bounds = array<i64: 2, 1024, 128>}, {transform_indices = @transform_1, window_bounds = array<i64: 1024, 128>}, {transform_indices = @transform_2, window_bounds = array<i64: 1024, 1>}, {pipeline_mode = #tpu.pipeline_mode<synchronous>, transform_indices = @transform_3, window_bounds = array<i64: 1, 128>}, {pipeline_mode = #tpu.pipeline_mode<synchronous>, transform_indices = @transform_4, window_bounds = array<i64: 128, 128>}, {transform_indices = @transform_5, window_bounds = array<i64: 1024, 128>}]} {
    %get3A = arith.constant 0 : index
    %get3A_0 = arith.constant 0 : index
    %get3A_1 = arith.constant 0 : index
    %get3A_2 = vector.load %arg1[%get3A, %get3A_0, %get3A_1] : memref<2x1024x128xf32, #tpu.memory_space<vmem>>, vector<1x1024x128xf32>
    %get3A_3 = vector.shape_cast %get3A_2 : vector<1x1024x128xf32> to vector<1024x128xf32>
    %get3A_4 = arith.constant 1 : index
    %get3A_5 = arith.constant 0 : index
    %get3A_6 = arith.constant 0 : index
    %get3A_7 = vector.load %arg1[%get3A_4, %get3A_5, %get3A_6] : memref<2x1024x128xf32, #tpu.memory_space<vmem>>, vector<1x1024x128xf32>
    %get3A_8 = vector.shape_cast %get3A_7 : vector<1x1024x128xf32> to vector<1024x128xf32>
    %add3A = arith.addf %get3A_3, %get3A_8 : vector<1024x128xf32>
    %get3A_9 = arith.constant 0 : index
    %get3A_10 = arith.constant 0 : index
    %get3A_11 = vector.load %arg2[%get3A_9, %get3A_10] : memref<1024x128xf32, #tpu.memory_space<vmem>>, vector<1024x128xf32>
    %add3A_12 = arith.addf %add3A, %get3A_11 : vector<1024x128xf32>
    %get3A_13 = arith.constant 0 : index
    %get3A_14 = arith.constant 0 : index
    %get3A_15 = vector.load %arg3[%get3A_13, %get3A_14] : memref<1024x1xf32, #tpu.memory_space<vmem>>, vector<1024x1xf32>
    %mul3A = vector.broadcast %get3A_15 : vector<1024x1xf32> to vector<1024x128xf32>
    %mul3A_16 = arith.mulf %mul3A, %add3A_12 : vector<1024x128xf32>
    %get3A_17 = arith.constant 0 : index
    %get3A_18 = arith.constant 0 : index
    %get3A_19 = vector.load %arg4[%get3A_17, %get3A_18] : memref<1x128xf32, #tpu.memory_space<vmem>>, vector<1x128xf32>
    %add3A_20 = vector.broadcast %get3A_19 : vector<1x128xf32> to vector<1024x128xf32>
    %add3A_21 = arith.addf %mul3A_16, %add3A_20 : vector<1024x128xf32>
    %max3A = arith.constant 0.000000e+00 : f32
    %max3A_22 = vector.broadcast %max3A : f32 to vector<1024x128xf32>
    %max3A_23 = arith.maximumf %add3A_21, %max3A_22 : vector<1024x128xf32>
    %get3A_24 = arith.constant 0 : index
    %get3A_25 = arith.constant 0 : index
    %get3A_26 = vector.load %arg5[%get3A_24, %get3A_25] : memref<128x128xf32, #tpu.memory_space<vmem>>, vector<128x128xf32>
    %dot_general3A = arith.constant dense<0.000000e+00> : vector<1024x128xf32>
    %dot_general3A_27 = tpu.matmul %max3A_23, %get3A_26, %dot_general3A {dimension_numbers = #tpu.dot_dimension_numbers<[1], [0], [0], [1], [0, 0, 1, 1], [], []>, transpose_lhs_hint = false} : vector<1024x128xf32>, vector<128x128xf32>, vector<1024x128xf32> -> vector<1024x128xf32>
    %get3A_28 = arith.constant 0 : index
    %get3A_29 = arith.constant 0 : index
    %get3A_30 = vector.load %arg3[%get3A_28, %get3A_29] : memref<1024x1xf32, #tpu.memory_space<vmem>>, vector<1024x1xf32>
    %mul3A_31 = vector.broadcast %get3A_30 : vector<1024x1xf32> to vector<1024x128xf32>
    %mul3A_32 = arith.mulf %dot_general3A_27, %mul3A_31 : vector<1024x128xf32>
    %swap3A = arith.constant 0 : index
    %swap3A_33 = arith.constant 0 : index
    %swap3A_34 = vector.load %arg6[%swap3A, %swap3A_33] : memref<1024x128xf32, #tpu.memory_space<vmem>>, vector<1024x128xf32>
    tpu.vector_store %arg6[%swap3A, %swap3A_33], %mul3A_32 {strides = array<i32>} : memref<1024x128xf32, #tpu.memory_space<vmem>>, vector<1024x128xf32>,
    return
  }
  func.func @transform_0(%arg0: i32) -> (i32, i32, i32) {
    %c0_i32 = arith.constant 0 : i32
    %c0_i32_0 = arith.constant 0 : i32
    %c0_i32_1 = arith.constant 0 : i32
    return %c0_i32, %arg0, %c0_i32_0 : i32, i32, i32
  }
  func.func @transform_1(%arg0: i32) -> (i32, i32) {
    %c0_i32 = arith.constant 0 : i32
    %c0_i32_0 = arith.constant 0 : i32
    return %arg0, %c0_i32 : i32, i32
  }
  func.func @transform_2(%arg0: i32) -> (i32, i32) {
    %c0_i32 = arith.constant 0 : i32
    %c0_i32_0 = arith.constant 0 : i32
    return %arg0, %c0_i32 : i32, i32
  }
  func.func @transform_3(%arg0: i32) -> (i32, i32) {
    %c0_i32 = arith.constant 0 : i32
    %c0_i32_0 = arith.constant 0 : i32
    %c0_i32_1 = arith.constant 0 : i32
    return %c0_i32, %c0_i32_0 : i32, i32
  }
  func.func @transform_4(%arg0: i32) -> (i32, i32) {
    %c0_i32 = arith.constant 0 : i32
    %c0_i32_0 = arith.constant 0 : i32
    %c0_i32_1 = arith.constant 0 : i32
    return %c0_i32, %c0_i32_0 : i32, i32
  }
  func.func @transform_5(%arg0: i32) -> (i32, i32) {
    %c0_i32 = arith.constant 0 : i32
    %c0_i32_0 = arith.constant 0 : i32
    return %arg0, %c0_i32 : i32, i32
  }
}

module attributes {stable_mosaic.version = 14 : i64} {
  func.func @_tc_out_body(%arg0: i32, %arg1: memref<2x1024x128xf32, #tpu.memory_space<vmem>>, %arg2: memref<1024x128xf32, #tpu.memory_space<vmem>>, %arg3: memref<1024x1xf32, #tpu.memory_space<vmem>>, %arg4: memref<1x128xf32, #tpu.memory_space<vmem>>, %arg5: memref<128x1xf32, #tpu.memory_space<vmem>>, %arg6: memref<1x1xf32, #tpu.memory_space<vmem>>, %arg7: memref<1024x1xf32, #tpu.memory_space<vmem>>) attributes {dimension_semantics = [#tpu.dimension_semantics<arbitrary>], iteration_bounds = array<i64: 10>, scalar_prefetch = 0 : i64, scratch_operands = 0 : i64, tpu.core_type = #tpu.core_type<tc>, window_params = [{transform_indices = @transform_0, window_bounds = array<i64: 2, 1024, 128>}, {transform_indices = @transform_1, window_bounds = array<i64: 1024, 128>}, {transform_indices = @transform_2, window_bounds = array<i64: 1024, 1>}, {pipeline_mode = #tpu.pipeline_mode<synchronous>, transform_indices = @transform_3, window_bounds = array<i64: 1, 128>}, {pipeline_mode = #tpu.pipeline_mode<synchronous>, transform_indices = @transform_4, window_bounds = array<i64: 128, 1>}, {pipeline_mode = #tpu.pipeline_mode<synchronous>, transform_indices = @transform_5, window_bounds = array<i64: 1, 1>}, {transform_indices = @transform_6, window_bounds = array<i64: 1024, 1>}]} {
    %get3A = arith.constant 0 : index
    %get3A_0 = arith.constant 0 : index
    %get3A_1 = arith.constant 0 : index
    %get3A_2 = vector.load %arg1[%get3A, %get3A_0, %get3A_1] : memref<2x1024x128xf32, #tpu.memory_space<vmem>>, vector<1x1024x128xf32>
    %get3A_3 = vector.shape_cast %get3A_2 : vector<1x1024x128xf32> to vector<1024x128xf32>
    %get3A_4 = arith.constant 1 : index
    %get3A_5 = arith.constant 0 : index
    %get3A_6 = arith.constant 0 : index
    %get3A_7 = vector.load %arg1[%get3A_4, %get3A_5, %get3A_6] : memref<2x1024x128xf32, #tpu.memory_space<vmem>>, vector<1x1024x128xf32>
    %get3A_8 = vector.shape_cast %get3A_7 : vector<1x1024x128xf32> to vector<1024x128xf32>
    %add3A = arith.addf %get3A_3, %get3A_8 : vector<1024x128xf32>
    %get3A_9 = arith.constant 0 : index
    %get3A_10 = arith.constant 0 : index
    %get3A_11 = vector.load %arg2[%get3A_9, %get3A_10] : memref<1024x128xf32, #tpu.memory_space<vmem>>, vector<1024x128xf32>
    %add3A_12 = arith.addf %add3A, %get3A_11 : vector<1024x128xf32>
    %get3A_13 = arith.constant 0 : index
    %get3A_14 = arith.constant 0 : index
    %get3A_15 = vector.load %arg3[%get3A_13, %get3A_14] : memref<1024x1xf32, #tpu.memory_space<vmem>>, vector<1024x1xf32>
    %mul3A = vector.broadcast %get3A_15 : vector<1024x1xf32> to vector<1024x128xf32>
    %mul3A_16 = arith.mulf %mul3A, %add3A_12 : vector<1024x128xf32>
    %get3A_17 = arith.constant 0 : index
    %get3A_18 = arith.constant 0 : index
    %get3A_19 = vector.load %arg4[%get3A_17, %get3A_18] : memref<1x128xf32, #tpu.memory_space<vmem>>, vector<1x128xf32>
    %add3A_20 = vector.broadcast %get3A_19 : vector<1x128xf32> to vector<1024x128xf32>
    %add3A_21 = arith.addf %mul3A_16, %add3A_20 : vector<1024x128xf32>
    %max3A = arith.constant 0.000000e+00 : f32
    %max3A_22 = vector.broadcast %max3A : f32 to vector<1024x128xf32>
    %max3A_23 = arith.maximumf %add3A_21, %max3A_22 : vector<1024x128xf32>
    %get3A_24 = arith.constant 0 : index
    %get3A_25 = arith.constant 0 : index
    %get3A_26 = vector.load %arg5[%get3A_24, %get3A_25] : memref<128x1xf32, #tpu.memory_space<vmem>>, vector<128x1xf32>
    %dot_general3A = arith.constant dense<0.000000e+00> : vector<1024x1xf32>
    %dot_general3A_27 = tpu.matmul %max3A_23, %get3A_26, %dot_general3A {dimension_numbers = #tpu.dot_dimension_numbers<[1], [0], [0], [1], [0, 0, 1, 1], [], []>, transpose_lhs_hint = false} : vector<1024x128xf32>, vector<128x1xf32>, vector<1024x1xf32> -> vector<1024x1xf32>
    %get3A_28 = arith.constant 0 : index
    %get3A_29 = arith.constant 0 : index
    %get3A_30 = vector.load %arg6[%get3A_28, %get3A_29] : memref<1x1xf32, #tpu.memory_space<vmem>>, vector<1x1xf32>
    %add3A_31 = vector.broadcast %get3A_30 : vector<1x1xf32> to vector<1024x1xf32>
    %add3A_32 = arith.addf %dot_general3A_27, %add3A_31 : vector<1024x1xf32>
    %swap3A = arith.constant 0 : index
    %swap3A_33 = arith.constant 0 : index
    %swap3A_34 = vector.load %arg7[%swap3A, %swap3A_33] : memref<1024x1xf32, #tpu.memory_space<vmem>>, vector<1024x1xf32>
    tpu.vector_store %arg7[%swap3A, %swap3A_33], %add3A_32 {strides = array<i32>} : memref<1024x1xf32, #tpu.memory_space<vmem>>, vector<1024x1xf32>,
    return
  }
  func.func @transform_0(%arg0: i32) -> (i32, i32, i32) {
    %c0_i32 = arith.constant 0 : i32
    %c0_i32_0 = arith.constant 0 : i32
    %c0_i32_1 = arith.constant 0 : i32
    return %c0_i32, %arg0, %c0_i32_0 : i32, i32, i32
  }
  func.func @transform_1(%arg0: i32) -> (i32, i32) {
    %c0_i32 = arith.constant 0 : i32
    %c0_i32_0 = arith.constant 0 : i32
    return %arg0, %c0_i32 : i32, i32
  }
  func.func @transform_2(%arg0: i32) -> (i32, i32) {
    %c0_i32 = arith.constant 0 : i32
    %c0_i32_0 = arith.constant 0 : i32
    return %arg0, %c0_i32 : i32, i32
  }
  func.func @transform_3(%arg0: i32) -> (i32, i32) {
    %c0_i32 = arith.constant 0 : i32
    %c0_i32_0 = arith.constant 0 : i32
    %c0_i32_1 = arith.constant 0 : i32
    return %c0_i32, %c0_i32_0 : i32, i32
  }
  func.func @transform_4(%arg0: i32) -> (i32, i32) {
    %c0_i32 = arith.constant 0 : i32
    %c0_i32_0 = arith.constant 0 : i32
    %c0_i32_1 = arith.constant 0 : i32
    return %c0_i32, %c0_i32_0 : i32, i32
  }
  func.func @transform_5(%arg0: i32) -> (i32, i32) {
    %c0_i32 = arith.constant 0 : i32
    %c0_i32_0 = arith.constant 0 : i32
    %c0_i32_1 = arith.constant 0 : i32
    return %c0_i32, %c0_i32_0 : i32, i32
  }
  func.func @transform_6(%arg0: i32) -> (i32, i32) {
    %c0_i32 = arith.constant 0 : i32
    %c0_i32_0 = arith.constant 0 : i32
    return %arg0, %c0_i32 : i32, i32
  }
}

</mosaic_0001>

<sc_bundles>
// kernel: kernel.11.cloned.1.call-start
scs
__scs_entry_jumppad:
0x0: {  	(pc) =	sbr.rel $0x88, $3  }
0x1: {  	(tag) =	ssettag $0x0;
	lr =	simm.s32 $0x1  }
0x2: {  	[smem:$0x3F99] =	sst lr;
	_ =	strace $0xD0000000  }
0x3: {  	_ = 	snop  }
0x4: {  	_ = 	snop  }
0x5: {  	_ = 	snop  }
0x6: {  	_ = 	snop  }
0x7: {  	_ = 	snop  }
__scs_overlays_trampoline_lowered:
0x8: {  	[smem:$0x3FA8] =	sst s0  }
0x9: {  	[smem:$0x3FA9] =	sst s1  }
0xa: {  	[smem:$0x3FAA] =	sst s2  }
0xb: {  	[smem:$0x3FAB] =	sst s3  }
0xc: {  	[smem:$0x3FAC] =	sst s4  }
0xd: {  	[smem:$0x3FAD] =	sst s5  }
0xe: {  	[smem:$0x3FAE] =	sst s6  }
0xf: {  	[smem:$0x3FAF] =	sst s7  }
0x10: {  	[smem:$0x3FB0] =	sst s8  }
0x11: {  	[smem:$0x3FB1] =	sst s9;
	s0 =	simm.s32 @!p0 $0x0  }
0x12: {  	s1 =	sld [smem:$0x3F97];
	s0 =	simm.s32 @p0 $0x1  }
0x13: {  	[smem:$0x3FB2] =	sst s0;
	s0 =	simm.s32 @!p1 $0x0  }
0x14: {  	s2 =	sld [smem:$0x3F96];
	s0 =	simm.s32 @p1 $0x1  }
0x15: {  	[smem:$0x3FB3] =	sst s0;
	s0 =	simm.s32 @!p2 $0x0  }
0x16: {  	s3 =	sld [smem:$0x3FDB];
	s0 =	simm.s32 @p2 $0x1  }
0x17: {  	s4 =	simm.s32 $0x1BF5;
	[smem:$0x3FB5] =	sst s0  }
0x18: {  	s0 =	sld [smem:$0x3F98];
	_ =	swait.ge [sflag:s4], $0x0  }
0x19: {  	s7 =	sld [smem:$0x3F99]  }
0x1a: {  	s8 =	sadd.s32 $0xFFFFE003, lr  }
0x1b: {  	s9 =	sadd.s32 $0xFFFFFEF7, lr;
	s5 =	simm.s32 $0xFFFFFFFF;
	p2 =	slt.u32 s8, $0xFFFFF086  }
0x1c: {  	p1 =	slt.u32 s9, $0xF7A;
	s5 =	simm.s32 @!p2 $0x0  }
0x1d: {  	s5 =	simm.s32 @p1 $0x1;
	p0 =	seq.s32 s7, s2  }
0x1e: {  	s7 =	smul.u32 @!p0 $0xF7A, s2;
	p2 =	seq.s32 @!p0 s5, $0x0  }
0x1f: {  	s9 =	smul.u32 $0xF7A, s1;
	s8 =	simm.s32 @!p0 $0x1BF5;
	p2 =	por !p2, p0  }
0x20: {  	[sflag:s8] =	ssyncset.s32 @!p0 $0xFFFFF086;
	s6 =	sadd.s32 @!p0 s3, s7;
	s7 =	simm.s32 @!p0 $0x108  }
0x21: {  	s3 =	sadd.s32 s3, s9;
	s6 =	sadd.s32 @!p0 $0x88, s6;
	s7 =	simm.s32 @p2 $0x1082  }
0x22: {  	[simem:s7], [sflag:s8] =	dma.local @!p0 [hbm:s6], $0xF7A  }
0x23: {  	s9 =	sor.u32 $0xD0000000, s2;
	s6 =	simm.s32 $0x108;
	_ =	swait.ge @!p0 [sflag:s8], $0x0  }
0x24: {  	s3 =	sadd.s32 $0x88, s3;
	s6 =	simm.s32 @!p1 $0x1082;
	[sflag:s4] =	ssyncset.s32 $0xFFFFF086  }
0x25: {  	[simem:s6], [sflag:s4] =	dma.local [hbm:s3], $0xF7A  }
0x26: {  	[smem:$0x3F99] =	sst s1;
	(tag) =	ssettag s2;
	_ =	strace s9  }
0x27: {  	s1 =	sld [smem:$0x3FA9]  }
0x28: {  	s2 =	sld [smem:$0x3FAA]  }
0x29: {  	s4 =	sld [smem:$0x3FAC]  }
0x2a: {  	p0 =	seq.s32 s5, $0x0;
	s5 =	sld [smem:$0x3FAD]  }
0x2b: {  	s6 =	sld [smem:$0x3FAE]  }
0x2c: {  	s7 =	sld [smem:$0x3FAF]  }
0x2d: {  	s3 =	simm.s32 $0x108;
	s8 =	sld [smem:$0x3FB0]  }
0x2e: {  	s3 =	simm.s32 @!p0 $0x1082;
	s9 =	sld [smem:$0x3FB1]  }
0x2f: {  	lr =	sadd.s32 s0, s3;
	s0 =	sld [smem:$0x3FA8]  }
0x30: {  	s3 =	sld [smem:$0x3FAB]  }
0x31: {  	[smem:$0x3FB4] =	sst s10  }
0x32: {  	s10 =	sld [smem:$0x3FB2];
	_ =	sdelay $0x3  }
0x33: {  	p0 =	seq.s32 s10, $0x1;
	s10 =	sld [smem:$0x3FB4];
	_ =	sdelay $0x3  }
0x34: {  	[smem:$0x3FB4] =	sst s10  }
0x35: {  	s10 =	sld [smem:$0x3FB3];
	_ =	sdelay $0x3  }
0x36: {  	p1 =	seq.s32 s10, $0x1;
	s10 =	sld [smem:$0x3FB4];
	_ =	sdelay $0x3  }
0x37: {  	[smem:$0x3FB4] =	sst s10  }
0x38: {  	s10 =	sld [smem:$0x3FB5]  }
0x39: {  	_ = 	snop;
	(pc) =	sbr.ind lr, $3  }
0x3a: {  	_ = 	snop  }
0x3b: {  	_ = 	snop  }
0x3c: {  	p2 =	seq.s32 s10, $0x1;
	s10 =	sld [smem:$0x3FB4]  }
0x3d: {  	_ =	shalt  }
0x3e: {  	_ =	shalt  }
0x3f: {  	_ =	shalt  }
0x40: {  	_ =	shalt  }
0x41: {  	_ =	shalt  }
0x42: {  	_ =	shalt  }
0x43: {  	_ =	shalt  }
0x44: {  	_ =	shalt  }
0x45: {  	_ =	shalt  }
0x46: {  	_ =	shalt  }
0x47: {  	_ =	shalt  }
0x48: {  	_ =	shalt  }
0x49: {  	_ =	shalt  }
0x4a: {  	_ =	shalt  }
0x4b: {  	_ =	shalt  }
0x4c: {  	_ =	shalt  }
0x4d: {  	_ =	shalt  }
0x4e: {  	_ =	shalt  }
0x4f: {  	_ =	shalt  }
0x50: {  	_ =	shalt  }
0x51: {  	_ =	shalt  }
0x52: {  	_ =	shalt  }
0x53: {  	_ =	shalt  }
0x54: {  	_ =	shalt  }
0x55: {  	_ =	shalt  }
0x56: {  	_ =	shalt  }
0x57: {  	_ =	shalt  }
0x58: {  	_ =	shalt  }
0x59: {  	_ =	shalt  }
0x5a: {  	_ =	shalt  }
0x5b: {  	_ =	shalt  }
0x5c: {  	_ =	shalt  }
0x5d: {  	_ =	shalt  }
0x5e: {  	_ =	shalt  }
0x5f: {  	_ =	shalt  }
0x60: {  	_ =	shalt  }
0x61: {  	_ =	shalt  }
0x62: {  	_ =	shalt  }
0x63: {  	_ =	shalt  }
0x64: {  	_ =	shalt  }
0x65: {  	_ =	shalt  }
0x66: {  	_ =	shalt  }
0x67: {  	_ =	shalt  }
0x68: {  	_ =	shalt  }
0x69: {  	_ =	shalt  }
0x6a: {  	_ =	shalt  }
0x6b: {  	_ =	shalt  }
0x6c: {  	_ =	shalt  }
0x6d: {  	_ =	shalt  }
0x6e: {  	_ =	shalt  }
0x6f: {  	_ =	shalt  }
0x70: {  	_ =	shalt  }
0x71: {  	_ =	shalt  }
0x72: {  	_ =	shalt  }
0x73: {  	_ =	shalt  }
0x74: {  	_ =	shalt  }
0x75: {  	_ =	shalt  }
0x76: {  	_ =	shalt  }
0x77: {  	_ =	shalt  }
0x78: {  	_ =	shalt  }
0x79: {  	_ =	shalt  }
0x7a: {  	_ =	shalt  }
0x7b: {  	_ =	shalt  }
0x7c: {  	_ =	shalt  }
0x7d: {  	_ =	shalt  }
0x7e: {  	_ =	shalt  }
0x7f: {  	_ =	shalt  }
0x80: {  	_ =	shalt  }
0x81: {  	_ =	shalt  }
0x82: {  	_ =	shalt  }
0x83: {  	_ =	shalt  }
0x84: {  	_ =	shalt  }
0x85: {  	_ =	shalt  }
0x86: {  	_ =	shalt  }
0x87: {  	_ =	shalt  }
.Lfunc_end0:
.L_simem_size_0:
called_computation.1_lowered:
.L_overlay_start_0:
0x88: {  	s2 =	sld [smem:$0x3FD9]  }
0x89: {  	s3 =	sld [smem:$0x3FFE];
	_ =	sdelay $0x1  }
0x8a: {  	s1 =	srdreg.scid  }
0x8b: {  	s0 =	sand.u32 $0x1, s1  }
0x8c: {  	s16 =	sshll.u32 s0, $0xA;
	s2 =	sadd.s32 s3, s2  }
0x8d: {  	s2 =	sadd.s32 s2, s16  }
0x8e: {  	[smem:$0x3FC0] =	sst s2  }
0x8f: {  	_ = 	snop  }
0x90: {  	(tm) =	ssettm $0x1  }
0x91: {  	s17 =	sld [smem:$0x3FFB];
	_ =	sdelay $0x3  }
0x92: {  	_ =	strace s17  }
0x93: {  	s2 =	sld [smem:$0x3FFC];
	_ =	sdelay $0x3  }
0x94: {  	_ =	strace s2  }
0x95: {  	s2 =	sld [smem:$0x3FFD];
	_ =	sdelay $0x3  }
0x96: {  	_ =	strace s2  }
0x97: {  	_ =	strace $0x8FFFFFFF  }
0x98: {  	s18 =	sld [smem:$0x3FDB];
	_ =	sdelay $0x1  }
0x99: {  	s19 =	simm.s32 $_scs_section_size  }
0x9a: {  	s4 =	simm.s32 $_size__tile_overlayer_lowered;
	s5 =	simm.s32 $_tile_overlayer_lowered  }
0x9b: {  	s22 =	simm.s32 $0x1BFF;
	s21 =	sshll.u32 s5, $0x1;
	s2 =	sadd.s32 s19, s18  }
0x9c: {  	s6 =	simm.s32 $0x0;
	s20 =	sshll.u32 s4, $0x1;
	s4 =	sadd.s32 s21, s2  }
0x9d: {  	[timem:s6], [sflag:s22] =	dma.local [hbm:s4], s20  }
0x9e: {  	_ =	swait.ge [sflag:s22], s20  }
0x9f: {  	s3 =	ssub.s32 $0x0, s20;
	[sflag:s22] =	ssyncset.done $0x0  }
0xa0: {  	[sflag:s22] =	ssyncadd.s32 s3;
	_ =	sdelay $0x1  }
0xa1: {  	s23 =	simm.s32 $0x1B8B  }
0xa2: {  	_ =	swait.ge [sflag:s23], $0x1  }
0xa3: {  	[sflag:s23] =	ssyncset.done $0x0  }
0xa4: {  	s25 =	simm.s32 $0x1B8E;
	s24 =	sld [smem:$0x3FFE];
	[sflag:s23] =	ssyncadd.s32 $0xFFFFFFFF  }
0xa5: {  	s26 =	simm.s32 $execute0_lowered;
	[smem:$0x3FD2] =	sst s25  }
0xa6: {  	s4 =	sshll.u32 s26, $0x1;
	_ =	strace $0x80000049;
	[dreg:$0x1] =	wrdreg $0xFFFFFFFF  }
0xa7: {  	s28 =	simm.s32 $_size_execute0_lowered;
	s2 =	sadd.s32 s2, s4;
	[dreg:$0x0] =	wrdreg $0x0  }
0xa8: {  	s4 =	sshll.u32 s28, $0x1;
	[dreg:$0x2] =	wrdreg s2  }
0xa9: {  	[dreg:$0x3] =	wrdreg s4  }
0xaa: {  	[dreg:$0x4] =	wrdreg $0xC0  }
0xab: {  	_ =	task [dreg:s6], $0x5FFFF  }
0xac: {  	[dreg:$0x1] =	wrdreg $0xFFFFFFFF  }
0xad: {  	[dreg:$0x0] =	wrdreg $0x60  }
0xae: {  	[dreg:$0x2] =	wrdreg s24  }
0xaf: {  	[dreg:$0x3] =	wrdreg $0xA8000  }
0xb0: {  	[dreg:$0x4] =	wrdreg $0x9  }
0xb1: {  	_ =	task.clear_ibuf [dreg:s6], $0x5FFFF;
	_ =	strace $0x90000049  }
0xb2: {  	s29 =	simm.s32 $0x9;
	_ =	strace $0x8000004B  }
0xb3: {  	_ =	swait.ge [sflag:s29], $0x1  }
0xb4: {  	[sflag:s29] =	ssyncadd.s32 $0xFFFFFFFF  }
0xb5: {  	_ =	strace $0x9000004B  }
0xb6: {  	_ =	sfence  }
0xb7: {  	s30 =	sld [smem:$0x0];
	_ =	sdelay $0x2  }
0xb8: {  	s31 =	sshll.u32 s1, $0xD;
	s1 =	sshrl.u32 s1, $0x2  }
0xb9: {  	s3 =	sand.u32 $0x4000, s31;
	s1 =	sadd.s32 s1, s30  }
0xba: {  	s0 =	sor.u32 s3, s0;
	s1 =	sshll.u32 s1, $0x11  }
0xbb: {  	s0 =	sor.u32 s1, s0  }
0xbc: {  	s0 =	sadd.s32 $0x8F2B, s0  }
0xbd: {  	[sflag:s0] =	ssyncadd.remote.s32 $0x1  }
0xbe: {  	_ =	sfence.sel $0xFFFF  }
0xbf: {  	[dreg:$0x0] =	wrdreg $0xFFFFFFFF;
	(pc) =	sbr.abs _section_cstart, $3  }
0xc0: {  	[dreg:$0x1] =	wrdreg $0xFFFFFFFF  }
0xc1: {  	_ =	task.clear_ibuf [dreg:s6], $0x2FFFF;
	_ =	strace $0x9FFFFFFF  }
0xc2: {  	(tm) =	ssettm $0x7FFFFFFF  }
0xc3: {  	_ =	shalt  }
tec
execute0_lowered:
.L_overlay_start_1:
0x0: {  	(tag) =	ssettag $0x1  }
0x1: {  	s0 =	rddreg [dreg:$0x0]  }
0x2: {  	s1 =	rddreg [dreg:$0x1]  }
0x3: {  	s2 =	simm.s32 $0x0;
	s3 =	srdreg.scid;
	s16 =	stileid.u32  }
0x4: {  	s28 =	simm.s32 $0x1;
	s29 =	simm.s32 $0x3;
	s6 =	smul.u32 $0x50000, s16  }
0x5: {  	s30 =	simm.s32 $0x100;
	s31 =	simm.s32 $0x2;
	s12 =	smul.u32 $0x14000, s16  }
0x6: {  	[smem:$0x7FF] =	sst s2;
	s4 =	sadd.s32 $0x16200, s0;
	s8 =	smul.u32 $0x28, s16  }
0x7: {  	s3 =	sand.u32 $0x1, s3;
	s10 =	sadd.s32 $0x2200, s0;
	s9 =	smul.u32 $0x78, s16  }
0x8: {  	s11 =	sadd.s32 $0xC200, s0;
	s0 =	sadd.s32 $0x3E200, s0;
	s16 =	smul.u32 $0x3C00, s16  }
0x9: {  	_ =	strace $0x8000004A;
	s5 =	ssub.s32 $0x2, s3;
	p0 =	seq.s32 s3, $0x0  }
0xa: {  	s3 =	smul.u32 $0x140000, s3;
	s7 =	sshrl.u32 s5, $0x1;
	s24 =	sshrl.u32 s6, $0x2  }
0xb: {  	s14 =	sadd.s32 $0x4000, s12;
	s15 =	sadd.s32 $0x8000, s12;
	s8 =	sadd.s32 $0x780, s8  }
0xc: {  	s18 =	sadd.s32 $0xC000, s12;
	s19 =	sadd.s32 $0x10000, s12;
	s16 =	sshrl.u32 s16, $0x3  }
0xd: {  	s13 =	ssub.s32 s5, s7;
	s5 =	sadd.s32 s24, s1;
	s6 =	sadd.s32 s14, s1  }
0xe: {  	s7 =	sadd.s32 s15, s1;
	s9 =	smov.u32 @p0 s8;
	s8 =	sadd.s32 s18, s1  }
0xf: {  	s25 =	sadd.s32 $0x280, s16;
	s16 =	sadd.s32 $0x500, s16;
	s21 =	sadd.s32 s12, s3  }
0x10: {  	s22 =	sadd.s32 s3, s14;
	s24 =	sadd.s32 s3, s15;
	s12 =	simm.s32 $0x4  }
0x11: {  	s14 =	simm.s32 $0x2700;
	s17 =	sshll.u32 s9, $0x4;
	s26 =	sadd.s32 s10, s25  }
0x12: {  	s15 =	simm.s32 $0x2780;
	s20 =	sadd.s32 s10, s17;
	[dreg:$0x5] =	wrdreg s26  }
0x13: {  	s9 =	sadd.s32 s19, s1;
	s17 =	sadd.s32 s11, s17;
	[dreg:$0x3] =	wrdreg s20  }
0x14: {  	s23 =	sshrl.u32 s22, $0x3;
	s10 =	sadd.s32 s10, s16;
	[dreg:$0x4] =	wrdreg s17  }
0x15: {  	s22 =	simm.s32 $0x2800;
	s17 =	sadd.s32 s11, s25;
	[dreg:$0x7] =	wrdreg s10  }
0x16: {  	s11 =	sadd.s32 s11, s16;
	s10 =	sshrl.u32 s21, $0x3;
	s25 =	sadd.s32 s3, s18  }
0x17: {  	s3 =	sadd.s32 s3, s19;
	s21 =	smax.u32 s13, $0x1;
	[dreg:$0x6] =	wrdreg s17  }
0x18: {  	s13 =	simm.s32 $0x1380;
	[dreg:$0x8] =	wrdreg s11;
	s10 =	sadd.s32 s0, s10  }
.Ltmp0:
0x19: {  	s17 =	sadd.s32 s0, s23;
	s26 =	sshrl.u32 s25, $0x3;
	(pc) =	sbr.rel .LBB2_1-.Ltmp0, $4  }
0x1a: {  	s3 =	sshrl.u32 s3, $0x3;
	s23 =	simm.s32 $0x5;
	s25 =	simm.s32 $0x80  }
0x1b: {  	[dreg:$0x9] =	wrdreg s10;
	s10 =	sshrl.u32 s24, $0x3;
	s19 =	sadd.s32 s0, s26  }
0x1c: {  	s20 =	sadd.s32 s0, s3;
	s24 =	simm.s32 $0x1400;
	s26 =	simm.s32 $0x6800  }
0x1d: {  	v0 =	vimm.f32 $0.0e+00;
	s3 =	simm.s32 $0x0;
	s18 =	sadd.s32 s0, s10;
	s0 =	simm.s32 $0x1480  }
.LBB2_10:
0x1e: {  	[spmem:s1] =	stream.indirect.scatter.add.f32 [tilespmem:s26], [sflag:$0x4], $0x80, s11, s25, $0xb8;
	[tilespmem:$0x1E800] =	vst v63  }
0x1f: {  	_ =	swait.ge [sflag:s12], $0x4000  }
0x20: {  	[sflag:s12] =	ssyncset.done $0x0  }
0x21: {  	[sflag:s12] =	ssyncadd.s32 $0xFFFFC000  }
0x22: {  	[tilespmem:s26], [sflag:$0x2] =	stream.indirect.gather [hbm4b:s4+s25], $0x80, s13, s25, $0xb8;
	[tilespmem:$0x1E800] =	vst v63  }
0x23: {  	_ =	swait.ge [sflag:s28], $0x4000  }
0x24: {  	[sflag:s28] =	ssyncset.done $0x0  }
0x25: {  	[sflag:s28] =	ssyncadd.s32 $0xFFFFC000  }
0x26: {  	[spmem:s1] =	stream.indirect.scatter.add.f32 [tilespmem:s22], [sflag:$0x3], $0x80, s14, s25, $0xb8;
	[tilespmem:$0x1E800] =	vst v63  }
0x27: {  	_ =	swait.ge [sflag:s29], $0x4000  }
0x28: {  	[sflag:s29] =	ssyncset.done $0x0  }
0x29: {  	[sflag:s29] =	ssyncadd.s32 $0xFFFFC000  }
0x2a: {  	_ =	swait.ge [sflag:s31], $0x4000  }
0x2b: {  	[sflag:s31] =	ssyncset.done $0x0  }
0x2c: {  	[sflag:s31] =	ssyncadd.s32 $0xFFFFC000  }
0x2d: {  	[spmem:s1] =	stream.indirect.scatter.add.f32 [tilespmem:s26], [sflag:$0x4], $0x80, s15, s25, $0xb8;
	[tilespmem:$0x1E800] =	vst v63  }
0x2e: {  	_ =	swait.ge [sflag:s12], $0x4000  }
0x2f: {  	[sflag:s12] =	ssyncset.done $0x0  }
0x30: {  	[sflag:s12] =	ssyncadd.s32 $0xFFFFC000  }
.LBB2_11:
0x31: {  	s10 =	stileid.u32  }
0x32: {  	[bflag:$0x0] =	sbarrier.arrive $0xFFFF;
	s10 =	sshll.u32 s10, $0x6  }
0x33: {  	s11 =	sshrl.u32 s5, $0x3;
	s16 =	rddreg [dreg:$0x9];
	s10 =	sor.u32 $0x1C01, s10  }
0x34: {  	[hbm:s16], [sflag:s10] =	dma.local [spmem:s11], $0x800  }
0x35: {  	s16 =	sshrl.u32 s6, $0x3  }
0x36: {  	[hbm:s17], [sflag:s10] =	dma.local [spmem:s16], $0x800  }
0x37: {  	s16 =	sshrl.u32 s7, $0x3  }
0x38: {  	[hbm:s18], [sflag:s10] =	dma.local [spmem:s16], $0x800  }
0x39: {  	s16 =	sshrl.u32 s8, $0x3  }
0x3a: {  	[hbm:s19], [sflag:s10] =	dma.local [spmem:s16], $0x800  }
0x3b: {  	s16 =	sshrl.u32 s9, $0x3  }
0x3c: {  	[hbm:s20], [sflag:s10] =	dma.local [spmem:s16], $0x800  }
0x3d: {  	_ =	swait.ge [sflag:s28], $0x800  }
0x3e: {  	[sflag:s28] =	ssyncset.done $0x0  }
0x3f: {  	[sflag:s28] =	ssyncadd.s32 $0xFFFFF800  }
0x40: {  	_ =	swait.ge [sflag:s28], $0x800  }
0x41: {  	[sflag:s28] =	ssyncset.done $0x0  }
0x42: {  	[sflag:s28] =	ssyncadd.s32 $0xFFFFF800  }
0x43: {  	_ =	swait.ge [sflag:s28], $0x800  }
0x44: {  	[sflag:s28] =	ssyncset.done $0x0  }
0x45: {  	s3 =	sadd.s32 $0x1, s3;
	[sflag:s28] =	ssyncadd.s32 $0xFFFFF800  }
0x46: {  	p1 =	sne.s32 s3, s21;
	_ =	swait.ge [sflag:s28], $0x800  }
.Ltmp1:
0x47: {  	[sflag:s28] =	ssyncset.done $0x0;
	(pc) =	sbr.rel @!p1 .LBB2_12-.Ltmp1, $4  }
0x48: {  	[sflag:s28] =	ssyncadd.s32 $0xFFFFF800  }
0x49: {  	_ =	swait.ge [sflag:s28], $0x800  }
0x4a: {  	[sflag:s28] =	ssyncset.done $0x0  }
0x4b: {  	[sflag:s28] =	ssyncadd.s32 $0xFFFFF800  }
.LBB2_1:
0x4c: {  	s10 =	simm.s32 $0x0;
	s11 =	simm.s32 $0x200  }
.LBB2_2:
0x4d: {  	p1 =	sne.s32 s11, $0xFE00;
	[tilespmem:s10+$0x2870] =	vst v0  }
0x4e: {  	[tilespmem:s10+$0x2800] =	vst v0  }
0x4f: {  	[tilespmem:s10+$0x2810] =	vst v0  }
.Ltmp2:
0x50: {  	[tilespmem:s10+$0x2820] =	vst v0;
	(pc) =	sbr.rel @p1 .LBB2_2-.Ltmp2, $4  }
0x51: {  	[tilespmem:s10+$0x2830] =	vst v0  }
0x52: {  	[tilespmem:s10+$0x2840] =	vst v0  }
0x53: {  	[tilespmem:s10+$0x2850] =	vst v0  }
0x54: {  	[tilespmem:s10+$0x2860] =	vst v0;
	s10 =	sshra.s32 s11, $0x2;
	s11 =	sadd.s32 $0x200, s11  }
0x55: {  	[tilespmem:s10+$0x2870] =	vst v0  }
0x56: {  	[tilespmem:s10+$0x2800] =	vst v0  }
0x57: {  	[tilespmem:s10+$0x2810] =	vst v0  }
0x58: {  	[tilespmem:s10+$0x2820] =	vst v0  }
0x59: {  	[tilespmem:s10+$0x2830] =	vst v0  }
0x5a: {  	[tilespmem:s10+$0x2840] =	vst v0  }
0x5b: {  	[tilespmem:s10+$0x2850] =	vst v0  }
0x5c: {  	[tilespmem:s10+$0x2860] =	vst v0  }
0x5d: {  	[spmem:s5] =	stream.linear.scatter [tilespmem:s22], [sflag:$0x5], $0x4000, $0x38;
	[tilespmem:$0x1E800] =	vst v63  }
0x5e: {  	_ =	swait.ge [sflag:s23], $0x4000  }
0x5f: {  	[sflag:s23] =	ssyncset.done $0x0  }
0x60: {  	[sflag:s23] =	ssyncadd.s32 $0xFFFFC000  }
0x61: {  	[spmem:s6] =	stream.linear.scatter [tilespmem:s22], [sflag:$0x5], $0x4000, $0x38;
	[tilespmem:$0x1E800] =	vst v63  }
0x62: {  	_ =	swait.ge [sflag:s23], $0x4000  }
0x63: {  	[sflag:s23] =	ssyncset.done $0x0  }
0x64: {  	[sflag:s23] =	ssyncadd.s32 $0xFFFFC000  }
0x65: {  	[spmem:s7] =	stream.linear.scatter [tilespmem:s22], [sflag:$0x5], $0x4000, $0x38;
	[tilespmem:$0x1E800] =	vst v63  }
0x66: {  	_ =	swait.ge [sflag:s23], $0x4000  }
0x67: {  	[sflag:s23] =	ssyncset.done $0x0  }
0x68: {  	[sflag:s23] =	ssyncadd.s32 $0xFFFFC000  }
0x69: {  	[spmem:s8] =	stream.linear.scatter [tilespmem:s22], [sflag:$0x5], $0x4000, $0x38;
	[tilespmem:$0x1E800] =	vst v63  }
0x6a: {  	_ =	swait.ge [sflag:s23], $0x4000  }
0x6b: {  	[sflag:s23] =	ssyncset.done $0x0  }
0x6c: {  	[sflag:s23] =	ssyncadd.s32 $0xFFFFC000  }
0x6d: {  	[spmem:s9] =	stream.linear.scatter [tilespmem:s22], [sflag:$0x5], $0x4000, $0x38;
	[tilespmem:$0x1E800] =	vst v63  }
0x6e: {  	_ =	swait.ge [sflag:s23], $0x4000  }
0x6f: {  	[sflag:s23] =	ssyncset.done $0x0  }
0x70: {  	[sflag:s23] =	ssyncadd.s32 $0xFFFFC000  }
0x71: {  	[bflag:$0x0] =	sbarrier.arrive $0xFFFF  }
0x72: {  	s16 =	rddreg [dreg:$0x3]  }
0x73: {  	[tilespmem:s2], [sflag:$0x5] =	stream.linear.gather [hbm4b:s16+s2], $0x1400, $0x38;
	[tilespmem:$0x1E800] =	vst v63  }
0x74: {  	_ =	swait.ge [sflag:s23], $0x1400  }
0x75: {  	[sflag:s23] =	ssyncset.done $0x0  }
0x76: {  	s11 =	rddreg [dreg:$0x4];
	[sflag:s23] =	ssyncadd.s32 $0xFFFFEC00  }
0x77: {  	[tilespmem:s24], [sflag:$0x5] =	stream.linear.gather [hbm4b:s11+s2], $0x1400, $0x38;
	[tilespmem:$0x1E800] =	vst v63  }
0x78: {  	_ =	swait.ge [sflag:s23], $0x1400  }
0x79: {  	[sflag:s23] =	ssyncset.done $0x0  }
0x7a: {  	[sflag:s23] =	ssyncadd.s32 $0xFFFFEC00  }
0x7b: {  	[tilespmem:s22], [sflag:$0x1] =	stream.indirect.gather [hbm4b:s4+s25], $0x80, s2, s25, $0xb8;
	[tilespmem:$0x1E800] =	vst v63  }
0x7c: {  	_ = 	snop  }
0x7d: {  	[tilespmem:s26], [sflag:$0x2] =	stream.indirect.gather [hbm4b:s4+s25], $0x80, s25, s25, $0xb8;
	[tilespmem:$0x1E800] =	vst v63  }
0x7e: {  	_ =	swait.ge [sflag:s28], $0x4000  }
0x7f: {  	[sflag:s28] =	ssyncset.done $0x0  }
0x80: {  	[sflag:s28] =	ssyncadd.s32 $0xFFFFC000  }
0x81: {  	[spmem:s1] =	stream.indirect.scatter.add.f32 [tilespmem:s22], [sflag:$0x3], $0x80, s24, s25, $0xb8;
	[tilespmem:$0x1E800] =	vst v63  }
0x82: {  	_ =	swait.ge [sflag:s29], $0x4000  }
0x83: {  	[sflag:s29] =	ssyncset.done $0x0  }
0x84: {  	[sflag:s29] =	ssyncadd.s32 $0xFFFFC000  }
0x85: {  	[tilespmem:s22], [sflag:$0x1] =	stream.indirect.gather [hbm4b:s4+s25], $0x80, s30, s25, $0xb8;
	[tilespmem:$0x1E800] =	vst v63  }
0x86: {  	_ =	swait.ge [sflag:s31], $0x4000  }
0x87: {  	[sflag:s31] =	ssyncset.done $0x0  }
0x88: {  	[sflag:s31] =	ssyncadd.s32 $0xFFFFC000  }
0x89: {  	[spmem:s1] =	stream.indirect.scatter.add.f32 [tilespmem:s26], [sflag:$0x4], $0x80, s0, s25, $0xb8;
	[tilespmem:$0x1E800] =	vst v63  }
0x8a: {  	_ =	swait.ge [sflag:s12], $0x4000  }
0x8b: {  	[sflag:s12] =	ssyncset.done $0x0  }
0x8c: {  	s16 =	simm.s32 $0x180;
	[sflag:s12] =	ssyncadd.s32 $0xFFFFC000  }
0x8d: {  	[tilespmem:s26], [sflag:$0x2] =	stream.indirect.gather [hbm4b:s4+s25], $0x80, s16, s25, $0xb8;
	[tilespmem:$0x1E800] =	vst v63  }
0x8e: {  	_ =	swait.ge [sflag:s28], $0x4000  }
0x8f: {  	[sflag:s28] =	ssyncset.done $0x0  }
0x90: {  	s11 =	simm.s32 $0x1500;
	[sflag:s28] =	ssyncadd.s32 $0xFFFFC000  }
0x91: {  	[spmem:s1] =	stream.indirect.scatter.add.f32 [tilespmem:s22], [sflag:$0x3], $0x80, s11, s25, $0xb8;
	[tilespmem:$0x1E800] =	vst v63  }
0x92: {  	_ =	swait.ge [sflag:s29], $0x4000  }
0x93: {  	[sflag:s29] =	ssyncset.done $0x0  }
0x94: {  	s16 =	simm.s32 $0x200;
	[sflag:s29] =	ssyncadd.s32 $0xFFFFC000  }
0x95: {  	[tilespmem:s22], [sflag:$0x1] =	stream.indirect.gather [hbm4b:s4+s25], $0x80, s16, s25, $0xb8;
	[tilespmem:$0x1E800] =	vst v63  }
0x96: {  	_ =	swait.ge [sflag:s31], $0x4000  }
0x97: {  	[sflag:s31] =	ssyncset.done $0x0  }
0x98: {  	s10 =	simm.s32 $0xFFFFBC00;
	s11 =	simm.s32 $0x1580;
	[sflag:s31] =	ssyncadd.s32 $0xFFFFC000  }
.LBB2_4:
0x99: {  	[spmem:s1] =	stream.indirect.scatter.add.f32 [tilespmem:s26], [sflag:$0x4], $0x80, s11, s25, $0xb8;
	[tilespmem:$0x1E800] =	vst v63  }
0x9a: {  	s11 =	smov.u32 s10  }
0x9b: {  	p1 =	sne.s32 s10, $0xFFFFFC00;
	s10 =	sadd.s32 $0x400, s10;
	_ =	swait.ge [sflag:s12], $0x4000  }
0x9c: {  	s11 =	sshra.s32 s11, $0x2;
	[sflag:s12] =	ssyncset.done $0x0  }
0x9d: {  	s16 =	sadd.s32 $0x1380, s11;
	[sflag:s12] =	ssyncadd.s32 $0xFFFFC000  }
0x9e: {  	[tilespmem:s26], [sflag:$0x2] =	stream.indirect.gather [hbm4b:s4+s25], $0x80, s16, s25, $0xb8;
	[tilespmem:$0x1E800] =	vst v63  }
0x9f: {  	_ =	swait.ge [sflag:s28], $0x4000  }
0xa0: {  	[sflag:s28] =	ssyncset.done $0x0  }
0xa1: {  	s16 =	sadd.s32 $0x2700, s11;
	[sflag:s28] =	ssyncadd.s32 $0xFFFFC000  }
0xa2: {  	[spmem:s1] =	stream.indirect.scatter.add.f32 [tilespmem:s22], [sflag:$0x3], $0x80, s16, s25, $0xb8;
	[tilespmem:$0x1E800] =	vst v63  }
0xa3: {  	_ =	swait.ge [sflag:s29], $0x4000  }
0xa4: {  	[sflag:s29] =	ssyncset.done $0x0  }
.Ltmp3:
0xa5: {  	s16 =	sadd.s32 $0x1400, s11;
	[sflag:s29] =	ssyncadd.s32 $0xFFFFC000;
	(pc) =	sbr.rel @p1 .LBB2_4-.Ltmp3, $4  }
0xa6: {  	[tilespmem:s22], [sflag:$0x1] =	stream.indirect.gather [hbm4b:s4+s25], $0x80, s16, s25, $0xb8;
	[tilespmem:$0x1E800] =	vst v63  }
0xa7: {  	_ =	swait.ge [sflag:s31], $0x4000  }
0xa8: {  	[sflag:s31] =	ssyncset.done $0x0  }
0xa9: {  	s11 =	sadd.s32 $0x2780, s11;
	[sflag:s31] =	ssyncadd.s32 $0xFFFFC000  }
0xaa: {  	[spmem:s1] =	stream.indirect.scatter.add.f32 [tilespmem:s26], [sflag:$0x4], $0x80, s11, s25, $0xb8;
	[tilespmem:$0x1E800] =	vst v63  }
0xab: {  	_ =	swait.ge [sflag:s12], $0x4000  }
0xac: {  	[sflag:s12] =	ssyncset.done $0x0  }
0xad: {  	[sflag:s12] =	ssyncadd.s32 $0xFFFFC000  }
0xae: {  	[tilespmem:s26], [sflag:$0x2] =	stream.indirect.gather [hbm4b:s4+s25], $0x80, s13, s25, $0xb8;
	[tilespmem:$0x1E800] =	vst v63  }
0xaf: {  	_ =	swait.ge [sflag:s28], $0x4000  }
0xb0: {  	[sflag:s28] =	ssyncset.done $0x0  }
0xb1: {  	[sflag:s28] =	ssyncadd.s32 $0xFFFFC000  }
0xb2: {  	[spmem:s1] =	stream.indirect.scatter.add.f32 [tilespmem:s22], [sflag:$0x3], $0x80, s14, s25, $0xb8;
	[tilespmem:$0x1E800] =	vst v63  }
0xb3: {  	_ =	swait.ge [sflag:s29], $0x4000  }
0xb4: {  	[sflag:s29] =	ssyncset.done $0x0  }
0xb5: {  	[sflag:s29] =	ssyncadd.s32 $0xFFFFC000  }
0xb6: {  	_ =	swait.ge [sflag:s31], $0x4000  }
0xb7: {  	[sflag:s31] =	ssyncset.done $0x0  }
.Ltmp4:
0xb8: {  	[sflag:s31] =	ssyncadd.s32 $0xFFFFC000;
	(pc) =	sbr.rel @p0 .LBB2_11-.Ltmp4, $4  }
0xb9: {  	[spmem:s1] =	stream.indirect.scatter.add.f32 [tilespmem:s26], [sflag:$0x4], $0x80, s15, s25, $0xb8;
	[tilespmem:$0x1E800] =	vst v63  }
0xba: {  	_ =	swait.ge [sflag:s12], $0x4000  }
0xbb: {  	[sflag:s12] =	ssyncset.done $0x0  }
0xbc: {  	[sflag:s12] =	ssyncadd.s32 $0xFFFFC000  }
0xbd: {  	s10 =	rddreg [dreg:$0x5]  }
0xbe: {  	[tilespmem:s2], [sflag:$0x5] =	stream.linear.gather [hbm4b:s10+s2], $0x1400, $0x38;
	[tilespmem:$0x1E800] =	vst v63  }
0xbf: {  	_ =	swait.ge [sflag:s23], $0x1400  }
0xc0: {  	[sflag:s23] =	ssyncset.done $0x0  }
0xc1: {  	s11 =	rddreg [dreg:$0x6];
	[sflag:s23] =	ssyncadd.s32 $0xFFFFEC00  }
0xc2: {  	[tilespmem:s24], [sflag:$0x5] =	stream.linear.gather [hbm4b:s11+s2], $0x1400, $0x38;
	[tilespmem:$0x1E800] =	vst v63  }
0xc3: {  	_ =	swait.ge [sflag:s23], $0x1400  }
0xc4: {  	[sflag:s23] =	ssyncset.done $0x0  }
0xc5: {  	[sflag:s23] =	ssyncadd.s32 $0xFFFFEC00  }
0xc6: {  	[tilespmem:s22], [sflag:$0x1] =	stream.indirect.gather [hbm4b:s4+s25], $0x80, s2, s25, $0xb8;
	[tilespmem:$0x1E800] =	vst v63  }
0xc7: {  	_ = 	snop  }
0xc8: {  	[tilespmem:s26], [sflag:$0x2] =	stream.indirect.gather [hbm4b:s4+s25], $0x80, s25, s25, $0xb8;
	[tilespmem:$0x1E800] =	vst v63  }
0xc9: {  	_ =	swait.ge [sflag:s28], $0x4000  }
0xca: {  	[sflag:s28] =	ssyncset.done $0x0  }
0xcb: {  	[sflag:s28] =	ssyncadd.s32 $0xFFFFC000  }
0xcc: {  	[spmem:s1] =	stream.indirect.scatter.add.f32 [tilespmem:s22], [sflag:$0x3], $0x80, s24, s25, $0xb8;
	[tilespmem:$0x1E800] =	vst v63  }
0xcd: {  	_ =	swait.ge [sflag:s29], $0x4000  }
0xce: {  	[sflag:s29] =	ssyncset.done $0x0  }
0xcf: {  	[sflag:s29] =	ssyncadd.s32 $0xFFFFC000  }
0xd0: {  	[tilespmem:s22], [sflag:$0x1] =	stream.indirect.gather [hbm4b:s4+s25], $0x80, s30, s25, $0xb8;
	[tilespmem:$0x1E800] =	vst v63  }
0xd1: {  	_ =	swait.ge [sflag:s31], $0x4000  }
0xd2: {  	[sflag:s31] =	ssyncset.done $0x0  }
0xd3: {  	[sflag:s31] =	ssyncadd.s32 $0xFFFFC000  }
0xd4: {  	[spmem:s1] =	stream.indirect.scatter.add.f32 [tilespmem:s26], [sflag:$0x4], $0x80, s0, s25, $0xb8;
	[tilespmem:$0x1E800] =	vst v63  }
0xd5: {  	_ =	swait.ge [sflag:s12], $0x4000  }
0xd6: {  	[sflag:s12] =	ssyncset.done $0x0  }
0xd7: {  	s16 =	simm.s32 $0x180;
	[sflag:s12] =	ssyncadd.s32 $0xFFFFC000  }
0xd8: {  	[tilespmem:s26], [sflag:$0x2] =	stream.indirect.gather [hbm4b:s4+s25], $0x80, s16, s25, $0xb8;
	[tilespmem:$0x1E800] =	vst v63  }
0xd9: {  	_ =	swait.ge [sflag:s28], $0x4000  }
0xda: {  	[sflag:s28] =	ssyncset.done $0x0  }
0xdb: {  	s11 =	simm.s32 $0x1500;
	[sflag:s28] =	ssyncadd.s32 $0xFFFFC000  }
0xdc: {  	[spmem:s1] =	stream.indirect.scatter.add.f32 [tilespmem:s22], [sflag:$0x3], $0x80, s11, s25, $0xb8;
	[tilespmem:$0x1E800] =	vst v63  }
0xdd: {  	_ =	swait.ge [sflag:s29], $0x4000  }
0xde: {  	[sflag:s29] =	ssyncset.done $0x0  }
0xdf: {  	s16 =	simm.s32 $0x200;
	[sflag:s29] =	ssyncadd.s32 $0xFFFFC000  }
0xe0: {  	[tilespmem:s22], [sflag:$0x1] =	stream.indirect.gather [hbm4b:s4+s25], $0x80, s16, s25, $0xb8;
	[tilespmem:$0x1E800] =	vst v63  }
0xe1: {  	_ =	swait.ge [sflag:s31], $0x4000  }
0xe2: {  	[sflag:s31] =	ssyncset.done $0x0  }
0xe3: {  	s10 =	simm.s32 $0xFFFFBC00;
	s11 =	simm.s32 $0x1580;
	[sflag:s31] =	ssyncadd.s32 $0xFFFFC000  }
.LBB2_7:
0xe4: {  	[spmem:s1] =	stream.indirect.scatter.add.f32 [tilespmem:s26], [sflag:$0x4], $0x80, s11, s25, $0xb8;
	[tilespmem:$0x1E800] =	vst v63  }
0xe5: {  	s11 =	smov.u32 s10  }
0xe6: {  	p1 =	sne.s32 s10, $0xFFFFFC00;
	s10 =	sadd.s32 $0x400, s10;
	_ =	swait.ge [sflag:s12], $0x4000  }
0xe7: {  	s11 =	sshra.s32 s11, $0x2;
	[sflag:s12] =	ssyncset.done $0x0  }
0xe8: {  	s16 =	sadd.s32 $0x1380, s11;
	[sflag:s12] =	ssyncadd.s32 $0xFFFFC000  }
0xe9: {  	[tilespmem:s26], [sflag:$0x2] =	stream.indirect.gather [hbm4b:s4+s25], $0x80, s16, s25, $0xb8;
	[tilespmem:$0x1E800] =	vst v63  }
0xea: {  	_ =	swait.ge [sflag:s28], $0x4000  }
0xeb: {  	[sflag:s28] =	ssyncset.done $0x0  }
0xec: {  	s16 =	sadd.s32 $0x2700, s11;
	[sflag:s28] =	ssyncadd.s32 $0xFFFFC000  }
0xed: {  	[spmem:s1] =	stream.indirect.scatter.add.f32 [tilespmem:s22], [sflag:$0x3], $0x80, s16, s25, $0xb8;
	[tilespmem:$0x1E800] =	vst v63  }
0xee: {  	_ =	swait.ge [sflag:s29], $0x4000  }
0xef: {  	[sflag:s29] =	ssyncset.done $0x0  }
.Ltmp5:
0xf0: {  	s16 =	sadd.s32 $0x1400, s11;
	[sflag:s29] =	ssyncadd.s32 $0xFFFFC000;
	(pc) =	sbr.rel @p1 .LBB2_7-.Ltmp5, $4  }
0xf1: {  	[tilespmem:s22], [sflag:$0x1] =	stream.indirect.gather [hbm4b:s4+s25], $0x80, s16, s25, $0xb8;
	[tilespmem:$0x1E800] =	vst v63  }
0xf2: {  	_ =	swait.ge [sflag:s31], $0x4000  }
0xf3: {  	[sflag:s31] =	ssyncset.done $0x0  }
0xf4: {  	s11 =	sadd.s32 $0x2780, s11;
	[sflag:s31] =	ssyncadd.s32 $0xFFFFC000  }
0xf5: {  	[spmem:s1] =	stream.indirect.scatter.add.f32 [tilespmem:s26], [sflag:$0x4], $0x80, s11, s25, $0xb8;
	[tilespmem:$0x1E800] =	vst v63  }
0xf6: {  	_ =	swait.ge [sflag:s12], $0x4000  }
0xf7: {  	[sflag:s12] =	ssyncset.done $0x0  }
0xf8: {  	[sflag:s12] =	ssyncadd.s32 $0xFFFFC000  }
0xf9: {  	[tilespmem:s26], [sflag:$0x2] =	stream.indirect.gather [hbm4b:s4+s25], $0x80, s13, s25, $0xb8;
	[tilespmem:$0x1E800] =	vst v63  }
0xfa: {  	_ =	swait.ge [sflag:s28], $0x4000  }
0xfb: {  	[sflag:s28] =	ssyncset.done $0x0  }
0xfc: {  	[sflag:s28] =	ssyncadd.s32 $0xFFFFC000  }
0xfd: {  	[spmem:s1] =	stream.indirect.scatter.add.f32 [tilespmem:s22], [sflag:$0x3], $0x80, s14, s25, $0xb8;
	[tilespmem:$0x1E800] =	vst v63  }
0xfe: {  	_ =	swait.ge [sflag:s29], $0x4000  }
0xff: {  	[sflag:s29] =	ssyncset.done $0x0  }
0x100: {  	[sflag:s29] =	ssyncadd.s32 $0xFFFFC000  }
0x101: {  	_ =	swait.ge [sflag:s31], $0x4000  }
0x102: {  	[sflag:s31] =	ssyncset.done $0x0  }
0x103: {  	[sflag:s31] =	ssyncadd.s32 $0xFFFFC000  }
0x104: {  	[spmem:s1] =	stream.indirect.scatter.add.f32 [tilespmem:s26], [sflag:$0x4], $0x80, s15, s25, $0xb8;
	[tilespmem:$0x1E800] =	vst v63  }
0x105: {  	_ =	swait.ge [sflag:s12], $0x4000  }
0x106: {  	[sflag:s12] =	ssyncset.done $0x0  }
0x107: {  	s10 =	rddreg [dreg:$0x7];
	[sflag:s12] =	ssyncadd.s32 $0xFFFFC000  }
0x108: {  	[tilespmem:s2], [sflag:$0x5] =	stream.linear.gather [hbm4b:s10+s2], $0x1400, $0x38;
	[tilespmem:$0x1E800] =	vst v63  }
0x109: {  	_ =	swait.ge [sflag:s23], $0x1400  }
0x10a: {  	[sflag:s23] =	ssyncset.done $0x0  }
0x10b: {  	s11 =	rddreg [dreg:$0x8];
	[sflag:s23] =	ssyncadd.s32 $0xFFFFEC00  }
0x10c: {  	[tilespmem:s24], [sflag:$0x5] =	stream.linear.gather [hbm4b:s11+s2], $0x1400, $0x38;
	[tilespmem:$0x1E800] =	vst v63  }
0x10d: {  	_ =	swait.ge [sflag:s23], $0x1400  }
0x10e: {  	[sflag:s23] =	ssyncset.done $0x0  }
0x10f: {  	[sflag:s23] =	ssyncadd.s32 $0xFFFFEC00  }
0x110: {  	[tilespmem:s22], [sflag:$0x1] =	stream.indirect.gather [hbm4b:s4+s25], $0x80, s2, s25, $0xb8;
	[tilespmem:$0x1E800] =	vst v63  }
0x111: {  	_ = 	snop  }
0x112: {  	[tilespmem:s26], [sflag:$0x2] =	stream.indirect.gather [hbm4b:s4+s25], $0x80, s25, s25, $0xb8;
	[tilespmem:$0x1E800] =	vst v63  }
0x113: {  	_ =	swait.ge [sflag:s28], $0x4000  }
0x114: {  	[sflag:s28] =	ssyncset.done $0x0  }
0x115: {  	[sflag:s28] =	ssyncadd.s32 $0xFFFFC000  }
0x116: {  	[spmem:s1] =	stream.indirect.scatter.add.f32 [tilespmem:s22], [sflag:$0x3], $0x80, s24, s25, $0xb8;
	[tilespmem:$0x1E800] =	vst v63  }
0x117: {  	_ =	swait.ge [sflag:s29], $0x4000  }
0x118: {  	[sflag:s29] =	ssyncset.done $0x0  }
0x119: {  	[sflag:s29] =	ssyncadd.s32 $0xFFFFC000  }
0x11a: {  	[tilespmem:s22], [sflag:$0x1] =	stream.indirect.gather [hbm4b:s4+s25], $0x80, s30, s25, $0xb8;
	[tilespmem:$0x1E800] =	vst v63  }
0x11b: {  	_ =	swait.ge [sflag:s31], $0x4000  }
0x11c: {  	[sflag:s31] =	ssyncset.done $0x0  }
0x11d: {  	[sflag:s31] =	ssyncadd.s32 $0xFFFFC000  }
0x11e: {  	[spmem:s1] =	stream.indirect.scatter.add.f32 [tilespmem:s26], [sflag:$0x4], $0x80, s0, s25, $0xb8;
	[tilespmem:$0x1E800] =	vst v63  }
0x11f: {  	_ =	swait.ge [sflag:s12], $0x4000  }
0x120: {  	[sflag:s12] =	ssyncset.done $0x0  }
0x121: {  	s16 =	simm.s32 $0x180;
	[sflag:s12] =	ssyncadd.s32 $0xFFFFC000  }
0x122: {  	[tilespmem:s26], [sflag:$0x2] =	stream.indirect.gather [hbm4b:s4+s25], $0x80, s16, s25, $0xb8;
	[tilespmem:$0x1E800] =	vst v63  }
0x123: {  	_ =	swait.ge [sflag:s28], $0x4000  }
0x124: {  	[sflag:s28] =	ssyncset.done $0x0  }
0x125: {  	s11 =	simm.s32 $0x1500;
	[sflag:s28] =	ssyncadd.s32 $0xFFFFC000  }
0x126: {  	[spmem:s1] =	stream.indirect.scatter.add.f32 [tilespmem:s22], [sflag:$0x3], $0x80, s11, s25, $0xb8;
	[tilespmem:$0x1E800] =	vst v63  }
0x127: {  	_ =	swait.ge [sflag:s29], $0x4000  }
0x128: {  	[sflag:s29] =	ssyncset.done $0x0  }
0x129: {  	s16 =	simm.s32 $0x200;
	[sflag:s29] =	ssyncadd.s32 $0xFFFFC000  }
0x12a: {  	[tilespmem:s22], [sflag:$0x1] =	stream.indirect.gather [hbm4b:s4+s25], $0x80, s16, s25, $0xb8;
	[tilespmem:$0x1E800] =	vst v63  }
0x12b: {  	_ =	swait.ge [sflag:s31], $0x4000  }
0x12c: {  	[sflag:s31] =	ssyncset.done $0x0  }
0x12d: {  	s10 =	simm.s32 $0xFFFFBC00;
	s11 =	simm.s32 $0x1580;
	[sflag:s31] =	ssyncadd.s32 $0xFFFFC000  }
.LBB2_9:
0x12e: {  	[spmem:s1] =	stream.indirect.scatter.add.f32 [tilespmem:s26], [sflag:$0x4], $0x80, s11, s25, $0xb8;
	[tilespmem:$0x1E800] =	vst v63  }
0x12f: {  	s11 =	smov.u32 s10  }
0x130: {  	p1 =	sne.s32 s10, $0xFFFFFC00;
	s10 =	sadd.s32 $0x400, s10;
	_ =	swait.ge [sflag:s12], $0x4000  }
0x131: {  	s11 =	sshra.s32 s11, $0x2;
	[sflag:s12] =	ssyncset.done $0x0  }
0x132: {  	s16 =	sadd.s32 $0x1380, s11;
	[sflag:s12] =	ssyncadd.s32 $0xFFFFC000  }
0x133: {  	[tilespmem:s26], [sflag:$0x2] =	stream.indirect.gather [hbm4b:s4+s25], $0x80, s16, s25, $0xb8;
	[tilespmem:$0x1E800] =	vst v63  }
0x134: {  	_ =	swait.ge [sflag:s28], $0x4000  }
0x135: {  	[sflag:s28] =	ssyncset.done $0x0  }
0x136: {  	s16 =	sadd.s32 $0x2700, s11;
	[sflag:s28] =	ssyncadd.s32 $0xFFFFC000  }
0x137: {  	[spmem:s1] =	stream.indirect.scatter.add.f32 [tilespmem:s22], [sflag:$0x3], $0x80, s16, s25, $0xb8;
	[tilespmem:$0x1E800] =	vst v63  }
0x138: {  	_ =	swait.ge [sflag:s29], $0x4000  }
0x139: {  	[sflag:s29] =	ssyncset.done $0x0  }
.Ltmp6:
0x13a: {  	s16 =	sadd.s32 $0x1400, s11;
	[sflag:s29] =	ssyncadd.s32 $0xFFFFC000;
	(pc) =	sbr.rel @p1 .LBB2_9-.Ltmp6, $4  }
0x13b: {  	[tilespmem:s22], [sflag:$0x1] =	stream.indirect.gather [hbm4b:s4+s25], $0x80, s16, s25, $0xb8;
	[tilespmem:$0x1E800] =	vst v63  }
0x13c: {  	_ =	swait.ge [sflag:s31], $0x4000  }
0x13d: {  	[sflag:s31] =	ssyncset.done $0x0  }
0x13e: {  	s11 =	sadd.s32 $0x2780, s11;
	[sflag:s31] =	ssyncadd.s32 $0xFFFFC000  }
.Ltmp7:
0x13f: {  	_ = 	snop;
	(pc) =	sbr.rel .LBB2_10-.Ltmp7, $1  }
0x140: {  	_ =	sdelay $0x3  }
.LBB2_12:
0x141: {  	_ =	sfence.sel $0x180000  }
0x142: {  	[bflag:$0x0] =	sbarrier.arrive $0xFFFF  }
0x143: {  	_ =	strace $0x9000004A  }
0x144: {  	s0 =	stileid.u32;
	[bflag:$0x2] =	sbarrier.arrive $0xFFFF  }
0x145: {  	p0 =	sne.s32 s0, $0x0;
	s0 =	rddreg [dreg:$0x2]  }
0x146: {  	s0 =	sadd.s32 @!p0 $0x100000, s0  }
0x147: {  	[sflag:s0] =	ssyncadd.tile.s32 @!p0 $0x1;
	_ =	shalt  }
.Lfunc_end2:
_tile_overlayer_lowered:
.L_overlay_start_2:
0x148: {  	(tag) =	ssettag $0x2  }
0x149: {  	s0 =	rddreg [dreg:$0x0];
	s2 =	stileid.u32  }
0x14a: {  	s1 =	rddreg [dreg:$0x1];
	p0 =	sne.s32 s2, $0x0  }
0x14b: {  	s3 =	rddreg [dreg:$0x2];
	[bflag:$0x3] =	sbarrier.arrive $0xFFFF;
	s2 =	simm.s32 @!p0 $0x1C05  }
0x14c: {  	[timem:s3], [sflag:s2] =	dma.local @!p0 [hbm:s0], s1  }
0x14d: {  	s0 =	simm.s32 @!p0 $0x5  }
0x14e: {  	_ =	swait.ge @!p0 [sflag:s0], s1  }
0x14f: {  	s1 =	ssub.s32 @!p0 $0x0, s1;
	[sflag:s0] =	ssyncset.done @!p0 $0x0  }
0x150: {  	[sflag:s0] =	ssyncadd.s32 @!p0 s1  }
0x151: {  	[bflag:$0x3] =	sbarrier.arrive $0xFFFF  }
0x152: {  	_ =	shalt  }

// kernel: kernel.14.cloned.1.call-start
scs
__scs_entry_jumppad:
0x0: {  	(pc) =	sbr.rel $0x88, $3  }
0x1: {  	(tag) =	ssettag $0x0;
	lr =	simm.s32 $0x1  }
0x2: {  	[smem:$0x3F99] =	sst lr;
	_ =	strace $0xD0000000  }
0x3: {  	_ = 	snop  }
0x4: {  	_ = 	snop  }
0x5: {  	_ = 	snop  }
0x6: {  	_ = 	snop  }
0x7: {  	_ = 	snop  }
__scs_overlays_trampoline_lowered:
0x8: {  	[smem:$0x3FA8] =	sst s0  }
0x9: {  	[smem:$0x3FA9] =	sst s1  }
0xa: {  	[smem:$0x3FAA] =	sst s2  }
0xb: {  	[smem:$0x3FAB] =	sst s3  }
0xc: {  	[smem:$0x3FAC] =	sst s4  }
0xd: {  	[smem:$0x3FAD] =	sst s5  }
0xe: {  	[smem:$0x3FAE] =	sst s6  }
0xf: {  	[smem:$0x3FAF] =	sst s7  }
0x10: {  	[smem:$0x3FB0] =	sst s8  }
0x11: {  	[smem:$0x3FB1] =	sst s9;
	s0 =	simm.s32 @!p0 $0x0  }
0x12: {  	s1 =	sld [smem:$0x3F97];
	s0 =	simm.s32 @p0 $0x1  }
0x13: {  	[smem:$0x3FB2] =	sst s0;
	s0 =	simm.s32 @!p1 $0x0  }
0x14: {  	s2 =	sld [smem:$0x3F96];
	s0 =	simm.s32 @p1 $0x1  }
0x15: {  	[smem:$0x3FB3] =	sst s0;
	s0 =	simm.s32 @!p2 $0x0  }
0x16: {  	s3 =	sld [smem:$0x3FDB];
	s0 =	simm.s32 @p2 $0x1  }
0x17: {  	s4 =	simm.s32 $0x1BF5;
	[smem:$0x3FB5] =	sst s0  }
0x18: {  	s0 =	sld [smem:$0x3F98];
	_ =	swait.ge [sflag:s4], $0x0  }
0x19: {  	s7 =	sld [smem:$0x3F99]  }
0x1a: {  	s8 =	sadd.s32 $0xFFFFE003, lr  }
0x1b: {  	s9 =	sadd.s32 $0xFFFFFEF7, lr;
	s5 =	simm.s32 $0xFFFFFFFF;
	p2 =	slt.u32 s8, $0xFFFFF086  }
0x1c: {  	p1 =	slt.u32 s9, $0xF7A;
	s5 =	simm.s32 @!p2 $0x0  }
0x1d: {  	s5 =	simm.s32 @p1 $0x1;
	p0 =	seq.s32 s7, s2  }
0x1e: {  	s7 =	smul.u32 @!p0 $0xF7A, s2;
	p2 =	seq.s32 @!p0 s5, $0x0  }
0x1f: {  	s9 =	smul.u32 $0xF7A, s1;
	s8 =	simm.s32 @!p0 $0x1BF5;
	p2 =	por !p2, p0  }
0x20: {  	[sflag:s8] =	ssyncset.s32 @!p0 $0xFFFFF086;
	s6 =	sadd.s32 @!p0 s3, s7;
	s7 =	simm.s32 @!p0 $0x108  }
0x21: {  	s3 =	sadd.s32 s3, s9;
	s6 =	sadd.s32 @!p0 $0x88, s6;
	s7 =	simm.s32 @p2 $0x1082  }
0x22: {  	[simem:s7], [sflag:s8] =	dma.local @!p0 [hbm:s6], $0xF7A  }
0x23: {  	s9 =	sor.u32 $0xD0000000, s2;
	s6 =	simm.s32 $0x108;
	_ =	swait.ge @!p0 [sflag:s8], $0x0  }
0x24: {  	s3 =	sadd.s32 $0x88, s3;
	s6 =	simm.s32 @!p1 $0x1082;
	[sflag:s4] =	ssyncset.s32 $0xFFFFF086  }
0x25: {  	[simem:s6], [sflag:s4] =	dma.local [hbm:s3], $0xF7A  }
0x26: {  	[smem:$0x3F99] =	sst s1;
	(tag) =	ssettag s2;
	_ =	strace s9  }
0x27: {  	s1 =	sld [smem:$0x3FA9]  }
0x28: {  	s2 =	sld [smem:$0x3FAA]  }
0x29: {  	s4 =	sld [smem:$0x3FAC]  }
0x2a: {  	p0 =	seq.s32 s5, $0x0;
	s5 =	sld [smem:$0x3FAD]  }
0x2b: {  	s6 =	sld [smem:$0x3FAE]  }
0x2c: {  	s7 =	sld [smem:$0x3FAF]  }
0x2d: {  	s3 =	simm.s32 $0x108;
	s8 =	sld [smem:$0x3FB0]  }
0x2e: {  	s3 =	simm.s32 @!p0 $0x1082;
	s9 =	sld [smem:$0x3FB1]  }
0x2f: {  	lr =	sadd.s32 s0, s3;
	s0 =	sld [smem:$0x3FA8]  }
0x30: {  	s3 =	sld [smem:$0x3FAB]  }
0x31: {  	[smem:$0x3FB4] =	sst s10  }
0x32: {  	s10 =	sld [smem:$0x3FB2];
	_ =	sdelay $0x3  }
0x33: {  	p0 =	seq.s32 s10, $0x1;
	s10 =	sld [smem:$0x3FB4];
	_ =	sdelay $0x3  }
0x34: {  	[smem:$0x3FB4] =	sst s10  }
0x35: {  	s10 =	sld [smem:$0x3FB3];
	_ =	sdelay $0x3  }
0x36: {  	p1 =	seq.s32 s10, $0x1;
	s10 =	sld [smem:$0x3FB4];
	_ =	sdelay $0x3  }
0x37: {  	[smem:$0x3FB4] =	sst s10  }
0x38: {  	s10 =	sld [smem:$0x3FB5]  }
0x39: {  	_ = 	snop;
	(pc) =	sbr.ind lr, $3  }
0x3a: {  	_ = 	snop  }
0x3b: {  	_ = 	snop  }
0x3c: {  	p2 =	seq.s32 s10, $0x1;
	s10 =	sld [smem:$0x3FB4]  }
0x3d: {  	_ =	shalt  }
0x3e: {  	_ =	shalt  }
0x3f: {  	_ =	shalt  }
0x40: {  	_ =	shalt  }
0x41: {  	_ =	shalt  }
0x42: {  	_ =	shalt  }
0x43: {  	_ =	shalt  }
0x44: {  	_ =	shalt  }
0x45: {  	_ =	shalt  }
0x46: {  	_ =	shalt  }
0x47: {  	_ =	shalt  }
0x48: {  	_ =	shalt  }
0x49: {  	_ =	shalt  }
0x4a: {  	_ =	shalt  }
0x4b: {  	_ =	shalt  }
0x4c: {  	_ =	shalt  }
0x4d: {  	_ =	shalt  }
0x4e: {  	_ =	shalt  }
0x4f: {  	_ =	shalt  }
0x50: {  	_ =	shalt  }
0x51: {  	_ =	shalt  }
0x52: {  	_ =	shalt  }
0x53: {  	_ =	shalt  }
0x54: {  	_ =	shalt  }
0x55: {  	_ =	shalt  }
0x56: {  	_ =	shalt  }
0x57: {  	_ =	shalt  }
0x58: {  	_ =	shalt  }
0x59: {  	_ =	shalt  }
0x5a: {  	_ =	shalt  }
0x5b: {  	_ =	shalt  }
0x5c: {  	_ =	shalt  }
0x5d: {  	_ =	shalt  }
0x5e: {  	_ =	shalt  }
0x5f: {  	_ =	shalt  }
0x60: {  	_ =	shalt  }
0x61: {  	_ =	shalt  }
0x62: {  	_ =	shalt  }
0x63: {  	_ =	shalt  }
0x64: {  	_ =	shalt  }
0x65: {  	_ =	shalt  }
0x66: {  	_ =	shalt  }
0x67: {  	_ =	shalt  }
0x68: {  	_ =	shalt  }
0x69: {  	_ =	shalt  }
0x6a: {  	_ =	shalt  }
0x6b: {  	_ =	shalt  }
0x6c: {  	_ =	shalt  }
0x6d: {  	_ =	shalt  }
0x6e: {  	_ =	shalt  }
0x6f: {  	_ =	shalt  }
0x70: {  	_ =	shalt  }
0x71: {  	_ =	shalt  }
0x72: {  	_ =	shalt  }
0x73: {  	_ =	shalt  }
0x74: {  	_ =	shalt  }
0x75: {  	_ =	shalt  }
0x76: {  	_ =	shalt  }
0x77: {  	_ =	shalt  }
0x78: {  	_ =	shalt  }
0x79: {  	_ =	shalt  }
0x7a: {  	_ =	shalt  }
0x7b: {  	_ =	shalt  }
0x7c: {  	_ =	shalt  }
0x7d: {  	_ =	shalt  }
0x7e: {  	_ =	shalt  }
0x7f: {  	_ =	shalt  }
0x80: {  	_ =	shalt  }
0x81: {  	_ =	shalt  }
0x82: {  	_ =	shalt  }
0x83: {  	_ =	shalt  }
0x84: {  	_ =	shalt  }
0x85: {  	_ =	shalt  }
0x86: {  	_ =	shalt  }
0x87: {  	_ =	shalt  }
.Lfunc_end0:
.L_simem_size_0:
called_computation.2_lowered:
.L_overlay_start_0:
0x88: {  	s2 =	sld [smem:$0x3FD9]  }
0x89: {  	s3 =	sld [smem:$0x3FFE];
	_ =	sdelay $0x1  }
0x8a: {  	s1 =	srdreg.scid  }
0x8b: {  	s0 =	sand.u32 $0x1, s1  }
0x8c: {  	s16 =	sshll.u32 s0, $0xA;
	s2 =	sadd.s32 s3, s2  }
0x8d: {  	s2 =	sadd.s32 s2, s16  }
0x8e: {  	[smem:$0x3FC0] =	sst s2  }
0x8f: {  	_ = 	snop  }
0x90: {  	(tm) =	ssettm $0x1  }
0x91: {  	s17 =	sld [smem:$0x3FFB];
	_ =	sdelay $0x3  }
0x92: {  	_ =	strace s17  }
0x93: {  	s2 =	sld [smem:$0x3FFC];
	_ =	sdelay $0x3  }
0x94: {  	_ =	strace s2  }
0x95: {  	s2 =	sld [smem:$0x3FFD];
	_ =	sdelay $0x3  }
0x96: {  	_ =	strace s2  }
0x97: {  	_ =	strace $0x8FFFFFFF  }
0x98: {  	s18 =	sld [smem:$0x3FDB];
	_ =	sdelay $0x1  }
0x99: {  	s19 =	simm.s32 $_scs_section_size  }
0x9a: {  	s4 =	simm.s32 $_size__tile_overlayer_lowered;
	s5 =	simm.s32 $_tile_overlayer_lowered  }
0x9b: {  	s22 =	simm.s32 $0x1BFF;
	s21 =	sshll.u32 s5, $0x1;
	s2 =	sadd.s32 s19, s18  }
0x9c: {  	s6 =	simm.s32 $0x0;
	s20 =	sshll.u32 s4, $0x1;
	s4 =	sadd.s32 s21, s2  }
0x9d: {  	[timem:s6], [sflag:s22] =	dma.local [hbm:s4], s20  }
0x9e: {  	_ =	swait.ge [sflag:s22], s20  }
0x9f: {  	s3 =	ssub.s32 $0x0, s20;
	[sflag:s22] =	ssyncset.done $0x0  }
0xa0: {  	[sflag:s22] =	ssyncadd.s32 s3;
	_ =	sdelay $0x1  }
0xa1: {  	s23 =	simm.s32 $0x1B8B  }
0xa2: {  	_ =	swait.ge [sflag:s23], $0x1  }
0xa3: {  	[sflag:s23] =	ssyncset.done $0x0  }
0xa4: {  	s25 =	simm.s32 $0x1B8E;
	s24 =	sld [smem:$0x3FFE];
	[sflag:s23] =	ssyncadd.s32 $0xFFFFFFFF  }
0xa5: {  	s26 =	simm.s32 $execute0_lowered;
	[smem:$0x3FD2] =	sst s25  }
0xa6: {  	s4 =	sshll.u32 s26, $0x1;
	_ =	strace $0x8000004C;
	[dreg:$0x1] =	wrdreg $0xFFFFFFFF  }
0xa7: {  	s28 =	simm.s32 $_size_execute0_lowered;
	s2 =	sadd.s32 s2, s4;
	[dreg:$0x0] =	wrdreg $0x0  }
0xa8: {  	s4 =	sshll.u32 s28, $0x1;
	[dreg:$0x2] =	wrdreg s2  }
0xa9: {  	[dreg:$0x3] =	wrdreg s4  }
0xaa: {  	[dreg:$0x4] =	wrdreg $0xC0  }
0xab: {  	_ =	task [dreg:s6], $0x5FFFF  }
0xac: {  	[dreg:$0x1] =	wrdreg $0xFFFFFFFF  }
0xad: {  	[dreg:$0x0] =	wrdreg $0x60  }
0xae: {  	[dreg:$0x2] =	wrdreg s24  }
0xaf: {  	[dreg:$0x3] =	wrdreg $0xA8000  }
0xb0: {  	[dreg:$0x4] =	wrdreg $0x9  }
0xb1: {  	_ =	task.clear_ibuf [dreg:s6], $0x5FFFF;
	_ =	strace $0x9000004C  }
0xb2: {  	s29 =	simm.s32 $0x9;
	_ =	strace $0x8000004E  }
0xb3: {  	_ =	swait.ge [sflag:s29], $0x1  }
0xb4: {  	[sflag:s29] =	ssyncadd.s32 $0xFFFFFFFF  }
0xb5: {  	_ =	strace $0x9000004E  }
0xb6: {  	_ =	sfence  }
0xb7: {  	s30 =	sld [smem:$0x0];
	_ =	sdelay $0x2  }
0xb8: {  	s31 =	sshll.u32 s1, $0xD;
	s1 =	sshrl.u32 s1, $0x2  }
0xb9: {  	s3 =	sand.u32 $0x4000, s31;
	s1 =	sadd.s32 s1, s30  }
0xba: {  	s0 =	sor.u32 s3, s0;
	s1 =	sshll.u32 s1, $0x11  }
0xbb: {  	s0 =	sor.u32 s1, s0  }
0xbc: {  	s0 =	sadd.s32 $0x8F2B, s0  }
0xbd: {  	[sflag:s0] =	ssyncadd.remote.s32 $0x1  }
0xbe: {  	_ =	sfence.sel $0xFFFF  }
0xbf: {  	[dreg:$0x0] =	wrdreg $0xFFFFFFFF;
	(pc) =	sbr.abs _section_cstart, $3  }
0xc0: {  	[dreg:$0x1] =	wrdreg $0xFFFFFFFF  }
0xc1: {  	_ =	task.clear_ibuf [dreg:s6], $0x2FFFF;
	_ =	strace $0x9FFFFFFF  }
0xc2: {  	(tm) =	ssettm $0x7FFFFFFF  }
0xc3: {  	_ =	shalt  }
tec
execute0_lowered:
.L_overlay_start_1:
0x0: {  	(tag) =	ssettag $0x1  }
0x1: {  	s0 =	rddreg [dreg:$0x0]  }
0x2: {  	s1 =	rddreg [dreg:$0x1]  }
0x3: {  	s2 =	simm.s32 $0x0;
	s3 =	srdreg.scid;
	s16 =	stileid.u32  }
0x4: {  	s28 =	simm.s32 $0x1;
	s29 =	simm.s32 $0x3;
	s6 =	smul.u32 $0x50000, s16  }
0x5: {  	s30 =	simm.s32 $0x100;
	s31 =	simm.s32 $0x2;
	s12 =	smul.u32 $0x14000, s16  }
0x6: {  	[smem:$0x7FF] =	sst s2;
	s4 =	sadd.s32 $0x16200, s0;
	s8 =	smul.u32 $0x28, s16  }
0x7: {  	s3 =	sand.u32 $0x1, s3;
	s10 =	sadd.s32 $0x2200, s0;
	s9 =	smul.u32 $0x78, s16  }
0x8: {  	s11 =	sadd.s32 $0xC200, s0;
	s0 =	sadd.s32 $0x3E200, s0;
	s16 =	smul.u32 $0x3C00, s16  }
0x9: {  	_ =	strace $0x8000004D;
	s5 =	ssub.s32 $0x2, s3;
	p0 =	seq.s32 s3, $0x0  }
0xa: {  	s3 =	smul.u32 $0x140000, s3;
	s7 =	sshrl.u32 s5, $0x1;
	s24 =	sshrl.u32 s6, $0x2  }
0xb: {  	s14 =	sadd.s32 $0x4000, s12;
	s15 =	sadd.s32 $0x8000, s12;
	s8 =	sadd.s32 $0x780, s8  }
0xc: {  	s18 =	sadd.s32 $0xC000, s12;
	s19 =	sadd.s32 $0x10000, s12;
	s16 =	sshrl.u32 s16, $0x3  }
0xd: {  	s13 =	ssub.s32 s5, s7;
	s5 =	sadd.s32 s24, s1;
	s6 =	sadd.s32 s14, s1  }
0xe: {  	s7 =	sadd.s32 s15, s1;
	s9 =	smov.u32 @p0 s8;
	s8 =	sadd.s32 s18, s1  }
0xf: {  	s25 =	sadd.s32 $0x280, s16;
	s16 =	sadd.s32 $0x500, s16;
	s21 =	sadd.s32 s12, s3  }
0x10: {  	s22 =	sadd.s32 s3, s14;
	s24 =	sadd.s32 s3, s15;
	s12 =	simm.s32 $0x4  }
0x11: {  	s14 =	simm.s32 $0x2700;
	s17 =	sshll.u32 s9, $0x4;
	s26 =	sadd.s32 s10, s25  }
0x12: {  	s15 =	simm.s32 $0x2780;
	s20 =	sadd.s32 s10, s17;
	[dreg:$0x5] =	wrdreg s26  }
0x13: {  	s9 =	sadd.s32 s19, s1;
	s17 =	sadd.s32 s11, s17;
	[dreg:$0x3] =	wrdreg s20  }
0x14: {  	s23 =	sshrl.u32 s22, $0x3;
	s10 =	sadd.s32 s10, s16;
	[dreg:$0x4] =	wrdreg s17  }
0x15: {  	s22 =	simm.s32 $0x2800;
	s17 =	sadd.s32 s11, s25;
	[dreg:$0x7] =	wrdreg s10  }
0x16: {  	s11 =	sadd.s32 s11, s16;
	s10 =	sshrl.u32 s21, $0x3;
	s25 =	sadd.s32 s3, s18  }
0x17: {  	s3 =	sadd.s32 s3, s19;
	s21 =	smax.u32 s13, $0x1;
	[dreg:$0x6] =	wrdreg s17  }
0x18: {  	s13 =	simm.s32 $0x1380;
	[dreg:$0x8] =	wrdreg s11;
	s10 =	sadd.s32 s0, s10  }
.Ltmp0:
0x19: {  	s17 =	sadd.s32 s0, s23;
	s26 =	sshrl.u32 s25, $0x3;
	(pc) =	sbr.rel .LBB2_1-.Ltmp0, $4  }
0x1a: {  	s3 =	sshrl.u32 s3, $0x3;
	s23 =	simm.s32 $0x5;
	s25 =	simm.s32 $0x80  }
0x1b: {  	[dreg:$0x9] =	wrdreg s10;
	s10 =	sshrl.u32 s24, $0x3;
	s19 =	sadd.s32 s0, s26  }
0x1c: {  	s20 =	sadd.s32 s0, s3;
	s24 =	simm.s32 $0x1400;
	s26 =	simm.s32 $0x6800  }
0x1d: {  	v0 =	vimm.f32 $0.0e+00;
	s3 =	simm.s32 $0x0;
	s18 =	sadd.s32 s0, s10;
	s0 =	simm.s32 $0x1480  }
.LBB2_10:
0x1e: {  	[spmem:s1] =	stream.indirect.scatter.add.f32 [tilespmem:s26], [sflag:$0x4], $0x80, s11, s25, $0xb8;
	[tilespmem:$0x1E800] =	vst v63  }
0x1f: {  	_ =	swait.ge [sflag:s12], $0x4000  }
0x20: {  	[sflag:s12] =	ssyncset.done $0x0  }
0x21: {  	[sflag:s12] =	ssyncadd.s32 $0xFFFFC000  }
0x22: {  	[tilespmem:s26], [sflag:$0x2] =	stream.indirect.gather [hbm4b:s4+s25], $0x80, s13, s25, $0xb8;
	[tilespmem:$0x1E800] =	vst v63  }
0x23: {  	_ =	swait.ge [sflag:s28], $0x4000  }
0x24: {  	[sflag:s28] =	ssyncset.done $0x0  }
0x25: {  	[sflag:s28] =	ssyncadd.s32 $0xFFFFC000  }
0x26: {  	[spmem:s1] =	stream.indirect.scatter.add.f32 [tilespmem:s22], [sflag:$0x3], $0x80, s14, s25, $0xb8;
	[tilespmem:$0x1E800] =	vst v63  }
0x27: {  	_ =	swait.ge [sflag:s29], $0x4000  }
0x28: {  	[sflag:s29] =	ssyncset.done $0x0  }
0x29: {  	[sflag:s29] =	ssyncadd.s32 $0xFFFFC000  }
0x2a: {  	_ =	swait.ge [sflag:s31], $0x4000  }
0x2b: {  	[sflag:s31] =	ssyncset.done $0x0  }
0x2c: {  	[sflag:s31] =	ssyncadd.s32 $0xFFFFC000  }
0x2d: {  	[spmem:s1] =	stream.indirect.scatter.add.f32 [tilespmem:s26], [sflag:$0x4], $0x80, s15, s25, $0xb8;
	[tilespmem:$0x1E800] =	vst v63  }
0x2e: {  	_ =	swait.ge [sflag:s12], $0x4000  }
0x2f: {  	[sflag:s12] =	ssyncset.done $0x0  }
0x30: {  	[sflag:s12] =	ssyncadd.s32 $0xFFFFC000  }
.LBB2_11:
0x31: {  	s10 =	stileid.u32  }
0x32: {  	[bflag:$0x0] =	sbarrier.arrive $0xFFFF;
	s10 =	sshll.u32 s10, $0x6  }
0x33: {  	s11 =	sshrl.u32 s5, $0x3;
	s16 =	rddreg [dreg:$0x9];
	s10 =	sor.u32 $0x1C01, s10  }
0x34: {  	[hbm:s16], [sflag:s10] =	dma.local [spmem:s11], $0x800  }
0x35: {  	s16 =	sshrl.u32 s6, $0x3  }
0x36: {  	[hbm:s17], [sflag:s10] =	dma.local [spmem:s16], $0x800  }
0x37: {  	s16 =	sshrl.u32 s7, $0x3  }
0x38: {  	[hbm:s18], [sflag:s10] =	dma.local [spmem:s16], $0x800  }
0x39: {  	s16 =	sshrl.u32 s8, $0x3  }
0x3a: {  	[hbm:s19], [sflag:s10] =	dma.local [spmem:s16], $0x800  }
0x3b: {  	s16 =	sshrl.u32 s9, $0x3  }
0x3c: {  	[hbm:s20], [sflag:s10] =	dma.local [spmem:s16], $0x800  }
0x3d: {  	_ =	swait.ge [sflag:s28], $0x800  }
0x3e: {  	[sflag:s28] =	ssyncset.done $0x0  }
0x3f: {  	[sflag:s28] =	ssyncadd.s32 $0xFFFFF800  }
0x40: {  	_ =	swait.ge [sflag:s28], $0x800  }
0x41: {  	[sflag:s28] =	ssyncset.done $0x0  }
0x42: {  	[sflag:s28] =	ssyncadd.s32 $0xFFFFF800  }
0x43: {  	_ =	swait.ge [sflag:s28], $0x800  }
0x44: {  	[sflag:s28] =	ssyncset.done $0x0  }
0x45: {  	s3 =	sadd.s32 $0x1, s3;
	[sflag:s28] =	ssyncadd.s32 $0xFFFFF800  }
0x46: {  	p1 =	sne.s32 s3, s21;
	_ =	swait.ge [sflag:s28], $0x800  }
.Ltmp1:
0x47: {  	[sflag:s28] =	ssyncset.done $0x0;
	(pc) =	sbr.rel @!p1 .LBB2_12-.Ltmp1, $4  }
0x48: {  	[sflag:s28] =	ssyncadd.s32 $0xFFFFF800  }
0x49: {  	_ =	swait.ge [sflag:s28], $0x800  }
0x4a: {  	[sflag:s28] =	ssyncset.done $0x0  }
0x4b: {  	[sflag:s28] =	ssyncadd.s32 $0xFFFFF800  }
.LBB2_1:
0x4c: {  	s10 =	simm.s32 $0x0;
	s11 =	simm.s32 $0x200  }
.LBB2_2:
0x4d: {  	p1 =	sne.s32 s11, $0xFE00;
	[tilespmem:s10+$0x2870] =	vst v0  }
0x4e: {  	[tilespmem:s10+$0x2800] =	vst v0  }
0x4f: {  	[tilespmem:s10+$0x2810] =	vst v0  }
.Ltmp2:
0x50: {  	[tilespmem:s10+$0x2820] =	vst v0;
	(pc) =	sbr.rel @p1 .LBB2_2-.Ltmp2, $4  }
0x51: {  	[tilespmem:s10+$0x2830] =	vst v0  }
0x52: {  	[tilespmem:s10+$0x2840] =	vst v0  }
0x53: {  	[tilespmem:s10+$0x2850] =	vst v0  }
0x54: {  	[tilespmem:s10+$0x2860] =	vst v0;
	s10 =	sshra.s32 s11, $0x2;
	s11 =	sadd.s32 $0x200, s11  }
0x55: {  	[tilespmem:s10+$0x2870] =	vst v0  }
0x56: {  	[tilespmem:s10+$0x2800] =	vst v0  }
0x57: {  	[tilespmem:s10+$0x2810] =	vst v0  }
0x58: {  	[tilespmem:s10+$0x2820] =	vst v0  }
0x59: {  	[tilespmem:s10+$0x2830] =	vst v0  }
0x5a: {  	[tilespmem:s10+$0x2840] =	vst v0  }
0x5b: {  	[tilespmem:s10+$0x2850] =	vst v0  }
0x5c: {  	[tilespmem:s10+$0x2860] =	vst v0  }
0x5d: {  	[spmem:s5] =	stream.linear.scatter [tilespmem:s22], [sflag:$0x5], $0x4000, $0x38;
	[tilespmem:$0x1E800] =	vst v63  }
0x5e: {  	_ =	swait.ge [sflag:s23], $0x4000  }
0x5f: {  	[sflag:s23] =	ssyncset.done $0x0  }
0x60: {  	[sflag:s23] =	ssyncadd.s32 $0xFFFFC000  }
0x61: {  	[spmem:s6] =	stream.linear.scatter [tilespmem:s22], [sflag:$0x5], $0x4000, $0x38;
	[tilespmem:$0x1E800] =	vst v63  }
0x62: {  	_ =	swait.ge [sflag:s23], $0x4000  }
0x63: {  	[sflag:s23] =	ssyncset.done $0x0  }
0x64: {  	[sflag:s23] =	ssyncadd.s32 $0xFFFFC000  }
0x65: {  	[spmem:s7] =	stream.linear.scatter [tilespmem:s22], [sflag:$0x5], $0x4000, $0x38;
	[tilespmem:$0x1E800] =	vst v63  }
0x66: {  	_ =	swait.ge [sflag:s23], $0x4000  }
0x67: {  	[sflag:s23] =	ssyncset.done $0x0  }
0x68: {  	[sflag:s23] =	ssyncadd.s32 $0xFFFFC000  }
0x69: {  	[spmem:s8] =	stream.linear.scatter [tilespmem:s22], [sflag:$0x5], $0x4000, $0x38;
	[tilespmem:$0x1E800] =	vst v63  }
0x6a: {  	_ =	swait.ge [sflag:s23], $0x4000  }
0x6b: {  	[sflag:s23] =	ssyncset.done $0x0  }
0x6c: {  	[sflag:s23] =	ssyncadd.s32 $0xFFFFC000  }
0x6d: {  	[spmem:s9] =	stream.linear.scatter [tilespmem:s22], [sflag:$0x5], $0x4000, $0x38;
	[tilespmem:$0x1E800] =	vst v63  }
0x6e: {  	_ =	swait.ge [sflag:s23], $0x4000  }
0x6f: {  	[sflag:s23] =	ssyncset.done $0x0  }
0x70: {  	[sflag:s23] =	ssyncadd.s32 $0xFFFFC000  }
0x71: {  	[bflag:$0x0] =	sbarrier.arrive $0xFFFF  }
0x72: {  	s16 =	rddreg [dreg:$0x3]  }
0x73: {  	[tilespmem:s2], [sflag:$0x5] =	stream.linear.gather [hbm4b:s16+s2], $0x1400, $0x38;
	[tilespmem:$0x1E800] =	vst v63  }
0x74: {  	_ =	swait.ge [sflag:s23], $0x1400  }
0x75: {  	[sflag:s23] =	ssyncset.done $0x0  }
0x76: {  	s11 =	rddreg [dreg:$0x4];
	[sflag:s23] =	ssyncadd.s32 $0xFFFFEC00  }
0x77: {  	[tilespmem:s24], [sflag:$0x5] =	stream.linear.gather [hbm4b:s11+s2], $0x1400, $0x38;
	[tilespmem:$0x1E800] =	vst v63  }
0x78: {  	_ =	swait.ge [sflag:s23], $0x1400  }
0x79: {  	[sflag:s23] =	ssyncset.done $0x0  }
0x7a: {  	[sflag:s23] =	ssyncadd.s32 $0xFFFFEC00  }
0x7b: {  	[tilespmem:s22], [sflag:$0x1] =	stream.indirect.gather [hbm4b:s4+s25], $0x80, s2, s25, $0xb8;
	[tilespmem:$0x1E800] =	vst v63  }
0x7c: {  	_ = 	snop  }
0x7d: {  	[tilespmem:s26], [sflag:$0x2] =	stream.indirect.gather [hbm4b:s4+s25], $0x80, s25, s25, $0xb8;
	[tilespmem:$0x1E800] =	vst v63  }
0x7e: {  	_ =	swait.ge [sflag:s28], $0x4000  }
0x7f: {  	[sflag:s28] =	ssyncset.done $0x0  }
0x80: {  	[sflag:s28] =	ssyncadd.s32 $0xFFFFC000  }
0x81: {  	[spmem:s1] =	stream.indirect.scatter.add.f32 [tilespmem:s22], [sflag:$0x3], $0x80, s24, s25, $0xb8;
	[tilespmem:$0x1E800] =	vst v63  }
0x82: {  	_ =	swait.ge [sflag:s29], $0x4000  }
0x83: {  	[sflag:s29] =	ssyncset.done $0x0  }
0x84: {  	[sflag:s29] =	ssyncadd.s32 $0xFFFFC000  }
0x85: {  	[tilespmem:s22], [sflag:$0x1] =	stream.indirect.gather [hbm4b:s4+s25], $0x80, s30, s25, $0xb8;
	[tilespmem:$0x1E800] =	vst v63  }
0x86: {  	_ =	swait.ge [sflag:s31], $0x4000  }
0x87: {  	[sflag:s31] =	ssyncset.done $0x0  }
0x88: {  	[sflag:s31] =	ssyncadd.s32 $0xFFFFC000  }
0x89: {  	[spmem:s1] =	stream.indirect.scatter.add.f32 [tilespmem:s26], [sflag:$0x4], $0x80, s0, s25, $0xb8;
	[tilespmem:$0x1E800] =	vst v63  }
0x8a: {  	_ =	swait.ge [sflag:s12], $0x4000  }
0x8b: {  	[sflag:s12] =	ssyncset.done $0x0  }
0x8c: {  	s16 =	simm.s32 $0x180;
	[sflag:s12] =	ssyncadd.s32 $0xFFFFC000  }
0x8d: {  	[tilespmem:s26], [sflag:$0x2] =	stream.indirect.gather [hbm4b:s4+s25], $0x80, s16, s25, $0xb8;
	[tilespmem:$0x1E800] =	vst v63  }
0x8e: {  	_ =	swait.ge [sflag:s28], $0x4000  }
0x8f: {  	[sflag:s28] =	ssyncset.done $0x0  }
0x90: {  	s11 =	simm.s32 $0x1500;
	[sflag:s28] =	ssyncadd.s32 $0xFFFFC000  }
0x91: {  	[spmem:s1] =	stream.indirect.scatter.add.f32 [tilespmem:s22], [sflag:$0x3], $0x80, s11, s25, $0xb8;
	[tilespmem:$0x1E800] =	vst v63  }
0x92: {  	_ =	swait.ge [sflag:s29], $0x4000  }
0x93: {  	[sflag:s29] =	ssyncset.done $0x0  }
0x94: {  	s16 =	simm.s32 $0x200;
	[sflag:s29] =	ssyncadd.s32 $0xFFFFC000  }
0x95: {  	[tilespmem:s22], [sflag:$0x1] =	stream.indirect.gather [hbm4b:s4+s25], $0x80, s16, s25, $0xb8;
	[tilespmem:$0x1E800] =	vst v63  }
0x96: {  	_ =	swait.ge [sflag:s31], $0x4000  }
0x97: {  	[sflag:s31] =	ssyncset.done $0x0  }
0x98: {  	s10 =	simm.s32 $0xFFFFBC00;
	s11 =	simm.s32 $0x1580;
	[sflag:s31] =	ssyncadd.s32 $0xFFFFC000  }
.LBB2_4:
0x99: {  	[spmem:s1] =	stream.indirect.scatter.add.f32 [tilespmem:s26], [sflag:$0x4], $0x80, s11, s25, $0xb8;
	[tilespmem:$0x1E800] =	vst v63  }
0x9a: {  	s11 =	smov.u32 s10  }
0x9b: {  	p1 =	sne.s32 s10, $0xFFFFFC00;
	s10 =	sadd.s32 $0x400, s10;
	_ =	swait.ge [sflag:s12], $0x4000  }
0x9c: {  	s11 =	sshra.s32 s11, $0x2;
	[sflag:s12] =	ssyncset.done $0x0  }
0x9d: {  	s16 =	sadd.s32 $0x1380, s11;
	[sflag:s12] =	ssyncadd.s32 $0xFFFFC000  }
0x9e: {  	[tilespmem:s26], [sflag:$0x2] =	stream.indirect.gather [hbm4b:s4+s25], $0x80, s16, s25, $0xb8;
	[tilespmem:$0x1E800] =	vst v63  }
0x9f: {  	_ =	swait.ge [sflag:s28], $0x4000  }
0xa0: {  	[sflag:s28] =	ssyncset.done $0x0  }
0xa1: {  	s16 =	sadd.s32 $0x2700, s11;
	[sflag:s28] =	ssyncadd.s32 $0xFFFFC000  }
0xa2: {  	[spmem:s1] =	stream.indirect.scatter.add.f32 [tilespmem:s22], [sflag:$0x3], $0x80, s16, s25, $0xb8;
	[tilespmem:$0x1E800] =	vst v63  }
0xa3: {  	_ =	swait.ge [sflag:s29], $0x4000  }
0xa4: {  	[sflag:s29] =	ssyncset.done $0x0  }
.Ltmp3:
0xa5: {  	s16 =	sadd.s32 $0x1400, s11;
	[sflag:s29] =	ssyncadd.s32 $0xFFFFC000;
	(pc) =	sbr.rel @p1 .LBB2_4-.Ltmp3, $4  }
0xa6: {  	[tilespmem:s22], [sflag:$0x1] =	stream.indirect.gather [hbm4b:s4+s25], $0x80, s16, s25, $0xb8;
	[tilespmem:$0x1E800] =	vst v63  }
0xa7: {  	_ =	swait.ge [sflag:s31], $0x4000  }
0xa8: {  	[sflag:s31] =	ssyncset.done $0x0  }
0xa9: {  	s11 =	sadd.s32 $0x2780, s11;
	[sflag:s31] =	ssyncadd.s32 $0xFFFFC000  }
0xaa: {  	[spmem:s1] =	stream.indirect.scatter.add.f32 [tilespmem:s26], [sflag:$0x4], $0x80, s11, s25, $0xb8;
	[tilespmem:$0x1E800] =	vst v63  }
0xab: {  	_ =	swait.ge [sflag:s12], $0x4000  }
0xac: {  	[sflag:s12] =	ssyncset.done $0x0  }
0xad: {  	[sflag:s12] =	ssyncadd.s32 $0xFFFFC000  }
0xae: {  	[tilespmem:s26], [sflag:$0x2] =	stream.indirect.gather [hbm4b:s4+s25], $0x80, s13, s25, $0xb8;
	[tilespmem:$0x1E800] =	vst v63  }
0xaf: {  	_ =	swait.ge [sflag:s28], $0x4000  }
0xb0: {  	[sflag:s28] =	ssyncset.done $0x0  }
0xb1: {  	[sflag:s28] =	ssyncadd.s32 $0xFFFFC000  }
0xb2: {  	[spmem:s1] =	stream.indirect.scatter.add.f32 [tilespmem:s22], [sflag:$0x3], $0x80, s14, s25, $0xb8;
	[tilespmem:$0x1E800] =	vst v63  }
0xb3: {  	_ =	swait.ge [sflag:s29], $0x4000  }
0xb4: {  	[sflag:s29] =	ssyncset.done $0x0  }
0xb5: {  	[sflag:s29] =	ssyncadd.s32 $0xFFFFC000  }
0xb6: {  	_ =	swait.ge [sflag:s31], $0x4000  }
0xb7: {  	[sflag:s31] =	ssyncset.done $0x0  }
.Ltmp4:
0xb8: {  	[sflag:s31] =	ssyncadd.s32 $0xFFFFC000;
	(pc) =	sbr.rel @p0 .LBB2_11-.Ltmp4, $4  }
0xb9: {  	[spmem:s1] =	stream.indirect.scatter.add.f32 [tilespmem:s26], [sflag:$0x4], $0x80, s15, s25, $0xb8;
	[tilespmem:$0x1E800] =	vst v63  }
0xba: {  	_ =	swait.ge [sflag:s12], $0x4000  }
0xbb: {  	[sflag:s12] =	ssyncset.done $0x0  }
0xbc: {  	[sflag:s12] =	ssyncadd.s32 $0xFFFFC000  }
0xbd: {  	s10 =	rddreg [dreg:$0x5]  }
0xbe: {  	[tilespmem:s2], [sflag:$0x5] =	stream.linear.gather [hbm4b:s10+s2], $0x1400, $0x38;
	[tilespmem:$0x1E800] =	vst v63  }
0xbf: {  	_ =	swait.ge [sflag:s23], $0x1400  }
0xc0: {  	[sflag:s23] =	ssyncset.done $0x0  }
0xc1: {  	s11 =	rddreg [dreg:$0x6];
	[sflag:s23] =	ssyncadd.s32 $0xFFFFEC00  }
0xc2: {  	[tilespmem:s24], [sflag:$0x5] =	stream.linear.gather [hbm4b:s11+s2], $0x1400, $0x38;
	[tilespmem:$0x1E800] =	vst v63  }
0xc3: {  	_ =	swait.ge [sflag:s23], $0x1400  }
0xc4: {  	[sflag:s23] =	ssyncset.done $0x0  }
0xc5: {  	[sflag:s23] =	ssyncadd.s32 $0xFFFFEC00  }
0xc6: {  	[tilespmem:s22], [sflag:$0x1] =	stream.indirect.gather [hbm4b:s4+s25], $0x80, s2, s25, $0xb8;
	[tilespmem:$0x1E800] =	vst v63  }
0xc7: {  	_ = 	snop  }
0xc8: {  	[tilespmem:s26], [sflag:$0x2] =	stream.indirect.gather [hbm4b:s4+s25], $0x80, s25, s25, $0xb8;
	[tilespmem:$0x1E800] =	vst v63  }
0xc9: {  	_ =	swait.ge [sflag:s28], $0x4000  }
0xca: {  	[sflag:s28] =	ssyncset.done $0x0  }
0xcb: {  	[sflag:s28] =	ssyncadd.s32 $0xFFFFC000  }
0xcc: {  	[spmem:s1] =	stream.indirect.scatter.add.f32 [tilespmem:s22], [sflag:$0x3], $0x80, s24, s25, $0xb8;
	[tilespmem:$0x1E800] =	vst v63  }
0xcd: {  	_ =	swait.ge [sflag:s29], $0x4000  }
0xce: {  	[sflag:s29] =	ssyncset.done $0x0  }
0xcf: {  	[sflag:s29] =	ssyncadd.s32 $0xFFFFC000  }
0xd0: {  	[tilespmem:s22], [sflag:$0x1] =	stream.indirect.gather [hbm4b:s4+s25], $0x80, s30, s25, $0xb8;
	[tilespmem:$0x1E800] =	vst v63  }
0xd1: {  	_ =	swait.ge [sflag:s31], $0x4000  }
0xd2: {  	[sflag:s31] =	ssyncset.done $0x0  }
0xd3: {  	[sflag:s31] =	ssyncadd.s32 $0xFFFFC000  }
0xd4: {  	[spmem:s1] =	stream.indirect.scatter.add.f32 [tilespmem:s26], [sflag:$0x4], $0x80, s0, s25, $0xb8;
	[tilespmem:$0x1E800] =	vst v63  }
0xd5: {  	_ =	swait.ge [sflag:s12], $0x4000  }
0xd6: {  	[sflag:s12] =	ssyncset.done $0x0  }
0xd7: {  	s16 =	simm.s32 $0x180;
	[sflag:s12] =	ssyncadd.s32 $0xFFFFC000  }
0xd8: {  	[tilespmem:s26], [sflag:$0x2] =	stream.indirect.gather [hbm4b:s4+s25], $0x80, s16, s25, $0xb8;
	[tilespmem:$0x1E800] =	vst v63  }
0xd9: {  	_ =	swait.ge [sflag:s28], $0x4000  }
0xda: {  	[sflag:s28] =	ssyncset.done $0x0  }
0xdb: {  	s11 =	simm.s32 $0x1500;
	[sflag:s28] =	ssyncadd.s32 $0xFFFFC000  }
0xdc: {  	[spmem:s1] =	stream.indirect.scatter.add.f32 [tilespmem:s22], [sflag:$0x3], $0x80, s11, s25, $0xb8;
	[tilespmem:$0x1E800] =	vst v63  }
0xdd: {  	_ =	swait.ge [sflag:s29], $0x4000  }
0xde: {  	[sflag:s29] =	ssyncset.done $0x0  }
0xdf: {  	s16 =	simm.s32 $0x200;
	[sflag:s29] =	ssyncadd.s32 $0xFFFFC000  }
0xe0: {  	[tilespmem:s22], [sflag:$0x1] =	stream.indirect.gather [hbm4b:s4+s25], $0x80, s16, s25, $0xb8;
	[tilespmem:$0x1E800] =	vst v63  }
0xe1: {  	_ =	swait.ge [sflag:s31], $0x4000  }
0xe2: {  	[sflag:s31] =	ssyncset.done $0x0  }
0xe3: {  	s10 =	simm.s32 $0xFFFFBC00;
	s11 =	simm.s32 $0x1580;
	[sflag:s31] =	ssyncadd.s32 $0xFFFFC000  }
.LBB2_7:
0xe4: {  	[spmem:s1] =	stream.indirect.scatter.add.f32 [tilespmem:s26], [sflag:$0x4], $0x80, s11, s25, $0xb8;
	[tilespmem:$0x1E800] =	vst v63  }
0xe5: {  	s11 =	smov.u32 s10  }
0xe6: {  	p1 =	sne.s32 s10, $0xFFFFFC00;
	s10 =	sadd.s32 $0x400, s10;
	_ =	swait.ge [sflag:s12], $0x4000  }
0xe7: {  	s11 =	sshra.s32 s11, $0x2;
	[sflag:s12] =	ssyncset.done $0x0  }
0xe8: {  	s16 =	sadd.s32 $0x1380, s11;
	[sflag:s12] =	ssyncadd.s32 $0xFFFFC000  }
0xe9: {  	[tilespmem:s26], [sflag:$0x2] =	stream.indirect.gather [hbm4b:s4+s25], $0x80, s16, s25, $0xb8;
	[tilespmem:$0x1E800] =	vst v63  }
0xea: {  	_ =	swait.ge [sflag:s28], $0x4000  }
0xeb: {  	[sflag:s28] =	ssyncset.done $0x0  }
0xec: {  	s16 =	sadd.s32 $0x2700, s11;
	[sflag:s28] =	ssyncadd.s32 $0xFFFFC000  }
0xed: {  	[spmem:s1] =	stream.indirect.scatter.add.f32 [tilespmem:s22], [sflag:$0x3], $0x80, s16, s25, $0xb8;
	[tilespmem:$0x1E800] =	vst v63  }
0xee: {  	_ =	swait.ge [sflag:s29], $0x4000  }
0xef: {  	[sflag:s29] =	ssyncset.done $0x0  }
.Ltmp5:
0xf0: {  	s16 =	sadd.s32 $0x1400, s11;
	[sflag:s29] =	ssyncadd.s32 $0xFFFFC000;
	(pc) =	sbr.rel @p1 .LBB2_7-.Ltmp5, $4  }
0xf1: {  	[tilespmem:s22], [sflag:$0x1] =	stream.indirect.gather [hbm4b:s4+s25], $0x80, s16, s25, $0xb8;
	[tilespmem:$0x1E800] =	vst v63  }
0xf2: {  	_ =	swait.ge [sflag:s31], $0x4000  }
0xf3: {  	[sflag:s31] =	ssyncset.done $0x0  }
0xf4: {  	s11 =	sadd.s32 $0x2780, s11;
	[sflag:s31] =	ssyncadd.s32 $0xFFFFC000  }
0xf5: {  	[spmem:s1] =	stream.indirect.scatter.add.f32 [tilespmem:s26], [sflag:$0x4], $0x80, s11, s25, $0xb8;
	[tilespmem:$0x1E800] =	vst v63  }
0xf6: {  	_ =	swait.ge [sflag:s12], $0x4000  }
0xf7: {  	[sflag:s12] =	ssyncset.done $0x0  }
0xf8: {  	[sflag:s12] =	ssyncadd.s32 $0xFFFFC000  }
0xf9: {  	[tilespmem:s26], [sflag:$0x2] =	stream.indirect.gather [hbm4b:s4+s25], $0x80, s13, s25, $0xb8;
	[tilespmem:$0x1E800] =	vst v63  }
0xfa: {  	_ =	swait.ge [sflag:s28], $0x4000  }
0xfb: {  	[sflag:s28] =	ssyncset.done $0x0  }
0xfc: {  	[sflag:s28] =	ssyncadd.s32 $0xFFFFC000  }
0xfd: {  	[spmem:s1] =	stream.indirect.scatter.add.f32 [tilespmem:s22], [sflag:$0x3], $0x80, s14, s25, $0xb8;
	[tilespmem:$0x1E800] =	vst v63  }
0xfe: {  	_ =	swait.ge [sflag:s29], $0x4000  }
0xff: {  	[sflag:s29] =	ssyncset.done $0x0  }
0x100: {  	[sflag:s29] =	ssyncadd.s32 $0xFFFFC000  }
0x101: {  	_ =	swait.ge [sflag:s31], $0x4000  }
0x102: {  	[sflag:s31] =	ssyncset.done $0x0  }
0x103: {  	[sflag:s31] =	ssyncadd.s32 $0xFFFFC000  }
0x104: {  	[spmem:s1] =	stream.indirect.scatter.add.f32 [tilespmem:s26], [sflag:$0x4], $0x80, s15, s25, $0xb8;
	[tilespmem:$0x1E800] =	vst v63  }
0x105: {  	_ =	swait.ge [sflag:s12], $0x4000  }
0x106: {  	[sflag:s12] =	ssyncset.done $0x0  }
0x107: {  	s10 =	rddreg [dreg:$0x7];
	[sflag:s12] =	ssyncadd.s32 $0xFFFFC000  }
0x108: {  	[tilespmem:s2], [sflag:$0x5] =	stream.linear.gather [hbm4b:s10+s2], $0x1400, $0x38;
	[tilespmem:$0x1E800] =	vst v63  }
0x109: {  	_ =	swait.ge [sflag:s23], $0x1400  }
0x10a: {  	[sflag:s23] =	ssyncset.done $0x0  }
0x10b: {  	s11 =	rddreg [dreg:$0x8];
	[sflag:s23] =	ssyncadd.s32 $0xFFFFEC00  }
0x10c: {  	[tilespmem:s24], [sflag:$0x5] =	stream.linear.gather [hbm4b:s11+s2], $0x1400, $0x38;
	[tilespmem:$0x1E800] =	vst v63  }
0x10d: {  	_ =	swait.ge [sflag:s23], $0x1400  }
0x10e: {  	[sflag:s23] =	ssyncset.done $0x0  }
0x10f: {  	[sflag:s23] =	ssyncadd.s32 $0xFFFFEC00  }
0x110: {  	[tilespmem:s22], [sflag:$0x1] =	stream.indirect.gather [hbm4b:s4+s25], $0x80, s2, s25, $0xb8;
	[tilespmem:$0x1E800] =	vst v63  }
0x111: {  	_ = 	snop  }
0x112: {  	[tilespmem:s26], [sflag:$0x2] =	stream.indirect.gather [hbm4b:s4+s25], $0x80, s25, s25, $0xb8;
	[tilespmem:$0x1E800] =	vst v63  }
0x113: {  	_ =	swait.ge [sflag:s28], $0x4000  }
0x114: {  	[sflag:s28] =	ssyncset.done $0x0  }
0x115: {  	[sflag:s28] =	ssyncadd.s32 $0xFFFFC000  }
0x116: {  	[spmem:s1] =	stream.indirect.scatter.add.f32 [tilespmem:s22], [sflag:$0x3], $0x80, s24, s25, $0xb8;
	[tilespmem:$0x1E800] =	vst v63  }
0x117: {  	_ =	swait.ge [sflag:s29], $0x4000  }
0x118: {  	[sflag:s29] =	ssyncset.done $0x0  }
0x119: {  	[sflag:s29] =	ssyncadd.s32 $0xFFFFC000  }
0x11a: {  	[tilespmem:s22], [sflag:$0x1] =	stream.indirect.gather [hbm4b:s4+s25], $0x80, s30, s25, $0xb8;
	[tilespmem:$0x1E800] =	vst v63  }
0x11b: {  	_ =	swait.ge [sflag:s31], $0x4000  }
0x11c: {  	[sflag:s31] =	ssyncset.done $0x0  }
0x11d: {  	[sflag:s31] =	ssyncadd.s32 $0xFFFFC000  }
0x11e: {  	[spmem:s1] =	stream.indirect.scatter.add.f32 [tilespmem:s26], [sflag:$0x4], $0x80, s0, s25, $0xb8;
	[tilespmem:$0x1E800] =	vst v63  }
0x11f: {  	_ =	swait.ge [sflag:s12], $0x4000  }
0x120: {  	[sflag:s12] =	ssyncset.done $0x0  }
0x121: {  	s16 =	simm.s32 $0x180;
	[sflag:s12] =	ssyncadd.s32 $0xFFFFC000  }
0x122: {  	[tilespmem:s26], [sflag:$0x2] =	stream.indirect.gather [hbm4b:s4+s25], $0x80, s16, s25, $0xb8;
	[tilespmem:$0x1E800] =	vst v63  }
0x123: {  	_ =	swait.ge [sflag:s28], $0x4000  }
0x124: {  	[sflag:s28] =	ssyncset.done $0x0  }
0x125: {  	s11 =	simm.s32 $0x1500;
	[sflag:s28] =	ssyncadd.s32 $0xFFFFC000  }
0x126: {  	[spmem:s1] =	stream.indirect.scatter.add.f32 [tilespmem:s22], [sflag:$0x3], $0x80, s11, s25, $0xb8;
	[tilespmem:$0x1E800] =	vst v63  }
0x127: {  	_ =	swait.ge [sflag:s29], $0x4000  }
0x128: {  	[sflag:s29] =	ssyncset.done $0x0  }
0x129: {  	s16 =	simm.s32 $0x200;
	[sflag:s29] =	ssyncadd.s32 $0xFFFFC000  }
0x12a: {  	[tilespmem:s22], [sflag:$0x1] =	stream.indirect.gather [hbm4b:s4+s25], $0x80, s16, s25, $0xb8;
	[tilespmem:$0x1E800] =	vst v63  }
0x12b: {  	_ =	swait.ge [sflag:s31], $0x4000  }
0x12c: {  	[sflag:s31] =	ssyncset.done $0x0  }
0x12d: {  	s10 =	simm.s32 $0xFFFFBC00;
	s11 =	simm.s32 $0x1580;
	[sflag:s31] =	ssyncadd.s32 $0xFFFFC000  }
.LBB2_9:
0x12e: {  	[spmem:s1] =	stream.indirect.scatter.add.f32 [tilespmem:s26], [sflag:$0x4], $0x80, s11, s25, $0xb8;
	[tilespmem:$0x1E800] =	vst v63  }
0x12f: {  	s11 =	smov.u32 s10  }
0x130: {  	p1 =	sne.s32 s10, $0xFFFFFC00;
	s10 =	sadd.s32 $0x400, s10;
	_ =	swait.ge [sflag:s12], $0x4000  }
0x131: {  	s11 =	sshra.s32 s11, $0x2;
	[sflag:s12] =	ssyncset.done $0x0  }
0x132: {  	s16 =	sadd.s32 $0x1380, s11;
	[sflag:s12] =	ssyncadd.s32 $0xFFFFC000  }
0x133: {  	[tilespmem:s26], [sflag:$0x2] =	stream.indirect.gather [hbm4b:s4+s25], $0x80, s16, s25, $0xb8;
	[tilespmem:$0x1E800] =	vst v63  }
0x134: {  	_ =	swait.ge [sflag:s28], $0x4000  }
0x135: {  	[sflag:s28] =	ssyncset.done $0x0  }
0x136: {  	s16 =	sadd.s32 $0x2700, s11;
	[sflag:s28] =	ssyncadd.s32 $0xFFFFC000  }
0x137: {  	[spmem:s1] =	stream.indirect.scatter.add.f32 [tilespmem:s22], [sflag:$0x3], $0x80, s16, s25, $0xb8;
	[tilespmem:$0x1E800] =	vst v63  }
0x138: {  	_ =	swait.ge [sflag:s29], $0x4000  }
0x139: {  	[sflag:s29] =	ssyncset.done $0x0  }
.Ltmp6:
0x13a: {  	s16 =	sadd.s32 $0x1400, s11;
	[sflag:s29] =	ssyncadd.s32 $0xFFFFC000;
	(pc) =	sbr.rel @p1 .LBB2_9-.Ltmp6, $4  }
0x13b: {  	[tilespmem:s22], [sflag:$0x1] =	stream.indirect.gather [hbm4b:s4+s25], $0x80, s16, s25, $0xb8;
	[tilespmem:$0x1E800] =	vst v63  }
0x13c: {  	_ =	swait.ge [sflag:s31], $0x4000  }
0x13d: {  	[sflag:s31] =	ssyncset.done $0x0  }
0x13e: {  	s11 =	sadd.s32 $0x2780, s11;
	[sflag:s31] =	ssyncadd.s32 $0xFFFFC000  }
.Ltmp7:
0x13f: {  	_ = 	snop;
	(pc) =	sbr.rel .LBB2_10-.Ltmp7, $1  }
0x140: {  	_ =	sdelay $0x3  }
.LBB2_12:
0x141: {  	_ =	sfence.sel $0x180000  }
0x142: {  	[bflag:$0x0] =	sbarrier.arrive $0xFFFF  }
0x143: {  	_ =	strace $0x9000004D  }
0x144: {  	s0 =	stileid.u32;
	[bflag:$0x2] =	sbarrier.arrive $0xFFFF  }
0x145: {  	p0 =	sne.s32 s0, $0x0;
	s0 =	rddreg [dreg:$0x2]  }
0x146: {  	s0 =	sadd.s32 @!p0 $0x100000, s0  }
0x147: {  	[sflag:s0] =	ssyncadd.tile.s32 @!p0 $0x1;
	_ =	shalt  }
.Lfunc_end2:
_tile_overlayer_lowered:
.L_overlay_start_2:
0x148: {  	(tag) =	ssettag $0x2  }
0x149: {  	s0 =	rddreg [dreg:$0x0];
	s2 =	stileid.u32  }
0x14a: {  	s1 =	rddreg [dreg:$0x1];
	p0 =	sne.s32 s2, $0x0  }
0x14b: {  	s3 =	rddreg [dreg:$0x2];
	[bflag:$0x3] =	sbarrier.arrive $0xFFFF;
	s2 =	simm.s32 @!p0 $0x1C05  }
0x14c: {  	[timem:s3], [sflag:s2] =	dma.local @!p0 [hbm:s0], s1  }
0x14d: {  	s0 =	simm.s32 @!p0 $0x5  }
0x14e: {  	_ =	swait.ge @!p0 [sflag:s0], s1  }
0x14f: {  	s1 =	ssub.s32 @!p0 $0x0, s1;
	[sflag:s0] =	ssyncset.done @!p0 $0x0  }
0x150: {  	[sflag:s0] =	ssyncadd.s32 @!p0 s1  }
0x151: {  	[bflag:$0x3] =	sbarrier.arrive $0xFFFF  }
0x152: {  	_ =	shalt  }

// kernel: kernel.8.cloned.1.call-start
scs
__scs_entry_jumppad:
0x0: {  	(pc) =	sbr.rel $0x88, $3  }
0x1: {  	(tag) =	ssettag $0x0;
	lr =	simm.s32 $0x1  }
0x2: {  	[smem:$0x3F99] =	sst lr;
	_ =	strace $0xD0000000  }
0x3: {  	_ = 	snop  }
0x4: {  	_ = 	snop  }
0x5: {  	_ = 	snop  }
0x6: {  	_ = 	snop  }
0x7: {  	_ = 	snop  }
__scs_overlays_trampoline_lowered:
0x8: {  	[smem:$0x3FA8] =	sst s0  }
0x9: {  	[smem:$0x3FA9] =	sst s1  }
0xa: {  	[smem:$0x3FAA] =	sst s2  }
0xb: {  	[smem:$0x3FAB] =	sst s3  }
0xc: {  	[smem:$0x3FAC] =	sst s4  }
0xd: {  	[smem:$0x3FAD] =	sst s5  }
0xe: {  	[smem:$0x3FAE] =	sst s6  }
0xf: {  	[smem:$0x3FAF] =	sst s7  }
0x10: {  	[smem:$0x3FB0] =	sst s8  }
0x11: {  	[smem:$0x3FB1] =	sst s9;
	s0 =	simm.s32 @!p0 $0x0  }
0x12: {  	s1 =	sld [smem:$0x3F97];
	s0 =	simm.s32 @p0 $0x1  }
0x13: {  	[smem:$0x3FB2] =	sst s0;
	s0 =	simm.s32 @!p1 $0x0  }
0x14: {  	s2 =	sld [smem:$0x3F96];
	s0 =	simm.s32 @p1 $0x1  }
0x15: {  	[smem:$0x3FB3] =	sst s0;
	s0 =	simm.s32 @!p2 $0x0  }
0x16: {  	s3 =	sld [smem:$0x3FDB];
	s0 =	simm.s32 @p2 $0x1  }
0x17: {  	s4 =	simm.s32 $0x1BF5;
	[smem:$0x3FB5] =	sst s0  }
0x18: {  	s0 =	sld [smem:$0x3F98];
	_ =	swait.ge [sflag:s4], $0x0  }
0x19: {  	s7 =	sld [smem:$0x3F99]  }
0x1a: {  	s8 =	sadd.s32 $0xFFFFE003, lr  }
0x1b: {  	s9 =	sadd.s32 $0xFFFFFEF7, lr;
	s5 =	simm.s32 $0xFFFFFFFF;
	p2 =	slt.u32 s8, $0xFFFFF086  }
0x1c: {  	p1 =	slt.u32 s9, $0xF7A;
	s5 =	simm.s32 @!p2 $0x0  }
0x1d: {  	s5 =	simm.s32 @p1 $0x1;
	p0 =	seq.s32 s7, s2  }
0x1e: {  	s7 =	smul.u32 @!p0 $0xF7A, s2;
	p2 =	seq.s32 @!p0 s5, $0x0  }
0x1f: {  	s9 =	smul.u32 $0xF7A, s1;
	s8 =	simm.s32 @!p0 $0x1BF5;
	p2 =	por !p2, p0  }
0x20: {  	[sflag:s8] =	ssyncset.s32 @!p0 $0xFFFFF086;
	s6 =	sadd.s32 @!p0 s3, s7;
	s7 =	simm.s32 @!p0 $0x108  }
0x21: {  	s3 =	sadd.s32 s3, s9;
	s6 =	sadd.s32 @!p0 $0x88, s6;
	s7 =	simm.s32 @p2 $0x1082  }
0x22: {  	[simem:s7], [sflag:s8] =	dma.local @!p0 [hbm:s6], $0xF7A  }
0x23: {  	s9 =	sor.u32 $0xD0000000, s2;
	s6 =	simm.s32 $0x108;
	_ =	swait.ge @!p0 [sflag:s8], $0x0  }
0x24: {  	s3 =	sadd.s32 $0x88, s3;
	s6 =	simm.s32 @!p1 $0x1082;
	[sflag:s4] =	ssyncset.s32 $0xFFFFF086  }
0x25: {  	[simem:s6], [sflag:s4] =	dma.local [hbm:s3], $0xF7A  }
0x26: {  	[smem:$0x3F99] =	sst s1;
	(tag) =	ssettag s2;
	_ =	strace s9  }
0x27: {  	s1 =	sld [smem:$0x3FA9]  }
0x28: {  	s2 =	sld [smem:$0x3FAA]  }
0x29: {  	s4 =	sld [smem:$0x3FAC]  }
0x2a: {  	p0 =	seq.s32 s5, $0x0;
	s5 =	sld [smem:$0x3FAD]  }
0x2b: {  	s6 =	sld [smem:$0x3FAE]  }
0x2c: {  	s7 =	sld [smem:$0x3FAF]  }
0x2d: {  	s3 =	simm.s32 $0x108;
	s8 =	sld [smem:$0x3FB0]  }
0x2e: {  	s3 =	simm.s32 @!p0 $0x1082;
	s9 =	sld [smem:$0x3FB1]  }
0x2f: {  	lr =	sadd.s32 s0, s3;
	s0 =	sld [smem:$0x3FA8]  }
0x30: {  	s3 =	sld [smem:$0x3FAB]  }
0x31: {  	[smem:$0x3FB4] =	sst s10  }
0x32: {  	s10 =	sld [smem:$0x3FB2];
	_ =	sdelay $0x3  }
0x33: {  	p0 =	seq.s32 s10, $0x1;
	s10 =	sld [smem:$0x3FB4];
	_ =	sdelay $0x3  }
0x34: {  	[smem:$0x3FB4] =	sst s10  }
0x35: {  	s10 =	sld [smem:$0x3FB3];
	_ =	sdelay $0x3  }
0x36: {  	p1 =	seq.s32 s10, $0x1;
	s10 =	sld [smem:$0x3FB4];
	_ =	sdelay $0x3  }
0x37: {  	[smem:$0x3FB4] =	sst s10  }
0x38: {  	s10 =	sld [smem:$0x3FB5]  }
0x39: {  	_ = 	snop;
	(pc) =	sbr.ind lr, $3  }
0x3a: {  	_ = 	snop  }
0x3b: {  	_ = 	snop  }
0x3c: {  	p2 =	seq.s32 s10, $0x1;
	s10 =	sld [smem:$0x3FB4]  }
0x3d: {  	_ =	shalt  }
0x3e: {  	_ =	shalt  }
0x3f: {  	_ =	shalt  }
0x40: {  	_ =	shalt  }
0x41: {  	_ =	shalt  }
0x42: {  	_ =	shalt  }
0x43: {  	_ =	shalt  }
0x44: {  	_ =	shalt  }
0x45: {  	_ =	shalt  }
0x46: {  	_ =	shalt  }
0x47: {  	_ =	shalt  }
0x48: {  	_ =	shalt  }
0x49: {  	_ =	shalt  }
0x4a: {  	_ =	shalt  }
0x4b: {  	_ =	shalt  }
0x4c: {  	_ =	shalt  }
0x4d: {  	_ =	shalt  }
0x4e: {  	_ =	shalt  }
0x4f: {  	_ =	shalt  }
0x50: {  	_ =	shalt  }
0x51: {  	_ =	shalt  }
0x52: {  	_ =	shalt  }
0x53: {  	_ =	shalt  }
0x54: {  	_ =	shalt  }
0x55: {  	_ =	shalt  }
0x56: {  	_ =	shalt  }
0x57: {  	_ =	shalt  }
0x58: {  	_ =	shalt  }
0x59: {  	_ =	shalt  }
0x5a: {  	_ =	shalt  }
0x5b: {  	_ =	shalt  }
0x5c: {  	_ =	shalt  }
0x5d: {  	_ =	shalt  }
0x5e: {  	_ =	shalt  }
0x5f: {  	_ =	shalt  }
0x60: {  	_ =	shalt  }
0x61: {  	_ =	shalt  }
0x62: {  	_ =	shalt  }
0x63: {  	_ =	shalt  }
0x64: {  	_ =	shalt  }
0x65: {  	_ =	shalt  }
0x66: {  	_ =	shalt  }
0x67: {  	_ =	shalt  }
0x68: {  	_ =	shalt  }
0x69: {  	_ =	shalt  }
0x6a: {  	_ =	shalt  }
0x6b: {  	_ =	shalt  }
0x6c: {  	_ =	shalt  }
0x6d: {  	_ =	shalt  }
0x6e: {  	_ =	shalt  }
0x6f: {  	_ =	shalt  }
0x70: {  	_ =	shalt  }
0x71: {  	_ =	shalt  }
0x72: {  	_ =	shalt  }
0x73: {  	_ =	shalt  }
0x74: {  	_ =	shalt  }
0x75: {  	_ =	shalt  }
0x76: {  	_ =	shalt  }
0x77: {  	_ =	shalt  }
0x78: {  	_ =	shalt  }
0x79: {  	_ =	shalt  }
0x7a: {  	_ =	shalt  }
0x7b: {  	_ =	shalt  }
0x7c: {  	_ =	shalt  }
0x7d: {  	_ =	shalt  }
0x7e: {  	_ =	shalt  }
0x7f: {  	_ =	shalt  }
0x80: {  	_ =	shalt  }
0x81: {  	_ =	shalt  }
0x82: {  	_ =	shalt  }
0x83: {  	_ =	shalt  }
0x84: {  	_ =	shalt  }
0x85: {  	_ =	shalt  }
0x86: {  	_ =	shalt  }
0x87: {  	_ =	shalt  }
.Lfunc_end0:
.L_simem_size_0:
called_computation_lowered:
.L_overlay_start_0:
0x88: {  	s2 =	sld [smem:$0x3FD9]  }
0x89: {  	s3 =	sld [smem:$0x3FFE];
	_ =	sdelay $0x1  }
0x8a: {  	s1 =	srdreg.scid  }
0x8b: {  	s0 =	sand.u32 $0x1, s1  }
0x8c: {  	s16 =	sshll.u32 s0, $0xA;
	s2 =	sadd.s32 s3, s2  }
0x8d: {  	s2 =	sadd.s32 s2, s16  }
0x8e: {  	[smem:$0x3FC0] =	sst s2  }
0x8f: {  	_ = 	snop  }
0x90: {  	(tm) =	ssettm $0x1  }
0x91: {  	s17 =	sld [smem:$0x3FFB];
	_ =	sdelay $0x3  }
0x92: {  	_ =	strace s17  }
0x93: {  	s2 =	sld [smem:$0x3FFC];
	_ =	sdelay $0x3  }
0x94: {  	_ =	strace s2  }
0x95: {  	s2 =	sld [smem:$0x3FFD];
	_ =	sdelay $0x3  }
0x96: {  	_ =	strace s2  }
0x97: {  	_ =	strace $0x8FFFFFFF  }
0x98: {  	s18 =	sld [smem:$0x3FDB];
	_ =	sdelay $0x1  }
0x99: {  	s19 =	simm.s32 $_scs_section_size  }
0x9a: {  	s4 =	simm.s32 $_size__tile_overlayer_lowered;
	s5 =	simm.s32 $_tile_overlayer_lowered  }
0x9b: {  	s22 =	simm.s32 $0x1BFF;
	s21 =	sshll.u32 s5, $0x1;
	s2 =	sadd.s32 s19, s18  }
0x9c: {  	s6 =	simm.s32 $0x0;
	s20 =	sshll.u32 s4, $0x1;
	s4 =	sadd.s32 s21, s2  }
0x9d: {  	[timem:s6], [sflag:s22] =	dma.local [hbm:s4], s20  }
0x9e: {  	_ =	swait.ge [sflag:s22], s20  }
0x9f: {  	s3 =	ssub.s32 $0x0, s20;
	[sflag:s22] =	ssyncset.done $0x0  }
0xa0: {  	[sflag:s22] =	ssyncadd.s32 s3;
	_ =	sdelay $0x1  }
0xa1: {  	s23 =	simm.s32 $0x1B8B  }
0xa2: {  	_ =	swait.ge [sflag:s23], $0x1  }
0xa3: {  	[sflag:s23] =	ssyncset.done $0x0  }
0xa4: {  	s25 =	simm.s32 $0x1B8E;
	s24 =	sld [smem:$0x3FFE];
	[sflag:s23] =	ssyncadd.s32 $0xFFFFFFFF  }
0xa5: {  	s26 =	simm.s32 $execute0_lowered;
	[smem:$0x3FD2] =	sst s25  }
0xa6: {  	s4 =	sshll.u32 s26, $0x1;
	_ =	strace $0x80000046;
	[dreg:$0x1] =	wrdreg $0xFFFFFFFF  }
0xa7: {  	s28 =	simm.s32 $_size_execute0_lowered;
	s2 =	sadd.s32 s2, s4;
	[dreg:$0x0] =	wrdreg $0x0  }
0xa8: {  	s4 =	sshll.u32 s28, $0x1;
	[dreg:$0x2] =	wrdreg s2  }
0xa9: {  	[dreg:$0x3] =	wrdreg s4  }
0xaa: {  	[dreg:$0x4] =	wrdreg $0xC0  }
0xab: {  	_ =	task [dreg:s6], $0x5FFFF  }
0xac: {  	[dreg:$0x1] =	wrdreg $0xFFFFFFFF  }
0xad: {  	[dreg:$0x0] =	wrdreg $0x60  }
0xae: {  	[dreg:$0x2] =	wrdreg s24  }
0xaf: {  	[dreg:$0x3] =	wrdreg $0x2B000  }
0xb0: {  	[dreg:$0x4] =	wrdreg $0x9  }
0xb1: {  	_ =	task.clear_ibuf [dreg:s6], $0x5FFFF;
	_ =	strace $0x90000046  }
0xb2: {  	s29 =	simm.s32 $0x9;
	_ =	strace $0x80000048  }
0xb3: {  	_ =	swait.ge [sflag:s29], $0x1  }
0xb4: {  	[sflag:s29] =	ssyncadd.s32 $0xFFFFFFFF  }
0xb5: {  	_ =	strace $0x90000048  }
0xb6: {  	_ =	sfence  }
0xb7: {  	s30 =	sld [smem:$0x0];
	_ =	sdelay $0x2  }
0xb8: {  	s31 =	sshll.u32 s1, $0xD;
	s1 =	sshrl.u32 s1, $0x2  }
0xb9: {  	s3 =	sand.u32 $0x4000, s31;
	s1 =	sadd.s32 s1, s30  }
0xba: {  	s0 =	sor.u32 s3, s0;
	s1 =	sshll.u32 s1, $0x11  }
0xbb: {  	s0 =	sor.u32 s1, s0  }
0xbc: {  	s0 =	sadd.s32 $0x8F2B, s0  }
0xbd: {  	[sflag:s0] =	ssyncadd.remote.s32 $0x1  }
0xbe: {  	_ =	sfence.sel $0xFFFF  }
0xbf: {  	[dreg:$0x0] =	wrdreg $0xFFFFFFFF;
	(pc) =	sbr.abs _section_cstart, $3  }
0xc0: {  	[dreg:$0x1] =	wrdreg $0xFFFFFFFF  }
0xc1: {  	_ =	task.clear_ibuf [dreg:s6], $0x2FFFF;
	_ =	strace $0x9FFFFFFF  }
0xc2: {  	(tm) =	ssettm $0x7FFFFFFF  }
0xc3: {  	_ =	shalt  }
tec
execute0_lowered:
.L_overlay_start_1:
0x0: {  	(tag) =	ssettag $0x1  }
0x1: {  	s4 =	rddreg [dreg:$0x0]  }
0x2: {  	s2 =	rddreg [dreg:$0x1]  }
0x3: {  	s3 =	srdreg.scid;
	s1 =	stileid.u32  }
0x4: {  	s0 =	rddreg [dreg:$0x2];
	s10 =	simm.s32 $0x80;
	s11 =	simm.s32 $0x2800  }
0x5: {  	s12 =	simm.s32 $0x1;
	s13 =	simm.s32 $0x100;
	s14 =	simm.s32 $0x0  }
0x6: {  	s5 =	sand.u32 $0x1, s3;
	s6 =	sshll.u32 s1, $0x1;
	s7 =	smul.u32 $0x500, s1  }
0x7: {  	s3 =	simm.s32 $0x0;
	s30 =	smul.u32 $0xA00, s1;
	s6 =	sor.u32 s5, s6  }
0x8: {  	[smem:$0x7FF] =	sst s3;
	s8 =	sshll.u32 s5, $0x7;
	s5 =	ssub.s32 $0x2, s5  }
0x9: {  	s6 =	smul.u32 $0x500, s6;
	_ =	strace $0x80000047;
	s7 =	sor.u32 s8, s7  }
0xa: {  	s31 =	sshrl.u32 s5, $0x1;
	s8 =	sshrl.u32 s30, $0x2;
	s7 =	sshrl.u32 s7, $0x3  }
0xb: {  	s9 =	ssub.s32 s5, s31;
	s5 =	sadd.s32 s8, s2;
	s6 =	sadd.s32 s6, s4  }
0xc: {  	s8 =	simm.s32 $0x2;
	s7 =	sadd.s32 s7, s4;
	s4 =	sadd.s32 $0xC200, s6  }
0xd: {  	v0 =	vimm.f32 $1.000000000e+00;
	v1 =	vimm.f32 $0.0e+00;
	s6 =	sadd.s32 $0x16200, s7;
	s7 =	smax.u32 s9, $0x1;
	s9 =	simm.s32 $0x2880  }
.LBB2_1:
0xe: {  	[tilespmem:$0x2800] =	vst v0  }
0xf: {  	[tilespmem:$0x2810] =	vst v0  }
0x10: {  	[tilespmem:$0x2820] =	vst v0  }
0x11: {  	[tilespmem:$0x2830] =	vst v0  }
0x12: {  	[tilespmem:$0x2840] =	vst v0  }
0x13: {  	[tilespmem:$0x2850] =	vst v0  }
0x14: {  	[tilespmem:$0x2860] =	vst v0  }
0x15: {  	[tilespmem:$0x2870] =	vst v0  }
0x16: {  	[tilespmem:$0x2880] =	vst v1  }
0x17: {  	[tilespmem:$0x2890] =	vst v1  }
0x18: {  	[tilespmem:$0x28A0] =	vst v1  }
0x19: {  	[tilespmem:$0x28B0] =	vst v1  }
0x1a: {  	[tilespmem:$0x28C0] =	vst v1  }
0x1b: {  	[tilespmem:$0x28D0] =	vst v1  }
0x1c: {  	[tilespmem:$0x28E0] =	vst v1  }
0x1d: {  	[tilespmem:$0x28F0] =	vst v1  }
0x1e: {  	[tilespmem:$0x2900] =	vst v1  }
0x1f: {  	[tilespmem:$0x2910] =	vst v1  }
0x20: {  	[tilespmem:$0x2920] =	vst v1  }
0x21: {  	[tilespmem:$0x2930] =	vst v1  }
0x22: {  	[tilespmem:$0x2940] =	vst v1  }
0x23: {  	[tilespmem:$0x2950] =	vst v1  }
0x24: {  	[tilespmem:$0x2960] =	vst v1  }
0x25: {  	[tilespmem:$0x2970] =	vst v1  }
0x26: {  	[tilespmem:$0x2980] =	vst v1  }
0x27: {  	[tilespmem:$0x2990] =	vst v1  }
0x28: {  	[tilespmem:$0x29A0] =	vst v1  }
0x29: {  	[tilespmem:$0x29B0] =	vst v1  }
0x2a: {  	[tilespmem:$0x29C0] =	vst v1  }
0x2b: {  	[tilespmem:$0x29D0] =	vst v1  }
0x2c: {  	[tilespmem:$0x29E0] =	vst v1  }
0x2d: {  	[tilespmem:$0x29F0] =	vst v1  }
0x2e: {  	[tilespmem:$0x2A00] =	vst v1  }
0x2f: {  	[tilespmem:$0x2A10] =	vst v1  }
0x30: {  	[tilespmem:$0x2A20] =	vst v1  }
0x31: {  	[tilespmem:$0x2A30] =	vst v1  }
0x32: {  	[tilespmem:$0x2A40] =	vst v1  }
0x33: {  	[tilespmem:$0x2A50] =	vst v1  }
0x34: {  	[tilespmem:$0x2A60] =	vst v1  }
0x35: {  	[tilespmem:$0x2A70] =	vst v1  }
0x36: {  	[tilespmem:$0x2A80] =	vst v1  }
0x37: {  	[tilespmem:$0x2A90] =	vst v1  }
0x38: {  	[tilespmem:$0x2AA0] =	vst v1  }
0x39: {  	[tilespmem:$0x2AB0] =	vst v1  }
0x3a: {  	[tilespmem:$0x2AC0] =	vst v1  }
0x3b: {  	[tilespmem:$0x2AD0] =	vst v1  }
0x3c: {  	[tilespmem:$0x2AE0] =	vst v1  }
0x3d: {  	[tilespmem:$0x2AF0] =	vst v1  }
0x3e: {  	[tilespmem:s3], [sflag:$0x2] =	stream.linear.gather [hbm4b:s4+s3], $0x2800, $0x38;
	[tilespmem:$0x2D80] =	vst v63  }
0x3f: {  	_ =	swait.ge [sflag:s8], $0x2800  }
0x40: {  	[sflag:s8] =	ssyncset.done $0x0  }
0x41: {  	[sflag:s8] =	ssyncadd.s32 $0xFFFFD800  }
0x42: {  	[spmem:s5] =	stream.linear.scatter [tilespmem:s9], [sflag:$0x2], $0x280, $0x38;
	[tilespmem:$0x2D80] =	vst v63  }
0x43: {  	_ =	swait.ge [sflag:s8], $0x280  }
0x44: {  	[sflag:s8] =	ssyncset.done $0x0  }
0x45: {  	[sflag:s8] =	ssyncadd.s32 $0xFFFFFD80  }
0x46: {  	s15 =	simm.s32 $0x0;
	[bflag:$0x0] =	sbarrier.arrive $0xFFFF  }
0x47: {  	[spmem:s2] =	stream.indirect.scatter.add.f32 [tilespmem:s11], [sflag:$0x1], $0x1, s15, s10, $0xb8;
	[tilespmem:$0x2D80] =	vst v63  }
0x48: {  	s24 =	simm.s32 $0x80  }
0x49: {  	[spmem:s2] =	stream.indirect.scatter.add.f32 [tilespmem:s11], [sflag:$0x1], $0x1, s24, s10, $0xb8;
	[tilespmem:$0x2D80] =	vst v63  }
0x4a: {  	s25 =	simm.s32 $0x100  }
0x4b: {  	[spmem:s2] =	stream.indirect.scatter.add.f32 [tilespmem:s11], [sflag:$0x1], $0x1, s25, s10, $0xb8;
	[tilespmem:$0x2D80] =	vst v63  }
0x4c: {  	s26 =	simm.s32 $0x180  }
0x4d: {  	[spmem:s2] =	stream.indirect.scatter.add.f32 [tilespmem:s11], [sflag:$0x1], $0x1, s26, s10, $0xb8;
	[tilespmem:$0x2D80] =	vst v63  }
0x4e: {  	s28 =	simm.s32 $0x200  }
0x4f: {  	[spmem:s2] =	stream.indirect.scatter.add.f32 [tilespmem:s11], [sflag:$0x1], $0x1, s28, s10, $0xb8;
	[tilespmem:$0x2D80] =	vst v63  }
0x50: {  	s29 =	simm.s32 $0x280  }
0x51: {  	[spmem:s2] =	stream.indirect.scatter.add.f32 [tilespmem:s11], [sflag:$0x1], $0x1, s29, s10, $0xb8;
	[tilespmem:$0x2D80] =	vst v63  }
0x52: {  	s30 =	simm.s32 $0x300  }
0x53: {  	[spmem:s2] =	stream.indirect.scatter.add.f32 [tilespmem:s11], [sflag:$0x1], $0x1, s30, s10, $0xb8;
	[tilespmem:$0x2D80] =	vst v63  }
0x54: {  	s31 =	simm.s32 $0x380  }
0x55: {  	[spmem:s2] =	stream.indirect.scatter.add.f32 [tilespmem:s11], [sflag:$0x1], $0x1, s31, s10, $0xb8;
	[tilespmem:$0x2D80] =	vst v63  }
0x56: {  	_ =	swait.ge [sflag:s12], $0x80  }
0x57: {  	[sflag:s12] =	ssyncset.done $0x0  }
0x58: {  	[sflag:s12] =	ssyncadd.s32 $0xFFFFFF80  }
0x59: {  	_ =	swait.ge [sflag:s12], $0x80  }
0x5a: {  	[sflag:s12] =	ssyncset.done $0x0  }
0x5b: {  	[sflag:s12] =	ssyncadd.s32 $0xFFFFFF80  }
0x5c: {  	_ =	swait.ge [sflag:s12], $0x80  }
0x5d: {  	[sflag:s12] =	ssyncset.done $0x0  }
0x5e: {  	[sflag:s12] =	ssyncadd.s32 $0xFFFFFF80  }
0x5f: {  	_ =	swait.ge [sflag:s12], $0x80  }
0x60: {  	[sflag:s12] =	ssyncset.done $0x0  }
0x61: {  	[sflag:s12] =	ssyncadd.s32 $0xFFFFFF80  }
0x62: {  	_ =	swait.ge [sflag:s12], $0x80  }
0x63: {  	[sflag:s12] =	ssyncset.done $0x0  }
0x64: {  	[sflag:s12] =	ssyncadd.s32 $0xFFFFFF80  }
0x65: {  	_ =	swait.ge [sflag:s12], $0x80  }
0x66: {  	[sflag:s12] =	ssyncset.done $0x0  }
0x67: {  	[sflag:s12] =	ssyncadd.s32 $0xFFFFFF80  }
0x68: {  	_ =	swait.ge [sflag:s12], $0x80  }
0x69: {  	[sflag:s12] =	ssyncset.done $0x0  }
0x6a: {  	[sflag:s12] =	ssyncadd.s32 $0xFFFFFF80  }
0x6b: {  	_ =	swait.ge [sflag:s12], $0x80  }
0x6c: {  	s17 =	simm.s32 $0x2000;
	s15 =	simm.s32 $0x1000;
	[sflag:s12] =	ssyncset.done $0x0  }
.LBB2_2:
0x6d: {  	s18 =	sshra.s32 s15, $0x2  }
0x6e: {  	[sflag:s12] =	ssyncadd.s32 $0xFFFFFF80;
	s15 =	smov.u32 s17;
	s16 =	sadd.s32 $0x1000, s17  }
0x6f: {  	[spmem:s2] =	stream.indirect.scatter.add.f32 [tilespmem:s11], [sflag:$0x1], $0x1, s18, s10, $0xb8;
	[tilespmem:$0x2D80] =	vst v63  }
0x70: {  	p0 =	sne.s32 s17, $0x9000;
	s17 =	sadd.s32 $0x80, s18  }
0x71: {  	[spmem:s2] =	stream.indirect.scatter.add.f32 [tilespmem:s11], [sflag:$0x1], $0x1, s17, s10, $0xb8;
	[tilespmem:$0x2D80] =	vst v63  }
0x72: {  	s17 =	sadd.s32 $0x100, s18  }
0x73: {  	[spmem:s2] =	stream.indirect.scatter.add.f32 [tilespmem:s11], [sflag:$0x1], $0x1, s17, s10, $0xb8;
	[tilespmem:$0x2D80] =	vst v63  }
0x74: {  	s17 =	sadd.s32 $0x180, s18  }
0x75: {  	[spmem:s2] =	stream.indirect.scatter.add.f32 [tilespmem:s11], [sflag:$0x1], $0x1, s17, s10, $0xb8;
	[tilespmem:$0x2D80] =	vst v63  }
0x76: {  	s17 =	sadd.s32 $0x200, s18  }
0x77: {  	[spmem:s2] =	stream.indirect.scatter.add.f32 [tilespmem:s11], [sflag:$0x1], $0x1, s17, s10, $0xb8;
	[tilespmem:$0x2D80] =	vst v63  }
0x78: {  	s17 =	sadd.s32 $0x280, s18  }
0x79: {  	[spmem:s2] =	stream.indirect.scatter.add.f32 [tilespmem:s11], [sflag:$0x1], $0x1, s17, s10, $0xb8;
	[tilespmem:$0x2D80] =	vst v63  }
0x7a: {  	s17 =	sadd.s32 $0x300, s18  }
0x7b: {  	[spmem:s2] =	stream.indirect.scatter.add.f32 [tilespmem:s11], [sflag:$0x1], $0x1, s17, s10, $0xb8;
	[tilespmem:$0x2D80] =	vst v63  }
0x7c: {  	s17 =	sadd.s32 $0x380, s18  }
0x7d: {  	[spmem:s2] =	stream.indirect.scatter.add.f32 [tilespmem:s11], [sflag:$0x1], $0x1, s17, s10, $0xb8;
	[tilespmem:$0x2D80] =	vst v63  }
0x7e: {  	_ =	swait.ge [sflag:s12], $0x80  }
0x7f: {  	[sflag:s12] =	ssyncset.done $0x0  }
0x80: {  	[sflag:s12] =	ssyncadd.s32 $0xFFFFFF80  }
0x81: {  	_ =	swait.ge [sflag:s12], $0x80  }
0x82: {  	[sflag:s12] =	ssyncset.done $0x0  }
0x83: {  	[sflag:s12] =	ssyncadd.s32 $0xFFFFFF80  }
0x84: {  	_ =	swait.ge [sflag:s12], $0x80  }
0x85: {  	[sflag:s12] =	ssyncset.done $0x0  }
0x86: {  	[sflag:s12] =	ssyncadd.s32 $0xFFFFFF80  }
0x87: {  	_ =	swait.ge [sflag:s12], $0x80  }
0x88: {  	[sflag:s12] =	ssyncset.done $0x0  }
0x89: {  	[sflag:s12] =	ssyncadd.s32 $0xFFFFFF80  }
0x8a: {  	_ =	swait.ge [sflag:s12], $0x80  }
0x8b: {  	[sflag:s12] =	ssyncset.done $0x0  }
0x8c: {  	[sflag:s12] =	ssyncadd.s32 $0xFFFFFF80  }
0x8d: {  	_ =	swait.ge [sflag:s12], $0x80  }
0x8e: {  	[sflag:s12] =	ssyncset.done $0x0  }
0x8f: {  	[sflag:s12] =	ssyncadd.s32 $0xFFFFFF80  }
.Ltmp0:
0x90: {  	_ =	swait.ge [sflag:s12], $0x80;
	(pc) =	sbr.rel @p0 .LBB2_2-.Ltmp0, $4  }
0x91: {  	[sflag:s12] =	ssyncset.done $0x0  }
0x92: {  	[sflag:s12] =	ssyncadd.s32 $0xFFFFFF80  }
0x93: {  	_ =	swait.ge [sflag:s12], $0x80  }
0x94: {  	s17 =	smov.u32 s16;
	[sflag:s12] =	ssyncset.done $0x0  }
0x95: {  	s15 =	sshra.s32 s15, $0x2;
	[sflag:s12] =	ssyncadd.s32 $0xFFFFFF80  }
0x96: {  	[spmem:s2] =	stream.indirect.scatter.add.f32 [tilespmem:s11], [sflag:$0x1], $0x1, s15, s10, $0xb8;
	[tilespmem:$0x2D80] =	vst v63  }
0x97: {  	s16 =	sadd.s32 $0x80, s15  }
0x98: {  	[spmem:s2] =	stream.indirect.scatter.add.f32 [tilespmem:s11], [sflag:$0x1], $0x1, s16, s10, $0xb8;
	[tilespmem:$0x2D80] =	vst v63  }
0x99: {  	s26 =	sadd.s32 $0x100, s15  }
0x9a: {  	[spmem:s2] =	stream.indirect.scatter.add.f32 [tilespmem:s11], [sflag:$0x1], $0x1, s26, s10, $0xb8;
	[tilespmem:$0x2D80] =	vst v63  }
0x9b: {  	s28 =	sadd.s32 $0x180, s15  }
0x9c: {  	[spmem:s2] =	stream.indirect.scatter.add.f32 [tilespmem:s11], [sflag:$0x1], $0x1, s28, s10, $0xb8;
	[tilespmem:$0x2D80] =	vst v63  }
0x9d: {  	s29 =	sadd.s32 $0x200, s15  }
0x9e: {  	[spmem:s2] =	stream.indirect.scatter.add.f32 [tilespmem:s11], [sflag:$0x1], $0x1, s29, s10, $0xb8;
	[tilespmem:$0x2D80] =	vst v63  }
0x9f: {  	s30 =	sadd.s32 $0x280, s15  }
0xa0: {  	[spmem:s2] =	stream.indirect.scatter.add.f32 [tilespmem:s11], [sflag:$0x1], $0x1, s30, s10, $0xb8;
	[tilespmem:$0x2D80] =	vst v63  }
0xa1: {  	s31 =	sadd.s32 $0x300, s15  }
0xa2: {  	[spmem:s2] =	stream.indirect.scatter.add.f32 [tilespmem:s11], [sflag:$0x1], $0x1, s31, s10, $0xb8;
	[tilespmem:$0x2D80] =	vst v63  }
0xa3: {  	s15 =	sadd.s32 $0x380, s15  }
0xa4: {  	[spmem:s2] =	stream.indirect.scatter.add.f32 [tilespmem:s11], [sflag:$0x1], $0x1, s15, s10, $0xb8;
	[tilespmem:$0x2D80] =	vst v63  }
0xa5: {  	_ =	swait.ge [sflag:s12], $0x80  }
0xa6: {  	[sflag:s12] =	ssyncset.done $0x0  }
0xa7: {  	[sflag:s12] =	ssyncadd.s32 $0xFFFFFF80  }
0xa8: {  	_ =	swait.ge [sflag:s12], $0x80  }
0xa9: {  	[sflag:s12] =	ssyncset.done $0x0  }
0xaa: {  	[sflag:s12] =	ssyncadd.s32 $0xFFFFFF80  }
0xab: {  	_ =	swait.ge [sflag:s12], $0x80  }
0xac: {  	[sflag:s12] =	ssyncset.done $0x0  }
0xad: {  	[sflag:s12] =	ssyncadd.s32 $0xFFFFFF80  }
0xae: {  	_ =	swait.ge [sflag:s12], $0x80  }
0xaf: {  	[sflag:s12] =	ssyncset.done $0x0  }
0xb0: {  	[sflag:s12] =	ssyncadd.s32 $0xFFFFFF80  }
0xb1: {  	_ =	swait.ge [sflag:s12], $0x80  }
0xb2: {  	[sflag:s12] =	ssyncset.done $0x0  }
0xb3: {  	[sflag:s12] =	ssyncadd.s32 $0xFFFFFF80  }
0xb4: {  	_ =	swait.ge [sflag:s12], $0x80  }
0xb5: {  	[sflag:s12] =	ssyncset.done $0x0  }
0xb6: {  	[sflag:s12] =	ssyncadd.s32 $0xFFFFFF80  }
0xb7: {  	_ =	swait.ge [sflag:s12], $0x80  }
0xb8: {  	[sflag:s12] =	ssyncset.done $0x0  }
0xb9: {  	[sflag:s12] =	ssyncadd.s32 $0xFFFFFF80  }
0xba: {  	_ =	swait.ge [sflag:s12], $0x80  }
0xbb: {  	[sflag:s12] =	ssyncset.done $0x0  }
0xbc: {  	[sflag:s12] =	ssyncadd.s32 $0xFFFFFF80  }
0xbd: {  	[bflag:$0x0] =	sbarrier.arrive $0xFFFF  }
0xbe: {  	[tilespmem:s9], [sflag:$0x2] =	stream.linear.gather [spmem:s5], $0x280, $0x38;
	[tilespmem:$0x2D80] =	vst v63  }
0xbf: {  	s14 =	sadd.s32 $0x1, s14;
	_ =	swait.ge [sflag:s8], $0x280  }
0xc0: {  	p0 =	sne.s32 s14, s7;
	[sflag:s8] =	ssyncset.done $0x0  }
.Ltmp1:
0xc1: {  	[sflag:s8] =	ssyncadd.s32 $0xFFFFFD80;
	(pc) =	sbr.rel @p0 .LBB2_1-.Ltmp1, $4  }
0xc2: {  	[hbm4b:s6+s10] =	stream.strided.scatter [tilespmem:s9], [sflag:$0x2], $0x280, s13, s10, $0x38;
	[tilespmem:$0x2D80] =	vst v63  }
0xc3: {  	_ =	swait.ge [sflag:s8], $0x280  }
0xc4: {  	[sflag:s8] =	ssyncset.done $0x0  }
0xc5: {  	[sflag:s8] =	ssyncadd.s32 $0xFFFFFD80  }
0xc6: {  	_ =	sfence.sel $0x180000  }
0xc7: {  	[bflag:$0x0] =	sbarrier.arrive $0xFFFF  }
0xc8: {  	p0 =	sne.s32 s1, $0x0;
	_ =	strace $0x90000047  }
0xc9: {  	s0 =	sadd.s32 @!p0 $0x100000, s0;
	[bflag:$0x2] =	sbarrier.arrive $0xFFFF  }
0xca: {  	[sflag:s0] =	ssyncadd.tile.s32 @!p0 $0x1;
	_ =	shalt  }
.Lfunc_end2:
_tile_overlayer_lowered:
.L_overlay_start_2:
0xcb: {  	(tag) =	ssettag $0x2  }
0xcc: {  	s0 =	rddreg [dreg:$0x0];
	s2 =	stileid.u32  }
0xcd: {  	s1 =	rddreg [dreg:$0x1];
	p0 =	sne.s32 s2, $0x0  }
0xce: {  	s3 =	rddreg [dreg:$0x2];
	[bflag:$0x3] =	sbarrier.arrive $0xFFFF;
	s2 =	simm.s32 @!p0 $0x1C02  }
0xcf: {  	[timem:s3], [sflag:s2] =	dma.local @!p0 [hbm:s0], s1  }
0xd0: {  	s0 =	simm.s32 @!p0 $0x2  }
0xd1: {  	_ =	swait.ge @!p0 [sflag:s0], s1  }
0xd2: {  	s1 =	ssub.s32 @!p0 $0x0, s1;
	[sflag:s0] =	ssyncset.done @!p0 $0x0  }
0xd3: {  	[sflag:s0] =	ssyncadd.s32 @!p0 s1  }
0xd4: {  	[bflag:$0x3] =	sbarrier.arrive $0xFFFF  }
0xd5: {  	_ =	shalt  }

</sc_bundles>
